<compile_context>
chip_gen: v7x
topology: tpu7x:2x2x1
jax: 0.10.2.dev20260603
libtpu: 0.0.44.dev20260713+nightly
codegen_flags: <defaults>
</compile_context>

<pallas_src>
import functools

import jax
import jax.numpy as jnp
from jax import lax
from jax.experimental import pallas as pl
from jax.experimental.pallas import tpu as pltpu
from jax.experimental.pallas import tpu_sc as plsc

_NC = 2
_NS = 16
_NW = _NC * _NS
_CHUNK = 64


def _sc_gather(feat2d, aux2d, idx):
    rows, cf_w = feat2d.shape
    aux_w = aux2d.shape[1]
    per_w = rows // _NW
    n_chunks = per_w // _CHUNK
    mesh = plsc.VectorSubcoreMesh(core_axis_name="c", subcore_axis_name="s")

    @functools.partial(
        pl.kernel,
        mesh=mesh,
        out_type=(
            jax.ShapeDtypeStruct((rows, cf_w), jnp.float32),
            jax.ShapeDtypeStruct((rows, aux_w), jnp.float32),
        ),
        scratch_types=[
            pltpu.VMEM((2, _CHUNK), jnp.int32),
            pltpu.VMEM((2, _CHUNK, cf_w), jnp.float32),
            pltpu.VMEM((2, _CHUNK, aux_w), jnp.float32),
            pltpu.SemaphoreType.DMA,
            pltpu.SemaphoreType.DMA,
            pltpu.SemaphoreType.DMA,
            pltpu.SemaphoreType.DMA,
            pltpu.SemaphoreType.DMA,
            pltpu.SemaphoreType.DMA,
            pltpu.SemaphoreType.DMA,
            pltpu.SemaphoreType.DMA,
        ],
    )
    def gather_kernel(feat_hbm, aux_hbm, idx_hbm, gf_hbm, ga_hbm,
                      idx_v, frows_v, arows_v,
                      sf0, sf1, sa0, sa1, of0, of1, oa0, oa1):
        wid = lax.axis_index("s") * _NC + lax.axis_index("c")
        base = wid * per_w
        sems_f, sems_a = (sf0, sf1), (sa0, sa1)
        sems_of, sems_oa = (of0, of1), (oa0, oa1)
        gcopies = [None, None]
        scopies = [None, None]

        def fire_gather(ci):
            b = ci % 2
            off = base + ci * _CHUNK
            pltpu.sync_copy(idx_hbm.at[pl.ds(off, _CHUNK)], idx_v.at[b])
            gcopies[b] = (
                pltpu.async_copy(feat_hbm.at[idx_v.at[b]], frows_v.at[b],
                                 sems_f[b]),
                pltpu.async_copy(aux_hbm.at[idx_v.at[b]], arows_v.at[b],
                                 sems_a[b]),
            )

        fire_gather(0)
        for ci in range(n_chunks):
            b = ci % 2
            for cp in gcopies[b]:
                cp.wait()
            off = base + ci * _CHUNK
            scopies[b] = (
                pltpu.async_copy(frows_v.at[b], gf_hbm.at[pl.ds(off, _CHUNK)],
                                 sems_of[b]),
                pltpu.async_copy(arows_v.at[b], ga_hbm.at[pl.ds(off, _CHUNK)],
                                 sems_oa[b]),
            )
            if ci + 1 < n_chunks:
                if scopies[1 - b] is not None:
                    for cp in scopies[1 - b]:
                        cp.wait()
                fire_gather(ci + 1)
        for cp in scopies[(n_chunks - 1) % 2]:
            cp.wait()

    return gather_kernel(feat2d, aux2d, idx)


def _attn_body(c, c_, h, d, m, zb, scale,
               gf_ref, ga_ref, wqkv_ref, bqkv_ref, wpos_ref, wproj_ref,
               bproj_ref, out_ref):
    r = zb * m
    qkv = jnp.dot(gf_ref[...].astype(jnp.bfloat16), wqkv_ref[...],
                  preferred_element_type=jnp.float32) + bqkv_ref[...]
    aux_t = ga_ref[...].T
    cf = ga_ref[...][:, 0:c_]
    cf_t = aux_t[0:c_, :]
    pos_t = aux_t[c_:c_ + d, :]
    mask_t = aux_t[c_ + d:c_ + d + 1, :]
    sq_t = jnp.sum(cf_t * cf_t, axis=0, keepdims=True)
    pb_t = jnp.dot(wpos_ref[...], pos_t, precision=lax.Precision.HIGHEST,
                   preferred_element_type=jnp.float32)
    row_c = lax.broadcasted_iota(jnp.int32, (r, r), 0)
    col_c = lax.broadcasted_iota(jnp.int32, (r, r), 1)
    blockpen = jnp.where((row_c // m) == (col_c // m), 0.0, -1e30)
    cfdot = lax.dot_general(cf, cf, (((1,), (1,)), ((), ())),
                            precision=lax.Precision.HIGHEST,
                            preferred_element_type=jnp.float32)
    base = 2.0 * cfdot + blockpen + (-sq_t - 100.0 * (1.0 - mask_t))
    ls = []
    for hh in range(h):
        qh = qkv[:, hh * c_:(hh + 1) * c_] * scale
        kh = qkv[:, c + hh * c_:c + (hh + 1) * c_]
        l = lax.dot_general(qh, kh, (((1,), (1,)), ((), ())),
                            preferred_element_type=jnp.float32)
        ls.append(l + base + pb_t[hh:hh + 1, :])
    es = []
    for hh in range(h):
        mx = jnp.max(ls[hh], axis=1, keepdims=True)
        es.append(jnp.exp(ls[hh] - mx))
    one_col = jnp.ones((r, 1), jnp.float32)
    outs = []
    for hh in range(h):
        vh1 = jnp.concatenate(
            [qkv[:, 2 * c + hh * c_:2 * c + (hh + 1) * c_], one_col], axis=1)
        ov1 = jnp.dot(es[hh], vh1, preferred_element_type=jnp.float32)
        outs.append(ov1[:, 0:c_] / ov1[:, c_:c_ + 1])
    o = jnp.concatenate(outs, axis=1).astype(jnp.bfloat16)
    out_ref[...] = jnp.dot(o, wproj_ref[...],
                           preferred_element_type=jnp.float32) + bproj_ref[...]


def _attn_tc(gf, ga, wqkv_t, bqkv, wpos, wproj_t, bproj, c, c_, h, d, m, zb):
    rows = gf.shape[0]
    aux_w = ga.shape[1]
    r = zb * m
    grid = (rows // r,)
    scale = c_ ** -0.5
    body = functools.partial(_attn_body, c, c_, h, d, m, zb, scale)
    return pl.pallas_call(
        body,
        grid=grid,
        in_specs=[
            pl.BlockSpec((r, c), lambda i: (i, 0)),
            pl.BlockSpec((r, aux_w), lambda i: (i, 0)),
            pl.BlockSpec((c, 3 * c), lambda i: (0, 0)),
            pl.BlockSpec((1, 3 * c), lambda i: (0, 0)),
            pl.BlockSpec((h, d), lambda i: (0, 0)),
            pl.BlockSpec((c, c), lambda i: (0, 0)),
            pl.BlockSpec((1, c), lambda i: (0, 0)),
        ],
        out_specs=pl.BlockSpec((r, c), lambda i: (i, 0)),
        out_shape=jax.ShapeDtypeStruct((rows, c), jnp.float32),
        compiler_params=pltpu.CompilerParams(
            dimension_semantics=("parallel",)),
    )(gf, ga, wqkv_t, bqkv, wpos, wproj_t, bproj)


def kernel(pos, feat, cluster_feat, mask, member_idx, batch_idx, k,
           valid_row_idx, attend_means, Wqkv, bqkv, Wpos, bpos, Wproj, bproj):
    b, n, c = feat.shape
    d = pos.shape[2]
    c_ = cluster_feat.shape[2]
    h = c // c_
    z, m = member_idx.shape

    idx = (batch_idx.astype(jnp.int32) * n
           + member_idx.astype(jnp.int32)).reshape(-1)
    aux_w = 128
    aux = jnp.concatenate(
        [cluster_feat, pos, mask.astype(jnp.float32),
         jnp.zeros((b, n, aux_w - c_ - d - 1), jnp.float32)],
        axis=-1).reshape(b * n, aux_w)

    gf, ga = _sc_gather(feat.reshape(b * n, c), aux, idx)

    zb = 2
    out = _attn_tc(gf, ga, Wqkv.T.astype(jnp.bfloat16),
                   bqkv.reshape(1, 3 * c), Wpos,
                   Wproj.T.astype(jnp.bfloat16), bproj.reshape(1, c),
                   c, c_, h, d, m, zb)
    return out.reshape(z, m, c)

# --- scband reference (transcript-rebuilt; emitter-appended) ---
"""Pipeline reference for scband-cluster-attention-43602507989794 (READ-ONLY COPY).

The authoritative reference and input builder live on the scoring server;
editing this copy changes nothing except your own understanding.
"""

import jax, jax.numpy as jnp
import numpy as np

B, N, C, H, D = 4, 8192, 768, 12, 2
Z, M = 512, 64
C_ = C // H

def setup_inputs(seed: int = 0) -> dict:
    key = jax.random.key(seed)
    ks = jax.random.split(key, 10)
    pos = jax.random.normal(ks[0], (B, N, D), dtype=jnp.float32)
    feat = jax.random.normal(ks[1], (B, N, C), dtype=jnp.float32)
    cluster_feat = jax.random.normal(ks[2], (B, N, C_), dtype=jnp.float32)
    mask = jax.random.randint(ks[3], (B, N, 1), 0, 2).astype(jnp.int32)
    member_idx = jax.random.randint(ks[4], (Z, M), 0, N)
    batch_idx = jax.random.randint(ks[5], (Z, M), 0, B)
    Wqkv = jax.random.normal(ks[6], (3 * C, C), dtype=jnp.float32) * 0.02
    bqkv = jnp.zeros((3 * C,), dtype=jnp.float32)
    Wpos = jax.random.normal(ks[7], (H, D), dtype=jnp.float32) * 0.02
    bpos = jnp.zeros((H,), dtype=jnp.float32)
    Wproj = jax.random.normal(ks[8], (C, C), dtype=jnp.float32) * 0.02
    bproj = jnp.zeros((C,), dtype=jnp.float32)
    return {"pos": pos, "feat": feat, "cluster_feat": cluster_feat, "mask": mask,
            "member_idx": member_idx, "batch_idx": batch_idx, "k": 64,
            "valid_row_idx": 0, "attend_means": 0,
            "Wqkv": Wqkv, "bqkv": bqkv, "Wpos": Wpos, "bpos": bpos,
            "Wproj": Wproj, "bproj": bproj}

def reference(pos, feat, cluster_feat, mask, member_idx, batch_idx, k, valid_row_idx, attend_means,
              Wqkv, bqkv, Wpos, bpos, Wproj, bproj):
    b, n, c = feat.shape
    d = pos.shape[2]
    h = H
    c_ = c // h
    scale = c_ ** (-0.5)
    qkv = feat @ Wqkv.T + bqkv  # b,n,3c  (attend_means is falsy -> skip means branch)
    z, m = member_idx.shape
    bi = batch_idx.reshape(-1)
    mi = member_idx.reshape(-1)
    qkv = qkv[bi, mi].reshape(z, m, -1)          # gather: z*m rows of 3c
    posg = pos[bi, mi].reshape(z, m, d)
    cf = cluster_feat[bi, mi].reshape(z, m, c_)
    mk = mask[bi, mi].reshape(z, m, 1)
    qkv = qkv.reshape(z, m, 3, h, c_).transpose(2, 0, 3, 1, 4)
    q, key_, v = qkv[0], qkv[1], qkv[2]           # z,h,m,c_
    q = q * scale
    attn = q @ jnp.swapaxes(key_, -2, -1)          # z,h,m,m
    rel_pos = posg[:, None, :, :] - posg[:, :, None, :]  # z,m,m,d
    rel_cf = cf[:, None, :, :] - cf[:, :, None, :]       # z,m,m,c_
    cluster_dist = (rel_cf ** 2).sum(-1)[:, None, :, :]  # z,1,m,m
    attn = attn - cluster_dist
    pos_bias = (rel_pos @ Wpos.T + bpos).transpose(0, 3, 1, 2)  # z,h,m,m
    attn = attn + pos_bias
    mk2 = mk.reshape(z, 1, 1, m).astype(attn.dtype)
    attn = attn + (1 - mk2) * (-100.0)
    attn = jax.nn.softmax(attn, axis=-1)
    out = (attn @ v).transpose(0, 2, 1, 3).reshape(z, m, c)
    out = out @ Wproj.T + bproj
    return out

if __name__ == "__main__":
    import jax
    _d = setup_inputs()
    print(jax.jit(kernel)(*tuple(_d.values())))

</pallas_src>

<mosaic_0001>
#map = affine_map<(d0, d1) -> (0, 0)>
#map1 = affine_map<(d0, d1) -> (0)>
module attributes {stable_mosaic.version = 14 : i64} {
  func.func @gather_kernel(%arg0: i32, %arg1: i32, %arg2: memref<32768x768xf32, #tpu.memory_space<hbm>>, %arg3: memref<32768x128xf32, #tpu.memory_space<hbm>>, %arg4: memref<32768xi32, #tpu.memory_space<hbm>>, %arg5: memref<32768x768xf32, #tpu.memory_space<hbm>>, %arg6: memref<32768x128xf32, #tpu.memory_space<hbm>>, %arg7: memref<2x64xi32, #tpu.memory_space<vmem>>, %arg8: memref<2x64x768xf32, #tpu.memory_space<vmem>>, %arg9: memref<2x64x128xf32, #tpu.memory_space<vmem>>, %arg10: memref<!tpu.dma_semaphore, #tpu.memory_space<semaphore_mem>>, %arg11: memref<!tpu.dma_semaphore, #tpu.memory_space<semaphore_mem>>, %arg12: memref<!tpu.dma_semaphore, #tpu.memory_space<semaphore_mem>>, %arg13: memref<!tpu.dma_semaphore, #tpu.memory_space<semaphore_mem>>, %arg14: memref<!tpu.dma_semaphore, #tpu.memory_space<semaphore_mem>>, %arg15: memref<!tpu.dma_semaphore, #tpu.memory_space<semaphore_mem>>, %arg16: memref<!tpu.dma_semaphore, #tpu.memory_space<semaphore_mem>>, %arg17: memref<!tpu.dma_semaphore, #tpu.memory_space<semaphore_mem>>) attributes {dimension_semantics = [#tpu.dimension_semantics<core_parallel>, #tpu.dimension_semantics<subcore_parallel>], iteration_bounds = array<i64: 2, 16>, scalar_prefetch = 0 : i64, scratch_operands = 11 : i64, tpu.core_type = #tpu.core_type<sc_vector_subcore>, window_params = [{transform_indices = #map}, {transform_indices = #map}, {transform_indices = #map1}, {transform_indices = #map}, {transform_indices = #map}]} {
    %mul3A = arith.constant 2 : i32
    %mul3A_0 = arith.muli %arg1, %mul3A : i32
    %add3A = arith.addi %mul3A_0, %arg0 : i32
    %mul3A_1 = arith.constant 1024 : i32
    %mul3A_2 = arith.muli %add3A, %mul3A_1 : i32
    %add3A_3 = arith.constant 0 : i32
    %add3A_4 = arith.addi %mul3A_2, %add3A_3 : i32
    %run_scoped3A = arith.constant 0 : i32
    "tpu.region"() ({
      %run_scoped3A_1654 = tpu.sem_alloc : memref<!tpu.dma_semaphore, #tpu.memory_space<semaphore_mem>>
      %dma_start3A_1655 = arith.constant 0 : i32
      %dma_start3A_1656 = tpu.memref_slice %arg7[%run_scoped3A, %dma_start3A_1655] : memref<2x64xi32, #tpu.memory_space<vmem>> -> memref<1x64xi32, #tpu.memory_space<vmem>>
      %dma_start3A_1657 = tpu.memref_squeeze %dma_start3A_1656 : memref<1x64xi32, #tpu.memory_space<vmem>> -> memref<64xi32, #tpu.memory_space<vmem>>
      %dma_start3A_1658 = tpu.memref_slice %arg4[%add3A_4] : memref<32768xi32, #tpu.memory_space<hbm>> -> memref<64xi32, #tpu.memory_space<hbm>>
      %dma_start3A_1659 = arith.constant 0 : i32
      %dma_start3A_1660 = tpu.memref_slice %arg7[%run_scoped3A, %dma_start3A_1659] : memref<2x64xi32, #tpu.memory_space<vmem>> -> memref<1x64xi32, #tpu.memory_space<vmem>>
      %dma_start3A_1661 = tpu.memref_squeeze %dma_start3A_1660 : memref<1x64xi32, #tpu.memory_space<vmem>> -> memref<64xi32, #tpu.memory_space<vmem>>
      %dma_start3A_1662 = tpu.memref_slice %arg4[%add3A_4] : memref<32768xi32, #tpu.memory_space<hbm>> -> memref<64xi32, #tpu.memory_space<hbm>>
      tpu.enqueue_dma source(%dma_start3A_1662 : memref<64xi32, #tpu.memory_space<hbm>>) target(%dma_start3A_1661 : memref<64xi32, #tpu.memory_space<vmem>>) target_semaphore(%run_scoped3A_1654 : memref<!tpu.dma_semaphore, #tpu.memory_space<semaphore_mem>>)
      %dma_wait3A_1663 = arith.constant 0 : i32
      %dma_wait3A_1664 = tpu.memref_slice %arg7[%run_scoped3A, %dma_wait3A_1663] : memref<2x64xi32, #tpu.memory_space<vmem>> -> memref<1x64xi32, #tpu.memory_space<vmem>>
      %dma_wait3A_1665 = tpu.memref_squeeze %dma_wait3A_1664 : memref<1x64xi32, #tpu.memory_space<vmem>> -> memref<64xi32, #tpu.memory_space<vmem>>
      %dma_wait3A_1666 = tpu.memref_slice %arg4[%add3A_4] : memref<32768xi32, #tpu.memory_space<hbm>> -> memref<64xi32, #tpu.memory_space<hbm>>
      %dma_wait3A_1667 = arith.constant 0 : i32
      %dma_wait3A_1668 = tpu.memref_slice %arg7[%run_scoped3A, %dma_wait3A_1667] : memref<2x64xi32, #tpu.memory_space<vmem>> -> memref<1x64xi32, #tpu.memory_space<vmem>>
      %dma_wait3A_1669 = tpu.memref_squeeze %dma_wait3A_1668 : memref<1x64xi32, #tpu.memory_space<vmem>> -> memref<64xi32, #tpu.memory_space<vmem>>
      %dma_wait3A_1670 = tpu.memref_slice %arg4[%add3A_4] : memref<32768xi32, #tpu.memory_space<hbm>> -> memref<64xi32, #tpu.memory_space<hbm>>
      tpu.wait_dma2 semaphore(%run_scoped3A_1654 : memref<!tpu.dma_semaphore, #tpu.memory_space<semaphore_mem>>) src(%dma_wait3A_1670 : memref<64xi32, #tpu.memory_space<hbm>>) dst(%dma_wait3A_1669 : memref<64xi32, #tpu.memory_space<vmem>>)
      tpu.yield
    }) : () -> ()
    %dma_start3A = arith.constant 0 : i32
    %dma_start3A_5 = arith.constant 0 : i32
    %dma_start3A_6 = arith.constant 0 : i32
    %dma_start3A_7 = arith.constant 0 : i32
    %dma_start3A_8 = tpu.memref_slice %arg8[%dma_start3A_5, %dma_start3A_6, %dma_start3A_7] : memref<2x64x768xf32, #tpu.memory_space<vmem>> -> memref<1x64x768xf32, #tpu.memory_space<vmem>>
    %dma_start3A_9 = tpu.memref_squeeze %dma_start3A_8 : memref<1x64x768xf32, #tpu.memory_space<vmem>> -> memref<64x768xf32, #tpu.memory_space<vmem>>
    %dma_start3A_10 = arith.constant 0 : i32
    %dma_start3A_11 = tpu.memref_slice %arg7[%dma_start3A, %dma_start3A_10] : memref<2x64xi32, #tpu.memory_space<vmem>> -> memref<1x64xi32, #tpu.memory_space<vmem>>
    %dma_start3A_12 = tpu.memref_squeeze %dma_start3A_11 : memref<1x64xi32, #tpu.memory_space<vmem>> -> memref<64xi32, #tpu.memory_space<vmem>>
    %dma_start3A_13 = arith.constant 0 : i32
    %dma_start3A_14 = arith.constant 0 : i32
    %dma_start3A_15 = tpu.memref_slice %arg2[%dma_start3A_13, %dma_start3A_14] : memref<32768x768xf32, #tpu.memory_space<hbm>> -> memref<32768x768xf32, #tpu.memory_space<hbm>>
    tpu.enqueue_indirect_dma source(%dma_start3A_15 : memref<32768x768xf32, #tpu.memory_space<hbm>>) target(%dma_start3A_9 : memref<64x768xf32, #tpu.memory_space<vmem>>) offsets(%dma_start3A_12 : memref<64xi32, #tpu.memory_space<vmem>>) semaphore(%arg10 : memref<!tpu.dma_semaphore, #tpu.memory_space<semaphore_mem>>)
    %dma_start3A_16 = arith.constant 0 : i32
    %dma_start3A_17 = arith.constant 0 : i32
    %dma_start3A_18 = arith.constant 0 : i32
    %dma_start3A_19 = arith.constant 0 : i32
    %dma_start3A_20 = tpu.memref_slice %arg9[%dma_start3A_17, %dma_start3A_18, %dma_start3A_19] : memref<2x64x128xf32, #tpu.memory_space<vmem>> -> memref<1x64x128xf32, #tpu.memory_space<vmem>>
    %dma_start3A_21 = tpu.memref_squeeze %dma_start3A_20 : memref<1x64x128xf32, #tpu.memory_space<vmem>> -> memref<64x128xf32, #tpu.memory_space<vmem>>
    %dma_start3A_22 = arith.constant 0 : i32
    %dma_start3A_23 = tpu.memref_slice %arg7[%dma_start3A_16, %dma_start3A_22] : memref<2x64xi32, #tpu.memory_space<vmem>> -> memref<1x64xi32, #tpu.memory_space<vmem>>
    %dma_start3A_24 = tpu.memref_squeeze %dma_start3A_23 : memref<1x64xi32, #tpu.memory_space<vmem>> -> memref<64xi32, #tpu.memory_space<vmem>>
    %dma_start3A_25 = arith.constant 0 : i32
    %dma_start3A_26 = arith.constant 0 : i32
    %dma_start3A_27 = tpu.memref_slice %arg3[%dma_start3A_25, %dma_start3A_26] : memref<32768x128xf32, #tpu.memory_space<hbm>> -> memref<32768x128xf32, #tpu.memory_space<hbm>>
    tpu.enqueue_indirect_dma source(%dma_start3A_27 : memref<32768x128xf32, #tpu.memory_space<hbm>>) target(%dma_start3A_21 : memref<64x128xf32, #tpu.memory_space<vmem>>) offsets(%dma_start3A_24 : memref<64xi32, #tpu.memory_space<vmem>>) semaphore(%arg12 : memref<!tpu.dma_semaphore, #tpu.memory_space<semaphore_mem>>)
    %dma_wait3A = arith.constant 0 : i32
    %dma_wait3A_28 = arith.constant 0 : i32
    %dma_wait3A_29 = arith.constant 0 : i32
    %dma_wait3A_30 = arith.constant 0 : i32
    %dma_wait3A_31 = tpu.memref_slice %arg8[%dma_wait3A_28, %dma_wait3A_29, %dma_wait3A_30] : memref<2x64x768xf32, #tpu.memory_space<vmem>> -> memref<1x64x768xf32, #tpu.memory_space<vmem>>
    %dma_wait3A_32 = tpu.memref_squeeze %dma_wait3A_31 : memref<1x64x768xf32, #tpu.memory_space<vmem>> -> memref<64x768xf32, #tpu.memory_space<vmem>>
    %dma_wait3A_33 = arith.constant 0 : i32
    %dma_wait3A_34 = tpu.memref_slice %arg7[%dma_wait3A, %dma_wait3A_33] : memref<2x64xi32, #tpu.memory_space<vmem>> -> memref<1x64xi32, #tpu.memory_space<vmem>>
    %dma_wait3A_35 = tpu.memref_squeeze %dma_wait3A_34 : memref<1x64xi32, #tpu.memory_space<vmem>> -> memref<64xi32, #tpu.memory_space<vmem>>
    %dma_wait3A_36 = arith.constant 0 : i32
    %dma_wait3A_37 = arith.constant 0 : i32
    %dma_wait3A_38 = tpu.memref_slice %arg2[%dma_wait3A_36, %dma_wait3A_37] : memref<32768x768xf32, #tpu.memory_space<hbm>> -> memref<32768x768xf32, #tpu.memory_space<hbm>>
    tpu.wait_indirect_dma semaphore(%arg10 : memref<!tpu.dma_semaphore, #tpu.memory_space<semaphore_mem>>) src(%dma_wait3A_38 : memref<32768x768xf32, #tpu.memory_space<hbm>>) dst(%dma_wait3A_32 : memref<64x768xf32, #tpu.memory_space<vmem>>)
    %dma_wait3A_39 = arith.constant 0 : i32
    %dma_wait3A_40 = arith.constant 0 : i32
    %dma_wait3A_41 = arith.constant 0 : i32
    %dma_wait3A_42 = arith.constant 0 : i32
    %dma_wait3A_43 = tpu.memref_slice %arg9[%dma_wait3A_40, %dma_wait3A_41, %dma_wait3A_42] : memref<2x64x128xf32, #tpu.memory_space<vmem>> -> memref<1x64x128xf32, #tpu.memory_space<vmem>>
    %dma_wait3A_44 = tpu.memref_squeeze %dma_wait3A_43 : memref<1x64x128xf32, #tpu.memory_space<vmem>> -> memref<64x128xf32, #tpu.memory_space<vmem>>
    %dma_wait3A_45 = arith.constant 0 : i32
    %dma_wait3A_46 = tpu.memref_slice %arg7[%dma_wait3A_39, %dma_wait3A_45] : memref<2x64xi32, #tpu.memory_space<vmem>> -> memref<1x64xi32, #tpu.memory_space<vmem>>
    %dma_wait3A_47 = tpu.memref_squeeze %dma_wait3A_46 : memref<1x64xi32, #tpu.memory_space<vmem>> -> memref<64xi32, #tpu.memory_space<vmem>>
    %dma_wait3A_48 = arith.constant 0 : i32
    %dma_wait3A_49 = arith.constant 0 : i32
    %dma_wait3A_50 = tpu.memref_slice %arg3[%dma_wait3A_48, %dma_wait3A_49] : memref<32768x128xf32, #tpu.memory_space<hbm>> -> memref<32768x128xf32, #tpu.memory_space<hbm>>
    tpu.wait_indirect_dma semaphore(%arg12 : memref<!tpu.dma_semaphore, #tpu.memory_space<semaphore_mem>>) src(%dma_wait3A_50 : memref<32768x128xf32, #tpu.memory_space<hbm>>) dst(%dma_wait3A_44 : memref<64x128xf32, #tpu.memory_space<vmem>>)
    %add3A_51 = arith.constant 0 : i32
    %add3A_52 = arith.addi %mul3A_2, %add3A_51 : i32
    %dma_start3A_53 = arith.constant 0 : i32
    %dma_start3A_54 = arith.constant 0 : i32
    %dma_start3A_55 = arith.constant 0 : i32
    %dma_start3A_56 = tpu.memref_slice %arg8[%dma_start3A_53, %dma_start3A_54, %dma_start3A_55] : memref<2x64x768xf32, #tpu.memory_space<vmem>> -> memref<1x64x768xf32, #tpu.memory_space<vmem>>
    %dma_start3A_57 = tpu.memref_squeeze %dma_start3A_56 : memref<1x64x768xf32, #tpu.memory_space<vmem>> -> memref<64x768xf32, #tpu.memory_space<vmem>>
    %dma_start3A_58 = arith.constant 0 : i32
    %dma_start3A_59 = tpu.memref_slice %arg5[%add3A_52, %dma_start3A_58] : memref<32768x768xf32, #tpu.memory_space<hbm>> -> memref<64x768xf32, #tpu.memory_space<hbm>>
    %dma_start3A_60 = arith.constant 0 : i32
    %dma_start3A_61 = tpu.memref_slice %arg5[%add3A_52, %dma_start3A_60] : memref<32768x768xf32, #tpu.memory_space<hbm>> -> memref<64x768xf32, #tpu.memory_space<hbm>>
    %dma_start3A_62 = arith.constant 0 : i32
    %dma_start3A_63 = arith.constant 0 : i32
    %dma_start3A_64 = tpu.memref_slice %arg8[%dma_start3A_53, %dma_start3A_62, %dma_start3A_63] : memref<2x64x768xf32, #tpu.memory_space<vmem>> -> memref<1x64x768xf32, #tpu.memory_space<vmem>>
    %dma_start3A_65 = tpu.memref_squeeze %dma_start3A_64 : memref<1x64x768xf32, #tpu.memory_space<vmem>> -> memref<64x768xf32, #tpu.memory_space<vmem>>
    tpu.enqueue_dma source(%dma_start3A_65 : memref<64x768xf32, #tpu.memory_space<vmem>>) target(%dma_start3A_61 : memref<64x768xf32, #tpu.memory_space<hbm>>) target_semaphore(%arg14 : memref<!tpu.dma_semaphore, #tpu.memory_space<semaphore_mem>>)
    %dma_start3A_66 = arith.constant 0 : i32
    %dma_start3A_67 = arith.constant 0 : i32
    %dma_start3A_68 = arith.constant 0 : i32
    %dma_start3A_69 = tpu.memref_slice %arg9[%dma_start3A_66, %dma_start3A_67, %dma_start3A_68] : memref<2x64x128xf32, #tpu.memory_space<vmem>> -> memref<1x64x128xf32, #tpu.memory_space<vmem>>
    %dma_start3A_70 = tpu.memref_squeeze %dma_start3A_69 : memref<1x64x128xf32, #tpu.memory_space<vmem>> -> memref<64x128xf32, #tpu.memory_space<vmem>>
    %dma_start3A_71 = arith.constant 0 : i32
    %dma_start3A_72 = tpu.memref_slice %arg6[%add3A_52, %dma_start3A_71] : memref<32768x128xf32, #tpu.memory_space<hbm>> -> memref<64x128xf32, #tpu.memory_space<hbm>>
    %dma_start3A_73 = arith.constant 0 : i32
    %dma_start3A_74 = tpu.memref_slice %arg6[%add3A_52, %dma_start3A_73] : memref<32768x128xf32, #tpu.memory_space<hbm>> -> memref<64x128xf32, #tpu.memory_space<hbm>>
    %dma_start3A_75 = arith.constant 0 : i32
    %dma_start3A_76 = arith.constant 0 : i32
    %dma_start3A_77 = tpu.memref_slice %arg9[%dma_start3A_66, %dma_start3A_75, %dma_start3A_76] : memref<2x64x128xf32, #tpu.memory_space<vmem>> -> memref<1x64x128xf32, #tpu.memory_space<vmem>>
    %dma_start3A_78 = tpu.memref_squeeze %dma_start3A_77 : memref<1x64x128xf32, #tpu.memory_space<vmem>> -> memref<64x128xf32, #tpu.memory_space<vmem>>
    tpu.enqueue_dma source(%dma_start3A_78 : memref<64x128xf32, #tpu.memory_space<vmem>>) target(%dma_start3A_74 : memref<64x128xf32, #tpu.memory_space<hbm>>) target_semaphore(%arg16 : memref<!tpu.dma_semaphore, #tpu.memory_space<semaphore_mem>>)
    %add3A_79 = arith.constant 64 : i32
    %add3A_80 = arith.addi %mul3A_2, %add3A_79 : i32
    %run_scoped3A_81 = arith.constant 1 : i32
    "tpu.region"() ({
      %run_scoped3A_1654 = tpu.sem_alloc : memref<!tpu.dma_semaphore, #tpu.memory_space<semaphore_mem>>
      %dma_start3A_1655 = arith.constant 0 : i32
      %dma_start3A_1656 = tpu.memref_slice %arg7[%run_scoped3A_81, %dma_start3A_1655] : memref<2x64xi32, #tpu.memory_space<vmem>> -> memref<1x64xi32, #tpu.memory_space<vmem>>
      %dma_start3A_1657 = tpu.memref_squeeze %dma_start3A_1656 : memref<1x64xi32, #tpu.memory_space<vmem>> -> memref<64xi32, #tpu.memory_space<vmem>>
      %dma_start3A_1658 = tpu.memref_slice %arg4[%add3A_80] : memref<32768xi32, #tpu.memory_space<hbm>> -> memref<64xi32, #tpu.memory_space<hbm>>
      %dma_start3A_1659 = arith.constant 0 : i32
      %dma_start3A_1660 = tpu.memref_slice %arg7[%run_scoped3A_81, %dma_start3A_1659] : memref<2x64xi32, #tpu.memory_space<vmem>> -> memref<1x64xi32, #tpu.memory_space<vmem>>
      %dma_start3A_1661 = tpu.memref_squeeze %dma_start3A_1660 : memref<1x64xi32, #tpu.memory_space<vmem>> -> memref<64xi32, #tpu.memory_space<vmem>>
      %dma_start3A_1662 = tpu.memref_slice %arg4[%add3A_80] : memref<32768xi32, #tpu.memory_space<hbm>> -> memref<64xi32, #tpu.memory_space<hbm>>
      tpu.enqueue_dma source(%dma_start3A_1662 : memref<64xi32, #tpu.memory_space<hbm>>) target(%dma_start3A_1661 : memref<64xi32, #tpu.memory_space<vmem>>) target_semaphore(%run_scoped3A_1654 : memref<!tpu.dma_semaphore, #tpu.memory_space<semaphore_mem>>)
      %dma_wait3A_1663 = arith.constant 0 : i32
      %dma_wait3A_1664 = tpu.memref_slice %arg7[%run_scoped3A_81, %dma_wait3A_1663] : memref<2x64xi32, #tpu.memory_space<vmem>> -> memref<1x64xi32, #tpu.memory_space<vmem>>
      %dma_wait3A_1665 = tpu.memref_squeeze %dma_wait3A_1664 : memref<1x64xi32, #tpu.memory_space<vmem>> -> memref<64xi32, #tpu.memory_space<vmem>>
      %dma_wait3A_1666 = tpu.memref_slice %arg4[%add3A_80] : memref<32768xi32, #tpu.memory_space<hbm>> -> memref<64xi32, #tpu.memory_space<hbm>>
      %dma_wait3A_1667 = arith.constant 0 : i32
      %dma_wait3A_1668 = tpu.memref_slice %arg7[%run_scoped3A_81, %dma_wait3A_1667] : memref<2x64xi32, #tpu.memory_space<vmem>> -> memref<1x64xi32, #tpu.memory_space<vmem>>
      %dma_wait3A_1669 = tpu.memref_squeeze %dma_wait3A_1668 : memref<1x64xi32, #tpu.memory_space<vmem>> -> memref<64xi32, #tpu.memory_space<vmem>>
      %dma_wait3A_1670 = tpu.memref_slice %arg4[%add3A_80] : memref<32768xi32, #tpu.memory_space<hbm>> -> memref<64xi32, #tpu.memory_space<hbm>>
      tpu.wait_dma2 semaphore(%run_scoped3A_1654 : memref<!tpu.dma_semaphore, #tpu.memory_space<semaphore_mem>>) src(%dma_wait3A_1670 : memref<64xi32, #tpu.memory_space<hbm>>) dst(%dma_wait3A_1669 : memref<64xi32, #tpu.memory_space<vmem>>)
      tpu.yield
    }) : () -> ()
    %dma_start3A_82 = arith.constant 1 : i32
    %dma_start3A_83 = arith.constant 1 : i32
    %dma_start3A_84 = arith.constant 0 : i32
    %dma_start3A_85 = arith.constant 0 : i32
    %dma_start3A_86 = tpu.memref_slice %arg8[%dma_start3A_83, %dma_start3A_84, %dma_start3A_85] : memref<2x64x768xf32, #tpu.memory_space<vmem>> -> memref<1x64x768xf32, #tpu.memory_space<vmem>>
    %dma_start3A_87 = tpu.memref_squeeze %dma_start3A_86 : memref<1x64x768xf32, #tpu.memory_space<vmem>> -> memref<64x768xf32, #tpu.memory_space<vmem>>
    %dma_start3A_88 = arith.constant 0 : i32
    %dma_start3A_89 = tpu.memref_slice %arg7[%dma_start3A_82, %dma_start3A_88] : memref<2x64xi32, #tpu.memory_space<vmem>> -> memref<1x64xi32, #tpu.memory_space<vmem>>
    %dma_start3A_90 = tpu.memref_squeeze %dma_start3A_89 : memref<1x64xi32, #tpu.memory_space<vmem>> -> memref<64xi32, #tpu.memory_space<vmem>>
    %dma_start3A_91 = arith.constant 0 : i32
    %dma_start3A_92 = arith.constant 0 : i32
    %dma_start3A_93 = tpu.memref_slice %arg2[%dma_start3A_91, %dma_start3A_92] : memref<32768x768xf32, #tpu.memory_space<hbm>> -> memref<32768x768xf32, #tpu.memory_space<hbm>>
    tpu.enqueue_indirect_dma source(%dma_start3A_93 : memref<32768x768xf32, #tpu.memory_space<hbm>>) target(%dma_start3A_87 : memref<64x768xf32, #tpu.memory_space<vmem>>) offsets(%dma_start3A_90 : memref<64xi32, #tpu.memory_space<vmem>>) semaphore(%arg11 : memref<!tpu.dma_semaphore, #tpu.memory_space<semaphore_mem>>)
    %dma_start3A_94 = arith.constant 1 : i32
    %dma_start3A_95 = arith.constant 1 : i32
    %dma_start3A_96 = arith.constant 0 : i32
    %dma_start3A_97 = arith.constant 0 : i32
    %dma_start3A_98 = tpu.memref_slice %arg9[%dma_start3A_95, %dma_start3A_96, %dma_start3A_97] : memref<2x64x128xf32, #tpu.memory_space<vmem>> -> memref<1x64x128xf32, #tpu.memory_space<vmem>>
    %dma_start3A_99 = tpu.memref_squeeze %dma_start3A_98 : memref<1x64x128xf32, #tpu.memory_space<vmem>> -> memref<64x128xf32, #tpu.memory_space<vmem>>
    %dma_start3A_100 = arith.constant 0 : i32
    %dma_start3A_101 = tpu.memref_slice %arg7[%dma_start3A_94, %dma_start3A_100] : memref<2x64xi32, #tpu.memory_space<vmem>> -> memref<1x64xi32, #tpu.memory_space<vmem>>
    %dma_start3A_102 = tpu.memref_squeeze %dma_start3A_101 : memref<1x64xi32, #tpu.memory_space<vmem>> -> memref<64xi32, #tpu.memory_space<vmem>>
    %dma_start3A_103 = arith.constant 0 : i32
    %dma_start3A_104 = arith.constant 0 : i32
    %dma_start3A_105 = tpu.memref_slice %arg3[%dma_start3A_103, %dma_start3A_104] : memref<32768x128xf32, #tpu.memory_space<hbm>> -> memref<32768x128xf32, #tpu.memory_space<hbm>>
    tpu.enqueue_indirect_dma source(%dma_start3A_105 : memref<32768x128xf32, #tpu.memory_space<hbm>>) target(%dma_start3A_99 : memref<64x128xf32, #tpu.memory_space<vmem>>) offsets(%dma_start3A_102 : memref<64xi32, #tpu.memory_space<vmem>>) semaphore(%arg13 : memref<!tpu.dma_semaphore, #tpu.memory_space<semaphore_mem>>)
    %dma_wait3A_106 = arith.constant 1 : i32
    %dma_wait3A_107 = arith.constant 1 : i32
    %dma_wait3A_108 = arith.constant 0 : i32
    %dma_wait3A_109 = arith.constant 0 : i32
    %dma_wait3A_110 = tpu.memref_slice %arg8[%dma_wait3A_107, %dma_wait3A_108, %dma_wait3A_109] : memref<2x64x768xf32, #tpu.memory_space<vmem>> -> memref<1x64x768xf32, #tpu.memory_space<vmem>>
    %dma_wait3A_111 = tpu.memref_squeeze %dma_wait3A_110 : memref<1x64x768xf32, #tpu.memory_space<vmem>> -> memref<64x768xf32, #tpu.memory_space<vmem>>
    %dma_wait3A_112 = arith.constant 0 : i32
    %dma_wait3A_113 = tpu.memref_slice %arg7[%dma_wait3A_106, %dma_wait3A_112] : memref<2x64xi32, #tpu.memory_space<vmem>> -> memref<1x64xi32, #tpu.memory_space<vmem>>
    %dma_wait3A_114 = tpu.memref_squeeze %dma_wait3A_113 : memref<1x64xi32, #tpu.memory_space<vmem>> -> memref<64xi32, #tpu.memory_space<vmem>>
    %dma_wait3A_115 = arith.constant 0 : i32
    %dma_wait3A_116 = arith.constant 0 : i32
    %dma_wait3A_117 = tpu.memref_slice %arg2[%dma_wait3A_115, %dma_wait3A_116] : memref<32768x768xf32, #tpu.memory_space<hbm>> -> memref<32768x768xf32, #tpu.memory_space<hbm>>
    tpu.wait_indirect_dma semaphore(%arg11 : memref<!tpu.dma_semaphore, #tpu.memory_space<semaphore_mem>>) src(%dma_wait3A_117 : memref<32768x768xf32, #tpu.memory_space<hbm>>) dst(%dma_wait3A_111 : memref<64x768xf32, #tpu.memory_space<vmem>>)
    %dma_wait3A_118 = arith.constant 1 : i32
    %dma_wait3A_119 = arith.constant 1 : i32
    %dma_wait3A_120 = arith.constant 0 : i32
    %dma_wait3A_121 = arith.constant 0 : i32
    %dma_wait3A_122 = tpu.memref_slice %arg9[%dma_wait3A_119, %dma_wait3A_120, %dma_wait3A_121] : memref<2x64x128xf32, #tpu.memory_space<vmem>> -> memref<1x64x128xf32, #tpu.memory_space<vmem>>
    %dma_wait3A_123 = tpu.memref_squeeze %dma_wait3A_122 : memref<1x64x128xf32, #tpu.memory_space<vmem>> -> memref<64x128xf32, #tpu.memory_space<vmem>>
    %dma_wait3A_124 = arith.constant 0 : i32
    %dma_wait3A_125 = tpu.memref_slice %arg7[%dma_wait3A_118, %dma_wait3A_124] : memref<2x64xi32, #tpu.memory_space<vmem>> -> memref<1x64xi32, #tpu.memory_space<vmem>>
    %dma_wait3A_126 = tpu.memref_squeeze %dma_wait3A_125 : memref<1x64xi32, #tpu.memory_space<vmem>> -> memref<64xi32, #tpu.memory_space<vmem>>
    %dma_wait3A_127 = arith.constant 0 : i32
    %dma_wait3A_128 = arith.constant 0 : i32
    %dma_wait3A_129 = tpu.memref_slice %arg3[%dma_wait3A_127, %dma_wait3A_128] : memref<32768x128xf32, #tpu.memory_space<hbm>> -> memref<32768x128xf32, #tpu.memory_space<hbm>>
    tpu.wait_indirect_dma semaphore(%arg13 : memref<!tpu.dma_semaphore, #tpu.memory_space<semaphore_mem>>) src(%dma_wait3A_129 : memref<32768x128xf32, #tpu.memory_space<hbm>>) dst(%dma_wait3A_123 : memref<64x128xf32, #tpu.memory_space<vmem>>)
    %add3A_130 = arith.constant 64 : i32
    %add3A_131 = arith.addi %mul3A_2, %add3A_130 : i32
    %dma_start3A_132 = arith.constant 1 : i32
    %dma_start3A_133 = arith.constant 0 : i32
    %dma_start3A_134 = arith.constant 0 : i32
    %dma_start3A_135 = tpu.memref_slice %arg8[%dma_start3A_132, %dma_start3A_133, %dma_start3A_134] : memref<2x64x768xf32, #tpu.memory_space<vmem>> -> memref<1x64x768xf32, #tpu.memory_space<vmem>>
    %dma_start3A_136 = tpu.memref_squeeze %dma_start3A_135 : memref<1x64x768xf32, #tpu.memory_space<vmem>> -> memref<64x768xf32, #tpu.memory_space<vmem>>
    %dma_start3A_137 = arith.constant 0 : i32
    %dma_start3A_138 = tpu.memref_slice %arg5[%add3A_131, %dma_start3A_137] : memref<32768x768xf32, #tpu.memory_space<hbm>> -> memref<64x768xf32, #tpu.memory_space<hbm>>
    %dma_start3A_139 = arith.constant 0 : i32
    %dma_start3A_140 = tpu.memref_slice %arg5[%add3A_131, %dma_start3A_139] : memref<32768x768xf32, #tpu.memory_space<hbm>> -> memref<64x768xf32, #tpu.memory_space<hbm>>
    %dma_start3A_141 = arith.constant 0 : i32
    %dma_start3A_142 = arith.constant 0 : i32
    %dma_start3A_143 = tpu.memref_slice %arg8[%dma_start3A_132, %dma_start3A_141, %dma_start3A_142] : memref<2x64x768xf32, #tpu.memory_space<vmem>> -> memref<1x64x768xf32, #tpu.memory_space<vmem>>
    %dma_start3A_144 = tpu.memref_squeeze %dma_start3A_143 : memref<1x64x768xf32, #tpu.memory_space<vmem>> -> memref<64x768xf32, #tpu.memory_space<vmem>>
    tpu.enqueue_dma source(%dma_start3A_144 : memref<64x768xf32, #tpu.memory_space<vmem>>) target(%dma_start3A_140 : memref<64x768xf32, #tpu.memory_space<hbm>>) target_semaphore(%arg15 : memref<!tpu.dma_semaphore, #tpu.memory_space<semaphore_mem>>)
    %dma_start3A_145 = arith.constant 1 : i32
    %dma_start3A_146 = arith.constant 0 : i32
    %dma_start3A_147 = arith.constant 0 : i32
    %dma_start3A_148 = tpu.memref_slice %arg9[%dma_start3A_145, %dma_start3A_146, %dma_start3A_147] : memref<2x64x128xf32, #tpu.memory_space<vmem>> -> memref<1x64x128xf32, #tpu.memory_space<vmem>>
    %dma_start3A_149 = tpu.memref_squeeze %dma_start3A_148 : memref<1x64x128xf32, #tpu.memory_space<vmem>> -> memref<64x128xf32, #tpu.memory_space<vmem>>
    %dma_start3A_150 = arith.constant 0 : i32
    %dma_start3A_151 = tpu.memref_slice %arg6[%add3A_131, %dma_start3A_150] : memref<32768x128xf32, #tpu.memory_space<hbm>> -> memref<64x128xf32, #tpu.memory_space<hbm>>
    %dma_start3A_152 = arith.constant 0 : i32
    %dma_start3A_153 = tpu.memref_slice %arg6[%add3A_131, %dma_start3A_152] : memref<32768x128xf32, #tpu.memory_space<hbm>> -> memref<64x128xf32, #tpu.memory_space<hbm>>
    %dma_start3A_154 = arith.constant 0 : i32
    %dma_start3A_155 = arith.constant 0 : i32
    %dma_start3A_156 = tpu.memref_slice %arg9[%dma_start3A_145, %dma_start3A_154, %dma_start3A_155] : memref<2x64x128xf32, #tpu.memory_space<vmem>> -> memref<1x64x128xf32, #tpu.memory_space<vmem>>
    %dma_start3A_157 = tpu.memref_squeeze %dma_start3A_156 : memref<1x64x128xf32, #tpu.memory_space<vmem>> -> memref<64x128xf32, #tpu.memory_space<vmem>>
    tpu.enqueue_dma source(%dma_start3A_157 : memref<64x128xf32, #tpu.memory_space<vmem>>) target(%dma_start3A_153 : memref<64x128xf32, #tpu.memory_space<hbm>>) target_semaphore(%arg17 : memref<!tpu.dma_semaphore, #tpu.memory_space<semaphore_mem>>)
    %dma_wait3A_158 = arith.constant 0 : i32
    %dma_wait3A_159 = arith.constant 0 : i32
    %dma_wait3A_160 = arith.constant 0 : i32
    %dma_wait3A_161 = tpu.memref_slice %arg8[%dma_wait3A_158, %dma_wait3A_159, %dma_wait3A_160] : memref<2x64x768xf32, #tpu.memory_space<vmem>> -> memref<1x64x768xf32, #tpu.memory_space<vmem>>
    %dma_wait3A_162 = tpu.memref_squeeze %dma_wait3A_161 : memref<1x64x768xf32, #tpu.memory_space<vmem>> -> memref<64x768xf32, #tpu.memory_space<vmem>>
    %dma_wait3A_163 = arith.constant 0 : i32
    %dma_wait3A_164 = tpu.memref_slice %arg5[%add3A_52, %dma_wait3A_163] : memref<32768x768xf32, #tpu.memory_space<hbm>> -> memref<64x768xf32, #tpu.memory_space<hbm>>
    %dma_wait3A_165 = arith.constant 0 : i32
    %dma_wait3A_166 = tpu.memref_slice %arg5[%add3A_52, %dma_wait3A_165] : memref<32768x768xf32, #tpu.memory_space<hbm>> -> memref<64x768xf32, #tpu.memory_space<hbm>>
    %dma_wait3A_167 = arith.constant 0 : i32
    %dma_wait3A_168 = arith.constant 0 : i32
    %dma_wait3A_169 = tpu.memref_slice %arg8[%dma_wait3A_158, %dma_wait3A_167, %dma_wait3A_168] : memref<2x64x768xf32, #tpu.memory_space<vmem>> -> memref<1x64x768xf32, #tpu.memory_space<vmem>>
    %dma_wait3A_170 = tpu.memref_squeeze %dma_wait3A_169 : memref<1x64x768xf32, #tpu.memory_space<vmem>> -> memref<64x768xf32, #tpu.memory_space<vmem>>
    tpu.wait_dma2 semaphore(%arg14 : memref<!tpu.dma_semaphore, #tpu.memory_space<semaphore_mem>>) src(%dma_wait3A_170 : memref<64x768xf32, #tpu.memory_space<vmem>>) dst(%dma_wait3A_166 : memref<64x768xf32, #tpu.memory_space<hbm>>)
    %dma_wait3A_171 = arith.constant 0 : i32
    %dma_wait3A_172 = arith.constant 0 : i32
    %dma_wait3A_173 = arith.constant 0 : i32
    %dma_wait3A_174 = tpu.memref_slice %arg9[%dma_wait3A_171, %dma_wait3A_172, %dma_wait3A_173] : memref<2x64x128xf32, #tpu.memory_space<vmem>> -> memref<1x64x128xf32, #tpu.memory_space<vmem>>
    %dma_wait3A_175 = tpu.memref_squeeze %dma_wait3A_174 : memref<1x64x128xf32, #tpu.memory_space<vmem>> -> memref<64x128xf32, #tpu.memory_space<vmem>>
    %dma_wait3A_176 = arith.constant 0 : i32
    %dma_wait3A_177 = tpu.memref_slice %arg6[%add3A_52, %dma_wait3A_176] : memref<32768x128xf32, #tpu.memory_space<hbm>> -> memref<64x128xf32, #tpu.memory_space<hbm>>
    %dma_wait3A_178 = arith.constant 0 : i32
    %dma_wait3A_179 = tpu.memref_slice %arg6[%add3A_52, %dma_wait3A_178] : memref<32768x128xf32, #tpu.memory_space<hbm>> -> memref<64x128xf32, #tpu.memory_space<hbm>>
    %dma_wait3A_180 = arith.constant 0 : i32
    %dma_wait3A_181 = arith.constant 0 : i32
    %dma_wait3A_182 = tpu.memref_slice %arg9[%dma_wait3A_171, %dma_wait3A_180, %dma_wait3A_181] : memref<2x64x128xf32, #tpu.memory_space<vmem>> -> memref<1x64x128xf32, #tpu.memory_space<vmem>>
    %dma_wait3A_183 = tpu.memref_squeeze %dma_wait3A_182 : memref<1x64x128xf32, #tpu.memory_space<vmem>> -> memref<64x128xf32, #tpu.memory_space<vmem>>
    tpu.wait_dma2 semaphore(%arg16 : memref<!tpu.dma_semaphore, #tpu.memory_space<semaphore_mem>>) src(%dma_wait3A_183 : memref<64x128xf32, #tpu.memory_space<vmem>>) dst(%dma_wait3A_179 : memref<64x128xf32, #tpu.memory_space<hbm>>)
    %add3A_184 = arith.constant 128 : i32
    %add3A_185 = arith.addi %mul3A_2, %add3A_184 : i32
    %run_scoped3A_186 = arith.constant 0 : i32
    "tpu.region"() ({
      %run_scoped3A_1654 = tpu.sem_alloc : memref<!tpu.dma_semaphore, #tpu.memory_space<semaphore_mem>>
      %dma_start3A_1655 = arith.constant 0 : i32
      %dma_start3A_1656 = tpu.memref_slice %arg7[%run_scoped3A_186, %dma_start3A_1655] : memref<2x64xi32, #tpu.memory_space<vmem>> -> memref<1x64xi32, #tpu.memory_space<vmem>>
      %dma_start3A_1657 = tpu.memref_squeeze %dma_start3A_1656 : memref<1x64xi32, #tpu.memory_space<vmem>> -> memref<64xi32, #tpu.memory_space<vmem>>
      %dma_start3A_1658 = tpu.memref_slice %arg4[%add3A_185] : memref<32768xi32, #tpu.memory_space<hbm>> -> memref<64xi32, #tpu.memory_space<hbm>>
      %dma_start3A_1659 = arith.constant 0 : i32
      %dma_start3A_1660 = tpu.memref_slice %arg7[%run_scoped3A_186, %dma_start3A_1659] : memref<2x64xi32, #tpu.memory_space<vmem>> -> memref<1x64xi32, #tpu.memory_space<vmem>>
      %dma_start3A_1661 = tpu.memref_squeeze %dma_start3A_1660 : memref<1x64xi32, #tpu.memory_space<vmem>> -> memref<64xi32, #tpu.memory_space<vmem>>
      %dma_start3A_1662 = tpu.memref_slice %arg4[%add3A_185] : memref<32768xi32, #tpu.memory_space<hbm>> -> memref<64xi32, #tpu.memory_space<hbm>>
      tpu.enqueue_dma source(%dma_start3A_1662 : memref<64xi32, #tpu.memory_space<hbm>>) target(%dma_start3A_1661 : memref<64xi32, #tpu.memory_space<vmem>>) target_semaphore(%run_scoped3A_1654 : memref<!tpu.dma_semaphore, #tpu.memory_space<semaphore_mem>>)
      %dma_wait3A_1663 = arith.constant 0 : i32
      %dma_wait3A_1664 = tpu.memref_slice %arg7[%run_scoped3A_186, %dma_wait3A_1663] : memref<2x64xi32, #tpu.memory_space<vmem>> -> memref<1x64xi32, #tpu.memory_space<vmem>>
      %dma_wait3A_1665 = tpu.memref_squeeze %dma_wait3A_1664 : memref<1x64xi32, #tpu.memory_space<vmem>> -> memref<64xi32, #tpu.memory_space<vmem>>
      %dma_wait3A_1666 = tpu.memref_slice %arg4[%add3A_185] : memref<32768xi32, #tpu.memory_space<hbm>> -> memref<64xi32, #tpu.memory_space<hbm>>
      %dma_wait3A_1667 = arith.constant 0 : i32
      %dma_wait3A_1668 = tpu.memref_slice %arg7[%run_scoped3A_186, %dma_wait3A_1667] : memref<2x64xi32, #tpu.memory_space<vmem>> -> memref<1x64xi32, #tpu.memory_space<vmem>>
      %dma_wait3A_1669 = tpu.memref_squeeze %dma_wait3A_1668 : memref<1x64xi32, #tpu.memory_space<vmem>> -> memref<64xi32, #tpu.memory_space<vmem>>
      %dma_wait3A_1670 = tpu.memref_slice %arg4[%add3A_185] : memref<32768xi32, #tpu.memory_space<hbm>> -> memref<64xi32, #tpu.memory_space<hbm>>
      tpu.wait_dma2 semaphore(%run_scoped3A_1654 : memref<!tpu.dma_semaphore, #tpu.memory_space<semaphore_mem>>) src(%dma_wait3A_1670 : memref<64xi32, #tpu.memory_space<hbm>>) dst(%dma_wait3A_1669 : memref<64xi32, #tpu.memory_space<vmem>>)
      tpu.yield
    }) : () -> ()
    %dma_start3A_187 = arith.constant 0 : i32
    %dma_start3A_188 = arith.constant 0 : i32
    %dma_start3A_189 = arith.constant 0 : i32
    %dma_start3A_190 = arith.constant 0 : i32
    %dma_start3A_191 = tpu.memref_slice %arg8[%dma_start3A_188, %dma_start3A_189, %dma_start3A_190] : memref<2x64x768xf32, #tpu.memory_space<vmem>> -> memref<1x64x768xf32, #tpu.memory_space<vmem>>
    %dma_start3A_192 = tpu.memref_squeeze %dma_start3A_191 : memref<1x64x768xf32, #tpu.memory_space<vmem>> -> memref<64x768xf32, #tpu.memory_space<vmem>>
    %dma_start3A_193 = arith.constant 0 : i32
    %dma_start3A_194 = tpu.memref_slice %arg7[%dma_start3A_187, %dma_start3A_193] : memref<2x64xi32, #tpu.memory_space<vmem>> -> memref<1x64xi32, #tpu.memory_space<vmem>>
    %dma_start3A_195 = tpu.memref_squeeze %dma_start3A_194 : memref<1x64xi32, #tpu.memory_space<vmem>> -> memref<64xi32, #tpu.memory_space<vmem>>
    %dma_start3A_196 = arith.constant 0 : i32
    %dma_start3A_197 = arith.constant 0 : i32
    %dma_start3A_198 = tpu.memref_slice %arg2[%dma_start3A_196, %dma_start3A_197] : memref<32768x768xf32, #tpu.memory_space<hbm>> -> memref<32768x768xf32, #tpu.memory_space<hbm>>
    tpu.enqueue_indirect_dma source(%dma_start3A_198 : memref<32768x768xf32, #tpu.memory_space<hbm>>) target(%dma_start3A_192 : memref<64x768xf32, #tpu.memory_space<vmem>>) offsets(%dma_start3A_195 : memref<64xi32, #tpu.memory_space<vmem>>) semaphore(%arg10 : memref<!tpu.dma_semaphore, #tpu.memory_space<semaphore_mem>>)
    %dma_start3A_199 = arith.constant 0 : i32
    %dma_start3A_200 = arith.constant 0 : i32
    %dma_start3A_201 = arith.constant 0 : i32
    %dma_start3A_202 = arith.constant 0 : i32
    %dma_start3A_203 = tpu.memref_slice %arg9[%dma_start3A_200, %dma_start3A_201, %dma_start3A_202] : memref<2x64x128xf32, #tpu.memory_space<vmem>> -> memref<1x64x128xf32, #tpu.memory_space<vmem>>
    %dma_start3A_204 = tpu.memref_squeeze %dma_start3A_203 : memref<1x64x128xf32, #tpu.memory_space<vmem>> -> memref<64x128xf32, #tpu.memory_space<vmem>>
    %dma_start3A_205 = arith.constant 0 : i32
    %dma_start3A_206 = tpu.memref_slice %arg7[%dma_start3A_199, %dma_start3A_205] : memref<2x64xi32, #tpu.memory_space<vmem>> -> memref<1x64xi32, #tpu.memory_space<vmem>>
    %dma_start3A_207 = tpu.memref_squeeze %dma_start3A_206 : memref<1x64xi32, #tpu.memory_space<vmem>> -> memref<64xi32, #tpu.memory_space<vmem>>
    %dma_start3A_208 = arith.constant 0 : i32
    %dma_start3A_209 = arith.constant 0 : i32
    %dma_start3A_210 = tpu.memref_slice %arg3[%dma_start3A_208, %dma_start3A_209] : memref<32768x128xf32, #tpu.memory_space<hbm>> -> memref<32768x128xf32, #tpu.memory_space<hbm>>
    tpu.enqueue_indirect_dma source(%dma_start3A_210 : memref<32768x128xf32, #tpu.memory_space<hbm>>) target(%dma_start3A_204 : memref<64x128xf32, #tpu.memory_space<vmem>>) offsets(%dma_start3A_207 : memref<64xi32, #tpu.memory_space<vmem>>) semaphore(%arg12 : memref<!tpu.dma_semaphore, #tpu.memory_space<semaphore_mem>>)
    %dma_wait3A_211 = arith.constant 0 : i32
    %dma_wait3A_212 = arith.constant 0 : i32
    %dma_wait3A_213 = arith.constant 0 : i32
    %dma_wait3A_214 = arith.constant 0 : i32
    %dma_wait3A_215 = tpu.memref_slice %arg8[%dma_wait3A_212, %dma_wait3A_213, %dma_wait3A_214] : memref<2x64x768xf32, #tpu.memory_space<vmem>> -> memref<1x64x768xf32, #tpu.memory_space<vmem>>
    %dma_wait3A_216 = tpu.memref_squeeze %dma_wait3A_215 : memref<1x64x768xf32, #tpu.memory_space<vmem>> -> memref<64x768xf32, #tpu.memory_space<vmem>>
    %dma_wait3A_217 = arith.constant 0 : i32
    %dma_wait3A_218 = tpu.memref_slice %arg7[%dma_wait3A_211, %dma_wait3A_217] : memref<2x64xi32, #tpu.memory_space<vmem>> -> memref<1x64xi32, #tpu.memory_space<vmem>>
    %dma_wait3A_219 = tpu.memref_squeeze %dma_wait3A_218 : memref<1x64xi32, #tpu.memory_space<vmem>> -> memref<64xi32, #tpu.memory_space<vmem>>
    %dma_wait3A_220 = arith.constant 0 : i32
    %dma_wait3A_221 = arith.constant 0 : i32
    %dma_wait3A_222 = tpu.memref_slice %arg2[%dma_wait3A_220, %dma_wait3A_221] : memref<32768x768xf32, #tpu.memory_space<hbm>> -> memref<32768x768xf32, #tpu.memory_space<hbm>>
    tpu.wait_indirect_dma semaphore(%arg10 : memref<!tpu.dma_semaphore, #tpu.memory_space<semaphore_mem>>) src(%dma_wait3A_222 : memref<32768x768xf32, #tpu.memory_space<hbm>>) dst(%dma_wait3A_216 : memref<64x768xf32, #tpu.memory_space<vmem>>)
    %dma_wait3A_223 = arith.constant 0 : i32
    %dma_wait3A_224 = arith.constant 0 : i32
    %dma_wait3A_225 = arith.constant 0 : i32
    %dma_wait3A_226 = arith.constant 0 : i32
    %dma_wait3A_227 = tpu.memref_slice %arg9[%dma_wait3A_224, %dma_wait3A_225, %dma_wait3A_226] : memref<2x64x128xf32, #tpu.memory_space<vmem>> -> memref<1x64x128xf32, #tpu.memory_space<vmem>>
    %dma_wait3A_228 = tpu.memref_squeeze %dma_wait3A_227 : memref<1x64x128xf32, #tpu.memory_space<vmem>> -> memref<64x128xf32, #tpu.memory_space<vmem>>
    %dma_wait3A_229 = arith.constant 0 : i32
    %dma_wait3A_230 = tpu.memref_slice %arg7[%dma_wait3A_223, %dma_wait3A_229] : memref<2x64xi32, #tpu.memory_space<vmem>> -> memref<1x64xi32, #tpu.memory_space<vmem>>
    %dma_wait3A_231 = tpu.memref_squeeze %dma_wait3A_230 : memref<1x64xi32, #tpu.memory_space<vmem>> -> memref<64xi32, #tpu.memory_space<vmem>>
    %dma_wait3A_232 = arith.constant 0 : i32
    %dma_wait3A_233 = arith.constant 0 : i32
    %dma_wait3A_234 = tpu.memref_slice %arg3[%dma_wait3A_232, %dma_wait3A_233] : memref<32768x128xf32, #tpu.memory_space<hbm>> -> memref<32768x128xf32, #tpu.memory_space<hbm>>
    tpu.wait_indirect_dma semaphore(%arg12 : memref<!tpu.dma_semaphore, #tpu.memory_space<semaphore_mem>>) src(%dma_wait3A_234 : memref<32768x128xf32, #tpu.memory_space<hbm>>) dst(%dma_wait3A_228 : memref<64x128xf32, #tpu.memory_space<vmem>>)
    %add3A_235 = arith.constant 128 : i32
    %add3A_236 = arith.addi %mul3A_2, %add3A_235 : i32
    %dma_start3A_237 = arith.constant 0 : i32
    %dma_start3A_238 = arith.constant 0 : i32
    %dma_start3A_239 = arith.constant 0 : i32
    %dma_start3A_240 = tpu.memref_slice %arg8[%dma_start3A_237, %dma_start3A_238, %dma_start3A_239] : memref<2x64x768xf32, #tpu.memory_space<vmem>> -> memref<1x64x768xf32, #tpu.memory_space<vmem>>
    %dma_start3A_241 = tpu.memref_squeeze %dma_start3A_240 : memref<1x64x768xf32, #tpu.memory_space<vmem>> -> memref<64x768xf32, #tpu.memory_space<vmem>>
    %dma_start3A_242 = arith.constant 0 : i32
    %dma_start3A_243 = tpu.memref_slice %arg5[%add3A_236, %dma_start3A_242] : memref<32768x768xf32, #tpu.memory_space<hbm>> -> memref<64x768xf32, #tpu.memory_space<hbm>>
    %dma_start3A_244 = arith.constant 0 : i32
    %dma_start3A_245 = tpu.memref_slice %arg5[%add3A_236, %dma_start3A_244] : memref<32768x768xf32, #tpu.memory_space<hbm>> -> memref<64x768xf32, #tpu.memory_space<hbm>>
    %dma_start3A_246 = arith.constant 0 : i32
    %dma_start3A_247 = arith.constant 0 : i32
    %dma_start3A_248 = tpu.memref_slice %arg8[%dma_start3A_237, %dma_start3A_246, %dma_start3A_247] : memref<2x64x768xf32, #tpu.memory_space<vmem>> -> memref<1x64x768xf32, #tpu.memory_space<vmem>>
    %dma_start3A_249 = tpu.memref_squeeze %dma_start3A_248 : memref<1x64x768xf32, #tpu.memory_space<vmem>> -> memref<64x768xf32, #tpu.memory_space<vmem>>
    tpu.enqueue_dma source(%dma_start3A_249 : memref<64x768xf32, #tpu.memory_space<vmem>>) target(%dma_start3A_245 : memref<64x768xf32, #tpu.memory_space<hbm>>) target_semaphore(%arg14 : memref<!tpu.dma_semaphore, #tpu.memory_space<semaphore_mem>>)
    %dma_start3A_250 = arith.constant 0 : i32
    %dma_start3A_251 = arith.constant 0 : i32
    %dma_start3A_252 = arith.constant 0 : i32
    %dma_start3A_253 = tpu.memref_slice %arg9[%dma_start3A_250, %dma_start3A_251, %dma_start3A_252] : memref<2x64x128xf32, #tpu.memory_space<vmem>> -> memref<1x64x128xf32, #tpu.memory_space<vmem>>
    %dma_start3A_254 = tpu.memref_squeeze %dma_start3A_253 : memref<1x64x128xf32, #tpu.memory_space<vmem>> -> memref<64x128xf32, #tpu.memory_space<vmem>>
    %dma_start3A_255 = arith.constant 0 : i32
    %dma_start3A_256 = tpu.memref_slice %arg6[%add3A_236, %dma_start3A_255] : memref<32768x128xf32, #tpu.memory_space<hbm>> -> memref<64x128xf32, #tpu.memory_space<hbm>>
    %dma_start3A_257 = arith.constant 0 : i32
    %dma_start3A_258 = tpu.memref_slice %arg6[%add3A_236, %dma_start3A_257] : memref<32768x128xf32, #tpu.memory_space<hbm>> -> memref<64x128xf32, #tpu.memory_space<hbm>>
    %dma_start3A_259 = arith.constant 0 : i32
    %dma_start3A_260 = arith.constant 0 : i32
    %dma_start3A_261 = tpu.memref_slice %arg9[%dma_start3A_250, %dma_start3A_259, %dma_start3A_260] : memref<2x64x128xf32, #tpu.memory_space<vmem>> -> memref<1x64x128xf32, #tpu.memory_space<vmem>>
    %dma_start3A_262 = tpu.memref_squeeze %dma_start3A_261 : memref<1x64x128xf32, #tpu.memory_space<vmem>> -> memref<64x128xf32, #tpu.memory_space<vmem>>
    tpu.enqueue_dma source(%dma_start3A_262 : memref<64x128xf32, #tpu.memory_space<vmem>>) target(%dma_start3A_258 : memref<64x128xf32, #tpu.memory_space<hbm>>) target_semaphore(%arg16 : memref<!tpu.dma_semaphore, #tpu.memory_space<semaphore_mem>>)
    %dma_wait3A_263 = arith.constant 1 : i32
    %dma_wait3A_264 = arith.constant 0 : i32
    %dma_wait3A_265 = arith.constant 0 : i32
    %dma_wait3A_266 = tpu.memref_slice %arg8[%dma_wait3A_263, %dma_wait3A_264, %dma_wait3A_265] : memref<2x64x768xf32, #tpu.memory_space<vmem>> -> memref<1x64x768xf32, #tpu.memory_space<vmem>>
    %dma_wait3A_267 = tpu.memref_squeeze %dma_wait3A_266 : memref<1x64x768xf32, #tpu.memory_space<vmem>> -> memref<64x768xf32, #tpu.memory_space<vmem>>
    %dma_wait3A_268 = arith.constant 0 : i32
    %dma_wait3A_269 = tpu.memref_slice %arg5[%add3A_131, %dma_wait3A_268] : memref<32768x768xf32, #tpu.memory_space<hbm>> -> memref<64x768xf32, #tpu.memory_space<hbm>>
    %dma_wait3A_270 = arith.constant 0 : i32
    %dma_wait3A_271 = tpu.memref_slice %arg5[%add3A_131, %dma_wait3A_270] : memref<32768x768xf32, #tpu.memory_space<hbm>> -> memref<64x768xf32, #tpu.memory_space<hbm>>
    %dma_wait3A_272 = arith.constant 0 : i32
    %dma_wait3A_273 = arith.constant 0 : i32
    %dma_wait3A_274 = tpu.memref_slice %arg8[%dma_wait3A_263, %dma_wait3A_272, %dma_wait3A_273] : memref<2x64x768xf32, #tpu.memory_space<vmem>> -> memref<1x64x768xf32, #tpu.memory_space<vmem>>
    %dma_wait3A_275 = tpu.memref_squeeze %dma_wait3A_274 : memref<1x64x768xf32, #tpu.memory_space<vmem>> -> memref<64x768xf32, #tpu.memory_space<vmem>>
    tpu.wait_dma2 semaphore(%arg15 : memref<!tpu.dma_semaphore, #tpu.memory_space<semaphore_mem>>) src(%dma_wait3A_275 : memref<64x768xf32, #tpu.memory_space<vmem>>) dst(%dma_wait3A_271 : memref<64x768xf32, #tpu.memory_space<hbm>>)
    %dma_wait3A_276 = arith.constant 1 : i32
    %dma_wait3A_277 = arith.constant 0 : i32
    %dma_wait3A_278 = arith.constant 0 : i32
    %dma_wait3A_279 = tpu.memref_slice %arg9[%dma_wait3A_276, %dma_wait3A_277, %dma_wait3A_278] : memref<2x64x128xf32, #tpu.memory_space<vmem>> -> memref<1x64x128xf32, #tpu.memory_space<vmem>>
    %dma_wait3A_280 = tpu.memref_squeeze %dma_wait3A_279 : memref<1x64x128xf32, #tpu.memory_space<vmem>> -> memref<64x128xf32, #tpu.memory_space<vmem>>
    %dma_wait3A_281 = arith.constant 0 : i32
    %dma_wait3A_282 = tpu.memref_slice %arg6[%add3A_131, %dma_wait3A_281] : memref<32768x128xf32, #tpu.memory_space<hbm>> -> memref<64x128xf32, #tpu.memory_space<hbm>>
    %dma_wait3A_283 = arith.constant 0 : i32
    %dma_wait3A_284 = tpu.memref_slice %arg6[%add3A_131, %dma_wait3A_283] : memref<32768x128xf32, #tpu.memory_space<hbm>> -> memref<64x128xf32, #tpu.memory_space<hbm>>
    %dma_wait3A_285 = arith.constant 0 : i32
    %dma_wait3A_286 = arith.constant 0 : i32
    %dma_wait3A_287 = tpu.memref_slice %arg9[%dma_wait3A_276, %dma_wait3A_285, %dma_wait3A_286] : memref<2x64x128xf32, #tpu.memory_space<vmem>> -> memref<1x64x128xf32, #tpu.memory_space<vmem>>
    %dma_wait3A_288 = tpu.memref_squeeze %dma_wait3A_287 : memref<1x64x128xf32, #tpu.memory_space<vmem>> -> memref<64x128xf32, #tpu.memory_space<vmem>>
    tpu.wait_dma2 semaphore(%arg17 : memref<!tpu.dma_semaphore, #tpu.memory_space<semaphore_mem>>) src(%dma_wait3A_288 : memref<64x128xf32, #tpu.memory_space<vmem>>) dst(%dma_wait3A_284 : memref<64x128xf32, #tpu.memory_space<hbm>>)
    %add3A_289 = arith.constant 192 : i32
    %add3A_290 = arith.addi %mul3A_2, %add3A_289 : i32
    %run_scoped3A_291 = arith.constant 1 : i32
    "tpu.region"() ({
      %run_scoped3A_1654 = tpu.sem_alloc : memref<!tpu.dma_semaphore, #tpu.memory_space<semaphore_mem>>
      %dma_start3A_1655 = arith.constant 0 : i32
      %dma_start3A_1656 = tpu.memref_slice %arg7[%run_scoped3A_291, %dma_start3A_1655] : memref<2x64xi32, #tpu.memory_space<vmem>> -> memref<1x64xi32, #tpu.memory_space<vmem>>
      %dma_start3A_1657 = tpu.memref_squeeze %dma_start3A_1656 : memref<1x64xi32, #tpu.memory_space<vmem>> -> memref<64xi32, #tpu.memory_space<vmem>>
      %dma_start3A_1658 = tpu.memref_slice %arg4[%add3A_290] : memref<32768xi32, #tpu.memory_space<hbm>> -> memref<64xi32, #tpu.memory_space<hbm>>
      %dma_start3A_1659 = arith.constant 0 : i32
      %dma_start3A_1660 = tpu.memref_slice %arg7[%run_scoped3A_291, %dma_start3A_1659] : memref<2x64xi32, #tpu.memory_space<vmem>> -> memref<1x64xi32, #tpu.memory_space<vmem>>
      %dma_start3A_1661 = tpu.memref_squeeze %dma_start3A_1660 : memref<1x64xi32, #tpu.memory_space<vmem>> -> memref<64xi32, #tpu.memory_space<vmem>>
      %dma_start3A_1662 = tpu.memref_slice %arg4[%add3A_290] : memref<32768xi32, #tpu.memory_space<hbm>> -> memref<64xi32, #tpu.memory_space<hbm>>
      tpu.enqueue_dma source(%dma_start3A_1662 : memref<64xi32, #tpu.memory_space<hbm>>) target(%dma_start3A_1661 : memref<64xi32, #tpu.memory_space<vmem>>) target_semaphore(%run_scoped3A_1654 : memref<!tpu.dma_semaphore, #tpu.memory_space<semaphore_mem>>)
      %dma_wait3A_1663 = arith.constant 0 : i32
      %dma_wait3A_1664 = tpu.memref_slice %arg7[%run_scoped3A_291, %dma_wait3A_1663] : memref<2x64xi32, #tpu.memory_space<vmem>> -> memref<1x64xi32, #tpu.memory_space<vmem>>
      %dma_wait3A_1665 = tpu.memref_squeeze %dma_wait3A_1664 : memref<1x64xi32, #tpu.memory_space<vmem>> -> memref<64xi32, #tpu.memory_space<vmem>>
      %dma_wait3A_1666 = tpu.memref_slice %arg4[%add3A_290] : memref<32768xi32, #tpu.memory_space<hbm>> -> memref<64xi32, #tpu.memory_space<hbm>>
      %dma_wait3A_1667 = arith.constant 0 : i32
      %dma_wait3A_1668 = tpu.memref_slice %arg7[%run_scoped3A_291, %dma_wait3A_1667] : memref<2x64xi32, #tpu.memory_space<vmem>> -> memref<1x64xi32, #tpu.memory_space<vmem>>
      %dma_wait3A_1669 = tpu.memref_squeeze %dma_wait3A_1668 : memref<1x64xi32, #tpu.memory_space<vmem>> -> memref<64xi32, #tpu.memory_space<vmem>>
      %dma_wait3A_1670 = tpu.memref_slice %arg4[%add3A_290] : memref<32768xi32, #tpu.memory_space<hbm>> -> memref<64xi32, #tpu.memory_space<hbm>>
      tpu.wait_dma2 semaphore(%run_scoped3A_1654 : memref<!tpu.dma_semaphore, #tpu.memory_space<semaphore_mem>>) src(%dma_wait3A_1670 : memref<64xi32, #tpu.memory_space<hbm>>) dst(%dma_wait3A_1669 : memref<64xi32, #tpu.memory_space<vmem>>)
      tpu.yield
    }) : () -> ()
    %dma_start3A_292 = arith.constant 1 : i32
    %dma_start3A_293 = arith.constant 1 : i32
    %dma_start3A_294 = arith.constant 0 : i32
    %dma_start3A_295 = arith.constant 0 : i32
    %dma_start3A_296 = tpu.memref_slice %arg8[%dma_start3A_293, %dma_start3A_294, %dma_start3A_295] : memref<2x64x768xf32, #tpu.memory_space<vmem>> -> memref<1x64x768xf32, #tpu.memory_space<vmem>>
    %dma_start3A_297 = tpu.memref_squeeze %dma_start3A_296 : memref<1x64x768xf32, #tpu.memory_space<vmem>> -> memref<64x768xf32, #tpu.memory_space<vmem>>
    %dma_start3A_298 = arith.constant 0 : i32
    %dma_start3A_299 = tpu.memref_slice %arg7[%dma_start3A_292, %dma_start3A_298] : memref<2x64xi32, #tpu.memory_space<vmem>> -> memref<1x64xi32, #tpu.memory_space<vmem>>
    %dma_start3A_300 = tpu.memref_squeeze %dma_start3A_299 : memref<1x64xi32, #tpu.memory_space<vmem>> -> memref<64xi32, #tpu.memory_space<vmem>>
    %dma_start3A_301 = arith.constant 0 : i32
    %dma_start3A_302 = arith.constant 0 : i32
    %dma_start3A_303 = tpu.memref_slice %arg2[%dma_start3A_301, %dma_start3A_302] : memref<32768x768xf32, #tpu.memory_space<hbm>> -> memref<32768x768xf32, #tpu.memory_space<hbm>>
    tpu.enqueue_indirect_dma source(%dma_start3A_303 : memref<32768x768xf32, #tpu.memory_space<hbm>>) target(%dma_start3A_297 : memref<64x768xf32, #tpu.memory_space<vmem>>) offsets(%dma_start3A_300 : memref<64xi32, #tpu.memory_space<vmem>>) semaphore(%arg11 : memref<!tpu.dma_semaphore, #tpu.memory_space<semaphore_mem>>)
    %dma_start3A_304 = arith.constant 1 : i32
    %dma_start3A_305 = arith.constant 1 : i32
    %dma_start3A_306 = arith.constant 0 : i32
    %dma_start3A_307 = arith.constant 0 : i32
    %dma_start3A_308 = tpu.memref_slice %arg9[%dma_start3A_305, %dma_start3A_306, %dma_start3A_307] : memref<2x64x128xf32, #tpu.memory_space<vmem>> -> memref<1x64x128xf32, #tpu.memory_space<vmem>>
    %dma_start3A_309 = tpu.memref_squeeze %dma_start3A_308 : memref<1x64x128xf32, #tpu.memory_space<vmem>> -> memref<64x128xf32, #tpu.memory_space<vmem>>
    %dma_start3A_310 = arith.constant 0 : i32
    %dma_start3A_311 = tpu.memref_slice %arg7[%dma_start3A_304, %dma_start3A_310] : memref<2x64xi32, #tpu.memory_space<vmem>> -> memref<1x64xi32, #tpu.memory_space<vmem>>
    %dma_start3A_312 = tpu.memref_squeeze %dma_start3A_311 : memref<1x64xi32, #tpu.memory_space<vmem>> -> memref<64xi32, #tpu.memory_space<vmem>>
    %dma_start3A_313 = arith.constant 0 : i32
    %dma_start3A_314 = arith.constant 0 : i32
    %dma_start3A_315 = tpu.memref_slice %arg3[%dma_start3A_313, %dma_start3A_314] : memref<32768x128xf32, #tpu.memory_space<hbm>> -> memref<32768x128xf32, #tpu.memory_space<hbm>>
    tpu.enqueue_indirect_dma source(%dma_start3A_315 : memref<32768x128xf32, #tpu.memory_space<hbm>>) target(%dma_start3A_309 : memref<64x128xf32, #tpu.memory_space<vmem>>) offsets(%dma_start3A_312 : memref<64xi32, #tpu.memory_space<vmem>>) semaphore(%arg13 : memref<!tpu.dma_semaphore, #tpu.memory_space<semaphore_mem>>)
    %dma_wait3A_316 = arith.constant 1 : i32
    %dma_wait3A_317 = arith.constant 1 : i32
    %dma_wait3A_318 = arith.constant 0 : i32
    %dma_wait3A_319 = arith.constant 0 : i32
    %dma_wait3A_320 = tpu.memref_slice %arg8[%dma_wait3A_317, %dma_wait3A_318, %dma_wait3A_319] : memref<2x64x768xf32, #tpu.memory_space<vmem>> -> memref<1x64x768xf32, #tpu.memory_space<vmem>>
    %dma_wait3A_321 = tpu.memref_squeeze %dma_wait3A_320 : memref<1x64x768xf32, #tpu.memory_space<vmem>> -> memref<64x768xf32, #tpu.memory_space<vmem>>
    %dma_wait3A_322 = arith.constant 0 : i32
    %dma_wait3A_323 = tpu.memref_slice %arg7[%dma_wait3A_316, %dma_wait3A_322] : memref<2x64xi32, #tpu.memory_space<vmem>> -> memref<1x64xi32, #tpu.memory_space<vmem>>
    %dma_wait3A_324 = tpu.memref_squeeze %dma_wait3A_323 : memref<1x64xi32, #tpu.memory_space<vmem>> -> memref<64xi32, #tpu.memory_space<vmem>>
    %dma_wait3A_325 = arith.constant 0 : i32
    %dma_wait3A_326 = arith.constant 0 : i32
    %dma_wait3A_327 = tpu.memref_slice %arg2[%dma_wait3A_325, %dma_wait3A_326] : memref<32768x768xf32, #tpu.memory_space<hbm>> -> memref<32768x768xf32, #tpu.memory_space<hbm>>
    tpu.wait_indirect_dma semaphore(%arg11 : memref<!tpu.dma_semaphore, #tpu.memory_space<semaphore_mem>>) src(%dma_wait3A_327 : memref<32768x768xf32, #tpu.memory_space<hbm>>) dst(%dma_wait3A_321 : memref<64x768xf32, #tpu.memory_space<vmem>>)
    %dma_wait3A_328 = arith.constant 1 : i32
    %dma_wait3A_329 = arith.constant 1 : i32
    %dma_wait3A_330 = arith.constant 0 : i32
    %dma_wait3A_331 = arith.constant 0 : i32
    %dma_wait3A_332 = tpu.memref_slice %arg9[%dma_wait3A_329, %dma_wait3A_330, %dma_wait3A_331] : memref<2x64x128xf32, #tpu.memory_space<vmem>> -> memref<1x64x128xf32, #tpu.memory_space<vmem>>
    %dma_wait3A_333 = tpu.memref_squeeze %dma_wait3A_332 : memref<1x64x128xf32, #tpu.memory_space<vmem>> -> memref<64x128xf32, #tpu.memory_space<vmem>>
    %dma_wait3A_334 = arith.constant 0 : i32
    %dma_wait3A_335 = tpu.memref_slice %arg7[%dma_wait3A_328, %dma_wait3A_334] : memref<2x64xi32, #tpu.memory_space<vmem>> -> memref<1x64xi32, #tpu.memory_space<vmem>>
    %dma_wait3A_336 = tpu.memref_squeeze %dma_wait3A_335 : memref<1x64xi32, #tpu.memory_space<vmem>> -> memref<64xi32, #tpu.memory_space<vmem>>
    %dma_wait3A_337 = arith.constant 0 : i32
    %dma_wait3A_338 = arith.constant 0 : i32
    %dma_wait3A_339 = tpu.memref_slice %arg3[%dma_wait3A_337, %dma_wait3A_338] : memref<32768x128xf32, #tpu.memory_space<hbm>> -> memref<32768x128xf32, #tpu.memory_space<hbm>>
    tpu.wait_indirect_dma semaphore(%arg13 : memref<!tpu.dma_semaphore, #tpu.memory_space<semaphore_mem>>) src(%dma_wait3A_339 : memref<32768x128xf32, #tpu.memory_space<hbm>>) dst(%dma_wait3A_333 : memref<64x128xf32, #tpu.memory_space<vmem>>)
    %add3A_340 = arith.constant 192 : i32
    %add3A_341 = arith.addi %mul3A_2, %add3A_340 : i32
    %dma_start3A_342 = arith.constant 1 : i32
    %dma_start3A_343 = arith.constant 0 : i32
    %dma_start3A_344 = arith.constant 0 : i32
    %dma_start3A_345 = tpu.memref_slice %arg8[%dma_start3A_342, %dma_start3A_343, %dma_start3A_344] : memref<2x64x768xf32, #tpu.memory_space<vmem>> -> memref<1x64x768xf32, #tpu.memory_space<vmem>>
    %dma_start3A_346 = tpu.memref_squeeze %dma_start3A_345 : memref<1x64x768xf32, #tpu.memory_space<vmem>> -> memref<64x768xf32, #tpu.memory_space<vmem>>
    %dma_start3A_347 = arith.constant 0 : i32
    %dma_start3A_348 = tpu.memref_slice %arg5[%add3A_341, %dma_start3A_347] : memref<32768x768xf32, #tpu.memory_space<hbm>> -> memref<64x768xf32, #tpu.memory_space<hbm>>
    %dma_start3A_349 = arith.constant 0 : i32
    %dma_start3A_350 = tpu.memref_slice %arg5[%add3A_341, %dma_start3A_349] : memref<32768x768xf32, #tpu.memory_space<hbm>> -> memref<64x768xf32, #tpu.memory_space<hbm>>
    %dma_start3A_351 = arith.constant 0 : i32
    %dma_start3A_352 = arith.constant 0 : i32
    %dma_start3A_353 = tpu.memref_slice %arg8[%dma_start3A_342, %dma_start3A_351, %dma_start3A_352] : memref<2x64x768xf32, #tpu.memory_space<vmem>> -> memref<1x64x768xf32, #tpu.memory_space<vmem>>
    %dma_start3A_354 = tpu.memref_squeeze %dma_start3A_353 : memref<1x64x768xf32, #tpu.memory_space<vmem>> -> memref<64x768xf32, #tpu.memory_space<vmem>>
    tpu.enqueue_dma source(%dma_start3A_354 : memref<64x768xf32, #tpu.memory_space<vmem>>) target(%dma_start3A_350 : memref<64x768xf32, #tpu.memory_space<hbm>>) target_semaphore(%arg15 : memref<!tpu.dma_semaphore, #tpu.memory_space<semaphore_mem>>)
    %dma_start3A_355 = arith.constant 1 : i32
    %dma_start3A_356 = arith.constant 0 : i32
    %dma_start3A_357 = arith.constant 0 : i32
    %dma_start3A_358 = tpu.memref_slice %arg9[%dma_start3A_355, %dma_start3A_356, %dma_start3A_357] : memref<2x64x128xf32, #tpu.memory_space<vmem>> -> memref<1x64x128xf32, #tpu.memory_space<vmem>>
    %dma_start3A_359 = tpu.memref_squeeze %dma_start3A_358 : memref<1x64x128xf32, #tpu.memory_space<vmem>> -> memref<64x128xf32, #tpu.memory_space<vmem>>
    %dma_start3A_360 = arith.constant 0 : i32
    %dma_start3A_361 = tpu.memref_slice %arg6[%add3A_341, %dma_start3A_360] : memref<32768x128xf32, #tpu.memory_space<hbm>> -> memref<64x128xf32, #tpu.memory_space<hbm>>
    %dma_start3A_362 = arith.constant 0 : i32
    %dma_start3A_363 = tpu.memref_slice %arg6[%add3A_341, %dma_start3A_362] : memref<32768x128xf32, #tpu.memory_space<hbm>> -> memref<64x128xf32, #tpu.memory_space<hbm>>
    %dma_start3A_364 = arith.constant 0 : i32
    %dma_start3A_365 = arith.constant 0 : i32
    %dma_start3A_366 = tpu.memref_slice %arg9[%dma_start3A_355, %dma_start3A_364, %dma_start3A_365] : memref<2x64x128xf32, #tpu.memory_space<vmem>> -> memref<1x64x128xf32, #tpu.memory_space<vmem>>
    %dma_start3A_367 = tpu.memref_squeeze %dma_start3A_366 : memref<1x64x128xf32, #tpu.memory_space<vmem>> -> memref<64x128xf32, #tpu.memory_space<vmem>>
    tpu.enqueue_dma source(%dma_start3A_367 : memref<64x128xf32, #tpu.memory_space<vmem>>) target(%dma_start3A_363 : memref<64x128xf32, #tpu.memory_space<hbm>>) target_semaphore(%arg17 : memref<!tpu.dma_semaphore, #tpu.memory_space<semaphore_mem>>)
    %dma_wait3A_368 = arith.constant 0 : i32
    %dma_wait3A_369 = arith.constant 0 : i32
    %dma_wait3A_370 = arith.constant 0 : i32
    %dma_wait3A_371 = tpu.memref_slice %arg8[%dma_wait3A_368, %dma_wait3A_369, %dma_wait3A_370] : memref<2x64x768xf32, #tpu.memory_space<vmem>> -> memref<1x64x768xf32, #tpu.memory_space<vmem>>
    %dma_wait3A_372 = tpu.memref_squeeze %dma_wait3A_371 : memref<1x64x768xf32, #tpu.memory_space<vmem>> -> memref<64x768xf32, #tpu.memory_space<vmem>>
    %dma_wait3A_373 = arith.constant 0 : i32
    %dma_wait3A_374 = tpu.memref_slice %arg5[%add3A_236, %dma_wait3A_373] : memref<32768x768xf32, #tpu.memory_space<hbm>> -> memref<64x768xf32, #tpu.memory_space<hbm>>
    %dma_wait3A_375 = arith.constant 0 : i32
    %dma_wait3A_376 = tpu.memref_slice %arg5[%add3A_236, %dma_wait3A_375] : memref<32768x768xf32, #tpu.memory_space<hbm>> -> memref<64x768xf32, #tpu.memory_space<hbm>>
    %dma_wait3A_377 = arith.constant 0 : i32
    %dma_wait3A_378 = arith.constant 0 : i32
    %dma_wait3A_379 = tpu.memref_slice %arg8[%dma_wait3A_368, %dma_wait3A_377, %dma_wait3A_378] : memref<2x64x768xf32, #tpu.memory_space<vmem>> -> memref<1x64x768xf32, #tpu.memory_space<vmem>>
    %dma_wait3A_380 = tpu.memref_squeeze %dma_wait3A_379 : memref<1x64x768xf32, #tpu.memory_space<vmem>> -> memref<64x768xf32, #tpu.memory_space<vmem>>
    tpu.wait_dma2 semaphore(%arg14 : memref<!tpu.dma_semaphore, #tpu.memory_space<semaphore_mem>>) src(%dma_wait3A_380 : memref<64x768xf32, #tpu.memory_space<vmem>>) dst(%dma_wait3A_376 : memref<64x768xf32, #tpu.memory_space<hbm>>)
    %dma_wait3A_381 = arith.constant 0 : i32
    %dma_wait3A_382 = arith.constant 0 : i32
    %dma_wait3A_383 = arith.constant 0 : i32
    %dma_wait3A_384 = tpu.memref_slice %arg9[%dma_wait3A_381, %dma_wait3A_382, %dma_wait3A_383] : memref<2x64x128xf32, #tpu.memory_space<vmem>> -> memref<1x64x128xf32, #tpu.memory_space<vmem>>
    %dma_wait3A_385 = tpu.memref_squeeze %dma_wait3A_384 : memref<1x64x128xf32, #tpu.memory_space<vmem>> -> memref<64x128xf32, #tpu.memory_space<vmem>>
    %dma_wait3A_386 = arith.constant 0 : i32
    %dma_wait3A_387 = tpu.memref_slice %arg6[%add3A_236, %dma_wait3A_386] : memref<32768x128xf32, #tpu.memory_space<hbm>> -> memref<64x128xf32, #tpu.memory_space<hbm>>
    %dma_wait3A_388 = arith.constant 0 : i32
    %dma_wait3A_389 = tpu.memref_slice %arg6[%add3A_236, %dma_wait3A_388] : memref<32768x128xf32, #tpu.memory_space<hbm>> -> memref<64x128xf32, #tpu.memory_space<hbm>>
    %dma_wait3A_390 = arith.constant 0 : i32
    %dma_wait3A_391 = arith.constant 0 : i32
    %dma_wait3A_392 = tpu.memref_slice %arg9[%dma_wait3A_381, %dma_wait3A_390, %dma_wait3A_391] : memref<2x64x128xf32, #tpu.memory_space<vmem>> -> memref<1x64x128xf32, #tpu.memory_space<vmem>>
    %dma_wait3A_393 = tpu.memref_squeeze %dma_wait3A_392 : memref<1x64x128xf32, #tpu.memory_space<vmem>> -> memref<64x128xf32, #tpu.memory_space<vmem>>
    tpu.wait_dma2 semaphore(%arg16 : memref<!tpu.dma_semaphore, #tpu.memory_space<semaphore_mem>>) src(%dma_wait3A_393 : memref<64x128xf32, #tpu.memory_space<vmem>>) dst(%dma_wait3A_389 : memref<64x128xf32, #tpu.memory_space<hbm>>)
    %add3A_394 = arith.constant 256 : i32
    %add3A_395 = arith.addi %mul3A_2, %add3A_394 : i32
    %run_scoped3A_396 = arith.constant 0 : i32
    "tpu.region"() ({
      %run_scoped3A_1654 = tpu.sem_alloc : memref<!tpu.dma_semaphore, #tpu.memory_space<semaphore_mem>>
      %dma_start3A_1655 = arith.constant 0 : i32
      %dma_start3A_1656 = tpu.memref_slice %arg7[%run_scoped3A_396, %dma_start3A_1655] : memref<2x64xi32, #tpu.memory_space<vmem>> -> memref<1x64xi32, #tpu.memory_space<vmem>>
      %dma_start3A_1657 = tpu.memref_squeeze %dma_start3A_1656 : memref<1x64xi32, #tpu.memory_space<vmem>> -> memref<64xi32, #tpu.memory_space<vmem>>
      %dma_start3A_1658 = tpu.memref_slice %arg4[%add3A_395] : memref<32768xi32, #tpu.memory_space<hbm>> -> memref<64xi32, #tpu.memory_space<hbm>>
      %dma_start3A_1659 = arith.constant 0 : i32
      %dma_start3A_1660 = tpu.memref_slice %arg7[%run_scoped3A_396, %dma_start3A_1659] : memref<2x64xi32, #tpu.memory_space<vmem>> -> memref<1x64xi32, #tpu.memory_space<vmem>>
      %dma_start3A_1661 = tpu.memref_squeeze %dma_start3A_1660 : memref<1x64xi32, #tpu.memory_space<vmem>> -> memref<64xi32, #tpu.memory_space<vmem>>
      %dma_start3A_1662 = tpu.memref_slice %arg4[%add3A_395] : memref<32768xi32, #tpu.memory_space<hbm>> -> memref<64xi32, #tpu.memory_space<hbm>>
      tpu.enqueue_dma source(%dma_start3A_1662 : memref<64xi32, #tpu.memory_space<hbm>>) target(%dma_start3A_1661 : memref<64xi32, #tpu.memory_space<vmem>>) target_semaphore(%run_scoped3A_1654 : memref<!tpu.dma_semaphore, #tpu.memory_space<semaphore_mem>>)
      %dma_wait3A_1663 = arith.constant 0 : i32
      %dma_wait3A_1664 = tpu.memref_slice %arg7[%run_scoped3A_396, %dma_wait3A_1663] : memref<2x64xi32, #tpu.memory_space<vmem>> -> memref<1x64xi32, #tpu.memory_space<vmem>>
      %dma_wait3A_1665 = tpu.memref_squeeze %dma_wait3A_1664 : memref<1x64xi32, #tpu.memory_space<vmem>> -> memref<64xi32, #tpu.memory_space<vmem>>
      %dma_wait3A_1666 = tpu.memref_slice %arg4[%add3A_395] : memref<32768xi32, #tpu.memory_space<hbm>> -> memref<64xi32, #tpu.memory_space<hbm>>
      %dma_wait3A_1667 = arith.constant 0 : i32
      %dma_wait3A_1668 = tpu.memref_slice %arg7[%run_scoped3A_396, %dma_wait3A_1667] : memref<2x64xi32, #tpu.memory_space<vmem>> -> memref<1x64xi32, #tpu.memory_space<vmem>>
      %dma_wait3A_1669 = tpu.memref_squeeze %dma_wait3A_1668 : memref<1x64xi32, #tpu.memory_space<vmem>> -> memref<64xi32, #tpu.memory_space<vmem>>
      %dma_wait3A_1670 = tpu.memref_slice %arg4[%add3A_395] : memref<32768xi32, #tpu.memory_space<hbm>> -> memref<64xi32, #tpu.memory_space<hbm>>
      tpu.wait_dma2 semaphore(%run_scoped3A_1654 : memref<!tpu.dma_semaphore, #tpu.memory_space<semaphore_mem>>) src(%dma_wait3A_1670 : memref<64xi32, #tpu.memory_space<hbm>>) dst(%dma_wait3A_1669 : memref<64xi32, #tpu.memory_space<vmem>>)
      tpu.yield
    }) : () -> ()
    %dma_start3A_397 = arith.constant 0 : i32
    %dma_start3A_398 = arith.constant 0 : i32
    %dma_start3A_399 = arith.constant 0 : i32
    %dma_start3A_400 = arith.constant 0 : i32
    %dma_start3A_401 = tpu.memref_slice %arg8[%dma_start3A_398, %dma_start3A_399, %dma_start3A_400] : memref<2x64x768xf32, #tpu.memory_space<vmem>> -> memref<1x64x768xf32, #tpu.memory_space<vmem>>
    %dma_start3A_402 = tpu.memref_squeeze %dma_start3A_401 : memref<1x64x768xf32, #tpu.memory_space<vmem>> -> memref<64x768xf32, #tpu.memory_space<vmem>>
    %dma_start3A_403 = arith.constant 0 : i32
    %dma_start3A_404 = tpu.memref_slice %arg7[%dma_start3A_397, %dma_start3A_403] : memref<2x64xi32, #tpu.memory_space<vmem>> -> memref<1x64xi32, #tpu.memory_space<vmem>>
    %dma_start3A_405 = tpu.memref_squeeze %dma_start3A_404 : memref<1x64xi32, #tpu.memory_space<vmem>> -> memref<64xi32, #tpu.memory_space<vmem>>
    %dma_start3A_406 = arith.constant 0 : i32
    %dma_start3A_407 = arith.constant 0 : i32
    %dma_start3A_408 = tpu.memref_slice %arg2[%dma_start3A_406, %dma_start3A_407] : memref<32768x768xf32, #tpu.memory_space<hbm>> -> memref<32768x768xf32, #tpu.memory_space<hbm>>
    tpu.enqueue_indirect_dma source(%dma_start3A_408 : memref<32768x768xf32, #tpu.memory_space<hbm>>) target(%dma_start3A_402 : memref<64x768xf32, #tpu.memory_space<vmem>>) offsets(%dma_start3A_405 : memref<64xi32, #tpu.memory_space<vmem>>) semaphore(%arg10 : memref<!tpu.dma_semaphore, #tpu.memory_space<semaphore_mem>>)
    %dma_start3A_409 = arith.constant 0 : i32
    %dma_start3A_410 = arith.constant 0 : i32
    %dma_start3A_411 = arith.constant 0 : i32
    %dma_start3A_412 = arith.constant 0 : i32
    %dma_start3A_413 = tpu.memref_slice %arg9[%dma_start3A_410, %dma_start3A_411, %dma_start3A_412] : memref<2x64x128xf32, #tpu.memory_space<vmem>> -> memref<1x64x128xf32, #tpu.memory_space<vmem>>
    %dma_start3A_414 = tpu.memref_squeeze %dma_start3A_413 : memref<1x64x128xf32, #tpu.memory_space<vmem>> -> memref<64x128xf32, #tpu.memory_space<vmem>>
    %dma_start3A_415 = arith.constant 0 : i32
    %dma_start3A_416 = tpu.memref_slice %arg7[%dma_start3A_409, %dma_start3A_415] : memref<2x64xi32, #tpu.memory_space<vmem>> -> memref<1x64xi32, #tpu.memory_space<vmem>>
    %dma_start3A_417 = tpu.memref_squeeze %dma_start3A_416 : memref<1x64xi32, #tpu.memory_space<vmem>> -> memref<64xi32, #tpu.memory_space<vmem>>
    %dma_start3A_418 = arith.constant 0 : i32
    %dma_start3A_419 = arith.constant 0 : i32
    %dma_start3A_420 = tpu.memref_slice %arg3[%dma_start3A_418, %dma_start3A_419] : memref<32768x128xf32, #tpu.memory_space<hbm>> -> memref<32768x128xf32, #tpu.memory_space<hbm>>
    tpu.enqueue_indirect_dma source(%dma_start3A_420 : memref<32768x128xf32, #tpu.memory_space<hbm>>) target(%dma_start3A_414 : memref<64x128xf32, #tpu.memory_space<vmem>>) offsets(%dma_start3A_417 : memref<64xi32, #tpu.memory_space<vmem>>) semaphore(%arg12 : memref<!tpu.dma_semaphore, #tpu.memory_space<semaphore_mem>>)
    %dma_wait3A_421 = arith.constant 0 : i32
    %dma_wait3A_422 = arith.constant 0 : i32
    %dma_wait3A_423 = arith.constant 0 : i32
    %dma_wait3A_424 = arith.constant 0 : i32
    %dma_wait3A_425 = tpu.memref_slice %arg8[%dma_wait3A_422, %dma_wait3A_423, %dma_wait3A_424] : memref<2x64x768xf32, #tpu.memory_space<vmem>> -> memref<1x64x768xf32, #tpu.memory_space<vmem>>
    %dma_wait3A_426 = tpu.memref_squeeze %dma_wait3A_425 : memref<1x64x768xf32, #tpu.memory_space<vmem>> -> memref<64x768xf32, #tpu.memory_space<vmem>>
    %dma_wait3A_427 = arith.constant 0 : i32
    %dma_wait3A_428 = tpu.memref_slice %arg7[%dma_wait3A_421, %dma_wait3A_427] : memref<2x64xi32, #tpu.memory_space<vmem>> -> memref<1x64xi32, #tpu.memory_space<vmem>>
    %dma_wait3A_429 = tpu.memref_squeeze %dma_wait3A_428 : memref<1x64xi32, #tpu.memory_space<vmem>> -> memref<64xi32, #tpu.memory_space<vmem>>
    %dma_wait3A_430 = arith.constant 0 : i32
    %dma_wait3A_431 = arith.constant 0 : i32
    %dma_wait3A_432 = tpu.memref_slice %arg2[%dma_wait3A_430, %dma_wait3A_431] : memref<32768x768xf32, #tpu.memory_space<hbm>> -> memref<32768x768xf32, #tpu.memory_space<hbm>>
    tpu.wait_indirect_dma semaphore(%arg10 : memref<!tpu.dma_semaphore, #tpu.memory_space<semaphore_mem>>) src(%dma_wait3A_432 : memref<32768x768xf32, #tpu.memory_space<hbm>>) dst(%dma_wait3A_426 : memref<64x768xf32, #tpu.memory_space<vmem>>)
    %dma_wait3A_433 = arith.constant 0 : i32
    %dma_wait3A_434 = arith.constant 0 : i32
    %dma_wait3A_435 = arith.constant 0 : i32
    %dma_wait3A_436 = arith.constant 0 : i32
    %dma_wait3A_437 = tpu.memref_slice %arg9[%dma_wait3A_434, %dma_wait3A_435, %dma_wait3A_436] : memref<2x64x128xf32, #tpu.memory_space<vmem>> -> memref<1x64x128xf32, #tpu.memory_space<vmem>>
    %dma_wait3A_438 = tpu.memref_squeeze %dma_wait3A_437 : memref<1x64x128xf32, #tpu.memory_space<vmem>> -> memref<64x128xf32, #tpu.memory_space<vmem>>
    %dma_wait3A_439 = arith.constant 0 : i32
    %dma_wait3A_440 = tpu.memref_slice %arg7[%dma_wait3A_433, %dma_wait3A_439] : memref<2x64xi32, #tpu.memory_space<vmem>> -> memref<1x64xi32, #tpu.memory_space<vmem>>
    %dma_wait3A_441 = tpu.memref_squeeze %dma_wait3A_440 : memref<1x64xi32, #tpu.memory_space<vmem>> -> memref<64xi32, #tpu.memory_space<vmem>>
    %dma_wait3A_442 = arith.constant 0 : i32
    %dma_wait3A_443 = arith.constant 0 : i32
    %dma_wait3A_444 = tpu.memref_slice %arg3[%dma_wait3A_442, %dma_wait3A_443] : memref<32768x128xf32, #tpu.memory_space<hbm>> -> memref<32768x128xf32, #tpu.memory_space<hbm>>
    tpu.wait_indirect_dma semaphore(%arg12 : memref<!tpu.dma_semaphore, #tpu.memory_space<semaphore_mem>>) src(%dma_wait3A_444 : memref<32768x128xf32, #tpu.memory_space<hbm>>) dst(%dma_wait3A_438 : memref<64x128xf32, #tpu.memory_space<vmem>>)
    %add3A_445 = arith.constant 256 : i32
    %add3A_446 = arith.addi %mul3A_2, %add3A_445 : i32
    %dma_start3A_447 = arith.constant 0 : i32
    %dma_start3A_448 = arith.constant 0 : i32
    %dma_start3A_449 = arith.constant 0 : i32
    %dma_start3A_450 = tpu.memref_slice %arg8[%dma_start3A_447, %dma_start3A_448, %dma_start3A_449] : memref<2x64x768xf32, #tpu.memory_space<vmem>> -> memref<1x64x768xf32, #tpu.memory_space<vmem>>
    %dma_start3A_451 = tpu.memref_squeeze %dma_start3A_450 : memref<1x64x768xf32, #tpu.memory_space<vmem>> -> memref<64x768xf32, #tpu.memory_space<vmem>>
    %dma_start3A_452 = arith.constant 0 : i32
    %dma_start3A_453 = tpu.memref_slice %arg5[%add3A_446, %dma_start3A_452] : memref<32768x768xf32, #tpu.memory_space<hbm>> -> memref<64x768xf32, #tpu.memory_space<hbm>>
    %dma_start3A_454 = arith.constant 0 : i32
    %dma_start3A_455 = tpu.memref_slice %arg5[%add3A_446, %dma_start3A_454] : memref<32768x768xf32, #tpu.memory_space<hbm>> -> memref<64x768xf32, #tpu.memory_space<hbm>>
    %dma_start3A_456 = arith.constant 0 : i32
    %dma_start3A_457 = arith.constant 0 : i32
    %dma_start3A_458 = tpu.memref_slice %arg8[%dma_start3A_447, %dma_start3A_456, %dma_start3A_457] : memref<2x64x768xf32, #tpu.memory_space<vmem>> -> memref<1x64x768xf32, #tpu.memory_space<vmem>>
    %dma_start3A_459 = tpu.memref_squeeze %dma_start3A_458 : memref<1x64x768xf32, #tpu.memory_space<vmem>> -> memref<64x768xf32, #tpu.memory_space<vmem>>
    tpu.enqueue_dma source(%dma_start3A_459 : memref<64x768xf32, #tpu.memory_space<vmem>>) target(%dma_start3A_455 : memref<64x768xf32, #tpu.memory_space<hbm>>) target_semaphore(%arg14 : memref<!tpu.dma_semaphore, #tpu.memory_space<semaphore_mem>>)
    %dma_start3A_460 = arith.constant 0 : i32
    %dma_start3A_461 = arith.constant 0 : i32
    %dma_start3A_462 = arith.constant 0 : i32
    %dma_start3A_463 = tpu.memref_slice %arg9[%dma_start3A_460, %dma_start3A_461, %dma_start3A_462] : memref<2x64x128xf32, #tpu.memory_space<vmem>> -> memref<1x64x128xf32, #tpu.memory_space<vmem>>
    %dma_start3A_464 = tpu.memref_squeeze %dma_start3A_463 : memref<1x64x128xf32, #tpu.memory_space<vmem>> -> memref<64x128xf32, #tpu.memory_space<vmem>>
    %dma_start3A_465 = arith.constant 0 : i32
    %dma_start3A_466 = tpu.memref_slice %arg6[%add3A_446, %dma_start3A_465] : memref<32768x128xf32, #tpu.memory_space<hbm>> -> memref<64x128xf32, #tpu.memory_space<hbm>>
    %dma_start3A_467 = arith.constant 0 : i32
    %dma_start3A_468 = tpu.memref_slice %arg6[%add3A_446, %dma_start3A_467] : memref<32768x128xf32, #tpu.memory_space<hbm>> -> memref<64x128xf32, #tpu.memory_space<hbm>>
    %dma_start3A_469 = arith.constant 0 : i32
    %dma_start3A_470 = arith.constant 0 : i32
    %dma_start3A_471 = tpu.memref_slice %arg9[%dma_start3A_460, %dma_start3A_469, %dma_start3A_470] : memref<2x64x128xf32, #tpu.memory_space<vmem>> -> memref<1x64x128xf32, #tpu.memory_space<vmem>>
    %dma_start3A_472 = tpu.memref_squeeze %dma_start3A_471 : memref<1x64x128xf32, #tpu.memory_space<vmem>> -> memref<64x128xf32, #tpu.memory_space<vmem>>
    tpu.enqueue_dma source(%dma_start3A_472 : memref<64x128xf32, #tpu.memory_space<vmem>>) target(%dma_start3A_468 : memref<64x128xf32, #tpu.memory_space<hbm>>) target_semaphore(%arg16 : memref<!tpu.dma_semaphore, #tpu.memory_space<semaphore_mem>>)
    %dma_wait3A_473 = arith.constant 1 : i32
    %dma_wait3A_474 = arith.constant 0 : i32
    %dma_wait3A_475 = arith.constant 0 : i32
    %dma_wait3A_476 = tpu.memref_slice %arg8[%dma_wait3A_473, %dma_wait3A_474, %dma_wait3A_475] : memref<2x64x768xf32, #tpu.memory_space<vmem>> -> memref<1x64x768xf32, #tpu.memory_space<vmem>>
    %dma_wait3A_477 = tpu.memref_squeeze %dma_wait3A_476 : memref<1x64x768xf32, #tpu.memory_space<vmem>> -> memref<64x768xf32, #tpu.memory_space<vmem>>
    %dma_wait3A_478 = arith.constant 0 : i32
    %dma_wait3A_479 = tpu.memref_slice %arg5[%add3A_341, %dma_wait3A_478] : memref<32768x768xf32, #tpu.memory_space<hbm>> -> memref<64x768xf32, #tpu.memory_space<hbm>>
    %dma_wait3A_480 = arith.constant 0 : i32
    %dma_wait3A_481 = tpu.memref_slice %arg5[%add3A_341, %dma_wait3A_480] : memref<32768x768xf32, #tpu.memory_space<hbm>> -> memref<64x768xf32, #tpu.memory_space<hbm>>
    %dma_wait3A_482 = arith.constant 0 : i32
    %dma_wait3A_483 = arith.constant 0 : i32
    %dma_wait3A_484 = tpu.memref_slice %arg8[%dma_wait3A_473, %dma_wait3A_482, %dma_wait3A_483] : memref<2x64x768xf32, #tpu.memory_space<vmem>> -> memref<1x64x768xf32, #tpu.memory_space<vmem>>
    %dma_wait3A_485 = tpu.memref_squeeze %dma_wait3A_484 : memref<1x64x768xf32, #tpu.memory_space<vmem>> -> memref<64x768xf32, #tpu.memory_space<vmem>>
    tpu.wait_dma2 semaphore(%arg15 : memref<!tpu.dma_semaphore, #tpu.memory_space<semaphore_mem>>) src(%dma_wait3A_485 : memref<64x768xf32, #tpu.memory_space<vmem>>) dst(%dma_wait3A_481 : memref<64x768xf32, #tpu.memory_space<hbm>>)
    %dma_wait3A_486 = arith.constant 1 : i32
    %dma_wait3A_487 = arith.constant 0 : i32
    %dma_wait3A_488 = arith.constant 0 : i32
    %dma_wait3A_489 = tpu.memref_slice %arg9[%dma_wait3A_486, %dma_wait3A_487, %dma_wait3A_488] : memref<2x64x128xf32, #tpu.memory_space<vmem>> -> memref<1x64x128xf32, #tpu.memory_space<vmem>>
    %dma_wait3A_490 = tpu.memref_squeeze %dma_wait3A_489 : memref<1x64x128xf32, #tpu.memory_space<vmem>> -> memref<64x128xf32, #tpu.memory_space<vmem>>
    %dma_wait3A_491 = arith.constant 0 : i32
    %dma_wait3A_492 = tpu.memref_slice %arg6[%add3A_341, %dma_wait3A_491] : memref<32768x128xf32, #tpu.memory_space<hbm>> -> memref<64x128xf32, #tpu.memory_space<hbm>>
    %dma_wait3A_493 = arith.constant 0 : i32
    %dma_wait3A_494 = tpu.memref_slice %arg6[%add3A_341, %dma_wait3A_493] : memref<32768x128xf32, #tpu.memory_space<hbm>> -> memref<64x128xf32, #tpu.memory_space<hbm>>
    %dma_wait3A_495 = arith.constant 0 : i32
    %dma_wait3A_496 = arith.constant 0 : i32
    %dma_wait3A_497 = tpu.memref_slice %arg9[%dma_wait3A_486, %dma_wait3A_495, %dma_wait3A_496] : memref<2x64x128xf32, #tpu.memory_space<vmem>> -> memref<1x64x128xf32, #tpu.memory_space<vmem>>
    %dma_wait3A_498 = tpu.memref_squeeze %dma_wait3A_497 : memref<1x64x128xf32, #tpu.memory_space<vmem>> -> memref<64x128xf32, #tpu.memory_space<vmem>>
    tpu.wait_dma2 semaphore(%arg17 : memref<!tpu.dma_semaphore, #tpu.memory_space<semaphore_mem>>) src(%dma_wait3A_498 : memref<64x128xf32, #tpu.memory_space<vmem>>) dst(%dma_wait3A_494 : memref<64x128xf32, #tpu.memory_space<hbm>>)
    %add3A_499 = arith.constant 320 : i32
    %add3A_500 = arith.addi %mul3A_2, %add3A_499 : i32
    %run_scoped3A_501 = arith.constant 1 : i32
    "tpu.region"() ({
      %run_scoped3A_1654 = tpu.sem_alloc : memref<!tpu.dma_semaphore, #tpu.memory_space<semaphore_mem>>
      %dma_start3A_1655 = arith.constant 0 : i32
      %dma_start3A_1656 = tpu.memref_slice %arg7[%run_scoped3A_501, %dma_start3A_1655] : memref<2x64xi32, #tpu.memory_space<vmem>> -> memref<1x64xi32, #tpu.memory_space<vmem>>
      %dma_start3A_1657 = tpu.memref_squeeze %dma_start3A_1656 : memref<1x64xi32, #tpu.memory_space<vmem>> -> memref<64xi32, #tpu.memory_space<vmem>>
      %dma_start3A_1658 = tpu.memref_slice %arg4[%add3A_500] : memref<32768xi32, #tpu.memory_space<hbm>> -> memref<64xi32, #tpu.memory_space<hbm>>
      %dma_start3A_1659 = arith.constant 0 : i32
      %dma_start3A_1660 = tpu.memref_slice %arg7[%run_scoped3A_501, %dma_start3A_1659] : memref<2x64xi32, #tpu.memory_space<vmem>> -> memref<1x64xi32, #tpu.memory_space<vmem>>
      %dma_start3A_1661 = tpu.memref_squeeze %dma_start3A_1660 : memref<1x64xi32, #tpu.memory_space<vmem>> -> memref<64xi32, #tpu.memory_space<vmem>>
      %dma_start3A_1662 = tpu.memref_slice %arg4[%add3A_500] : memref<32768xi32, #tpu.memory_space<hbm>> -> memref<64xi32, #tpu.memory_space<hbm>>
      tpu.enqueue_dma source(%dma_start3A_1662 : memref<64xi32, #tpu.memory_space<hbm>>) target(%dma_start3A_1661 : memref<64xi32, #tpu.memory_space<vmem>>) target_semaphore(%run_scoped3A_1654 : memref<!tpu.dma_semaphore, #tpu.memory_space<semaphore_mem>>)
      %dma_wait3A_1663 = arith.constant 0 : i32
      %dma_wait3A_1664 = tpu.memref_slice %arg7[%run_scoped3A_501, %dma_wait3A_1663] : memref<2x64xi32, #tpu.memory_space<vmem>> -> memref<1x64xi32, #tpu.memory_space<vmem>>
      %dma_wait3A_1665 = tpu.memref_squeeze %dma_wait3A_1664 : memref<1x64xi32, #tpu.memory_space<vmem>> -> memref<64xi32, #tpu.memory_space<vmem>>
      %dma_wait3A_1666 = tpu.memref_slice %arg4[%add3A_500] : memref<32768xi32, #tpu.memory_space<hbm>> -> memref<64xi32, #tpu.memory_space<hbm>>
      %dma_wait3A_1667 = arith.constant 0 : i32
      %dma_wait3A_1668 = tpu.memref_slice %arg7[%run_scoped3A_501, %dma_wait3A_1667] : memref<2x64xi32, #tpu.memory_space<vmem>> -> memref<1x64xi32, #tpu.memory_space<vmem>>
      %dma_wait3A_1669 = tpu.memref_squeeze %dma_wait3A_1668 : memref<1x64xi32, #tpu.memory_space<vmem>> -> memref<64xi32, #tpu.memory_space<vmem>>
      %dma_wait3A_1670 = tpu.memref_slice %arg4[%add3A_500] : memref<32768xi32, #tpu.memory_space<hbm>> -> memref<64xi32, #tpu.memory_space<hbm>>
      tpu.wait_dma2 semaphore(%run_scoped3A_1654 : memref<!tpu.dma_semaphore, #tpu.memory_space<semaphore_mem>>) src(%dma_wait3A_1670 : memref<64xi32, #tpu.memory_space<hbm>>) dst(%dma_wait3A_1669 : memref<64xi32, #tpu.memory_space<vmem>>)
      tpu.yield
    }) : () -> ()
    %dma_start3A_502 = arith.constant 1 : i32
    %dma_start3A_503 = arith.constant 1 : i32
    %dma_start3A_504 = arith.constant 0 : i32
    %dma_start3A_505 = arith.constant 0 : i32
    %dma_start3A_506 = tpu.memref_slice %arg8[%dma_start3A_503, %dma_start3A_504, %dma_start3A_505] : memref<2x64x768xf32, #tpu.memory_space<vmem>> -> memref<1x64x768xf32, #tpu.memory_space<vmem>>
    %dma_start3A_507 = tpu.memref_squeeze %dma_start3A_506 : memref<1x64x768xf32, #tpu.memory_space<vmem>> -> memref<64x768xf32, #tpu.memory_space<vmem>>
    %dma_start3A_508 = arith.constant 0 : i32
    %dma_start3A_509 = tpu.memref_slice %arg7[%dma_start3A_502, %dma_start3A_508] : memref<2x64xi32, #tpu.memory_space<vmem>> -> memref<1x64xi32, #tpu.memory_space<vmem>>
    %dma_start3A_510 = tpu.memref_squeeze %dma_start3A_509 : memref<1x64xi32, #tpu.memory_space<vmem>> -> memref<64xi32, #tpu.memory_space<vmem>>
    %dma_start3A_511 = arith.constant 0 : i32
    %dma_start3A_512 = arith.constant 0 : i32
    %dma_start3A_513 = tpu.memref_slice %arg2[%dma_start3A_511, %dma_start3A_512] : memref<32768x768xf32, #tpu.memory_space<hbm>> -> memref<32768x768xf32, #tpu.memory_space<hbm>>
    tpu.enqueue_indirect_dma source(%dma_start3A_513 : memref<32768x768xf32, #tpu.memory_space<hbm>>) target(%dma_start3A_507 : memref<64x768xf32, #tpu.memory_space<vmem>>) offsets(%dma_start3A_510 : memref<64xi32, #tpu.memory_space<vmem>>) semaphore(%arg11 : memref<!tpu.dma_semaphore, #tpu.memory_space<semaphore_mem>>)
    %dma_start3A_514 = arith.constant 1 : i32
    %dma_start3A_515 = arith.constant 1 : i32
    %dma_start3A_516 = arith.constant 0 : i32
    %dma_start3A_517 = arith.constant 0 : i32
    %dma_start3A_518 = tpu.memref_slice %arg9[%dma_start3A_515, %dma_start3A_516, %dma_start3A_517] : memref<2x64x128xf32, #tpu.memory_space<vmem>> -> memref<1x64x128xf32, #tpu.memory_space<vmem>>
    %dma_start3A_519 = tpu.memref_squeeze %dma_start3A_518 : memref<1x64x128xf32, #tpu.memory_space<vmem>> -> memref<64x128xf32, #tpu.memory_space<vmem>>
    %dma_start3A_520 = arith.constant 0 : i32
    %dma_start3A_521 = tpu.memref_slice %arg7[%dma_start3A_514, %dma_start3A_520] : memref<2x64xi32, #tpu.memory_space<vmem>> -> memref<1x64xi32, #tpu.memory_space<vmem>>
    %dma_start3A_522 = tpu.memref_squeeze %dma_start3A_521 : memref<1x64xi32, #tpu.memory_space<vmem>> -> memref<64xi32, #tpu.memory_space<vmem>>
    %dma_start3A_523 = arith.constant 0 : i32
    %dma_start3A_524 = arith.constant 0 : i32
    %dma_start3A_525 = tpu.memref_slice %arg3[%dma_start3A_523, %dma_start3A_524] : memref<32768x128xf32, #tpu.memory_space<hbm>> -> memref<32768x128xf32, #tpu.memory_space<hbm>>
    tpu.enqueue_indirect_dma source(%dma_start3A_525 : memref<32768x128xf32, #tpu.memory_space<hbm>>) target(%dma_start3A_519 : memref<64x128xf32, #tpu.memory_space<vmem>>) offsets(%dma_start3A_522 : memref<64xi32, #tpu.memory_space<vmem>>) semaphore(%arg13 : memref<!tpu.dma_semaphore, #tpu.memory_space<semaphore_mem>>)
    %dma_wait3A_526 = arith.constant 1 : i32
    %dma_wait3A_527 = arith.constant 1 : i32
    %dma_wait3A_528 = arith.constant 0 : i32
    %dma_wait3A_529 = arith.constant 0 : i32
    %dma_wait3A_530 = tpu.memref_slice %arg8[%dma_wait3A_527, %dma_wait3A_528, %dma_wait3A_529] : memref<2x64x768xf32, #tpu.memory_space<vmem>> -> memref<1x64x768xf32, #tpu.memory_space<vmem>>
    %dma_wait3A_531 = tpu.memref_squeeze %dma_wait3A_530 : memref<1x64x768xf32, #tpu.memory_space<vmem>> -> memref<64x768xf32, #tpu.memory_space<vmem>>
    %dma_wait3A_532 = arith.constant 0 : i32
    %dma_wait3A_533 = tpu.memref_slice %arg7[%dma_wait3A_526, %dma_wait3A_532] : memref<2x64xi32, #tpu.memory_space<vmem>> -> memref<1x64xi32, #tpu.memory_space<vmem>>
    %dma_wait3A_534 = tpu.memref_squeeze %dma_wait3A_533 : memref<1x64xi32, #tpu.memory_space<vmem>> -> memref<64xi32, #tpu.memory_space<vmem>>
    %dma_wait3A_535 = arith.constant 0 : i32
    %dma_wait3A_536 = arith.constant 0 : i32
    %dma_wait3A_537 = tpu.memref_slice %arg2[%dma_wait3A_535, %dma_wait3A_536] : memref<32768x768xf32, #tpu.memory_space<hbm>> -> memref<32768x768xf32, #tpu.memory_space<hbm>>
    tpu.wait_indirect_dma semaphore(%arg11 : memref<!tpu.dma_semaphore, #tpu.memory_space<semaphore_mem>>) src(%dma_wait3A_537 : memref<32768x768xf32, #tpu.memory_space<hbm>>) dst(%dma_wait3A_531 : memref<64x768xf32, #tpu.memory_space<vmem>>)
    %dma_wait3A_538 = arith.constant 1 : i32
    %dma_wait3A_539 = arith.constant 1 : i32
    %dma_wait3A_540 = arith.constant 0 : i32
    %dma_wait3A_541 = arith.constant 0 : i32
    %dma_wait3A_542 = tpu.memref_slice %arg9[%dma_wait3A_539, %dma_wait3A_540, %dma_wait3A_541] : memref<2x64x128xf32, #tpu.memory_space<vmem>> -> memref<1x64x128xf32, #tpu.memory_space<vmem>>
    %dma_wait3A_543 = tpu.memref_squeeze %dma_wait3A_542 : memref<1x64x128xf32, #tpu.memory_space<vmem>> -> memref<64x128xf32, #tpu.memory_space<vmem>>
    %dma_wait3A_544 = arith.constant 0 : i32
    %dma_wait3A_545 = tpu.memref_slice %arg7[%dma_wait3A_538, %dma_wait3A_544] : memref<2x64xi32, #tpu.memory_space<vmem>> -> memref<1x64xi32, #tpu.memory_space<vmem>>
    %dma_wait3A_546 = tpu.memref_squeeze %dma_wait3A_545 : memref<1x64xi32, #tpu.memory_space<vmem>> -> memref<64xi32, #tpu.memory_space<vmem>>
    %dma_wait3A_547 = arith.constant 0 : i32
    %dma_wait3A_548 = arith.constant 0 : i32
    %dma_wait3A_549 = tpu.memref_slice %arg3[%dma_wait3A_547, %dma_wait3A_548] : memref<32768x128xf32, #tpu.memory_space<hbm>> -> memref<32768x128xf32, #tpu.memory_space<hbm>>
    tpu.wait_indirect_dma semaphore(%arg13 : memref<!tpu.dma_semaphore, #tpu.memory_space<semaphore_mem>>) src(%dma_wait3A_549 : memref<32768x128xf32, #tpu.memory_space<hbm>>) dst(%dma_wait3A_543 : memref<64x128xf32, #tpu.memory_space<vmem>>)
    %add3A_550 = arith.constant 320 : i32
    %add3A_551 = arith.addi %mul3A_2, %add3A_550 : i32
    %dma_start3A_552 = arith.constant 1 : i32
    %dma_start3A_553 = arith.constant 0 : i32
    %dma_start3A_554 = arith.constant 0 : i32
    %dma_start3A_555 = tpu.memref_slice %arg8[%dma_start3A_552, %dma_start3A_553, %dma_start3A_554] : memref<2x64x768xf32, #tpu.memory_space<vmem>> -> memref<1x64x768xf32, #tpu.memory_space<vmem>>
    %dma_start3A_556 = tpu.memref_squeeze %dma_start3A_555 : memref<1x64x768xf32, #tpu.memory_space<vmem>> -> memref<64x768xf32, #tpu.memory_space<vmem>>
    %dma_start3A_557 = arith.constant 0 : i32
    %dma_start3A_558 = tpu.memref_slice %arg5[%add3A_551, %dma_start3A_557] : memref<32768x768xf32, #tpu.memory_space<hbm>> -> memref<64x768xf32, #tpu.memory_space<hbm>>
    %dma_start3A_559 = arith.constant 0 : i32
    %dma_start3A_560 = tpu.memref_slice %arg5[%add3A_551, %dma_start3A_559] : memref<32768x768xf32, #tpu.memory_space<hbm>> -> memref<64x768xf32, #tpu.memory_space<hbm>>
    %dma_start3A_561 = arith.constant 0 : i32
    %dma_start3A_562 = arith.constant 0 : i32
    %dma_start3A_563 = tpu.memref_slice %arg8[%dma_start3A_552, %dma_start3A_561, %dma_start3A_562] : memref<2x64x768xf32, #tpu.memory_space<vmem>> -> memref<1x64x768xf32, #tpu.memory_space<vmem>>
    %dma_start3A_564 = tpu.memref_squeeze %dma_start3A_563 : memref<1x64x768xf32, #tpu.memory_space<vmem>> -> memref<64x768xf32, #tpu.memory_space<vmem>>
    tpu.enqueue_dma source(%dma_start3A_564 : memref<64x768xf32, #tpu.memory_space<vmem>>) target(%dma_start3A_560 : memref<64x768xf32, #tpu.memory_space<hbm>>) target_semaphore(%arg15 : memref<!tpu.dma_semaphore, #tpu.memory_space<semaphore_mem>>)
    %dma_start3A_565 = arith.constant 1 : i32
    %dma_start3A_566 = arith.constant 0 : i32
    %dma_start3A_567 = arith.constant 0 : i32
    %dma_start3A_568 = tpu.memref_slice %arg9[%dma_start3A_565, %dma_start3A_566, %dma_start3A_567] : memref<2x64x128xf32, #tpu.memory_space<vmem>> -> memref<1x64x128xf32, #tpu.memory_space<vmem>>
    %dma_start3A_569 = tpu.memref_squeeze %dma_start3A_568 : memref<1x64x128xf32, #tpu.memory_space<vmem>> -> memref<64x128xf32, #tpu.memory_space<vmem>>
    %dma_start3A_570 = arith.constant 0 : i32
    %dma_start3A_571 = tpu.memref_slice %arg6[%add3A_551, %dma_start3A_570] : memref<32768x128xf32, #tpu.memory_space<hbm>> -> memref<64x128xf32, #tpu.memory_space<hbm>>
    %dma_start3A_572 = arith.constant 0 : i32
    %dma_start3A_573 = tpu.memref_slice %arg6[%add3A_551, %dma_start3A_572] : memref<32768x128xf32, #tpu.memory_space<hbm>> -> memref<64x128xf32, #tpu.memory_space<hbm>>
    %dma_start3A_574 = arith.constant 0 : i32
    %dma_start3A_575 = arith.constant 0 : i32
    %dma_start3A_576 = tpu.memref_slice %arg9[%dma_start3A_565, %dma_start3A_574, %dma_start3A_575] : memref<2x64x128xf32, #tpu.memory_space<vmem>> -> memref<1x64x128xf32, #tpu.memory_space<vmem>>
    %dma_start3A_577 = tpu.memref_squeeze %dma_start3A_576 : memref<1x64x128xf32, #tpu.memory_space<vmem>> -> memref<64x128xf32, #tpu.memory_space<vmem>>
    tpu.enqueue_dma source(%dma_start3A_577 : memref<64x128xf32, #tpu.memory_space<vmem>>) target(%dma_start3A_573 : memref<64x128xf32, #tpu.memory_space<hbm>>) target_semaphore(%arg17 : memref<!tpu.dma_semaphore, #tpu.memory_space<semaphore_mem>>)
    %dma_wait3A_578 = arith.constant 0 : i32
    %dma_wait3A_579 = arith.constant 0 : i32
    %dma_wait3A_580 = arith.constant 0 : i32
    %dma_wait3A_581 = tpu.memref_slice %arg8[%dma_wait3A_578, %dma_wait3A_579, %dma_wait3A_580] : memref<2x64x768xf32, #tpu.memory_space<vmem>> -> memref<1x64x768xf32, #tpu.memory_space<vmem>>
    %dma_wait3A_582 = tpu.memref_squeeze %dma_wait3A_581 : memref<1x64x768xf32, #tpu.memory_space<vmem>> -> memref<64x768xf32, #tpu.memory_space<vmem>>
    %dma_wait3A_583 = arith.constant 0 : i32
    %dma_wait3A_584 = tpu.memref_slice %arg5[%add3A_446, %dma_wait3A_583] : memref<32768x768xf32, #tpu.memory_space<hbm>> -> memref<64x768xf32, #tpu.memory_space<hbm>>
    %dma_wait3A_585 = arith.constant 0 : i32
    %dma_wait3A_586 = tpu.memref_slice %arg5[%add3A_446, %dma_wait3A_585] : memref<32768x768xf32, #tpu.memory_space<hbm>> -> memref<64x768xf32, #tpu.memory_space<hbm>>
    %dma_wait3A_587 = arith.constant 0 : i32
    %dma_wait3A_588 = arith.constant 0 : i32
    %dma_wait3A_589 = tpu.memref_slice %arg8[%dma_wait3A_578, %dma_wait3A_587, %dma_wait3A_588] : memref<2x64x768xf32, #tpu.memory_space<vmem>> -> memref<1x64x768xf32, #tpu.memory_space<vmem>>
    %dma_wait3A_590 = tpu.memref_squeeze %dma_wait3A_589 : memref<1x64x768xf32, #tpu.memory_space<vmem>> -> memref<64x768xf32, #tpu.memory_space<vmem>>
    tpu.wait_dma2 semaphore(%arg14 : memref<!tpu.dma_semaphore, #tpu.memory_space<semaphore_mem>>) src(%dma_wait3A_590 : memref<64x768xf32, #tpu.memory_space<vmem>>) dst(%dma_wait3A_586 : memref<64x768xf32, #tpu.memory_space<hbm>>)
    %dma_wait3A_591 = arith.constant 0 : i32
    %dma_wait3A_592 = arith.constant 0 : i32
    %dma_wait3A_593 = arith.constant 0 : i32
    %dma_wait3A_594 = tpu.memref_slice %arg9[%dma_wait3A_591, %dma_wait3A_592, %dma_wait3A_593] : memref<2x64x128xf32, #tpu.memory_space<vmem>> -> memref<1x64x128xf32, #tpu.memory_space<vmem>>
    %dma_wait3A_595 = tpu.memref_squeeze %dma_wait3A_594 : memref<1x64x128xf32, #tpu.memory_space<vmem>> -> memref<64x128xf32, #tpu.memory_space<vmem>>
    %dma_wait3A_596 = arith.constant 0 : i32
    %dma_wait3A_597 = tpu.memref_slice %arg6[%add3A_446, %dma_wait3A_596] : memref<32768x128xf32, #tpu.memory_space<hbm>> -> memref<64x128xf32, #tpu.memory_space<hbm>>
    %dma_wait3A_598 = arith.constant 0 : i32
    %dma_wait3A_599 = tpu.memref_slice %arg6[%add3A_446, %dma_wait3A_598] : memref<32768x128xf32, #tpu.memory_space<hbm>> -> memref<64x128xf32, #tpu.memory_space<hbm>>
    %dma_wait3A_600 = arith.constant 0 : i32
    %dma_wait3A_601 = arith.constant 0 : i32
    %dma_wait3A_602 = tpu.memref_slice %arg9[%dma_wait3A_591, %dma_wait3A_600, %dma_wait3A_601] : memref<2x64x128xf32, #tpu.memory_space<vmem>> -> memref<1x64x128xf32, #tpu.memory_space<vmem>>
    %dma_wait3A_603 = tpu.memref_squeeze %dma_wait3A_602 : memref<1x64x128xf32, #tpu.memory_space<vmem>> -> memref<64x128xf32, #tpu.memory_space<vmem>>
    tpu.wait_dma2 semaphore(%arg16 : memref<!tpu.dma_semaphore, #tpu.memory_space<semaphore_mem>>) src(%dma_wait3A_603 : memref<64x128xf32, #tpu.memory_space<vmem>>) dst(%dma_wait3A_599 : memref<64x128xf32, #tpu.memory_space<hbm>>)
    %add3A_604 = arith.constant 384 : i32
    %add3A_605 = arith.addi %mul3A_2, %add3A_604 : i32
    %run_scoped3A_606 = arith.constant 0 : i32
    "tpu.region"() ({
      %run_scoped3A_1654 = tpu.sem_alloc : memref<!tpu.dma_semaphore, #tpu.memory_space<semaphore_mem>>
      %dma_start3A_1655 = arith.constant 0 : i32
      %dma_start3A_1656 = tpu.memref_slice %arg7[%run_scoped3A_606, %dma_start3A_1655] : memref<2x64xi32, #tpu.memory_space<vmem>> -> memref<1x64xi32, #tpu.memory_space<vmem>>
      %dma_start3A_1657 = tpu.memref_squeeze %dma_start3A_1656 : memref<1x64xi32, #tpu.memory_space<vmem>> -> memref<64xi32, #tpu.memory_space<vmem>>
      %dma_start3A_1658 = tpu.memref_slice %arg4[%add3A_605] : memref<32768xi32, #tpu.memory_space<hbm>> -> memref<64xi32, #tpu.memory_space<hbm>>
      %dma_start3A_1659 = arith.constant 0 : i32
      %dma_start3A_1660 = tpu.memref_slice %arg7[%run_scoped3A_606, %dma_start3A_1659] : memref<2x64xi32, #tpu.memory_space<vmem>> -> memref<1x64xi32, #tpu.memory_space<vmem>>
      %dma_start3A_1661 = tpu.memref_squeeze %dma_start3A_1660 : memref<1x64xi32, #tpu.memory_space<vmem>> -> memref<64xi32, #tpu.memory_space<vmem>>
      %dma_start3A_1662 = tpu.memref_slice %arg4[%add3A_605] : memref<32768xi32, #tpu.memory_space<hbm>> -> memref<64xi32, #tpu.memory_space<hbm>>
      tpu.enqueue_dma source(%dma_start3A_1662 : memref<64xi32, #tpu.memory_space<hbm>>) target(%dma_start3A_1661 : memref<64xi32, #tpu.memory_space<vmem>>) target_semaphore(%run_scoped3A_1654 : memref<!tpu.dma_semaphore, #tpu.memory_space<semaphore_mem>>)
      %dma_wait3A_1663 = arith.constant 0 : i32
      %dma_wait3A_1664 = tpu.memref_slice %arg7[%run_scoped3A_606, %dma_wait3A_1663] : memref<2x64xi32, #tpu.memory_space<vmem>> -> memref<1x64xi32, #tpu.memory_space<vmem>>
      %dma_wait3A_1665 = tpu.memref_squeeze %dma_wait3A_1664 : memref<1x64xi32, #tpu.memory_space<vmem>> -> memref<64xi32, #tpu.memory_space<vmem>>
      %dma_wait3A_1666 = tpu.memref_slice %arg4[%add3A_605] : memref<32768xi32, #tpu.memory_space<hbm>> -> memref<64xi32, #tpu.memory_space<hbm>>
      %dma_wait3A_1667 = arith.constant 0 : i32
      %dma_wait3A_1668 = tpu.memref_slice %arg7[%run_scoped3A_606, %dma_wait3A_1667] : memref<2x64xi32, #tpu.memory_space<vmem>> -> memref<1x64xi32, #tpu.memory_space<vmem>>
      %dma_wait3A_1669 = tpu.memref_squeeze %dma_wait3A_1668 : memref<1x64xi32, #tpu.memory_space<vmem>> -> memref<64xi32, #tpu.memory_space<vmem>>
      %dma_wait3A_1670 = tpu.memref_slice %arg4[%add3A_605] : memref<32768xi32, #tpu.memory_space<hbm>> -> memref<64xi32, #tpu.memory_space<hbm>>
      tpu.wait_dma2 semaphore(%run_scoped3A_1654 : memref<!tpu.dma_semaphore, #tpu.memory_space<semaphore_mem>>) src(%dma_wait3A_1670 : memref<64xi32, #tpu.memory_space<hbm>>) dst(%dma_wait3A_1669 : memref<64xi32, #tpu.memory_space<vmem>>)
      tpu.yield
    }) : () -> ()
    %dma_start3A_607 = arith.constant 0 : i32
    %dma_start3A_608 = arith.constant 0 : i32
    %dma_start3A_609 = arith.constant 0 : i32
    %dma_start3A_610 = arith.constant 0 : i32
    %dma_start3A_611 = tpu.memref_slice %arg8[%dma_start3A_608, %dma_start3A_609, %dma_start3A_610] : memref<2x64x768xf32, #tpu.memory_space<vmem>> -> memref<1x64x768xf32, #tpu.memory_space<vmem>>
    %dma_start3A_612 = tpu.memref_squeeze %dma_start3A_611 : memref<1x64x768xf32, #tpu.memory_space<vmem>> -> memref<64x768xf32, #tpu.memory_space<vmem>>
    %dma_start3A_613 = arith.constant 0 : i32
    %dma_start3A_614 = tpu.memref_slice %arg7[%dma_start3A_607, %dma_start3A_613] : memref<2x64xi32, #tpu.memory_space<vmem>> -> memref<1x64xi32, #tpu.memory_space<vmem>>
    %dma_start3A_615 = tpu.memref_squeeze %dma_start3A_614 : memref<1x64xi32, #tpu.memory_space<vmem>> -> memref<64xi32, #tpu.memory_space<vmem>>
    %dma_start3A_616 = arith.constant 0 : i32
    %dma_start3A_617 = arith.constant 0 : i32
    %dma_start3A_618 = tpu.memref_slice %arg2[%dma_start3A_616, %dma_start3A_617] : memref<32768x768xf32, #tpu.memory_space<hbm>> -> memref<32768x768xf32, #tpu.memory_space<hbm>>
    tpu.enqueue_indirect_dma source(%dma_start3A_618 : memref<32768x768xf32, #tpu.memory_space<hbm>>) target(%dma_start3A_612 : memref<64x768xf32, #tpu.memory_space<vmem>>) offsets(%dma_start3A_615 : memref<64xi32, #tpu.memory_space<vmem>>) semaphore(%arg10 : memref<!tpu.dma_semaphore, #tpu.memory_space<semaphore_mem>>)
    %dma_start3A_619 = arith.constant 0 : i32
    %dma_start3A_620 = arith.constant 0 : i32
    %dma_start3A_621 = arith.constant 0 : i32
    %dma_start3A_622 = arith.constant 0 : i32
    %dma_start3A_623 = tpu.memref_slice %arg9[%dma_start3A_620, %dma_start3A_621, %dma_start3A_622] : memref<2x64x128xf32, #tpu.memory_space<vmem>> -> memref<1x64x128xf32, #tpu.memory_space<vmem>>
    %dma_start3A_624 = tpu.memref_squeeze %dma_start3A_623 : memref<1x64x128xf32, #tpu.memory_space<vmem>> -> memref<64x128xf32, #tpu.memory_space<vmem>>
    %dma_start3A_625 = arith.constant 0 : i32
    %dma_start3A_626 = tpu.memref_slice %arg7[%dma_start3A_619, %dma_start3A_625] : memref<2x64xi32, #tpu.memory_space<vmem>> -> memref<1x64xi32, #tpu.memory_space<vmem>>
    %dma_start3A_627 = tpu.memref_squeeze %dma_start3A_626 : memref<1x64xi32, #tpu.memory_space<vmem>> -> memref<64xi32, #tpu.memory_space<vmem>>
    %dma_start3A_628 = arith.constant 0 : i32
    %dma_start3A_629 = arith.constant 0 : i32
    %dma_start3A_630 = tpu.memref_slice %arg3[%dma_start3A_628, %dma_start3A_629] : memref<32768x128xf32, #tpu.memory_space<hbm>> -> memref<32768x128xf32, #tpu.memory_space<hbm>>
    tpu.enqueue_indirect_dma source(%dma_start3A_630 : memref<32768x128xf32, #tpu.memory_space<hbm>>) target(%dma_start3A_624 : memref<64x128xf32, #tpu.memory_space<vmem>>) offsets(%dma_start3A_627 : memref<64xi32, #tpu.memory_space<vmem>>) semaphore(%arg12 : memref<!tpu.dma_semaphore, #tpu.memory_space<semaphore_mem>>)
    %dma_wait3A_631 = arith.constant 0 : i32
    %dma_wait3A_632 = arith.constant 0 : i32
    %dma_wait3A_633 = arith.constant 0 : i32
    %dma_wait3A_634 = arith.constant 0 : i32
    %dma_wait3A_635 = tpu.memref_slice %arg8[%dma_wait3A_632, %dma_wait3A_633, %dma_wait3A_634] : memref<2x64x768xf32, #tpu.memory_space<vmem>> -> memref<1x64x768xf32, #tpu.memory_space<vmem>>
    %dma_wait3A_636 = tpu.memref_squeeze %dma_wait3A_635 : memref<1x64x768xf32, #tpu.memory_space<vmem>> -> memref<64x768xf32, #tpu.memory_space<vmem>>
    %dma_wait3A_637 = arith.constant 0 : i32
    %dma_wait3A_638 = tpu.memref_slice %arg7[%dma_wait3A_631, %dma_wait3A_637] : memref<2x64xi32, #tpu.memory_space<vmem>> -> memref<1x64xi32, #tpu.memory_space<vmem>>
    %dma_wait3A_639 = tpu.memref_squeeze %dma_wait3A_638 : memref<1x64xi32, #tpu.memory_space<vmem>> -> memref<64xi32, #tpu.memory_space<vmem>>
    %dma_wait3A_640 = arith.constant 0 : i32
    %dma_wait3A_641 = arith.constant 0 : i32
    %dma_wait3A_642 = tpu.memref_slice %arg2[%dma_wait3A_640, %dma_wait3A_641] : memref<32768x768xf32, #tpu.memory_space<hbm>> -> memref<32768x768xf32, #tpu.memory_space<hbm>>
    tpu.wait_indirect_dma semaphore(%arg10 : memref<!tpu.dma_semaphore, #tpu.memory_space<semaphore_mem>>) src(%dma_wait3A_642 : memref<32768x768xf32, #tpu.memory_space<hbm>>) dst(%dma_wait3A_636 : memref<64x768xf32, #tpu.memory_space<vmem>>)
    %dma_wait3A_643 = arith.constant 0 : i32
    %dma_wait3A_644 = arith.constant 0 : i32
    %dma_wait3A_645 = arith.constant 0 : i32
    %dma_wait3A_646 = arith.constant 0 : i32
    %dma_wait3A_647 = tpu.memref_slice %arg9[%dma_wait3A_644, %dma_wait3A_645, %dma_wait3A_646] : memref<2x64x128xf32, #tpu.memory_space<vmem>> -> memref<1x64x128xf32, #tpu.memory_space<vmem>>
    %dma_wait3A_648 = tpu.memref_squeeze %dma_wait3A_647 : memref<1x64x128xf32, #tpu.memory_space<vmem>> -> memref<64x128xf32, #tpu.memory_space<vmem>>
    %dma_wait3A_649 = arith.constant 0 : i32
    %dma_wait3A_650 = tpu.memref_slice %arg7[%dma_wait3A_643, %dma_wait3A_649] : memref<2x64xi32, #tpu.memory_space<vmem>> -> memref<1x64xi32, #tpu.memory_space<vmem>>
    %dma_wait3A_651 = tpu.memref_squeeze %dma_wait3A_650 : memref<1x64xi32, #tpu.memory_space<vmem>> -> memref<64xi32, #tpu.memory_space<vmem>>
    %dma_wait3A_652 = arith.constant 0 : i32
    %dma_wait3A_653 = arith.constant 0 : i32
    %dma_wait3A_654 = tpu.memref_slice %arg3[%dma_wait3A_652, %dma_wait3A_653] : memref<32768x128xf32, #tpu.memory_space<hbm>> -> memref<32768x128xf32, #tpu.memory_space<hbm>>
    tpu.wait_indirect_dma semaphore(%arg12 : memref<!tpu.dma_semaphore, #tpu.memory_space<semaphore_mem>>) src(%dma_wait3A_654 : memref<32768x128xf32, #tpu.memory_space<hbm>>) dst(%dma_wait3A_648 : memref<64x128xf32, #tpu.memory_space<vmem>>)
    %add3A_655 = arith.constant 384 : i32
    %add3A_656 = arith.addi %mul3A_2, %add3A_655 : i32
    %dma_start3A_657 = arith.constant 0 : i32
    %dma_start3A_658 = arith.constant 0 : i32
    %dma_start3A_659 = arith.constant 0 : i32
    %dma_start3A_660 = tpu.memref_slice %arg8[%dma_start3A_657, %dma_start3A_658, %dma_start3A_659] : memref<2x64x768xf32, #tpu.memory_space<vmem>> -> memref<1x64x768xf32, #tpu.memory_space<vmem>>
    %dma_start3A_661 = tpu.memref_squeeze %dma_start3A_660 : memref<1x64x768xf32, #tpu.memory_space<vmem>> -> memref<64x768xf32, #tpu.memory_space<vmem>>
    %dma_start3A_662 = arith.constant 0 : i32
    %dma_start3A_663 = tpu.memref_slice %arg5[%add3A_656, %dma_start3A_662] : memref<32768x768xf32, #tpu.memory_space<hbm>> -> memref<64x768xf32, #tpu.memory_space<hbm>>
    %dma_start3A_664 = arith.constant 0 : i32
    %dma_start3A_665 = tpu.memref_slice %arg5[%add3A_656, %dma_start3A_664] : memref<32768x768xf32, #tpu.memory_space<hbm>> -> memref<64x768xf32, #tpu.memory_space<hbm>>
    %dma_start3A_666 = arith.constant 0 : i32
    %dma_start3A_667 = arith.constant 0 : i32
    %dma_start3A_668 = tpu.memref_slice %arg8[%dma_start3A_657, %dma_start3A_666, %dma_start3A_667] : memref<2x64x768xf32, #tpu.memory_space<vmem>> -> memref<1x64x768xf32, #tpu.memory_space<vmem>>
    %dma_start3A_669 = tpu.memref_squeeze %dma_start3A_668 : memref<1x64x768xf32, #tpu.memory_space<vmem>> -> memref<64x768xf32, #tpu.memory_space<vmem>>
    tpu.enqueue_dma source(%dma_start3A_669 : memref<64x768xf32, #tpu.memory_space<vmem>>) target(%dma_start3A_665 : memref<64x768xf32, #tpu.memory_space<hbm>>) target_semaphore(%arg14 : memref<!tpu.dma_semaphore, #tpu.memory_space<semaphore_mem>>)
    %dma_start3A_670 = arith.constant 0 : i32
    %dma_start3A_671 = arith.constant 0 : i32
    %dma_start3A_672 = arith.constant 0 : i32
    %dma_start3A_673 = tpu.memref_slice %arg9[%dma_start3A_670, %dma_start3A_671, %dma_start3A_672] : memref<2x64x128xf32, #tpu.memory_space<vmem>> -> memref<1x64x128xf32, #tpu.memory_space<vmem>>
    %dma_start3A_674 = tpu.memref_squeeze %dma_start3A_673 : memref<1x64x128xf32, #tpu.memory_space<vmem>> -> memref<64x128xf32, #tpu.memory_space<vmem>>
    %dma_start3A_675 = arith.constant 0 : i32
    %dma_start3A_676 = tpu.memref_slice %arg6[%add3A_656, %dma_start3A_675] : memref<32768x128xf32, #tpu.memory_space<hbm>> -> memref<64x128xf32, #tpu.memory_space<hbm>>
    %dma_start3A_677 = arith.constant 0 : i32
    %dma_start3A_678 = tpu.memref_slice %arg6[%add3A_656, %dma_start3A_677] : memref<32768x128xf32, #tpu.memory_space<hbm>> -> memref<64x128xf32, #tpu.memory_space<hbm>>
    %dma_start3A_679 = arith.constant 0 : i32
    %dma_start3A_680 = arith.constant 0 : i32
    %dma_start3A_681 = tpu.memref_slice %arg9[%dma_start3A_670, %dma_start3A_679, %dma_start3A_680] : memref<2x64x128xf32, #tpu.memory_space<vmem>> -> memref<1x64x128xf32, #tpu.memory_space<vmem>>
    %dma_start3A_682 = tpu.memref_squeeze %dma_start3A_681 : memref<1x64x128xf32, #tpu.memory_space<vmem>> -> memref<64x128xf32, #tpu.memory_space<vmem>>
    tpu.enqueue_dma source(%dma_start3A_682 : memref<64x128xf32, #tpu.memory_space<vmem>>) target(%dma_start3A_678 : memref<64x128xf32, #tpu.memory_space<hbm>>) target_semaphore(%arg16 : memref<!tpu.dma_semaphore, #tpu.memory_space<semaphore_mem>>)
    %dma_wait3A_683 = arith.constant 1 : i32
    %dma_wait3A_684 = arith.constant 0 : i32
    %dma_wait3A_685 = arith.constant 0 : i32
    %dma_wait3A_686 = tpu.memref_slice %arg8[%dma_wait3A_683, %dma_wait3A_684, %dma_wait3A_685] : memref<2x64x768xf32, #tpu.memory_space<vmem>> -> memref<1x64x768xf32, #tpu.memory_space<vmem>>
    %dma_wait3A_687 = tpu.memref_squeeze %dma_wait3A_686 : memref<1x64x768xf32, #tpu.memory_space<vmem>> -> memref<64x768xf32, #tpu.memory_space<vmem>>
    %dma_wait3A_688 = arith.constant 0 : i32
    %dma_wait3A_689 = tpu.memref_slice %arg5[%add3A_551, %dma_wait3A_688] : memref<32768x768xf32, #tpu.memory_space<hbm>> -> memref<64x768xf32, #tpu.memory_space<hbm>>
    %dma_wait3A_690 = arith.constant 0 : i32
    %dma_wait3A_691 = tpu.memref_slice %arg5[%add3A_551, %dma_wait3A_690] : memref<32768x768xf32, #tpu.memory_space<hbm>> -> memref<64x768xf32, #tpu.memory_space<hbm>>
    %dma_wait3A_692 = arith.constant 0 : i32
    %dma_wait3A_693 = arith.constant 0 : i32
    %dma_wait3A_694 = tpu.memref_slice %arg8[%dma_wait3A_683, %dma_wait3A_692, %dma_wait3A_693] : memref<2x64x768xf32, #tpu.memory_space<vmem>> -> memref<1x64x768xf32, #tpu.memory_space<vmem>>
    %dma_wait3A_695 = tpu.memref_squeeze %dma_wait3A_694 : memref<1x64x768xf32, #tpu.memory_space<vmem>> -> memref<64x768xf32, #tpu.memory_space<vmem>>
    tpu.wait_dma2 semaphore(%arg15 : memref<!tpu.dma_semaphore, #tpu.memory_space<semaphore_mem>>) src(%dma_wait3A_695 : memref<64x768xf32, #tpu.memory_space<vmem>>) dst(%dma_wait3A_691 : memref<64x768xf32, #tpu.memory_space<hbm>>)
    %dma_wait3A_696 = arith.constant 1 : i32
    %dma_wait3A_697 = arith.constant 0 : i32
    %dma_wait3A_698 = arith.constant 0 : i32
    %dma_wait3A_699 = tpu.memref_slice %arg9[%dma_wait3A_696, %dma_wait3A_697, %dma_wait3A_698] : memref<2x64x128xf32, #tpu.memory_space<vmem>> -> memref<1x64x128xf32, #tpu.memory_space<vmem>>
    %dma_wait3A_700 = tpu.memref_squeeze %dma_wait3A_699 : memref<1x64x128xf32, #tpu.memory_space<vmem>> -> memref<64x128xf32, #tpu.memory_space<vmem>>
    %dma_wait3A_701 = arith.constant 0 : i32
    %dma_wait3A_702 = tpu.memref_slice %arg6[%add3A_551, %dma_wait3A_701] : memref<32768x128xf32, #tpu.memory_space<hbm>> -> memref<64x128xf32, #tpu.memory_space<hbm>>
    %dma_wait3A_703 = arith.constant 0 : i32
    %dma_wait3A_704 = tpu.memref_slice %arg6[%add3A_551, %dma_wait3A_703] : memref<32768x128xf32, #tpu.memory_space<hbm>> -> memref<64x128xf32, #tpu.memory_space<hbm>>
    %dma_wait3A_705 = arith.constant 0 : i32
    %dma_wait3A_706 = arith.constant 0 : i32
    %dma_wait3A_707 = tpu.memref_slice %arg9[%dma_wait3A_696, %dma_wait3A_705, %dma_wait3A_706] : memref<2x64x128xf32, #tpu.memory_space<vmem>> -> memref<1x64x128xf32, #tpu.memory_space<vmem>>
    %dma_wait3A_708 = tpu.memref_squeeze %dma_wait3A_707 : memref<1x64x128xf32, #tpu.memory_space<vmem>> -> memref<64x128xf32, #tpu.memory_space<vmem>>
    tpu.wait_dma2 semaphore(%arg17 : memref<!tpu.dma_semaphore, #tpu.memory_space<semaphore_mem>>) src(%dma_wait3A_708 : memref<64x128xf32, #tpu.memory_space<vmem>>) dst(%dma_wait3A_704 : memref<64x128xf32, #tpu.memory_space<hbm>>)
    %add3A_709 = arith.constant 448 : i32
    %add3A_710 = arith.addi %mul3A_2, %add3A_709 : i32
    %run_scoped3A_711 = arith.constant 1 : i32
    "tpu.region"() ({
      %run_scoped3A_1654 = tpu.sem_alloc : memref<!tpu.dma_semaphore, #tpu.memory_space<semaphore_mem>>
      %dma_start3A_1655 = arith.constant 0 : i32
      %dma_start3A_1656 = tpu.memref_slice %arg7[%run_scoped3A_711, %dma_start3A_1655] : memref<2x64xi32, #tpu.memory_space<vmem>> -> memref<1x64xi32, #tpu.memory_space<vmem>>
      %dma_start3A_1657 = tpu.memref_squeeze %dma_start3A_1656 : memref<1x64xi32, #tpu.memory_space<vmem>> -> memref<64xi32, #tpu.memory_space<vmem>>
      %dma_start3A_1658 = tpu.memref_slice %arg4[%add3A_710] : memref<32768xi32, #tpu.memory_space<hbm>> -> memref<64xi32, #tpu.memory_space<hbm>>
      %dma_start3A_1659 = arith.constant 0 : i32
      %dma_start3A_1660 = tpu.memref_slice %arg7[%run_scoped3A_711, %dma_start3A_1659] : memref<2x64xi32, #tpu.memory_space<vmem>> -> memref<1x64xi32, #tpu.memory_space<vmem>>
      %dma_start3A_1661 = tpu.memref_squeeze %dma_start3A_1660 : memref<1x64xi32, #tpu.memory_space<vmem>> -> memref<64xi32, #tpu.memory_space<vmem>>
      %dma_start3A_1662 = tpu.memref_slice %arg4[%add3A_710] : memref<32768xi32, #tpu.memory_space<hbm>> -> memref<64xi32, #tpu.memory_space<hbm>>
      tpu.enqueue_dma source(%dma_start3A_1662 : memref<64xi32, #tpu.memory_space<hbm>>) target(%dma_start3A_1661 : memref<64xi32, #tpu.memory_space<vmem>>) target_semaphore(%run_scoped3A_1654 : memref<!tpu.dma_semaphore, #tpu.memory_space<semaphore_mem>>)
      %dma_wait3A_1663 = arith.constant 0 : i32
      %dma_wait3A_1664 = tpu.memref_slice %arg7[%run_scoped3A_711, %dma_wait3A_1663] : memref<2x64xi32, #tpu.memory_space<vmem>> -> memref<1x64xi32, #tpu.memory_space<vmem>>
      %dma_wait3A_1665 = tpu.memref_squeeze %dma_wait3A_1664 : memref<1x64xi32, #tpu.memory_space<vmem>> -> memref<64xi32, #tpu.memory_space<vmem>>
      %dma_wait3A_1666 = tpu.memref_slice %arg4[%add3A_710] : memref<32768xi32, #tpu.memory_space<hbm>> -> memref<64xi32, #tpu.memory_space<hbm>>
      %dma_wait3A_1667 = arith.constant 0 : i32
      %dma_wait3A_1668 = tpu.memref_slice %arg7[%run_scoped3A_711, %dma_wait3A_1667] : memref<2x64xi32, #tpu.memory_space<vmem>> -> memref<1x64xi32, #tpu.memory_space<vmem>>
      %dma_wait3A_1669 = tpu.memref_squeeze %dma_wait3A_1668 : memref<1x64xi32, #tpu.memory_space<vmem>> -> memref<64xi32, #tpu.memory_space<vmem>>
      %dma_wait3A_1670 = tpu.memref_slice %arg4[%add3A_710] : memref<32768xi32, #tpu.memory_space<hbm>> -> memref<64xi32, #tpu.memory_space<hbm>>
      tpu.wait_dma2 semaphore(%run_scoped3A_1654 : memref<!tpu.dma_semaphore, #tpu.memory_space<semaphore_mem>>) src(%dma_wait3A_1670 : memref<64xi32, #tpu.memory_space<hbm>>) dst(%dma_wait3A_1669 : memref<64xi32, #tpu.memory_space<vmem>>)
      tpu.yield
    }) : () -> ()
    %dma_start3A_712 = arith.constant 1 : i32
    %dma_start3A_713 = arith.constant 1 : i32
    %dma_start3A_714 = arith.constant 0 : i32
    %dma_start3A_715 = arith.constant 0 : i32
    %dma_start3A_716 = tpu.memref_slice %arg8[%dma_start3A_713, %dma_start3A_714, %dma_start3A_715] : memref<2x64x768xf32, #tpu.memory_space<vmem>> -> memref<1x64x768xf32, #tpu.memory_space<vmem>>
    %dma_start3A_717 = tpu.memref_squeeze %dma_start3A_716 : memref<1x64x768xf32, #tpu.memory_space<vmem>> -> memref<64x768xf32, #tpu.memory_space<vmem>>
    %dma_start3A_718 = arith.constant 0 : i32
    %dma_start3A_719 = tpu.memref_slice %arg7[%dma_start3A_712, %dma_start3A_718] : memref<2x64xi32, #tpu.memory_space<vmem>> -> memref<1x64xi32, #tpu.memory_space<vmem>>
    %dma_start3A_720 = tpu.memref_squeeze %dma_start3A_719 : memref<1x64xi32, #tpu.memory_space<vmem>> -> memref<64xi32, #tpu.memory_space<vmem>>
    %dma_start3A_721 = arith.constant 0 : i32
    %dma_start3A_722 = arith.constant 0 : i32
    %dma_start3A_723 = tpu.memref_slice %arg2[%dma_start3A_721, %dma_start3A_722] : memref<32768x768xf32, #tpu.memory_space<hbm>> -> memref<32768x768xf32, #tpu.memory_space<hbm>>
    tpu.enqueue_indirect_dma source(%dma_start3A_723 : memref<32768x768xf32, #tpu.memory_space<hbm>>) target(%dma_start3A_717 : memref<64x768xf32, #tpu.memory_space<vmem>>) offsets(%dma_start3A_720 : memref<64xi32, #tpu.memory_space<vmem>>) semaphore(%arg11 : memref<!tpu.dma_semaphore, #tpu.memory_space<semaphore_mem>>)
    %dma_start3A_724 = arith.constant 1 : i32
    %dma_start3A_725 = arith.constant 1 : i32
    %dma_start3A_726 = arith.constant 0 : i32
    %dma_start3A_727 = arith.constant 0 : i32
    %dma_start3A_728 = tpu.memref_slice %arg9[%dma_start3A_725, %dma_start3A_726, %dma_start3A_727] : memref<2x64x128xf32, #tpu.memory_space<vmem>> -> memref<1x64x128xf32, #tpu.memory_space<vmem>>
    %dma_start3A_729 = tpu.memref_squeeze %dma_start3A_728 : memref<1x64x128xf32, #tpu.memory_space<vmem>> -> memref<64x128xf32, #tpu.memory_space<vmem>>
    %dma_start3A_730 = arith.constant 0 : i32
    %dma_start3A_731 = tpu.memref_slice %arg7[%dma_start3A_724, %dma_start3A_730] : memref<2x64xi32, #tpu.memory_space<vmem>> -> memref<1x64xi32, #tpu.memory_space<vmem>>
    %dma_start3A_732 = tpu.memref_squeeze %dma_start3A_731 : memref<1x64xi32, #tpu.memory_space<vmem>> -> memref<64xi32, #tpu.memory_space<vmem>>
    %dma_start3A_733 = arith.constant 0 : i32
    %dma_start3A_734 = arith.constant 0 : i32
    %dma_start3A_735 = tpu.memref_slice %arg3[%dma_start3A_733, %dma_start3A_734] : memref<32768x128xf32, #tpu.memory_space<hbm>> -> memref<32768x128xf32, #tpu.memory_space<hbm>>
    tpu.enqueue_indirect_dma source(%dma_start3A_735 : memref<32768x128xf32, #tpu.memory_space<hbm>>) target(%dma_start3A_729 : memref<64x128xf32, #tpu.memory_space<vmem>>) offsets(%dma_start3A_732 : memref<64xi32, #tpu.memory_space<vmem>>) semaphore(%arg13 : memref<!tpu.dma_semaphore, #tpu.memory_space<semaphore_mem>>)
    %dma_wait3A_736 = arith.constant 1 : i32
    %dma_wait3A_737 = arith.constant 1 : i32
    %dma_wait3A_738 = arith.constant 0 : i32
    %dma_wait3A_739 = arith.constant 0 : i32
    %dma_wait3A_740 = tpu.memref_slice %arg8[%dma_wait3A_737, %dma_wait3A_738, %dma_wait3A_739] : memref<2x64x768xf32, #tpu.memory_space<vmem>> -> memref<1x64x768xf32, #tpu.memory_space<vmem>>
    %dma_wait3A_741 = tpu.memref_squeeze %dma_wait3A_740 : memref<1x64x768xf32, #tpu.memory_space<vmem>> -> memref<64x768xf32, #tpu.memory_space<vmem>>
    %dma_wait3A_742 = arith.constant 0 : i32
    %dma_wait3A_743 = tpu.memref_slice %arg7[%dma_wait3A_736, %dma_wait3A_742] : memref<2x64xi32, #tpu.memory_space<vmem>> -> memref<1x64xi32, #tpu.memory_space<vmem>>
    %dma_wait3A_744 = tpu.memref_squeeze %dma_wait3A_743 : memref<1x64xi32, #tpu.memory_space<vmem>> -> memref<64xi32, #tpu.memory_space<vmem>>
    %dma_wait3A_745 = arith.constant 0 : i32
    %dma_wait3A_746 = arith.constant 0 : i32
    %dma_wait3A_747 = tpu.memref_slice %arg2[%dma_wait3A_745, %dma_wait3A_746] : memref<32768x768xf32, #tpu.memory_space<hbm>> -> memref<32768x768xf32, #tpu.memory_space<hbm>>
    tpu.wait_indirect_dma semaphore(%arg11 : memref<!tpu.dma_semaphore, #tpu.memory_space<semaphore_mem>>) src(%dma_wait3A_747 : memref<32768x768xf32, #tpu.memory_space<hbm>>) dst(%dma_wait3A_741 : memref<64x768xf32, #tpu.memory_space<vmem>>)
    %dma_wait3A_748 = arith.constant 1 : i32
    %dma_wait3A_749 = arith.constant 1 : i32
    %dma_wait3A_750 = arith.constant 0 : i32
    %dma_wait3A_751 = arith.constant 0 : i32
    %dma_wait3A_752 = tpu.memref_slice %arg9[%dma_wait3A_749, %dma_wait3A_750, %dma_wait3A_751] : memref<2x64x128xf32, #tpu.memory_space<vmem>> -> memref<1x64x128xf32, #tpu.memory_space<vmem>>
    %dma_wait3A_753 = tpu.memref_squeeze %dma_wait3A_752 : memref<1x64x128xf32, #tpu.memory_space<vmem>> -> memref<64x128xf32, #tpu.memory_space<vmem>>
    %dma_wait3A_754 = arith.constant 0 : i32
    %dma_wait3A_755 = tpu.memref_slice %arg7[%dma_wait3A_748, %dma_wait3A_754] : memref<2x64xi32, #tpu.memory_space<vmem>> -> memref<1x64xi32, #tpu.memory_space<vmem>>
    %dma_wait3A_756 = tpu.memref_squeeze %dma_wait3A_755 : memref<1x64xi32, #tpu.memory_space<vmem>> -> memref<64xi32, #tpu.memory_space<vmem>>
    %dma_wait3A_757 = arith.constant 0 : i32
    %dma_wait3A_758 = arith.constant 0 : i32
    %dma_wait3A_759 = tpu.memref_slice %arg3[%dma_wait3A_757, %dma_wait3A_758] : memref<32768x128xf32, #tpu.memory_space<hbm>> -> memref<32768x128xf32, #tpu.memory_space<hbm>>
    tpu.wait_indirect_dma semaphore(%arg13 : memref<!tpu.dma_semaphore, #tpu.memory_space<semaphore_mem>>) src(%dma_wait3A_759 : memref<32768x128xf32, #tpu.memory_space<hbm>>) dst(%dma_wait3A_753 : memref<64x128xf32, #tpu.memory_space<vmem>>)
    %add3A_760 = arith.constant 448 : i32
    %add3A_761 = arith.addi %mul3A_2, %add3A_760 : i32
    %dma_start3A_762 = arith.constant 1 : i32
    %dma_start3A_763 = arith.constant 0 : i32
    %dma_start3A_764 = arith.constant 0 : i32
    %dma_start3A_765 = tpu.memref_slice %arg8[%dma_start3A_762, %dma_start3A_763, %dma_start3A_764] : memref<2x64x768xf32, #tpu.memory_space<vmem>> -> memref<1x64x768xf32, #tpu.memory_space<vmem>>
    %dma_start3A_766 = tpu.memref_squeeze %dma_start3A_765 : memref<1x64x768xf32, #tpu.memory_space<vmem>> -> memref<64x768xf32, #tpu.memory_space<vmem>>
    %dma_start3A_767 = arith.constant 0 : i32
    %dma_start3A_768 = tpu.memref_slice %arg5[%add3A_761, %dma_start3A_767] : memref<32768x768xf32, #tpu.memory_space<hbm>> -> memref<64x768xf32, #tpu.memory_space<hbm>>
    %dma_start3A_769 = arith.constant 0 : i32
    %dma_start3A_770 = tpu.memref_slice %arg5[%add3A_761, %dma_start3A_769] : memref<32768x768xf32, #tpu.memory_space<hbm>> -> memref<64x768xf32, #tpu.memory_space<hbm>>
    %dma_start3A_771 = arith.constant 0 : i32
    %dma_start3A_772 = arith.constant 0 : i32
    %dma_start3A_773 = tpu.memref_slice %arg8[%dma_start3A_762, %dma_start3A_771, %dma_start3A_772] : memref<2x64x768xf32, #tpu.memory_space<vmem>> -> memref<1x64x768xf32, #tpu.memory_space<vmem>>
    %dma_start3A_774 = tpu.memref_squeeze %dma_start3A_773 : memref<1x64x768xf32, #tpu.memory_space<vmem>> -> memref<64x768xf32, #tpu.memory_space<vmem>>
    tpu.enqueue_dma source(%dma_start3A_774 : memref<64x768xf32, #tpu.memory_space<vmem>>) target(%dma_start3A_770 : memref<64x768xf32, #tpu.memory_space<hbm>>) target_semaphore(%arg15 : memref<!tpu.dma_semaphore, #tpu.memory_space<semaphore_mem>>)
    %dma_start3A_775 = arith.constant 1 : i32
    %dma_start3A_776 = arith.constant 0 : i32
    %dma_start3A_777 = arith.constant 0 : i32
    %dma_start3A_778 = tpu.memref_slice %arg9[%dma_start3A_775, %dma_start3A_776, %dma_start3A_777] : memref<2x64x128xf32, #tpu.memory_space<vmem>> -> memref<1x64x128xf32, #tpu.memory_space<vmem>>
    %dma_start3A_779 = tpu.memref_squeeze %dma_start3A_778 : memref<1x64x128xf32, #tpu.memory_space<vmem>> -> memref<64x128xf32, #tpu.memory_space<vmem>>
    %dma_start3A_780 = arith.constant 0 : i32
    %dma_start3A_781 = tpu.memref_slice %arg6[%add3A_761, %dma_start3A_780] : memref<32768x128xf32, #tpu.memory_space<hbm>> -> memref<64x128xf32, #tpu.memory_space<hbm>>
    %dma_start3A_782 = arith.constant 0 : i32
    %dma_start3A_783 = tpu.memref_slice %arg6[%add3A_761, %dma_start3A_782] : memref<32768x128xf32, #tpu.memory_space<hbm>> -> memref<64x128xf32, #tpu.memory_space<hbm>>
    %dma_start3A_784 = arith.constant 0 : i32
    %dma_start3A_785 = arith.constant 0 : i32
    %dma_start3A_786 = tpu.memref_slice %arg9[%dma_start3A_775, %dma_start3A_784, %dma_start3A_785] : memref<2x64x128xf32, #tpu.memory_space<vmem>> -> memref<1x64x128xf32, #tpu.memory_space<vmem>>
    %dma_start3A_787 = tpu.memref_squeeze %dma_start3A_786 : memref<1x64x128xf32, #tpu.memory_space<vmem>> -> memref<64x128xf32, #tpu.memory_space<vmem>>
    tpu.enqueue_dma source(%dma_start3A_787 : memref<64x128xf32, #tpu.memory_space<vmem>>) target(%dma_start3A_783 : memref<64x128xf32, #tpu.memory_space<hbm>>) target_semaphore(%arg17 : memref<!tpu.dma_semaphore, #tpu.memory_space<semaphore_mem>>)
    %dma_wait3A_788 = arith.constant 0 : i32
    %dma_wait3A_789 = arith.constant 0 : i32
    %dma_wait3A_790 = arith.constant 0 : i32
    %dma_wait3A_791 = tpu.memref_slice %arg8[%dma_wait3A_788, %dma_wait3A_789, %dma_wait3A_790] : memref<2x64x768xf32, #tpu.memory_space<vmem>> -> memref<1x64x768xf32, #tpu.memory_space<vmem>>
    %dma_wait3A_792 = tpu.memref_squeeze %dma_wait3A_791 : memref<1x64x768xf32, #tpu.memory_space<vmem>> -> memref<64x768xf32, #tpu.memory_space<vmem>>
    %dma_wait3A_793 = arith.constant 0 : i32
    %dma_wait3A_794 = tpu.memref_slice %arg5[%add3A_656, %dma_wait3A_793] : memref<32768x768xf32, #tpu.memory_space<hbm>> -> memref<64x768xf32, #tpu.memory_space<hbm>>
    %dma_wait3A_795 = arith.constant 0 : i32
    %dma_wait3A_796 = tpu.memref_slice %arg5[%add3A_656, %dma_wait3A_795] : memref<32768x768xf32, #tpu.memory_space<hbm>> -> memref<64x768xf32, #tpu.memory_space<hbm>>
    %dma_wait3A_797 = arith.constant 0 : i32
    %dma_wait3A_798 = arith.constant 0 : i32
    %dma_wait3A_799 = tpu.memref_slice %arg8[%dma_wait3A_788, %dma_wait3A_797, %dma_wait3A_798] : memref<2x64x768xf32, #tpu.memory_space<vmem>> -> memref<1x64x768xf32, #tpu.memory_space<vmem>>
    %dma_wait3A_800 = tpu.memref_squeeze %dma_wait3A_799 : memref<1x64x768xf32, #tpu.memory_space<vmem>> -> memref<64x768xf32, #tpu.memory_space<vmem>>
    tpu.wait_dma2 semaphore(%arg14 : memref<!tpu.dma_semaphore, #tpu.memory_space<semaphore_mem>>) src(%dma_wait3A_800 : memref<64x768xf32, #tpu.memory_space<vmem>>) dst(%dma_wait3A_796 : memref<64x768xf32, #tpu.memory_space<hbm>>)
    %dma_wait3A_801 = arith.constant 0 : i32
    %dma_wait3A_802 = arith.constant 0 : i32
    %dma_wait3A_803 = arith.constant 0 : i32
    %dma_wait3A_804 = tpu.memref_slice %arg9[%dma_wait3A_801, %dma_wait3A_802, %dma_wait3A_803] : memref<2x64x128xf32, #tpu.memory_space<vmem>> -> memref<1x64x128xf32, #tpu.memory_space<vmem>>
    %dma_wait3A_805 = tpu.memref_squeeze %dma_wait3A_804 : memref<1x64x128xf32, #tpu.memory_space<vmem>> -> memref<64x128xf32, #tpu.memory_space<vmem>>
    %dma_wait3A_806 = arith.constant 0 : i32
    %dma_wait3A_807 = tpu.memref_slice %arg6[%add3A_656, %dma_wait3A_806] : memref<32768x128xf32, #tpu.memory_space<hbm>> -> memref<64x128xf32, #tpu.memory_space<hbm>>
    %dma_wait3A_808 = arith.constant 0 : i32
    %dma_wait3A_809 = tpu.memref_slice %arg6[%add3A_656, %dma_wait3A_808] : memref<32768x128xf32, #tpu.memory_space<hbm>> -> memref<64x128xf32, #tpu.memory_space<hbm>>
    %dma_wait3A_810 = arith.constant 0 : i32
    %dma_wait3A_811 = arith.constant 0 : i32
    %dma_wait3A_812 = tpu.memref_slice %arg9[%dma_wait3A_801, %dma_wait3A_810, %dma_wait3A_811] : memref<2x64x128xf32, #tpu.memory_space<vmem>> -> memref<1x64x128xf32, #tpu.memory_space<vmem>>
    %dma_wait3A_813 = tpu.memref_squeeze %dma_wait3A_812 : memref<1x64x128xf32, #tpu.memory_space<vmem>> -> memref<64x128xf32, #tpu.memory_space<vmem>>
    tpu.wait_dma2 semaphore(%arg16 : memref<!tpu.dma_semaphore, #tpu.memory_space<semaphore_mem>>) src(%dma_wait3A_813 : memref<64x128xf32, #tpu.memory_space<vmem>>) dst(%dma_wait3A_809 : memref<64x128xf32, #tpu.memory_space<hbm>>)
    %add3A_814 = arith.constant 512 : i32
    %add3A_815 = arith.addi %mul3A_2, %add3A_814 : i32
    %run_scoped3A_816 = arith.constant 0 : i32
    "tpu.region"() ({
      %run_scoped3A_1654 = tpu.sem_alloc : memref<!tpu.dma_semaphore, #tpu.memory_space<semaphore_mem>>
      %dma_start3A_1655 = arith.constant 0 : i32
      %dma_start3A_1656 = tpu.memref_slice %arg7[%run_scoped3A_816, %dma_start3A_1655] : memref<2x64xi32, #tpu.memory_space<vmem>> -> memref<1x64xi32, #tpu.memory_space<vmem>>
      %dma_start3A_1657 = tpu.memref_squeeze %dma_start3A_1656 : memref<1x64xi32, #tpu.memory_space<vmem>> -> memref<64xi32, #tpu.memory_space<vmem>>
      %dma_start3A_1658 = tpu.memref_slice %arg4[%add3A_815] : memref<32768xi32, #tpu.memory_space<hbm>> -> memref<64xi32, #tpu.memory_space<hbm>>
      %dma_start3A_1659 = arith.constant 0 : i32
      %dma_start3A_1660 = tpu.memref_slice %arg7[%run_scoped3A_816, %dma_start3A_1659] : memref<2x64xi32, #tpu.memory_space<vmem>> -> memref<1x64xi32, #tpu.memory_space<vmem>>
      %dma_start3A_1661 = tpu.memref_squeeze %dma_start3A_1660 : memref<1x64xi32, #tpu.memory_space<vmem>> -> memref<64xi32, #tpu.memory_space<vmem>>
      %dma_start3A_1662 = tpu.memref_slice %arg4[%add3A_815] : memref<32768xi32, #tpu.memory_space<hbm>> -> memref<64xi32, #tpu.memory_space<hbm>>
      tpu.enqueue_dma source(%dma_start3A_1662 : memref<64xi32, #tpu.memory_space<hbm>>) target(%dma_start3A_1661 : memref<64xi32, #tpu.memory_space<vmem>>) target_semaphore(%run_scoped3A_1654 : memref<!tpu.dma_semaphore, #tpu.memory_space<semaphore_mem>>)
      %dma_wait3A_1663 = arith.constant 0 : i32
      %dma_wait3A_1664 = tpu.memref_slice %arg7[%run_scoped3A_816, %dma_wait3A_1663] : memref<2x64xi32, #tpu.memory_space<vmem>> -> memref<1x64xi32, #tpu.memory_space<vmem>>
      %dma_wait3A_1665 = tpu.memref_squeeze %dma_wait3A_1664 : memref<1x64xi32, #tpu.memory_space<vmem>> -> memref<64xi32, #tpu.memory_space<vmem>>
      %dma_wait3A_1666 = tpu.memref_slice %arg4[%add3A_815] : memref<32768xi32, #tpu.memory_space<hbm>> -> memref<64xi32, #tpu.memory_space<hbm>>
      %dma_wait3A_1667 = arith.constant 0 : i32
      %dma_wait3A_1668 = tpu.memref_slice %arg7[%run_scoped3A_816, %dma_wait3A_1667] : memref<2x64xi32, #tpu.memory_space<vmem>> -> memref<1x64xi32, #tpu.memory_space<vmem>>
      %dma_wait3A_1669 = tpu.memref_squeeze %dma_wait3A_1668 : memref<1x64xi32, #tpu.memory_space<vmem>> -> memref<64xi32, #tpu.memory_space<vmem>>
      %dma_wait3A_1670 = tpu.memref_slice %arg4[%add3A_815] : memref<32768xi32, #tpu.memory_space<hbm>> -> memref<64xi32, #tpu.memory_space<hbm>>
      tpu.wait_dma2 semaphore(%run_scoped3A_1654 : memref<!tpu.dma_semaphore, #tpu.memory_space<semaphore_mem>>) src(%dma_wait3A_1670 : memref<64xi32, #tpu.memory_space<hbm>>) dst(%dma_wait3A_1669 : memref<64xi32, #tpu.memory_space<vmem>>)
      tpu.yield
    }) : () -> ()
    %dma_start3A_817 = arith.constant 0 : i32
    %dma_start3A_818 = arith.constant 0 : i32
    %dma_start3A_819 = arith.constant 0 : i32
    %dma_start3A_820 = arith.constant 0 : i32
    %dma_start3A_821 = tpu.memref_slice %arg8[%dma_start3A_818, %dma_start3A_819, %dma_start3A_820] : memref<2x64x768xf32, #tpu.memory_space<vmem>> -> memref<1x64x768xf32, #tpu.memory_space<vmem>>
    %dma_start3A_822 = tpu.memref_squeeze %dma_start3A_821 : memref<1x64x768xf32, #tpu.memory_space<vmem>> -> memref<64x768xf32, #tpu.memory_space<vmem>>
    %dma_start3A_823 = arith.constant 0 : i32
    %dma_start3A_824 = tpu.memref_slice %arg7[%dma_start3A_817, %dma_start3A_823] : memref<2x64xi32, #tpu.memory_space<vmem>> -> memref<1x64xi32, #tpu.memory_space<vmem>>
    %dma_start3A_825 = tpu.memref_squeeze %dma_start3A_824 : memref<1x64xi32, #tpu.memory_space<vmem>> -> memref<64xi32, #tpu.memory_space<vmem>>
    %dma_start3A_826 = arith.constant 0 : i32
    %dma_start3A_827 = arith.constant 0 : i32
    %dma_start3A_828 = tpu.memref_slice %arg2[%dma_start3A_826, %dma_start3A_827] : memref<32768x768xf32, #tpu.memory_space<hbm>> -> memref<32768x768xf32, #tpu.memory_space<hbm>>
    tpu.enqueue_indirect_dma source(%dma_start3A_828 : memref<32768x768xf32, #tpu.memory_space<hbm>>) target(%dma_start3A_822 : memref<64x768xf32, #tpu.memory_space<vmem>>) offsets(%dma_start3A_825 : memref<64xi32, #tpu.memory_space<vmem>>) semaphore(%arg10 : memref<!tpu.dma_semaphore, #tpu.memory_space<semaphore_mem>>)
    %dma_start3A_829 = arith.constant 0 : i32
    %dma_start3A_830 = arith.constant 0 : i32
    %dma_start3A_831 = arith.constant 0 : i32
    %dma_start3A_832 = arith.constant 0 : i32
    %dma_start3A_833 = tpu.memref_slice %arg9[%dma_start3A_830, %dma_start3A_831, %dma_start3A_832] : memref<2x64x128xf32, #tpu.memory_space<vmem>> -> memref<1x64x128xf32, #tpu.memory_space<vmem>>
    %dma_start3A_834 = tpu.memref_squeeze %dma_start3A_833 : memref<1x64x128xf32, #tpu.memory_space<vmem>> -> memref<64x128xf32, #tpu.memory_space<vmem>>
    %dma_start3A_835 = arith.constant 0 : i32
    %dma_start3A_836 = tpu.memref_slice %arg7[%dma_start3A_829, %dma_start3A_835] : memref<2x64xi32, #tpu.memory_space<vmem>> -> memref<1x64xi32, #tpu.memory_space<vmem>>
    %dma_start3A_837 = tpu.memref_squeeze %dma_start3A_836 : memref<1x64xi32, #tpu.memory_space<vmem>> -> memref<64xi32, #tpu.memory_space<vmem>>
    %dma_start3A_838 = arith.constant 0 : i32
    %dma_start3A_839 = arith.constant 0 : i32
    %dma_start3A_840 = tpu.memref_slice %arg3[%dma_start3A_838, %dma_start3A_839] : memref<32768x128xf32, #tpu.memory_space<hbm>> -> memref<32768x128xf32, #tpu.memory_space<hbm>>
    tpu.enqueue_indirect_dma source(%dma_start3A_840 : memref<32768x128xf32, #tpu.memory_space<hbm>>) target(%dma_start3A_834 : memref<64x128xf32, #tpu.memory_space<vmem>>) offsets(%dma_start3A_837 : memref<64xi32, #tpu.memory_space<vmem>>) semaphore(%arg12 : memref<!tpu.dma_semaphore, #tpu.memory_space<semaphore_mem>>)
    %dma_wait3A_841 = arith.constant 0 : i32
    %dma_wait3A_842 = arith.constant 0 : i32
    %dma_wait3A_843 = arith.constant 0 : i32
    %dma_wait3A_844 = arith.constant 0 : i32
    %dma_wait3A_845 = tpu.memref_slice %arg8[%dma_wait3A_842, %dma_wait3A_843, %dma_wait3A_844] : memref<2x64x768xf32, #tpu.memory_space<vmem>> -> memref<1x64x768xf32, #tpu.memory_space<vmem>>
    %dma_wait3A_846 = tpu.memref_squeeze %dma_wait3A_845 : memref<1x64x768xf32, #tpu.memory_space<vmem>> -> memref<64x768xf32, #tpu.memory_space<vmem>>
    %dma_wait3A_847 = arith.constant 0 : i32
    %dma_wait3A_848 = tpu.memref_slice %arg7[%dma_wait3A_841, %dma_wait3A_847] : memref<2x64xi32, #tpu.memory_space<vmem>> -> memref<1x64xi32, #tpu.memory_space<vmem>>
    %dma_wait3A_849 = tpu.memref_squeeze %dma_wait3A_848 : memref<1x64xi32, #tpu.memory_space<vmem>> -> memref<64xi32, #tpu.memory_space<vmem>>
    %dma_wait3A_850 = arith.constant 0 : i32
    %dma_wait3A_851 = arith.constant 0 : i32
    %dma_wait3A_852 = tpu.memref_slice %arg2[%dma_wait3A_850, %dma_wait3A_851] : memref<32768x768xf32, #tpu.memory_space<hbm>> -> memref<32768x768xf32, #tpu.memory_space<hbm>>
    tpu.wait_indirect_dma semaphore(%arg10 : memref<!tpu.dma_semaphore, #tpu.memory_space<semaphore_mem>>) src(%dma_wait3A_852 : memref<32768x768xf32, #tpu.memory_space<hbm>>) dst(%dma_wait3A_846 : memref<64x768xf32, #tpu.memory_space<vmem>>)
    %dma_wait3A_853 = arith.constant 0 : i32
    %dma_wait3A_854 = arith.constant 0 : i32
    %dma_wait3A_855 = arith.constant 0 : i32
    %dma_wait3A_856 = arith.constant 0 : i32
    %dma_wait3A_857 = tpu.memref_slice %arg9[%dma_wait3A_854, %dma_wait3A_855, %dma_wait3A_856] : memref<2x64x128xf32, #tpu.memory_space<vmem>> -> memref<1x64x128xf32, #tpu.memory_space<vmem>>
    %dma_wait3A_858 = tpu.memref_squeeze %dma_wait3A_857 : memref<1x64x128xf32, #tpu.memory_space<vmem>> -> memref<64x128xf32, #tpu.memory_space<vmem>>
    %dma_wait3A_859 = arith.constant 0 : i32
    %dma_wait3A_860 = tpu.memref_slice %arg7[%dma_wait3A_853, %dma_wait3A_859] : memref<2x64xi32, #tpu.memory_space<vmem>> -> memref<1x64xi32, #tpu.memory_space<vmem>>
    %dma_wait3A_861 = tpu.memref_squeeze %dma_wait3A_860 : memref<1x64xi32, #tpu.memory_space<vmem>> -> memref<64xi32, #tpu.memory_space<vmem>>
    %dma_wait3A_862 = arith.constant 0 : i32
    %dma_wait3A_863 = arith.constant 0 : i32
    %dma_wait3A_864 = tpu.memref_slice %arg3[%dma_wait3A_862, %dma_wait3A_863] : memref<32768x128xf32, #tpu.memory_space<hbm>> -> memref<32768x128xf32, #tpu.memory_space<hbm>>
    tpu.wait_indirect_dma semaphore(%arg12 : memref<!tpu.dma_semaphore, #tpu.memory_space<semaphore_mem>>) src(%dma_wait3A_864 : memref<32768x128xf32, #tpu.memory_space<hbm>>) dst(%dma_wait3A_858 : memref<64x128xf32, #tpu.memory_space<vmem>>)
    %add3A_865 = arith.constant 512 : i32
    %add3A_866 = arith.addi %mul3A_2, %add3A_865 : i32
    %dma_start3A_867 = arith.constant 0 : i32
    %dma_start3A_868 = arith.constant 0 : i32
    %dma_start3A_869 = arith.constant 0 : i32
    %dma_start3A_870 = tpu.memref_slice %arg8[%dma_start3A_867, %dma_start3A_868, %dma_start3A_869] : memref<2x64x768xf32, #tpu.memory_space<vmem>> -> memref<1x64x768xf32, #tpu.memory_space<vmem>>
    %dma_start3A_871 = tpu.memref_squeeze %dma_start3A_870 : memref<1x64x768xf32, #tpu.memory_space<vmem>> -> memref<64x768xf32, #tpu.memory_space<vmem>>
    %dma_start3A_872 = arith.constant 0 : i32
    %dma_start3A_873 = tpu.memref_slice %arg5[%add3A_866, %dma_start3A_872] : memref<32768x768xf32, #tpu.memory_space<hbm>> -> memref<64x768xf32, #tpu.memory_space<hbm>>
    %dma_start3A_874 = arith.constant 0 : i32
    %dma_start3A_875 = tpu.memref_slice %arg5[%add3A_866, %dma_start3A_874] : memref<32768x768xf32, #tpu.memory_space<hbm>> -> memref<64x768xf32, #tpu.memory_space<hbm>>
    %dma_start3A_876 = arith.constant 0 : i32
    %dma_start3A_877 = arith.constant 0 : i32
    %dma_start3A_878 = tpu.memref_slice %arg8[%dma_start3A_867, %dma_start3A_876, %dma_start3A_877] : memref<2x64x768xf32, #tpu.memory_space<vmem>> -> memref<1x64x768xf32, #tpu.memory_space<vmem>>
    %dma_start3A_879 = tpu.memref_squeeze %dma_start3A_878 : memref<1x64x768xf32, #tpu.memory_space<vmem>> -> memref<64x768xf32, #tpu.memory_space<vmem>>
    tpu.enqueue_dma source(%dma_start3A_879 : memref<64x768xf32, #tpu.memory_space<vmem>>) target(%dma_start3A_875 : memref<64x768xf32, #tpu.memory_space<hbm>>) target_semaphore(%arg14 : memref<!tpu.dma_semaphore, #tpu.memory_space<semaphore_mem>>)
    %dma_start3A_880 = arith.constant 0 : i32
    %dma_start3A_881 = arith.constant 0 : i32
    %dma_start3A_882 = arith.constant 0 : i32
    %dma_start3A_883 = tpu.memref_slice %arg9[%dma_start3A_880, %dma_start3A_881, %dma_start3A_882] : memref<2x64x128xf32, #tpu.memory_space<vmem>> -> memref<1x64x128xf32, #tpu.memory_space<vmem>>
    %dma_start3A_884 = tpu.memref_squeeze %dma_start3A_883 : memref<1x64x128xf32, #tpu.memory_space<vmem>> -> memref<64x128xf32, #tpu.memory_space<vmem>>
    %dma_start3A_885 = arith.constant 0 : i32
    %dma_start3A_886 = tpu.memref_slice %arg6[%add3A_866, %dma_start3A_885] : memref<32768x128xf32, #tpu.memory_space<hbm>> -> memref<64x128xf32, #tpu.memory_space<hbm>>
    %dma_start3A_887 = arith.constant 0 : i32
    %dma_start3A_888 = tpu.memref_slice %arg6[%add3A_866, %dma_start3A_887] : memref<32768x128xf32, #tpu.memory_space<hbm>> -> memref<64x128xf32, #tpu.memory_space<hbm>>
    %dma_start3A_889 = arith.constant 0 : i32
    %dma_start3A_890 = arith.constant 0 : i32
    %dma_start3A_891 = tpu.memref_slice %arg9[%dma_start3A_880, %dma_start3A_889, %dma_start3A_890] : memref<2x64x128xf32, #tpu.memory_space<vmem>> -> memref<1x64x128xf32, #tpu.memory_space<vmem>>
    %dma_start3A_892 = tpu.memref_squeeze %dma_start3A_891 : memref<1x64x128xf32, #tpu.memory_space<vmem>> -> memref<64x128xf32, #tpu.memory_space<vmem>>
    tpu.enqueue_dma source(%dma_start3A_892 : memref<64x128xf32, #tpu.memory_space<vmem>>) target(%dma_start3A_888 : memref<64x128xf32, #tpu.memory_space<hbm>>) target_semaphore(%arg16 : memref<!tpu.dma_semaphore, #tpu.memory_space<semaphore_mem>>)
    %dma_wait3A_893 = arith.constant 1 : i32
    %dma_wait3A_894 = arith.constant 0 : i32
    %dma_wait3A_895 = arith.constant 0 : i32
    %dma_wait3A_896 = tpu.memref_slice %arg8[%dma_wait3A_893, %dma_wait3A_894, %dma_wait3A_895] : memref<2x64x768xf32, #tpu.memory_space<vmem>> -> memref<1x64x768xf32, #tpu.memory_space<vmem>>
    %dma_wait3A_897 = tpu.memref_squeeze %dma_wait3A_896 : memref<1x64x768xf32, #tpu.memory_space<vmem>> -> memref<64x768xf32, #tpu.memory_space<vmem>>
    %dma_wait3A_898 = arith.constant 0 : i32
    %dma_wait3A_899 = tpu.memref_slice %arg5[%add3A_761, %dma_wait3A_898] : memref<32768x768xf32, #tpu.memory_space<hbm>> -> memref<64x768xf32, #tpu.memory_space<hbm>>
    %dma_wait3A_900 = arith.constant 0 : i32
    %dma_wait3A_901 = tpu.memref_slice %arg5[%add3A_761, %dma_wait3A_900] : memref<32768x768xf32, #tpu.memory_space<hbm>> -> memref<64x768xf32, #tpu.memory_space<hbm>>
    %dma_wait3A_902 = arith.constant 0 : i32
    %dma_wait3A_903 = arith.constant 0 : i32
    %dma_wait3A_904 = tpu.memref_slice %arg8[%dma_wait3A_893, %dma_wait3A_902, %dma_wait3A_903] : memref<2x64x768xf32, #tpu.memory_space<vmem>> -> memref<1x64x768xf32, #tpu.memory_space<vmem>>
    %dma_wait3A_905 = tpu.memref_squeeze %dma_wait3A_904 : memref<1x64x768xf32, #tpu.memory_space<vmem>> -> memref<64x768xf32, #tpu.memory_space<vmem>>
    tpu.wait_dma2 semaphore(%arg15 : memref<!tpu.dma_semaphore, #tpu.memory_space<semaphore_mem>>) src(%dma_wait3A_905 : memref<64x768xf32, #tpu.memory_space<vmem>>) dst(%dma_wait3A_901 : memref<64x768xf32, #tpu.memory_space<hbm>>)
    %dma_wait3A_906 = arith.constant 1 : i32
    %dma_wait3A_907 = arith.constant 0 : i32
    %dma_wait3A_908 = arith.constant 0 : i32
    %dma_wait3A_909 = tpu.memref_slice %arg9[%dma_wait3A_906, %dma_wait3A_907, %dma_wait3A_908] : memref<2x64x128xf32, #tpu.memory_space<vmem>> -> memref<1x64x128xf32, #tpu.memory_space<vmem>>
    %dma_wait3A_910 = tpu.memref_squeeze %dma_wait3A_909 : memref<1x64x128xf32, #tpu.memory_space<vmem>> -> memref<64x128xf32, #tpu.memory_space<vmem>>
    %dma_wait3A_911 = arith.constant 0 : i32
    %dma_wait3A_912 = tpu.memref_slice %arg6[%add3A_761, %dma_wait3A_911] : memref<32768x128xf32, #tpu.memory_space<hbm>> -> memref<64x128xf32, #tpu.memory_space<hbm>>
    %dma_wait3A_913 = arith.constant 0 : i32
    %dma_wait3A_914 = tpu.memref_slice %arg6[%add3A_761, %dma_wait3A_913] : memref<32768x128xf32, #tpu.memory_space<hbm>> -> memref<64x128xf32, #tpu.memory_space<hbm>>
    %dma_wait3A_915 = arith.constant 0 : i32
    %dma_wait3A_916 = arith.constant 0 : i32
    %dma_wait3A_917 = tpu.memref_slice %arg9[%dma_wait3A_906, %dma_wait3A_915, %dma_wait3A_916] : memref<2x64x128xf32, #tpu.memory_space<vmem>> -> memref<1x64x128xf32, #tpu.memory_space<vmem>>
    %dma_wait3A_918 = tpu.memref_squeeze %dma_wait3A_917 : memref<1x64x128xf32, #tpu.memory_space<vmem>> -> memref<64x128xf32, #tpu.memory_space<vmem>>
    tpu.wait_dma2 semaphore(%arg17 : memref<!tpu.dma_semaphore, #tpu.memory_space<semaphore_mem>>) src(%dma_wait3A_918 : memref<64x128xf32, #tpu.memory_space<vmem>>) dst(%dma_wait3A_914 : memref<64x128xf32, #tpu.memory_space<hbm>>)
    %add3A_919 = arith.constant 576 : i32
    %add3A_920 = arith.addi %mul3A_2, %add3A_919 : i32
    %run_scoped3A_921 = arith.constant 1 : i32
    "tpu.region"() ({
      %run_scoped3A_1654 = tpu.sem_alloc : memref<!tpu.dma_semaphore, #tpu.memory_space<semaphore_mem>>
      %dma_start3A_1655 = arith.constant 0 : i32
      %dma_start3A_1656 = tpu.memref_slice %arg7[%run_scoped3A_921, %dma_start3A_1655] : memref<2x64xi32, #tpu.memory_space<vmem>> -> memref<1x64xi32, #tpu.memory_space<vmem>>
      %dma_start3A_1657 = tpu.memref_squeeze %dma_start3A_1656 : memref<1x64xi32, #tpu.memory_space<vmem>> -> memref<64xi32, #tpu.memory_space<vmem>>
      %dma_start3A_1658 = tpu.memref_slice %arg4[%add3A_920] : memref<32768xi32, #tpu.memory_space<hbm>> -> memref<64xi32, #tpu.memory_space<hbm>>
      %dma_start3A_1659 = arith.constant 0 : i32
      %dma_start3A_1660 = tpu.memref_slice %arg7[%run_scoped3A_921, %dma_start3A_1659] : memref<2x64xi32, #tpu.memory_space<vmem>> -> memref<1x64xi32, #tpu.memory_space<vmem>>
      %dma_start3A_1661 = tpu.memref_squeeze %dma_start3A_1660 : memref<1x64xi32, #tpu.memory_space<vmem>> -> memref<64xi32, #tpu.memory_space<vmem>>
      %dma_start3A_1662 = tpu.memref_slice %arg4[%add3A_920] : memref<32768xi32, #tpu.memory_space<hbm>> -> memref<64xi32, #tpu.memory_space<hbm>>
      tpu.enqueue_dma source(%dma_start3A_1662 : memref<64xi32, #tpu.memory_space<hbm>>) target(%dma_start3A_1661 : memref<64xi32, #tpu.memory_space<vmem>>) target_semaphore(%run_scoped3A_1654 : memref<!tpu.dma_semaphore, #tpu.memory_space<semaphore_mem>>)
      %dma_wait3A_1663 = arith.constant 0 : i32
      %dma_wait3A_1664 = tpu.memref_slice %arg7[%run_scoped3A_921, %dma_wait3A_1663] : memref<2x64xi32, #tpu.memory_space<vmem>> -> memref<1x64xi32, #tpu.memory_space<vmem>>
      %dma_wait3A_1665 = tpu.memref_squeeze %dma_wait3A_1664 : memref<1x64xi32, #tpu.memory_space<vmem>> -> memref<64xi32, #tpu.memory_space<vmem>>
      %dma_wait3A_1666 = tpu.memref_slice %arg4[%add3A_920] : memref<32768xi32, #tpu.memory_space<hbm>> -> memref<64xi32, #tpu.memory_space<hbm>>
      %dma_wait3A_1667 = arith.constant 0 : i32
      %dma_wait3A_1668 = tpu.memref_slice %arg7[%run_scoped3A_921, %dma_wait3A_1667] : memref<2x64xi32, #tpu.memory_space<vmem>> -> memref<1x64xi32, #tpu.memory_space<vmem>>
      %dma_wait3A_1669 = tpu.memref_squeeze %dma_wait3A_1668 : memref<1x64xi32, #tpu.memory_space<vmem>> -> memref<64xi32, #tpu.memory_space<vmem>>
      %dma_wait3A_1670 = tpu.memref_slice %arg4[%add3A_920] : memref<32768xi32, #tpu.memory_space<hbm>> -> memref<64xi32, #tpu.memory_space<hbm>>
      tpu.wait_dma2 semaphore(%run_scoped3A_1654 : memref<!tpu.dma_semaphore, #tpu.memory_space<semaphore_mem>>) src(%dma_wait3A_1670 : memref<64xi32, #tpu.memory_space<hbm>>) dst(%dma_wait3A_1669 : memref<64xi32, #tpu.memory_space<vmem>>)
      tpu.yield
    }) : () -> ()
    %dma_start3A_922 = arith.constant 1 : i32
    %dma_start3A_923 = arith.constant 1 : i32
    %dma_start3A_924 = arith.constant 0 : i32
    %dma_start3A_925 = arith.constant 0 : i32
    %dma_start3A_926 = tpu.memref_slice %arg8[%dma_start3A_923, %dma_start3A_924, %dma_start3A_925] : memref<2x64x768xf32, #tpu.memory_space<vmem>> -> memref<1x64x768xf32, #tpu.memory_space<vmem>>
    %dma_start3A_927 = tpu.memref_squeeze %dma_start3A_926 : memref<1x64x768xf32, #tpu.memory_space<vmem>> -> memref<64x768xf32, #tpu.memory_space<vmem>>
    %dma_start3A_928 = arith.constant 0 : i32
    %dma_start3A_929 = tpu.memref_slice %arg7[%dma_start3A_922, %dma_start3A_928] : memref<2x64xi32, #tpu.memory_space<vmem>> -> memref<1x64xi32, #tpu.memory_space<vmem>>
    %dma_start3A_930 = tpu.memref_squeeze %dma_start3A_929 : memref<1x64xi32, #tpu.memory_space<vmem>> -> memref<64xi32, #tpu.memory_space<vmem>>
    %dma_start3A_931 = arith.constant 0 : i32
    %dma_start3A_932 = arith.constant 0 : i32
    %dma_start3A_933 = tpu.memref_slice %arg2[%dma_start3A_931, %dma_start3A_932] : memref<32768x768xf32, #tpu.memory_space<hbm>> -> memref<32768x768xf32, #tpu.memory_space<hbm>>
    tpu.enqueue_indirect_dma source(%dma_start3A_933 : memref<32768x768xf32, #tpu.memory_space<hbm>>) target(%dma_start3A_927 : memref<64x768xf32, #tpu.memory_space<vmem>>) offsets(%dma_start3A_930 : memref<64xi32, #tpu.memory_space<vmem>>) semaphore(%arg11 : memref<!tpu.dma_semaphore, #tpu.memory_space<semaphore_mem>>)
    %dma_start3A_934 = arith.constant 1 : i32
    %dma_start3A_935 = arith.constant 1 : i32
    %dma_start3A_936 = arith.constant 0 : i32
    %dma_start3A_937 = arith.constant 0 : i32
    %dma_start3A_938 = tpu.memref_slice %arg9[%dma_start3A_935, %dma_start3A_936, %dma_start3A_937] : memref<2x64x128xf32, #tpu.memory_space<vmem>> -> memref<1x64x128xf32, #tpu.memory_space<vmem>>
    %dma_start3A_939 = tpu.memref_squeeze %dma_start3A_938 : memref<1x64x128xf32, #tpu.memory_space<vmem>> -> memref<64x128xf32, #tpu.memory_space<vmem>>
    %dma_start3A_940 = arith.constant 0 : i32
    %dma_start3A_941 = tpu.memref_slice %arg7[%dma_start3A_934, %dma_start3A_940] : memref<2x64xi32, #tpu.memory_space<vmem>> -> memref<1x64xi32, #tpu.memory_space<vmem>>
    %dma_start3A_942 = tpu.memref_squeeze %dma_start3A_941 : memref<1x64xi32, #tpu.memory_space<vmem>> -> memref<64xi32, #tpu.memory_space<vmem>>
    %dma_start3A_943 = arith.constant 0 : i32
    %dma_start3A_944 = arith.constant 0 : i32
    %dma_start3A_945 = tpu.memref_slice %arg3[%dma_start3A_943, %dma_start3A_944] : memref<32768x128xf32, #tpu.memory_space<hbm>> -> memref<32768x128xf32, #tpu.memory_space<hbm>>
    tpu.enqueue_indirect_dma source(%dma_start3A_945 : memref<32768x128xf32, #tpu.memory_space<hbm>>) target(%dma_start3A_939 : memref<64x128xf32, #tpu.memory_space<vmem>>) offsets(%dma_start3A_942 : memref<64xi32, #tpu.memory_space<vmem>>) semaphore(%arg13 : memref<!tpu.dma_semaphore, #tpu.memory_space<semaphore_mem>>)
    %dma_wait3A_946 = arith.constant 1 : i32
    %dma_wait3A_947 = arith.constant 1 : i32
    %dma_wait3A_948 = arith.constant 0 : i32
    %dma_wait3A_949 = arith.constant 0 : i32
    %dma_wait3A_950 = tpu.memref_slice %arg8[%dma_wait3A_947, %dma_wait3A_948, %dma_wait3A_949] : memref<2x64x768xf32, #tpu.memory_space<vmem>> -> memref<1x64x768xf32, #tpu.memory_space<vmem>>
    %dma_wait3A_951 = tpu.memref_squeeze %dma_wait3A_950 : memref<1x64x768xf32, #tpu.memory_space<vmem>> -> memref<64x768xf32, #tpu.memory_space<vmem>>
    %dma_wait3A_952 = arith.constant 0 : i32
    %dma_wait3A_953 = tpu.memref_slice %arg7[%dma_wait3A_946, %dma_wait3A_952] : memref<2x64xi32, #tpu.memory_space<vmem>> -> memref<1x64xi32, #tpu.memory_space<vmem>>
    %dma_wait3A_954 = tpu.memref_squeeze %dma_wait3A_953 : memref<1x64xi32, #tpu.memory_space<vmem>> -> memref<64xi32, #tpu.memory_space<vmem>>
    %dma_wait3A_955 = arith.constant 0 : i32
    %dma_wait3A_956 = arith.constant 0 : i32
    %dma_wait3A_957 = tpu.memref_slice %arg2[%dma_wait3A_955, %dma_wait3A_956] : memref<32768x768xf32, #tpu.memory_space<hbm>> -> memref<32768x768xf32, #tpu.memory_space<hbm>>
    tpu.wait_indirect_dma semaphore(%arg11 : memref<!tpu.dma_semaphore, #tpu.memory_space<semaphore_mem>>) src(%dma_wait3A_957 : memref<32768x768xf32, #tpu.memory_space<hbm>>) dst(%dma_wait3A_951 : memref<64x768xf32, #tpu.memory_space<vmem>>)
    %dma_wait3A_958 = arith.constant 1 : i32
    %dma_wait3A_959 = arith.constant 1 : i32
    %dma_wait3A_960 = arith.constant 0 : i32
    %dma_wait3A_961 = arith.constant 0 : i32
    %dma_wait3A_962 = tpu.memref_slice %arg9[%dma_wait3A_959, %dma_wait3A_960, %dma_wait3A_961] : memref<2x64x128xf32, #tpu.memory_space<vmem>> -> memref<1x64x128xf32, #tpu.memory_space<vmem>>
    %dma_wait3A_963 = tpu.memref_squeeze %dma_wait3A_962 : memref<1x64x128xf32, #tpu.memory_space<vmem>> -> memref<64x128xf32, #tpu.memory_space<vmem>>
    %dma_wait3A_964 = arith.constant 0 : i32
    %dma_wait3A_965 = tpu.memref_slice %arg7[%dma_wait3A_958, %dma_wait3A_964] : memref<2x64xi32, #tpu.memory_space<vmem>> -> memref<1x64xi32, #tpu.memory_space<vmem>>
    %dma_wait3A_966 = tpu.memref_squeeze %dma_wait3A_965 : memref<1x64xi32, #tpu.memory_space<vmem>> -> memref<64xi32, #tpu.memory_space<vmem>>
    %dma_wait3A_967 = arith.constant 0 : i32
    %dma_wait3A_968 = arith.constant 0 : i32
    %dma_wait3A_969 = tpu.memref_slice %arg3[%dma_wait3A_967, %dma_wait3A_968] : memref<32768x128xf32, #tpu.memory_space<hbm>> -> memref<32768x128xf32, #tpu.memory_space<hbm>>
    tpu.wait_indirect_dma semaphore(%arg13 : memref<!tpu.dma_semaphore, #tpu.memory_space<semaphore_mem>>) src(%dma_wait3A_969 : memref<32768x128xf32, #tpu.memory_space<hbm>>) dst(%dma_wait3A_963 : memref<64x128xf32, #tpu.memory_space<vmem>>)
    %add3A_970 = arith.constant 576 : i32
    %add3A_971 = arith.addi %mul3A_2, %add3A_970 : i32
    %dma_start3A_972 = arith.constant 1 : i32
    %dma_start3A_973 = arith.constant 0 : i32
    %dma_start3A_974 = arith.constant 0 : i32
    %dma_start3A_975 = tpu.memref_slice %arg8[%dma_start3A_972, %dma_start3A_973, %dma_start3A_974] : memref<2x64x768xf32, #tpu.memory_space<vmem>> -> memref<1x64x768xf32, #tpu.memory_space<vmem>>
    %dma_start3A_976 = tpu.memref_squeeze %dma_start3A_975 : memref<1x64x768xf32, #tpu.memory_space<vmem>> -> memref<64x768xf32, #tpu.memory_space<vmem>>
    %dma_start3A_977 = arith.constant 0 : i32
    %dma_start3A_978 = tpu.memref_slice %arg5[%add3A_971, %dma_start3A_977] : memref<32768x768xf32, #tpu.memory_space<hbm>> -> memref<64x768xf32, #tpu.memory_space<hbm>>
    %dma_start3A_979 = arith.constant 0 : i32
    %dma_start3A_980 = tpu.memref_slice %arg5[%add3A_971, %dma_start3A_979] : memref<32768x768xf32, #tpu.memory_space<hbm>> -> memref<64x768xf32, #tpu.memory_space<hbm>>
    %dma_start3A_981 = arith.constant 0 : i32
    %dma_start3A_982 = arith.constant 0 : i32
    %dma_start3A_983 = tpu.memref_slice %arg8[%dma_start3A_972, %dma_start3A_981, %dma_start3A_982] : memref<2x64x768xf32, #tpu.memory_space<vmem>> -> memref<1x64x768xf32, #tpu.memory_space<vmem>>
    %dma_start3A_984 = tpu.memref_squeeze %dma_start3A_983 : memref<1x64x768xf32, #tpu.memory_space<vmem>> -> memref<64x768xf32, #tpu.memory_space<vmem>>
    tpu.enqueue_dma source(%dma_start3A_984 : memref<64x768xf32, #tpu.memory_space<vmem>>) target(%dma_start3A_980 : memref<64x768xf32, #tpu.memory_space<hbm>>) target_semaphore(%arg15 : memref<!tpu.dma_semaphore, #tpu.memory_space<semaphore_mem>>)
    %dma_start3A_985 = arith.constant 1 : i32
    %dma_start3A_986 = arith.constant 0 : i32
    %dma_start3A_987 = arith.constant 0 : i32
    %dma_start3A_988 = tpu.memref_slice %arg9[%dma_start3A_985, %dma_start3A_986, %dma_start3A_987] : memref<2x64x128xf32, #tpu.memory_space<vmem>> -> memref<1x64x128xf32, #tpu.memory_space<vmem>>
    %dma_start3A_989 = tpu.memref_squeeze %dma_start3A_988 : memref<1x64x128xf32, #tpu.memory_space<vmem>> -> memref<64x128xf32, #tpu.memory_space<vmem>>
    %dma_start3A_990 = arith.constant 0 : i32
    %dma_start3A_991 = tpu.memref_slice %arg6[%add3A_971, %dma_start3A_990] : memref<32768x128xf32, #tpu.memory_space<hbm>> -> memref<64x128xf32, #tpu.memory_space<hbm>>
    %dma_start3A_992 = arith.constant 0 : i32
    %dma_start3A_993 = tpu.memref_slice %arg6[%add3A_971, %dma_start3A_992] : memref<32768x128xf32, #tpu.memory_space<hbm>> -> memref<64x128xf32, #tpu.memory_space<hbm>>
    %dma_start3A_994 = arith.constant 0 : i32
    %dma_start3A_995 = arith.constant 0 : i32
    %dma_start3A_996 = tpu.memref_slice %arg9[%dma_start3A_985, %dma_start3A_994, %dma_start3A_995] : memref<2x64x128xf32, #tpu.memory_space<vmem>> -> memref<1x64x128xf32, #tpu.memory_space<vmem>>
    %dma_start3A_997 = tpu.memref_squeeze %dma_start3A_996 : memref<1x64x128xf32, #tpu.memory_space<vmem>> -> memref<64x128xf32, #tpu.memory_space<vmem>>
    tpu.enqueue_dma source(%dma_start3A_997 : memref<64x128xf32, #tpu.memory_space<vmem>>) target(%dma_start3A_993 : memref<64x128xf32, #tpu.memory_space<hbm>>) target_semaphore(%arg17 : memref<!tpu.dma_semaphore, #tpu.memory_space<semaphore_mem>>)
    %dma_wait3A_998 = arith.constant 0 : i32
    %dma_wait3A_999 = arith.constant 0 : i32
    %dma_wait3A_1000 = arith.constant 0 : i32
    %dma_wait3A_1001 = tpu.memref_slice %arg8[%dma_wait3A_998, %dma_wait3A_999, %dma_wait3A_1000] : memref<2x64x768xf32, #tpu.memory_space<vmem>> -> memref<1x64x768xf32, #tpu.memory_space<vmem>>
    %dma_wait3A_1002 = tpu.memref_squeeze %dma_wait3A_1001 : memref<1x64x768xf32, #tpu.memory_space<vmem>> -> memref<64x768xf32, #tpu.memory_space<vmem>>
    %dma_wait3A_1003 = arith.constant 0 : i32
    %dma_wait3A_1004 = tpu.memref_slice %arg5[%add3A_866, %dma_wait3A_1003] : memref<32768x768xf32, #tpu.memory_space<hbm>> -> memref<64x768xf32, #tpu.memory_space<hbm>>
    %dma_wait3A_1005 = arith.constant 0 : i32
    %dma_wait3A_1006 = tpu.memref_slice %arg5[%add3A_866, %dma_wait3A_1005] : memref<32768x768xf32, #tpu.memory_space<hbm>> -> memref<64x768xf32, #tpu.memory_space<hbm>>
    %dma_wait3A_1007 = arith.constant 0 : i32
    %dma_wait3A_1008 = arith.constant 0 : i32
    %dma_wait3A_1009 = tpu.memref_slice %arg8[%dma_wait3A_998, %dma_wait3A_1007, %dma_wait3A_1008] : memref<2x64x768xf32, #tpu.memory_space<vmem>> -> memref<1x64x768xf32, #tpu.memory_space<vmem>>
    %dma_wait3A_1010 = tpu.memref_squeeze %dma_wait3A_1009 : memref<1x64x768xf32, #tpu.memory_space<vmem>> -> memref<64x768xf32, #tpu.memory_space<vmem>>
    tpu.wait_dma2 semaphore(%arg14 : memref<!tpu.dma_semaphore, #tpu.memory_space<semaphore_mem>>) src(%dma_wait3A_1010 : memref<64x768xf32, #tpu.memory_space<vmem>>) dst(%dma_wait3A_1006 : memref<64x768xf32, #tpu.memory_space<hbm>>)
    %dma_wait3A_1011 = arith.constant 0 : i32
    %dma_wait3A_1012 = arith.constant 0 : i32
    %dma_wait3A_1013 = arith.constant 0 : i32
    %dma_wait3A_1014 = tpu.memref_slice %arg9[%dma_wait3A_1011, %dma_wait3A_1012, %dma_wait3A_1013] : memref<2x64x128xf32, #tpu.memory_space<vmem>> -> memref<1x64x128xf32, #tpu.memory_space<vmem>>
    %dma_wait3A_1015 = tpu.memref_squeeze %dma_wait3A_1014 : memref<1x64x128xf32, #tpu.memory_space<vmem>> -> memref<64x128xf32, #tpu.memory_space<vmem>>
    %dma_wait3A_1016 = arith.constant 0 : i32
    %dma_wait3A_1017 = tpu.memref_slice %arg6[%add3A_866, %dma_wait3A_1016] : memref<32768x128xf32, #tpu.memory_space<hbm>> -> memref<64x128xf32, #tpu.memory_space<hbm>>
    %dma_wait3A_1018 = arith.constant 0 : i32
    %dma_wait3A_1019 = tpu.memref_slice %arg6[%add3A_866, %dma_wait3A_1018] : memref<32768x128xf32, #tpu.memory_space<hbm>> -> memref<64x128xf32, #tpu.memory_space<hbm>>
    %dma_wait3A_1020 = arith.constant 0 : i32
    %dma_wait3A_1021 = arith.constant 0 : i32
    %dma_wait3A_1022 = tpu.memref_slice %arg9[%dma_wait3A_1011, %dma_wait3A_1020, %dma_wait3A_1021] : memref<2x64x128xf32, #tpu.memory_space<vmem>> -> memref<1x64x128xf32, #tpu.memory_space<vmem>>
    %dma_wait3A_1023 = tpu.memref_squeeze %dma_wait3A_1022 : memref<1x64x128xf32, #tpu.memory_space<vmem>> -> memref<64x128xf32, #tpu.memory_space<vmem>>
    tpu.wait_dma2 semaphore(%arg16 : memref<!tpu.dma_semaphore, #tpu.memory_space<semaphore_mem>>) src(%dma_wait3A_1023 : memref<64x128xf32, #tpu.memory_space<vmem>>) dst(%dma_wait3A_1019 : memref<64x128xf32, #tpu.memory_space<hbm>>)
    %add3A_1024 = arith.constant 640 : i32
    %add3A_1025 = arith.addi %mul3A_2, %add3A_1024 : i32
    %run_scoped3A_1026 = arith.constant 0 : i32
    "tpu.region"() ({
      %run_scoped3A_1654 = tpu.sem_alloc : memref<!tpu.dma_semaphore, #tpu.memory_space<semaphore_mem>>
      %dma_start3A_1655 = arith.constant 0 : i32
      %dma_start3A_1656 = tpu.memref_slice %arg7[%run_scoped3A_1026, %dma_start3A_1655] : memref<2x64xi32, #tpu.memory_space<vmem>> -> memref<1x64xi32, #tpu.memory_space<vmem>>
      %dma_start3A_1657 = tpu.memref_squeeze %dma_start3A_1656 : memref<1x64xi32, #tpu.memory_space<vmem>> -> memref<64xi32, #tpu.memory_space<vmem>>
      %dma_start3A_1658 = tpu.memref_slice %arg4[%add3A_1025] : memref<32768xi32, #tpu.memory_space<hbm>> -> memref<64xi32, #tpu.memory_space<hbm>>
      %dma_start3A_1659 = arith.constant 0 : i32
      %dma_start3A_1660 = tpu.memref_slice %arg7[%run_scoped3A_1026, %dma_start3A_1659] : memref<2x64xi32, #tpu.memory_space<vmem>> -> memref<1x64xi32, #tpu.memory_space<vmem>>
      %dma_start3A_1661 = tpu.memref_squeeze %dma_start3A_1660 : memref<1x64xi32, #tpu.memory_space<vmem>> -> memref<64xi32, #tpu.memory_space<vmem>>
      %dma_start3A_1662 = tpu.memref_slice %arg4[%add3A_1025] : memref<32768xi32, #tpu.memory_space<hbm>> -> memref<64xi32, #tpu.memory_space<hbm>>
      tpu.enqueue_dma source(%dma_start3A_1662 : memref<64xi32, #tpu.memory_space<hbm>>) target(%dma_start3A_1661 : memref<64xi32, #tpu.memory_space<vmem>>) target_semaphore(%run_scoped3A_1654 : memref<!tpu.dma_semaphore, #tpu.memory_space<semaphore_mem>>)
      %dma_wait3A_1663 = arith.constant 0 : i32
      %dma_wait3A_1664 = tpu.memref_slice %arg7[%run_scoped3A_1026, %dma_wait3A_1663] : memref<2x64xi32, #tpu.memory_space<vmem>> -> memref<1x64xi32, #tpu.memory_space<vmem>>
      %dma_wait3A_1665 = tpu.memref_squeeze %dma_wait3A_1664 : memref<1x64xi32, #tpu.memory_space<vmem>> -> memref<64xi32, #tpu.memory_space<vmem>>
      %dma_wait3A_1666 = tpu.memref_slice %arg4[%add3A_1025] : memref<32768xi32, #tpu.memory_space<hbm>> -> memref<64xi32, #tpu.memory_space<hbm>>
      %dma_wait3A_1667 = arith.constant 0 : i32
      %dma_wait3A_1668 = tpu.memref_slice %arg7[%run_scoped3A_1026, %dma_wait3A_1667] : memref<2x64xi32, #tpu.memory_space<vmem>> -> memref<1x64xi32, #tpu.memory_space<vmem>>
      %dma_wait3A_1669 = tpu.memref_squeeze %dma_wait3A_1668 : memref<1x64xi32, #tpu.memory_space<vmem>> -> memref<64xi32, #tpu.memory_space<vmem>>
      %dma_wait3A_1670 = tpu.memref_slice %arg4[%add3A_1025] : memref<32768xi32, #tpu.memory_space<hbm>> -> memref<64xi32, #tpu.memory_space<hbm>>
      tpu.wait_dma2 semaphore(%run_scoped3A_1654 : memref<!tpu.dma_semaphore, #tpu.memory_space<semaphore_mem>>) src(%dma_wait3A_1670 : memref<64xi32, #tpu.memory_space<hbm>>) dst(%dma_wait3A_1669 : memref<64xi32, #tpu.memory_space<vmem>>)
      tpu.yield
    }) : () -> ()
    %dma_start3A_1027 = arith.constant 0 : i32
    %dma_start3A_1028 = arith.constant 0 : i32
    %dma_start3A_1029 = arith.constant 0 : i32
    %dma_start3A_1030 = arith.constant 0 : i32
    %dma_start3A_1031 = tpu.memref_slice %arg8[%dma_start3A_1028, %dma_start3A_1029, %dma_start3A_1030] : memref<2x64x768xf32, #tpu.memory_space<vmem>> -> memref<1x64x768xf32, #tpu.memory_space<vmem>>
    %dma_start3A_1032 = tpu.memref_squeeze %dma_start3A_1031 : memref<1x64x768xf32, #tpu.memory_space<vmem>> -> memref<64x768xf32, #tpu.memory_space<vmem>>
    %dma_start3A_1033 = arith.constant 0 : i32
    %dma_start3A_1034 = tpu.memref_slice %arg7[%dma_start3A_1027, %dma_start3A_1033] : memref<2x64xi32, #tpu.memory_space<vmem>> -> memref<1x64xi32, #tpu.memory_space<vmem>>
    %dma_start3A_1035 = tpu.memref_squeeze %dma_start3A_1034 : memref<1x64xi32, #tpu.memory_space<vmem>> -> memref<64xi32, #tpu.memory_space<vmem>>
    %dma_start3A_1036 = arith.constant 0 : i32
    %dma_start3A_1037 = arith.constant 0 : i32
    %dma_start3A_1038 = tpu.memref_slice %arg2[%dma_start3A_1036, %dma_start3A_1037] : memref<32768x768xf32, #tpu.memory_space<hbm>> -> memref<32768x768xf32, #tpu.memory_space<hbm>>
    tpu.enqueue_indirect_dma source(%dma_start3A_1038 : memref<32768x768xf32, #tpu.memory_space<hbm>>) target(%dma_start3A_1032 : memref<64x768xf32, #tpu.memory_space<vmem>>) offsets(%dma_start3A_1035 : memref<64xi32, #tpu.memory_space<vmem>>) semaphore(%arg10 : memref<!tpu.dma_semaphore, #tpu.memory_space<semaphore_mem>>)
    %dma_start3A_1039 = arith.constant 0 : i32
    %dma_start3A_1040 = arith.constant 0 : i32
    %dma_start3A_1041 = arith.constant 0 : i32
    %dma_start3A_1042 = arith.constant 0 : i32
    %dma_start3A_1043 = tpu.memref_slice %arg9[%dma_start3A_1040, %dma_start3A_1041, %dma_start3A_1042] : memref<2x64x128xf32, #tpu.memory_space<vmem>> -> memref<1x64x128xf32, #tpu.memory_space<vmem>>
    %dma_start3A_1044 = tpu.memref_squeeze %dma_start3A_1043 : memref<1x64x128xf32, #tpu.memory_space<vmem>> -> memref<64x128xf32, #tpu.memory_space<vmem>>
    %dma_start3A_1045 = arith.constant 0 : i32
    %dma_start3A_1046 = tpu.memref_slice %arg7[%dma_start3A_1039, %dma_start3A_1045] : memref<2x64xi32, #tpu.memory_space<vmem>> -> memref<1x64xi32, #tpu.memory_space<vmem>>
    %dma_start3A_1047 = tpu.memref_squeeze %dma_start3A_1046 : memref<1x64xi32, #tpu.memory_space<vmem>> -> memref<64xi32, #tpu.memory_space<vmem>>
    %dma_start3A_1048 = arith.constant 0 : i32
    %dma_start3A_1049 = arith.constant 0 : i32
    %dma_start3A_1050 = tpu.memref_slice %arg3[%dma_start3A_1048, %dma_start3A_1049] : memref<32768x128xf32, #tpu.memory_space<hbm>> -> memref<32768x128xf32, #tpu.memory_space<hbm>>
    tpu.enqueue_indirect_dma source(%dma_start3A_1050 : memref<32768x128xf32, #tpu.memory_space<hbm>>) target(%dma_start3A_1044 : memref<64x128xf32, #tpu.memory_space<vmem>>) offsets(%dma_start3A_1047 : memref<64xi32, #tpu.memory_space<vmem>>) semaphore(%arg12 : memref<!tpu.dma_semaphore, #tpu.memory_space<semaphore_mem>>)
    %dma_wait3A_1051 = arith.constant 0 : i32
    %dma_wait3A_1052 = arith.constant 0 : i32
    %dma_wait3A_1053 = arith.constant 0 : i32
    %dma_wait3A_1054 = arith.constant 0 : i32
    %dma_wait3A_1055 = tpu.memref_slice %arg8[%dma_wait3A_1052, %dma_wait3A_1053, %dma_wait3A_1054] : memref<2x64x768xf32, #tpu.memory_space<vmem>> -> memref<1x64x768xf32, #tpu.memory_space<vmem>>
    %dma_wait3A_1056 = tpu.memref_squeeze %dma_wait3A_1055 : memref<1x64x768xf32, #tpu.memory_space<vmem>> -> memref<64x768xf32, #tpu.memory_space<vmem>>
    %dma_wait3A_1057 = arith.constant 0 : i32
    %dma_wait3A_1058 = tpu.memref_slice %arg7[%dma_wait3A_1051, %dma_wait3A_1057] : memref<2x64xi32, #tpu.memory_space<vmem>> -> memref<1x64xi32, #tpu.memory_space<vmem>>
    %dma_wait3A_1059 = tpu.memref_squeeze %dma_wait3A_1058 : memref<1x64xi32, #tpu.memory_space<vmem>> -> memref<64xi32, #tpu.memory_space<vmem>>
    %dma_wait3A_1060 = arith.constant 0 : i32
    %dma_wait3A_1061 = arith.constant 0 : i32
    %dma_wait3A_1062 = tpu.memref_slice %arg2[%dma_wait3A_1060, %dma_wait3A_1061] : memref<32768x768xf32, #tpu.memory_space<hbm>> -> memref<32768x768xf32, #tpu.memory_space<hbm>>
    tpu.wait_indirect_dma semaphore(%arg10 : memref<!tpu.dma_semaphore, #tpu.memory_space<semaphore_mem>>) src(%dma_wait3A_1062 : memref<32768x768xf32, #tpu.memory_space<hbm>>) dst(%dma_wait3A_1056 : memref<64x768xf32, #tpu.memory_space<vmem>>)
    %dma_wait3A_1063 = arith.constant 0 : i32
    %dma_wait3A_1064 = arith.constant 0 : i32
    %dma_wait3A_1065 = arith.constant 0 : i32
    %dma_wait3A_1066 = arith.constant 0 : i32
    %dma_wait3A_1067 = tpu.memref_slice %arg9[%dma_wait3A_1064, %dma_wait3A_1065, %dma_wait3A_1066] : memref<2x64x128xf32, #tpu.memory_space<vmem>> -> memref<1x64x128xf32, #tpu.memory_space<vmem>>
    %dma_wait3A_1068 = tpu.memref_squeeze %dma_wait3A_1067 : memref<1x64x128xf32, #tpu.memory_space<vmem>> -> memref<64x128xf32, #tpu.memory_space<vmem>>
    %dma_wait3A_1069 = arith.constant 0 : i32
    %dma_wait3A_1070 = tpu.memref_slice %arg7[%dma_wait3A_1063, %dma_wait3A_1069] : memref<2x64xi32, #tpu.memory_space<vmem>> -> memref<1x64xi32, #tpu.memory_space<vmem>>
    %dma_wait3A_1071 = tpu.memref_squeeze %dma_wait3A_1070 : memref<1x64xi32, #tpu.memory_space<vmem>> -> memref<64xi32, #tpu.memory_space<vmem>>
    %dma_wait3A_1072 = arith.constant 0 : i32
    %dma_wait3A_1073 = arith.constant 0 : i32
    %dma_wait3A_1074 = tpu.memref_slice %arg3[%dma_wait3A_1072, %dma_wait3A_1073] : memref<32768x128xf32, #tpu.memory_space<hbm>> -> memref<32768x128xf32, #tpu.memory_space<hbm>>
    tpu.wait_indirect_dma semaphore(%arg12 : memref<!tpu.dma_semaphore, #tpu.memory_space<semaphore_mem>>) src(%dma_wait3A_1074 : memref<32768x128xf32, #tpu.memory_space<hbm>>) dst(%dma_wait3A_1068 : memref<64x128xf32, #tpu.memory_space<vmem>>)
    %add3A_1075 = arith.constant 640 : i32
    %add3A_1076 = arith.addi %mul3A_2, %add3A_1075 : i32
    %dma_start3A_1077 = arith.constant 0 : i32
    %dma_start3A_1078 = arith.constant 0 : i32
    %dma_start3A_1079 = arith.constant 0 : i32
    %dma_start3A_1080 = tpu.memref_slice %arg8[%dma_start3A_1077, %dma_start3A_1078, %dma_start3A_1079] : memref<2x64x768xf32, #tpu.memory_space<vmem>> -> memref<1x64x768xf32, #tpu.memory_space<vmem>>
    %dma_start3A_1081 = tpu.memref_squeeze %dma_start3A_1080 : memref<1x64x768xf32, #tpu.memory_space<vmem>> -> memref<64x768xf32, #tpu.memory_space<vmem>>
    %dma_start3A_1082 = arith.constant 0 : i32
    %dma_start3A_1083 = tpu.memref_slice %arg5[%add3A_1076, %dma_start3A_1082] : memref<32768x768xf32, #tpu.memory_space<hbm>> -> memref<64x768xf32, #tpu.memory_space<hbm>>
    %dma_start3A_1084 = arith.constant 0 : i32
    %dma_start3A_1085 = tpu.memref_slice %arg5[%add3A_1076, %dma_start3A_1084] : memref<32768x768xf32, #tpu.memory_space<hbm>> -> memref<64x768xf32, #tpu.memory_space<hbm>>
    %dma_start3A_1086 = arith.constant 0 : i32
    %dma_start3A_1087 = arith.constant 0 : i32
    %dma_start3A_1088 = tpu.memref_slice %arg8[%dma_start3A_1077, %dma_start3A_1086, %dma_start3A_1087] : memref<2x64x768xf32, #tpu.memory_space<vmem>> -> memref<1x64x768xf32, #tpu.memory_space<vmem>>
    %dma_start3A_1089 = tpu.memref_squeeze %dma_start3A_1088 : memref<1x64x768xf32, #tpu.memory_space<vmem>> -> memref<64x768xf32, #tpu.memory_space<vmem>>
    tpu.enqueue_dma source(%dma_start3A_1089 : memref<64x768xf32, #tpu.memory_space<vmem>>) target(%dma_start3A_1085 : memref<64x768xf32, #tpu.memory_space<hbm>>) target_semaphore(%arg14 : memref<!tpu.dma_semaphore, #tpu.memory_space<semaphore_mem>>)
    %dma_start3A_1090 = arith.constant 0 : i32
    %dma_start3A_1091 = arith.constant 0 : i32
    %dma_start3A_1092 = arith.constant 0 : i32
    %dma_start3A_1093 = tpu.memref_slice %arg9[%dma_start3A_1090, %dma_start3A_1091, %dma_start3A_1092] : memref<2x64x128xf32, #tpu.memory_space<vmem>> -> memref<1x64x128xf32, #tpu.memory_space<vmem>>
    %dma_start3A_1094 = tpu.memref_squeeze %dma_start3A_1093 : memref<1x64x128xf32, #tpu.memory_space<vmem>> -> memref<64x128xf32, #tpu.memory_space<vmem>>
    %dma_start3A_1095 = arith.constant 0 : i32
    %dma_start3A_1096 = tpu.memref_slice %arg6[%add3A_1076, %dma_start3A_1095] : memref<32768x128xf32, #tpu.memory_space<hbm>> -> memref<64x128xf32, #tpu.memory_space<hbm>>
    %dma_start3A_1097 = arith.constant 0 : i32
    %dma_start3A_1098 = tpu.memref_slice %arg6[%add3A_1076, %dma_start3A_1097] : memref<32768x128xf32, #tpu.memory_space<hbm>> -> memref<64x128xf32, #tpu.memory_space<hbm>>
    %dma_start3A_1099 = arith.constant 0 : i32
    %dma_start3A_1100 = arith.constant 0 : i32
    %dma_start3A_1101 = tpu.memref_slice %arg9[%dma_start3A_1090, %dma_start3A_1099, %dma_start3A_1100] : memref<2x64x128xf32, #tpu.memory_space<vmem>> -> memref<1x64x128xf32, #tpu.memory_space<vmem>>
    %dma_start3A_1102 = tpu.memref_squeeze %dma_start3A_1101 : memref<1x64x128xf32, #tpu.memory_space<vmem>> -> memref<64x128xf32, #tpu.memory_space<vmem>>
    tpu.enqueue_dma source(%dma_start3A_1102 : memref<64x128xf32, #tpu.memory_space<vmem>>) target(%dma_start3A_1098 : memref<64x128xf32, #tpu.memory_space<hbm>>) target_semaphore(%arg16 : memref<!tpu.dma_semaphore, #tpu.memory_space<semaphore_mem>>)
    %dma_wait3A_1103 = arith.constant 1 : i32
    %dma_wait3A_1104 = arith.constant 0 : i32
    %dma_wait3A_1105 = arith.constant 0 : i32
    %dma_wait3A_1106 = tpu.memref_slice %arg8[%dma_wait3A_1103, %dma_wait3A_1104, %dma_wait3A_1105] : memref<2x64x768xf32, #tpu.memory_space<vmem>> -> memref<1x64x768xf32, #tpu.memory_space<vmem>>
    %dma_wait3A_1107 = tpu.memref_squeeze %dma_wait3A_1106 : memref<1x64x768xf32, #tpu.memory_space<vmem>> -> memref<64x768xf32, #tpu.memory_space<vmem>>
    %dma_wait3A_1108 = arith.constant 0 : i32
    %dma_wait3A_1109 = tpu.memref_slice %arg5[%add3A_971, %dma_wait3A_1108] : memref<32768x768xf32, #tpu.memory_space<hbm>> -> memref<64x768xf32, #tpu.memory_space<hbm>>
    %dma_wait3A_1110 = arith.constant 0 : i32
    %dma_wait3A_1111 = tpu.memref_slice %arg5[%add3A_971, %dma_wait3A_1110] : memref<32768x768xf32, #tpu.memory_space<hbm>> -> memref<64x768xf32, #tpu.memory_space<hbm>>
    %dma_wait3A_1112 = arith.constant 0 : i32
    %dma_wait3A_1113 = arith.constant 0 : i32
    %dma_wait3A_1114 = tpu.memref_slice %arg8[%dma_wait3A_1103, %dma_wait3A_1112, %dma_wait3A_1113] : memref<2x64x768xf32, #tpu.memory_space<vmem>> -> memref<1x64x768xf32, #tpu.memory_space<vmem>>
    %dma_wait3A_1115 = tpu.memref_squeeze %dma_wait3A_1114 : memref<1x64x768xf32, #tpu.memory_space<vmem>> -> memref<64x768xf32, #tpu.memory_space<vmem>>
    tpu.wait_dma2 semaphore(%arg15 : memref<!tpu.dma_semaphore, #tpu.memory_space<semaphore_mem>>) src(%dma_wait3A_1115 : memref<64x768xf32, #tpu.memory_space<vmem>>) dst(%dma_wait3A_1111 : memref<64x768xf32, #tpu.memory_space<hbm>>)
    %dma_wait3A_1116 = arith.constant 1 : i32
    %dma_wait3A_1117 = arith.constant 0 : i32
    %dma_wait3A_1118 = arith.constant 0 : i32
    %dma_wait3A_1119 = tpu.memref_slice %arg9[%dma_wait3A_1116, %dma_wait3A_1117, %dma_wait3A_1118] : memref<2x64x128xf32, #tpu.memory_space<vmem>> -> memref<1x64x128xf32, #tpu.memory_space<vmem>>
    %dma_wait3A_1120 = tpu.memref_squeeze %dma_wait3A_1119 : memref<1x64x128xf32, #tpu.memory_space<vmem>> -> memref<64x128xf32, #tpu.memory_space<vmem>>
    %dma_wait3A_1121 = arith.constant 0 : i32
    %dma_wait3A_1122 = tpu.memref_slice %arg6[%add3A_971, %dma_wait3A_1121] : memref<32768x128xf32, #tpu.memory_space<hbm>> -> memref<64x128xf32, #tpu.memory_space<hbm>>
    %dma_wait3A_1123 = arith.constant 0 : i32
    %dma_wait3A_1124 = tpu.memref_slice %arg6[%add3A_971, %dma_wait3A_1123] : memref<32768x128xf32, #tpu.memory_space<hbm>> -> memref<64x128xf32, #tpu.memory_space<hbm>>
    %dma_wait3A_1125 = arith.constant 0 : i32
    %dma_wait3A_1126 = arith.constant 0 : i32
    %dma_wait3A_1127 = tpu.memref_slice %arg9[%dma_wait3A_1116, %dma_wait3A_1125, %dma_wait3A_1126] : memref<2x64x128xf32, #tpu.memory_space<vmem>> -> memref<1x64x128xf32, #tpu.memory_space<vmem>>
    %dma_wait3A_1128 = tpu.memref_squeeze %dma_wait3A_1127 : memref<1x64x128xf32, #tpu.memory_space<vmem>> -> memref<64x128xf32, #tpu.memory_space<vmem>>
    tpu.wait_dma2 semaphore(%arg17 : memref<!tpu.dma_semaphore, #tpu.memory_space<semaphore_mem>>) src(%dma_wait3A_1128 : memref<64x128xf32, #tpu.memory_space<vmem>>) dst(%dma_wait3A_1124 : memref<64x128xf32, #tpu.memory_space<hbm>>)
    %add3A_1129 = arith.constant 704 : i32
    %add3A_1130 = arith.addi %mul3A_2, %add3A_1129 : i32
    %run_scoped3A_1131 = arith.constant 1 : i32
    "tpu.region"() ({
      %run_scoped3A_1654 = tpu.sem_alloc : memref<!tpu.dma_semaphore, #tpu.memory_space<semaphore_mem>>
      %dma_start3A_1655 = arith.constant 0 : i32
      %dma_start3A_1656 = tpu.memref_slice %arg7[%run_scoped3A_1131, %dma_start3A_1655] : memref<2x64xi32, #tpu.memory_space<vmem>> -> memref<1x64xi32, #tpu.memory_space<vmem>>
      %dma_start3A_1657 = tpu.memref_squeeze %dma_start3A_1656 : memref<1x64xi32, #tpu.memory_space<vmem>> -> memref<64xi32, #tpu.memory_space<vmem>>
      %dma_start3A_1658 = tpu.memref_slice %arg4[%add3A_1130] : memref<32768xi32, #tpu.memory_space<hbm>> -> memref<64xi32, #tpu.memory_space<hbm>>
      %dma_start3A_1659 = arith.constant 0 : i32
      %dma_start3A_1660 = tpu.memref_slice %arg7[%run_scoped3A_1131, %dma_start3A_1659] : memref<2x64xi32, #tpu.memory_space<vmem>> -> memref<1x64xi32, #tpu.memory_space<vmem>>
      %dma_start3A_1661 = tpu.memref_squeeze %dma_start3A_1660 : memref<1x64xi32, #tpu.memory_space<vmem>> -> memref<64xi32, #tpu.memory_space<vmem>>
      %dma_start3A_1662 = tpu.memref_slice %arg4[%add3A_1130] : memref<32768xi32, #tpu.memory_space<hbm>> -> memref<64xi32, #tpu.memory_space<hbm>>
      tpu.enqueue_dma source(%dma_start3A_1662 : memref<64xi32, #tpu.memory_space<hbm>>) target(%dma_start3A_1661 : memref<64xi32, #tpu.memory_space<vmem>>) target_semaphore(%run_scoped3A_1654 : memref<!tpu.dma_semaphore, #tpu.memory_space<semaphore_mem>>)
      %dma_wait3A_1663 = arith.constant 0 : i32
      %dma_wait3A_1664 = tpu.memref_slice %arg7[%run_scoped3A_1131, %dma_wait3A_1663] : memref<2x64xi32, #tpu.memory_space<vmem>> -> memref<1x64xi32, #tpu.memory_space<vmem>>
      %dma_wait3A_1665 = tpu.memref_squeeze %dma_wait3A_1664 : memref<1x64xi32, #tpu.memory_space<vmem>> -> memref<64xi32, #tpu.memory_space<vmem>>
      %dma_wait3A_1666 = tpu.memref_slice %arg4[%add3A_1130] : memref<32768xi32, #tpu.memory_space<hbm>> -> memref<64xi32, #tpu.memory_space<hbm>>
      %dma_wait3A_1667 = arith.constant 0 : i32
      %dma_wait3A_1668 = tpu.memref_slice %arg7[%run_scoped3A_1131, %dma_wait3A_1667] : memref<2x64xi32, #tpu.memory_space<vmem>> -> memref<1x64xi32, #tpu.memory_space<vmem>>
      %dma_wait3A_1669 = tpu.memref_squeeze %dma_wait3A_1668 : memref<1x64xi32, #tpu.memory_space<vmem>> -> memref<64xi32, #tpu.memory_space<vmem>>
      %dma_wait3A_1670 = tpu.memref_slice %arg4[%add3A_1130] : memref<32768xi32, #tpu.memory_space<hbm>> -> memref<64xi32, #tpu.memory_space<hbm>>
      tpu.wait_dma2 semaphore(%run_scoped3A_1654 : memref<!tpu.dma_semaphore, #tpu.memory_space<semaphore_mem>>) src(%dma_wait3A_1670 : memref<64xi32, #tpu.memory_space<hbm>>) dst(%dma_wait3A_1669 : memref<64xi32, #tpu.memory_space<vmem>>)
      tpu.yield
    }) : () -> ()
    %dma_start3A_1132 = arith.constant 1 : i32
    %dma_start3A_1133 = arith.constant 1 : i32
    %dma_start3A_1134 = arith.constant 0 : i32
    %dma_start3A_1135 = arith.constant 0 : i32
    %dma_start3A_1136 = tpu.memref_slice %arg8[%dma_start3A_1133, %dma_start3A_1134, %dma_start3A_1135] : memref<2x64x768xf32, #tpu.memory_space<vmem>> -> memref<1x64x768xf32, #tpu.memory_space<vmem>>
    %dma_start3A_1137 = tpu.memref_squeeze %dma_start3A_1136 : memref<1x64x768xf32, #tpu.memory_space<vmem>> -> memref<64x768xf32, #tpu.memory_space<vmem>>
    %dma_start3A_1138 = arith.constant 0 : i32
    %dma_start3A_1139 = tpu.memref_slice %arg7[%dma_start3A_1132, %dma_start3A_1138] : memref<2x64xi32, #tpu.memory_space<vmem>> -> memref<1x64xi32, #tpu.memory_space<vmem>>
    %dma_start3A_1140 = tpu.memref_squeeze %dma_start3A_1139 : memref<1x64xi32, #tpu.memory_space<vmem>> -> memref<64xi32, #tpu.memory_space<vmem>>
    %dma_start3A_1141 = arith.constant 0 : i32
    %dma_start3A_1142 = arith.constant 0 : i32
    %dma_start3A_1143 = tpu.memref_slice %arg2[%dma_start3A_1141, %dma_start3A_1142] : memref<32768x768xf32, #tpu.memory_space<hbm>> -> memref<32768x768xf32, #tpu.memory_space<hbm>>
    tpu.enqueue_indirect_dma source(%dma_start3A_1143 : memref<32768x768xf32, #tpu.memory_space<hbm>>) target(%dma_start3A_1137 : memref<64x768xf32, #tpu.memory_space<vmem>>) offsets(%dma_start3A_1140 : memref<64xi32, #tpu.memory_space<vmem>>) semaphore(%arg11 : memref<!tpu.dma_semaphore, #tpu.memory_space<semaphore_mem>>)
    %dma_start3A_1144 = arith.constant 1 : i32
    %dma_start3A_1145 = arith.constant 1 : i32
    %dma_start3A_1146 = arith.constant 0 : i32
    %dma_start3A_1147 = arith.constant 0 : i32
    %dma_start3A_1148 = tpu.memref_slice %arg9[%dma_start3A_1145, %dma_start3A_1146, %dma_start3A_1147] : memref<2x64x128xf32, #tpu.memory_space<vmem>> -> memref<1x64x128xf32, #tpu.memory_space<vmem>>
    %dma_start3A_1149 = tpu.memref_squeeze %dma_start3A_1148 : memref<1x64x128xf32, #tpu.memory_space<vmem>> -> memref<64x128xf32, #tpu.memory_space<vmem>>
    %dma_start3A_1150 = arith.constant 0 : i32
    %dma_start3A_1151 = tpu.memref_slice %arg7[%dma_start3A_1144, %dma_start3A_1150] : memref<2x64xi32, #tpu.memory_space<vmem>> -> memref<1x64xi32, #tpu.memory_space<vmem>>
    %dma_start3A_1152 = tpu.memref_squeeze %dma_start3A_1151 : memref<1x64xi32, #tpu.memory_space<vmem>> -> memref<64xi32, #tpu.memory_space<vmem>>
    %dma_start3A_1153 = arith.constant 0 : i32
    %dma_start3A_1154 = arith.constant 0 : i32
    %dma_start3A_1155 = tpu.memref_slice %arg3[%dma_start3A_1153, %dma_start3A_1154] : memref<32768x128xf32, #tpu.memory_space<hbm>> -> memref<32768x128xf32, #tpu.memory_space<hbm>>
    tpu.enqueue_indirect_dma source(%dma_start3A_1155 : memref<32768x128xf32, #tpu.memory_space<hbm>>) target(%dma_start3A_1149 : memref<64x128xf32, #tpu.memory_space<vmem>>) offsets(%dma_start3A_1152 : memref<64xi32, #tpu.memory_space<vmem>>) semaphore(%arg13 : memref<!tpu.dma_semaphore, #tpu.memory_space<semaphore_mem>>)
    %dma_wait3A_1156 = arith.constant 1 : i32
    %dma_wait3A_1157 = arith.constant 1 : i32
    %dma_wait3A_1158 = arith.constant 0 : i32
    %dma_wait3A_1159 = arith.constant 0 : i32
    %dma_wait3A_1160 = tpu.memref_slice %arg8[%dma_wait3A_1157, %dma_wait3A_1158, %dma_wait3A_1159] : memref<2x64x768xf32, #tpu.memory_space<vmem>> -> memref<1x64x768xf32, #tpu.memory_space<vmem>>
    %dma_wait3A_1161 = tpu.memref_squeeze %dma_wait3A_1160 : memref<1x64x768xf32, #tpu.memory_space<vmem>> -> memref<64x768xf32, #tpu.memory_space<vmem>>
    %dma_wait3A_1162 = arith.constant 0 : i32
    %dma_wait3A_1163 = tpu.memref_slice %arg7[%dma_wait3A_1156, %dma_wait3A_1162] : memref<2x64xi32, #tpu.memory_space<vmem>> -> memref<1x64xi32, #tpu.memory_space<vmem>>
    %dma_wait3A_1164 = tpu.memref_squeeze %dma_wait3A_1163 : memref<1x64xi32, #tpu.memory_space<vmem>> -> memref<64xi32, #tpu.memory_space<vmem>>
    %dma_wait3A_1165 = arith.constant 0 : i32
    %dma_wait3A_1166 = arith.constant 0 : i32
    %dma_wait3A_1167 = tpu.memref_slice %arg2[%dma_wait3A_1165, %dma_wait3A_1166] : memref<32768x768xf32, #tpu.memory_space<hbm>> -> memref<32768x768xf32, #tpu.memory_space<hbm>>
    tpu.wait_indirect_dma semaphore(%arg11 : memref<!tpu.dma_semaphore, #tpu.memory_space<semaphore_mem>>) src(%dma_wait3A_1167 : memref<32768x768xf32, #tpu.memory_space<hbm>>) dst(%dma_wait3A_1161 : memref<64x768xf32, #tpu.memory_space<vmem>>)
    %dma_wait3A_1168 = arith.constant 1 : i32
    %dma_wait3A_1169 = arith.constant 1 : i32
    %dma_wait3A_1170 = arith.constant 0 : i32
    %dma_wait3A_1171 = arith.constant 0 : i32
    %dma_wait3A_1172 = tpu.memref_slice %arg9[%dma_wait3A_1169, %dma_wait3A_1170, %dma_wait3A_1171] : memref<2x64x128xf32, #tpu.memory_space<vmem>> -> memref<1x64x128xf32, #tpu.memory_space<vmem>>
    %dma_wait3A_1173 = tpu.memref_squeeze %dma_wait3A_1172 : memref<1x64x128xf32, #tpu.memory_space<vmem>> -> memref<64x128xf32, #tpu.memory_space<vmem>>
    %dma_wait3A_1174 = arith.constant 0 : i32
    %dma_wait3A_1175 = tpu.memref_slice %arg7[%dma_wait3A_1168, %dma_wait3A_1174] : memref<2x64xi32, #tpu.memory_space<vmem>> -> memref<1x64xi32, #tpu.memory_space<vmem>>
    %dma_wait3A_1176 = tpu.memref_squeeze %dma_wait3A_1175 : memref<1x64xi32, #tpu.memory_space<vmem>> -> memref<64xi32, #tpu.memory_space<vmem>>
    %dma_wait3A_1177 = arith.constant 0 : i32
    %dma_wait3A_1178 = arith.constant 0 : i32
    %dma_wait3A_1179 = tpu.memref_slice %arg3[%dma_wait3A_1177, %dma_wait3A_1178] : memref<32768x128xf32, #tpu.memory_space<hbm>> -> memref<32768x128xf32, #tpu.memory_space<hbm>>
    tpu.wait_indirect_dma semaphore(%arg13 : memref<!tpu.dma_semaphore, #tpu.memory_space<semaphore_mem>>) src(%dma_wait3A_1179 : memref<32768x128xf32, #tpu.memory_space<hbm>>) dst(%dma_wait3A_1173 : memref<64x128xf32, #tpu.memory_space<vmem>>)
    %add3A_1180 = arith.constant 704 : i32
    %add3A_1181 = arith.addi %mul3A_2, %add3A_1180 : i32
    %dma_start3A_1182 = arith.constant 1 : i32
    %dma_start3A_1183 = arith.constant 0 : i32
    %dma_start3A_1184 = arith.constant 0 : i32
    %dma_start3A_1185 = tpu.memref_slice %arg8[%dma_start3A_1182, %dma_start3A_1183, %dma_start3A_1184] : memref<2x64x768xf32, #tpu.memory_space<vmem>> -> memref<1x64x768xf32, #tpu.memory_space<vmem>>
    %dma_start3A_1186 = tpu.memref_squeeze %dma_start3A_1185 : memref<1x64x768xf32, #tpu.memory_space<vmem>> -> memref<64x768xf32, #tpu.memory_space<vmem>>
    %dma_start3A_1187 = arith.constant 0 : i32
    %dma_start3A_1188 = tpu.memref_slice %arg5[%add3A_1181, %dma_start3A_1187] : memref<32768x768xf32, #tpu.memory_space<hbm>> -> memref<64x768xf32, #tpu.memory_space<hbm>>
    %dma_start3A_1189 = arith.constant 0 : i32
    %dma_start3A_1190 = tpu.memref_slice %arg5[%add3A_1181, %dma_start3A_1189] : memref<32768x768xf32, #tpu.memory_space<hbm>> -> memref<64x768xf32, #tpu.memory_space<hbm>>
    %dma_start3A_1191 = arith.constant 0 : i32
    %dma_start3A_1192 = arith.constant 0 : i32
    %dma_start3A_1193 = tpu.memref_slice %arg8[%dma_start3A_1182, %dma_start3A_1191, %dma_start3A_1192] : memref<2x64x768xf32, #tpu.memory_space<vmem>> -> memref<1x64x768xf32, #tpu.memory_space<vmem>>
    %dma_start3A_1194 = tpu.memref_squeeze %dma_start3A_1193 : memref<1x64x768xf32, #tpu.memory_space<vmem>> -> memref<64x768xf32, #tpu.memory_space<vmem>>
    tpu.enqueue_dma source(%dma_start3A_1194 : memref<64x768xf32, #tpu.memory_space<vmem>>) target(%dma_start3A_1190 : memref<64x768xf32, #tpu.memory_space<hbm>>) target_semaphore(%arg15 : memref<!tpu.dma_semaphore, #tpu.memory_space<semaphore_mem>>)
    %dma_start3A_1195 = arith.constant 1 : i32
    %dma_start3A_1196 = arith.constant 0 : i32
    %dma_start3A_1197 = arith.constant 0 : i32
    %dma_start3A_1198 = tpu.memref_slice %arg9[%dma_start3A_1195, %dma_start3A_1196, %dma_start3A_1197] : memref<2x64x128xf32, #tpu.memory_space<vmem>> -> memref<1x64x128xf32, #tpu.memory_space<vmem>>
    %dma_start3A_1199 = tpu.memref_squeeze %dma_start3A_1198 : memref<1x64x128xf32, #tpu.memory_space<vmem>> -> memref<64x128xf32, #tpu.memory_space<vmem>>
    %dma_start3A_1200 = arith.constant 0 : i32
    %dma_start3A_1201 = tpu.memref_slice %arg6[%add3A_1181, %dma_start3A_1200] : memref<32768x128xf32, #tpu.memory_space<hbm>> -> memref<64x128xf32, #tpu.memory_space<hbm>>
    %dma_start3A_1202 = arith.constant 0 : i32
    %dma_start3A_1203 = tpu.memref_slice %arg6[%add3A_1181, %dma_start3A_1202] : memref<32768x128xf32, #tpu.memory_space<hbm>> -> memref<64x128xf32, #tpu.memory_space<hbm>>
    %dma_start3A_1204 = arith.constant 0 : i32
    %dma_start3A_1205 = arith.constant 0 : i32
    %dma_start3A_1206 = tpu.memref_slice %arg9[%dma_start3A_1195, %dma_start3A_1204, %dma_start3A_1205] : memref<2x64x128xf32, #tpu.memory_space<vmem>> -> memref<1x64x128xf32, #tpu.memory_space<vmem>>
    %dma_start3A_1207 = tpu.memref_squeeze %dma_start3A_1206 : memref<1x64x128xf32, #tpu.memory_space<vmem>> -> memref<64x128xf32, #tpu.memory_space<vmem>>
    tpu.enqueue_dma source(%dma_start3A_1207 : memref<64x128xf32, #tpu.memory_space<vmem>>) target(%dma_start3A_1203 : memref<64x128xf32, #tpu.memory_space<hbm>>) target_semaphore(%arg17 : memref<!tpu.dma_semaphore, #tpu.memory_space<semaphore_mem>>)
    %dma_wait3A_1208 = arith.constant 0 : i32
    %dma_wait3A_1209 = arith.constant 0 : i32
    %dma_wait3A_1210 = arith.constant 0 : i32
    %dma_wait3A_1211 = tpu.memref_slice %arg8[%dma_wait3A_1208, %dma_wait3A_1209, %dma_wait3A_1210] : memref<2x64x768xf32, #tpu.memory_space<vmem>> -> memref<1x64x768xf32, #tpu.memory_space<vmem>>
    %dma_wait3A_1212 = tpu.memref_squeeze %dma_wait3A_1211 : memref<1x64x768xf32, #tpu.memory_space<vmem>> -> memref<64x768xf32, #tpu.memory_space<vmem>>
    %dma_wait3A_1213 = arith.constant 0 : i32
    %dma_wait3A_1214 = tpu.memref_slice %arg5[%add3A_1076, %dma_wait3A_1213] : memref<32768x768xf32, #tpu.memory_space<hbm>> -> memref<64x768xf32, #tpu.memory_space<hbm>>
    %dma_wait3A_1215 = arith.constant 0 : i32
    %dma_wait3A_1216 = tpu.memref_slice %arg5[%add3A_1076, %dma_wait3A_1215] : memref<32768x768xf32, #tpu.memory_space<hbm>> -> memref<64x768xf32, #tpu.memory_space<hbm>>
    %dma_wait3A_1217 = arith.constant 0 : i32
    %dma_wait3A_1218 = arith.constant 0 : i32
    %dma_wait3A_1219 = tpu.memref_slice %arg8[%dma_wait3A_1208, %dma_wait3A_1217, %dma_wait3A_1218] : memref<2x64x768xf32, #tpu.memory_space<vmem>> -> memref<1x64x768xf32, #tpu.memory_space<vmem>>
    %dma_wait3A_1220 = tpu.memref_squeeze %dma_wait3A_1219 : memref<1x64x768xf32, #tpu.memory_space<vmem>> -> memref<64x768xf32, #tpu.memory_space<vmem>>
    tpu.wait_dma2 semaphore(%arg14 : memref<!tpu.dma_semaphore, #tpu.memory_space<semaphore_mem>>) src(%dma_wait3A_1220 : memref<64x768xf32, #tpu.memory_space<vmem>>) dst(%dma_wait3A_1216 : memref<64x768xf32, #tpu.memory_space<hbm>>)
    %dma_wait3A_1221 = arith.constant 0 : i32
    %dma_wait3A_1222 = arith.constant 0 : i32
    %dma_wait3A_1223 = arith.constant 0 : i32
    %dma_wait3A_1224 = tpu.memref_slice %arg9[%dma_wait3A_1221, %dma_wait3A_1222, %dma_wait3A_1223] : memref<2x64x128xf32, #tpu.memory_space<vmem>> -> memref<1x64x128xf32, #tpu.memory_space<vmem>>
    %dma_wait3A_1225 = tpu.memref_squeeze %dma_wait3A_1224 : memref<1x64x128xf32, #tpu.memory_space<vmem>> -> memref<64x128xf32, #tpu.memory_space<vmem>>
    %dma_wait3A_1226 = arith.constant 0 : i32
    %dma_wait3A_1227 = tpu.memref_slice %arg6[%add3A_1076, %dma_wait3A_1226] : memref<32768x128xf32, #tpu.memory_space<hbm>> -> memref<64x128xf32, #tpu.memory_space<hbm>>
    %dma_wait3A_1228 = arith.constant 0 : i32
    %dma_wait3A_1229 = tpu.memref_slice %arg6[%add3A_1076, %dma_wait3A_1228] : memref<32768x128xf32, #tpu.memory_space<hbm>> -> memref<64x128xf32, #tpu.memory_space<hbm>>
    %dma_wait3A_1230 = arith.constant 0 : i32
    %dma_wait3A_1231 = arith.constant 0 : i32
    %dma_wait3A_1232 = tpu.memref_slice %arg9[%dma_wait3A_1221, %dma_wait3A_1230, %dma_wait3A_1231] : memref<2x64x128xf32, #tpu.memory_space<vmem>> -> memref<1x64x128xf32, #tpu.memory_space<vmem>>
    %dma_wait3A_1233 = tpu.memref_squeeze %dma_wait3A_1232 : memref<1x64x128xf32, #tpu.memory_space<vmem>> -> memref<64x128xf32, #tpu.memory_space<vmem>>
    tpu.wait_dma2 semaphore(%arg16 : memref<!tpu.dma_semaphore, #tpu.memory_space<semaphore_mem>>) src(%dma_wait3A_1233 : memref<64x128xf32, #tpu.memory_space<vmem>>) dst(%dma_wait3A_1229 : memref<64x128xf32, #tpu.memory_space<hbm>>)
    %add3A_1234 = arith.constant 768 : i32
    %add3A_1235 = arith.addi %mul3A_2, %add3A_1234 : i32
    %run_scoped3A_1236 = arith.constant 0 : i32
    "tpu.region"() ({
      %run_scoped3A_1654 = tpu.sem_alloc : memref<!tpu.dma_semaphore, #tpu.memory_space<semaphore_mem>>
      %dma_start3A_1655 = arith.constant 0 : i32
      %dma_start3A_1656 = tpu.memref_slice %arg7[%run_scoped3A_1236, %dma_start3A_1655] : memref<2x64xi32, #tpu.memory_space<vmem>> -> memref<1x64xi32, #tpu.memory_space<vmem>>
      %dma_start3A_1657 = tpu.memref_squeeze %dma_start3A_1656 : memref<1x64xi32, #tpu.memory_space<vmem>> -> memref<64xi32, #tpu.memory_space<vmem>>
      %dma_start3A_1658 = tpu.memref_slice %arg4[%add3A_1235] : memref<32768xi32, #tpu.memory_space<hbm>> -> memref<64xi32, #tpu.memory_space<hbm>>
      %dma_start3A_1659 = arith.constant 0 : i32
      %dma_start3A_1660 = tpu.memref_slice %arg7[%run_scoped3A_1236, %dma_start3A_1659] : memref<2x64xi32, #tpu.memory_space<vmem>> -> memref<1x64xi32, #tpu.memory_space<vmem>>
      %dma_start3A_1661 = tpu.memref_squeeze %dma_start3A_1660 : memref<1x64xi32, #tpu.memory_space<vmem>> -> memref<64xi32, #tpu.memory_space<vmem>>
      %dma_start3A_1662 = tpu.memref_slice %arg4[%add3A_1235] : memref<32768xi32, #tpu.memory_space<hbm>> -> memref<64xi32, #tpu.memory_space<hbm>>
      tpu.enqueue_dma source(%dma_start3A_1662 : memref<64xi32, #tpu.memory_space<hbm>>) target(%dma_start3A_1661 : memref<64xi32, #tpu.memory_space<vmem>>) target_semaphore(%run_scoped3A_1654 : memref<!tpu.dma_semaphore, #tpu.memory_space<semaphore_mem>>)
      %dma_wait3A_1663 = arith.constant 0 : i32
      %dma_wait3A_1664 = tpu.memref_slice %arg7[%run_scoped3A_1236, %dma_wait3A_1663] : memref<2x64xi32, #tpu.memory_space<vmem>> -> memref<1x64xi32, #tpu.memory_space<vmem>>
      %dma_wait3A_1665 = tpu.memref_squeeze %dma_wait3A_1664 : memref<1x64xi32, #tpu.memory_space<vmem>> -> memref<64xi32, #tpu.memory_space<vmem>>
      %dma_wait3A_1666 = tpu.memref_slice %arg4[%add3A_1235] : memref<32768xi32, #tpu.memory_space<hbm>> -> memref<64xi32, #tpu.memory_space<hbm>>
      %dma_wait3A_1667 = arith.constant 0 : i32
      %dma_wait3A_1668 = tpu.memref_slice %arg7[%run_scoped3A_1236, %dma_wait3A_1667] : memref<2x64xi32, #tpu.memory_space<vmem>> -> memref<1x64xi32, #tpu.memory_space<vmem>>
      %dma_wait3A_1669 = tpu.memref_squeeze %dma_wait3A_1668 : memref<1x64xi32, #tpu.memory_space<vmem>> -> memref<64xi32, #tpu.memory_space<vmem>>
      %dma_wait3A_1670 = tpu.memref_slice %arg4[%add3A_1235] : memref<32768xi32, #tpu.memory_space<hbm>> -> memref<64xi32, #tpu.memory_space<hbm>>
      tpu.wait_dma2 semaphore(%run_scoped3A_1654 : memref<!tpu.dma_semaphore, #tpu.memory_space<semaphore_mem>>) src(%dma_wait3A_1670 : memref<64xi32, #tpu.memory_space<hbm>>) dst(%dma_wait3A_1669 : memref<64xi32, #tpu.memory_space<vmem>>)
      tpu.yield
    }) : () -> ()
    %dma_start3A_1237 = arith.constant 0 : i32
    %dma_start3A_1238 = arith.constant 0 : i32
    %dma_start3A_1239 = arith.constant 0 : i32
    %dma_start3A_1240 = arith.constant 0 : i32
    %dma_start3A_1241 = tpu.memref_slice %arg8[%dma_start3A_1238, %dma_start3A_1239, %dma_start3A_1240] : memref<2x64x768xf32, #tpu.memory_space<vmem>> -> memref<1x64x768xf32, #tpu.memory_space<vmem>>
    %dma_start3A_1242 = tpu.memref_squeeze %dma_start3A_1241 : memref<1x64x768xf32, #tpu.memory_space<vmem>> -> memref<64x768xf32, #tpu.memory_space<vmem>>
    %dma_start3A_1243 = arith.constant 0 : i32
    %dma_start3A_1244 = tpu.memref_slice %arg7[%dma_start3A_1237, %dma_start3A_1243] : memref<2x64xi32, #tpu.memory_space<vmem>> -> memref<1x64xi32, #tpu.memory_space<vmem>>
    %dma_start3A_1245 = tpu.memref_squeeze %dma_start3A_1244 : memref<1x64xi32, #tpu.memory_space<vmem>> -> memref<64xi32, #tpu.memory_space<vmem>>
    %dma_start3A_1246 = arith.constant 0 : i32
    %dma_start3A_1247 = arith.constant 0 : i32
    %dma_start3A_1248 = tpu.memref_slice %arg2[%dma_start3A_1246, %dma_start3A_1247] : memref<32768x768xf32, #tpu.memory_space<hbm>> -> memref<32768x768xf32, #tpu.memory_space<hbm>>
    tpu.enqueue_indirect_dma source(%dma_start3A_1248 : memref<32768x768xf32, #tpu.memory_space<hbm>>) target(%dma_start3A_1242 : memref<64x768xf32, #tpu.memory_space<vmem>>) offsets(%dma_start3A_1245 : memref<64xi32, #tpu.memory_space<vmem>>) semaphore(%arg10 : memref<!tpu.dma_semaphore, #tpu.memory_space<semaphore_mem>>)
    %dma_start3A_1249 = arith.constant 0 : i32
    %dma_start3A_1250 = arith.constant 0 : i32
    %dma_start3A_1251 = arith.constant 0 : i32
    %dma_start3A_1252 = arith.constant 0 : i32
    %dma_start3A_1253 = tpu.memref_slice %arg9[%dma_start3A_1250, %dma_start3A_1251, %dma_start3A_1252] : memref<2x64x128xf32, #tpu.memory_space<vmem>> -> memref<1x64x128xf32, #tpu.memory_space<vmem>>
    %dma_start3A_1254 = tpu.memref_squeeze %dma_start3A_1253 : memref<1x64x128xf32, #tpu.memory_space<vmem>> -> memref<64x128xf32, #tpu.memory_space<vmem>>
    %dma_start3A_1255 = arith.constant 0 : i32
    %dma_start3A_1256 = tpu.memref_slice %arg7[%dma_start3A_1249, %dma_start3A_1255] : memref<2x64xi32, #tpu.memory_space<vmem>> -> memref<1x64xi32, #tpu.memory_space<vmem>>
    %dma_start3A_1257 = tpu.memref_squeeze %dma_start3A_1256 : memref<1x64xi32, #tpu.memory_space<vmem>> -> memref<64xi32, #tpu.memory_space<vmem>>
    %dma_start3A_1258 = arith.constant 0 : i32
    %dma_start3A_1259 = arith.constant 0 : i32
    %dma_start3A_1260 = tpu.memref_slice %arg3[%dma_start3A_1258, %dma_start3A_1259] : memref<32768x128xf32, #tpu.memory_space<hbm>> -> memref<32768x128xf32, #tpu.memory_space<hbm>>
    tpu.enqueue_indirect_dma source(%dma_start3A_1260 : memref<32768x128xf32, #tpu.memory_space<hbm>>) target(%dma_start3A_1254 : memref<64x128xf32, #tpu.memory_space<vmem>>) offsets(%dma_start3A_1257 : memref<64xi32, #tpu.memory_space<vmem>>) semaphore(%arg12 : memref<!tpu.dma_semaphore, #tpu.memory_space<semaphore_mem>>)
    %dma_wait3A_1261 = arith.constant 0 : i32
    %dma_wait3A_1262 = arith.constant 0 : i32
    %dma_wait3A_1263 = arith.constant 0 : i32
    %dma_wait3A_1264 = arith.constant 0 : i32
    %dma_wait3A_1265 = tpu.memref_slice %arg8[%dma_wait3A_1262, %dma_wait3A_1263, %dma_wait3A_1264] : memref<2x64x768xf32, #tpu.memory_space<vmem>> -> memref<1x64x768xf32, #tpu.memory_space<vmem>>
    %dma_wait3A_1266 = tpu.memref_squeeze %dma_wait3A_1265 : memref<1x64x768xf32, #tpu.memory_space<vmem>> -> memref<64x768xf32, #tpu.memory_space<vmem>>
    %dma_wait3A_1267 = arith.constant 0 : i32
    %dma_wait3A_1268 = tpu.memref_slice %arg7[%dma_wait3A_1261, %dma_wait3A_1267] : memref<2x64xi32, #tpu.memory_space<vmem>> -> memref<1x64xi32, #tpu.memory_space<vmem>>
    %dma_wait3A_1269 = tpu.memref_squeeze %dma_wait3A_1268 : memref<1x64xi32, #tpu.memory_space<vmem>> -> memref<64xi32, #tpu.memory_space<vmem>>
    %dma_wait3A_1270 = arith.constant 0 : i32
    %dma_wait3A_1271 = arith.constant 0 : i32
    %dma_wait3A_1272 = tpu.memref_slice %arg2[%dma_wait3A_1270, %dma_wait3A_1271] : memref<32768x768xf32, #tpu.memory_space<hbm>> -> memref<32768x768xf32, #tpu.memory_space<hbm>>
    tpu.wait_indirect_dma semaphore(%arg10 : memref<!tpu.dma_semaphore, #tpu.memory_space<semaphore_mem>>) src(%dma_wait3A_1272 : memref<32768x768xf32, #tpu.memory_space<hbm>>) dst(%dma_wait3A_1266 : memref<64x768xf32, #tpu.memory_space<vmem>>)
    %dma_wait3A_1273 = arith.constant 0 : i32
    %dma_wait3A_1274 = arith.constant 0 : i32
    %dma_wait3A_1275 = arith.constant 0 : i32
    %dma_wait3A_1276 = arith.constant 0 : i32
    %dma_wait3A_1277 = tpu.memref_slice %arg9[%dma_wait3A_1274, %dma_wait3A_1275, %dma_wait3A_1276] : memref<2x64x128xf32, #tpu.memory_space<vmem>> -> memref<1x64x128xf32, #tpu.memory_space<vmem>>
    %dma_wait3A_1278 = tpu.memref_squeeze %dma_wait3A_1277 : memref<1x64x128xf32, #tpu.memory_space<vmem>> -> memref<64x128xf32, #tpu.memory_space<vmem>>
    %dma_wait3A_1279 = arith.constant 0 : i32
    %dma_wait3A_1280 = tpu.memref_slice %arg7[%dma_wait3A_1273, %dma_wait3A_1279] : memref<2x64xi32, #tpu.memory_space<vmem>> -> memref<1x64xi32, #tpu.memory_space<vmem>>
    %dma_wait3A_1281 = tpu.memref_squeeze %dma_wait3A_1280 : memref<1x64xi32, #tpu.memory_space<vmem>> -> memref<64xi32, #tpu.memory_space<vmem>>
    %dma_wait3A_1282 = arith.constant 0 : i32
    %dma_wait3A_1283 = arith.constant 0 : i32
    %dma_wait3A_1284 = tpu.memref_slice %arg3[%dma_wait3A_1282, %dma_wait3A_1283] : memref<32768x128xf32, #tpu.memory_space<hbm>> -> memref<32768x128xf32, #tpu.memory_space<hbm>>
    tpu.wait_indirect_dma semaphore(%arg12 : memref<!tpu.dma_semaphore, #tpu.memory_space<semaphore_mem>>) src(%dma_wait3A_1284 : memref<32768x128xf32, #tpu.memory_space<hbm>>) dst(%dma_wait3A_1278 : memref<64x128xf32, #tpu.memory_space<vmem>>)
    %add3A_1285 = arith.constant 768 : i32
    %add3A_1286 = arith.addi %mul3A_2, %add3A_1285 : i32
    %dma_start3A_1287 = arith.constant 0 : i32
    %dma_start3A_1288 = arith.constant 0 : i32
    %dma_start3A_1289 = arith.constant 0 : i32
    %dma_start3A_1290 = tpu.memref_slice %arg8[%dma_start3A_1287, %dma_start3A_1288, %dma_start3A_1289] : memref<2x64x768xf32, #tpu.memory_space<vmem>> -> memref<1x64x768xf32, #tpu.memory_space<vmem>>
    %dma_start3A_1291 = tpu.memref_squeeze %dma_start3A_1290 : memref<1x64x768xf32, #tpu.memory_space<vmem>> -> memref<64x768xf32, #tpu.memory_space<vmem>>
    %dma_start3A_1292 = arith.constant 0 : i32
    %dma_start3A_1293 = tpu.memref_slice %arg5[%add3A_1286, %dma_start3A_1292] : memref<32768x768xf32, #tpu.memory_space<hbm>> -> memref<64x768xf32, #tpu.memory_space<hbm>>
    %dma_start3A_1294 = arith.constant 0 : i32
    %dma_start3A_1295 = tpu.memref_slice %arg5[%add3A_1286, %dma_start3A_1294] : memref<32768x768xf32, #tpu.memory_space<hbm>> -> memref<64x768xf32, #tpu.memory_space<hbm>>
    %dma_start3A_1296 = arith.constant 0 : i32
    %dma_start3A_1297 = arith.constant 0 : i32
    %dma_start3A_1298 = tpu.memref_slice %arg8[%dma_start3A_1287, %dma_start3A_1296, %dma_start3A_1297] : memref<2x64x768xf32, #tpu.memory_space<vmem>> -> memref<1x64x768xf32, #tpu.memory_space<vmem>>
    %dma_start3A_1299 = tpu.memref_squeeze %dma_start3A_1298 : memref<1x64x768xf32, #tpu.memory_space<vmem>> -> memref<64x768xf32, #tpu.memory_space<vmem>>
    tpu.enqueue_dma source(%dma_start3A_1299 : memref<64x768xf32, #tpu.memory_space<vmem>>) target(%dma_start3A_1295 : memref<64x768xf32, #tpu.memory_space<hbm>>) target_semaphore(%arg14 : memref<!tpu.dma_semaphore, #tpu.memory_space<semaphore_mem>>)
    %dma_start3A_1300 = arith.constant 0 : i32
    %dma_start3A_1301 = arith.constant 0 : i32
    %dma_start3A_1302 = arith.constant 0 : i32
    %dma_start3A_1303 = tpu.memref_slice %arg9[%dma_start3A_1300, %dma_start3A_1301, %dma_start3A_1302] : memref<2x64x128xf32, #tpu.memory_space<vmem>> -> memref<1x64x128xf32, #tpu.memory_space<vmem>>
    %dma_start3A_1304 = tpu.memref_squeeze %dma_start3A_1303 : memref<1x64x128xf32, #tpu.memory_space<vmem>> -> memref<64x128xf32, #tpu.memory_space<vmem>>
    %dma_start3A_1305 = arith.constant 0 : i32
    %dma_start3A_1306 = tpu.memref_slice %arg6[%add3A_1286, %dma_start3A_1305] : memref<32768x128xf32, #tpu.memory_space<hbm>> -> memref<64x128xf32, #tpu.memory_space<hbm>>
    %dma_start3A_1307 = arith.constant 0 : i32
    %dma_start3A_1308 = tpu.memref_slice %arg6[%add3A_1286, %dma_start3A_1307] : memref<32768x128xf32, #tpu.memory_space<hbm>> -> memref<64x128xf32, #tpu.memory_space<hbm>>
    %dma_start3A_1309 = arith.constant 0 : i32
    %dma_start3A_1310 = arith.constant 0 : i32
    %dma_start3A_1311 = tpu.memref_slice %arg9[%dma_start3A_1300, %dma_start3A_1309, %dma_start3A_1310] : memref<2x64x128xf32, #tpu.memory_space<vmem>> -> memref<1x64x128xf32, #tpu.memory_space<vmem>>
    %dma_start3A_1312 = tpu.memref_squeeze %dma_start3A_1311 : memref<1x64x128xf32, #tpu.memory_space<vmem>> -> memref<64x128xf32, #tpu.memory_space<vmem>>
    tpu.enqueue_dma source(%dma_start3A_1312 : memref<64x128xf32, #tpu.memory_space<vmem>>) target(%dma_start3A_1308 : memref<64x128xf32, #tpu.memory_space<hbm>>) target_semaphore(%arg16 : memref<!tpu.dma_semaphore, #tpu.memory_space<semaphore_mem>>)
    %dma_wait3A_1313 = arith.constant 1 : i32
    %dma_wait3A_1314 = arith.constant 0 : i32
    %dma_wait3A_1315 = arith.constant 0 : i32
    %dma_wait3A_1316 = tpu.memref_slice %arg8[%dma_wait3A_1313, %dma_wait3A_1314, %dma_wait3A_1315] : memref<2x64x768xf32, #tpu.memory_space<vmem>> -> memref<1x64x768xf32, #tpu.memory_space<vmem>>
    %dma_wait3A_1317 = tpu.memref_squeeze %dma_wait3A_1316 : memref<1x64x768xf32, #tpu.memory_space<vmem>> -> memref<64x768xf32, #tpu.memory_space<vmem>>
    %dma_wait3A_1318 = arith.constant 0 : i32
    %dma_wait3A_1319 = tpu.memref_slice %arg5[%add3A_1181, %dma_wait3A_1318] : memref<32768x768xf32, #tpu.memory_space<hbm>> -> memref<64x768xf32, #tpu.memory_space<hbm>>
    %dma_wait3A_1320 = arith.constant 0 : i32
    %dma_wait3A_1321 = tpu.memref_slice %arg5[%add3A_1181, %dma_wait3A_1320] : memref<32768x768xf32, #tpu.memory_space<hbm>> -> memref<64x768xf32, #tpu.memory_space<hbm>>
    %dma_wait3A_1322 = arith.constant 0 : i32
    %dma_wait3A_1323 = arith.constant 0 : i32
    %dma_wait3A_1324 = tpu.memref_slice %arg8[%dma_wait3A_1313, %dma_wait3A_1322, %dma_wait3A_1323] : memref<2x64x768xf32, #tpu.memory_space<vmem>> -> memref<1x64x768xf32, #tpu.memory_space<vmem>>
    %dma_wait3A_1325 = tpu.memref_squeeze %dma_wait3A_1324 : memref<1x64x768xf32, #tpu.memory_space<vmem>> -> memref<64x768xf32, #tpu.memory_space<vmem>>
    tpu.wait_dma2 semaphore(%arg15 : memref<!tpu.dma_semaphore, #tpu.memory_space<semaphore_mem>>) src(%dma_wait3A_1325 : memref<64x768xf32, #tpu.memory_space<vmem>>) dst(%dma_wait3A_1321 : memref<64x768xf32, #tpu.memory_space<hbm>>)
    %dma_wait3A_1326 = arith.constant 1 : i32
    %dma_wait3A_1327 = arith.constant 0 : i32
    %dma_wait3A_1328 = arith.constant 0 : i32
    %dma_wait3A_1329 = tpu.memref_slice %arg9[%dma_wait3A_1326, %dma_wait3A_1327, %dma_wait3A_1328] : memref<2x64x128xf32, #tpu.memory_space<vmem>> -> memref<1x64x128xf32, #tpu.memory_space<vmem>>
    %dma_wait3A_1330 = tpu.memref_squeeze %dma_wait3A_1329 : memref<1x64x128xf32, #tpu.memory_space<vmem>> -> memref<64x128xf32, #tpu.memory_space<vmem>>
    %dma_wait3A_1331 = arith.constant 0 : i32
    %dma_wait3A_1332 = tpu.memref_slice %arg6[%add3A_1181, %dma_wait3A_1331] : memref<32768x128xf32, #tpu.memory_space<hbm>> -> memref<64x128xf32, #tpu.memory_space<hbm>>
    %dma_wait3A_1333 = arith.constant 0 : i32
    %dma_wait3A_1334 = tpu.memref_slice %arg6[%add3A_1181, %dma_wait3A_1333] : memref<32768x128xf32, #tpu.memory_space<hbm>> -> memref<64x128xf32, #tpu.memory_space<hbm>>
    %dma_wait3A_1335 = arith.constant 0 : i32
    %dma_wait3A_1336 = arith.constant 0 : i32
    %dma_wait3A_1337 = tpu.memref_slice %arg9[%dma_wait3A_1326, %dma_wait3A_1335, %dma_wait3A_1336] : memref<2x64x128xf32, #tpu.memory_space<vmem>> -> memref<1x64x128xf32, #tpu.memory_space<vmem>>
    %dma_wait3A_1338 = tpu.memref_squeeze %dma_wait3A_1337 : memref<1x64x128xf32, #tpu.memory_space<vmem>> -> memref<64x128xf32, #tpu.memory_space<vmem>>
    tpu.wait_dma2 semaphore(%arg17 : memref<!tpu.dma_semaphore, #tpu.memory_space<semaphore_mem>>) src(%dma_wait3A_1338 : memref<64x128xf32, #tpu.memory_space<vmem>>) dst(%dma_wait3A_1334 : memref<64x128xf32, #tpu.memory_space<hbm>>)
    %add3A_1339 = arith.constant 832 : i32
    %add3A_1340 = arith.addi %mul3A_2, %add3A_1339 : i32
    %run_scoped3A_1341 = arith.constant 1 : i32
    "tpu.region"() ({
      %run_scoped3A_1654 = tpu.sem_alloc : memref<!tpu.dma_semaphore, #tpu.memory_space<semaphore_mem>>
      %dma_start3A_1655 = arith.constant 0 : i32
      %dma_start3A_1656 = tpu.memref_slice %arg7[%run_scoped3A_1341, %dma_start3A_1655] : memref<2x64xi32, #tpu.memory_space<vmem>> -> memref<1x64xi32, #tpu.memory_space<vmem>>
      %dma_start3A_1657 = tpu.memref_squeeze %dma_start3A_1656 : memref<1x64xi32, #tpu.memory_space<vmem>> -> memref<64xi32, #tpu.memory_space<vmem>>
      %dma_start3A_1658 = tpu.memref_slice %arg4[%add3A_1340] : memref<32768xi32, #tpu.memory_space<hbm>> -> memref<64xi32, #tpu.memory_space<hbm>>
      %dma_start3A_1659 = arith.constant 0 : i32
      %dma_start3A_1660 = tpu.memref_slice %arg7[%run_scoped3A_1341, %dma_start3A_1659] : memref<2x64xi32, #tpu.memory_space<vmem>> -> memref<1x64xi32, #tpu.memory_space<vmem>>
      %dma_start3A_1661 = tpu.memref_squeeze %dma_start3A_1660 : memref<1x64xi32, #tpu.memory_space<vmem>> -> memref<64xi32, #tpu.memory_space<vmem>>
      %dma_start3A_1662 = tpu.memref_slice %arg4[%add3A_1340] : memref<32768xi32, #tpu.memory_space<hbm>> -> memref<64xi32, #tpu.memory_space<hbm>>
      tpu.enqueue_dma source(%dma_start3A_1662 : memref<64xi32, #tpu.memory_space<hbm>>) target(%dma_start3A_1661 : memref<64xi32, #tpu.memory_space<vmem>>) target_semaphore(%run_scoped3A_1654 : memref<!tpu.dma_semaphore, #tpu.memory_space<semaphore_mem>>)
      %dma_wait3A_1663 = arith.constant 0 : i32
      %dma_wait3A_1664 = tpu.memref_slice %arg7[%run_scoped3A_1341, %dma_wait3A_1663] : memref<2x64xi32, #tpu.memory_space<vmem>> -> memref<1x64xi32, #tpu.memory_space<vmem>>
      %dma_wait3A_1665 = tpu.memref_squeeze %dma_wait3A_1664 : memref<1x64xi32, #tpu.memory_space<vmem>> -> memref<64xi32, #tpu.memory_space<vmem>>
      %dma_wait3A_1666 = tpu.memref_slice %arg4[%add3A_1340] : memref<32768xi32, #tpu.memory_space<hbm>> -> memref<64xi32, #tpu.memory_space<hbm>>
      %dma_wait3A_1667 = arith.constant 0 : i32
      %dma_wait3A_1668 = tpu.memref_slice %arg7[%run_scoped3A_1341, %dma_wait3A_1667] : memref<2x64xi32, #tpu.memory_space<vmem>> -> memref<1x64xi32, #tpu.memory_space<vmem>>
      %dma_wait3A_1669 = tpu.memref_squeeze %dma_wait3A_1668 : memref<1x64xi32, #tpu.memory_space<vmem>> -> memref<64xi32, #tpu.memory_space<vmem>>
      %dma_wait3A_1670 = tpu.memref_slice %arg4[%add3A_1340] : memref<32768xi32, #tpu.memory_space<hbm>> -> memref<64xi32, #tpu.memory_space<hbm>>
      tpu.wait_dma2 semaphore(%run_scoped3A_1654 : memref<!tpu.dma_semaphore, #tpu.memory_space<semaphore_mem>>) src(%dma_wait3A_1670 : memref<64xi32, #tpu.memory_space<hbm>>) dst(%dma_wait3A_1669 : memref<64xi32, #tpu.memory_space<vmem>>)
      tpu.yield
    }) : () -> ()
    %dma_start3A_1342 = arith.constant 1 : i32
    %dma_start3A_1343 = arith.constant 1 : i32
    %dma_start3A_1344 = arith.constant 0 : i32
    %dma_start3A_1345 = arith.constant 0 : i32
    %dma_start3A_1346 = tpu.memref_slice %arg8[%dma_start3A_1343, %dma_start3A_1344, %dma_start3A_1345] : memref<2x64x768xf32, #tpu.memory_space<vmem>> -> memref<1x64x768xf32, #tpu.memory_space<vmem>>
    %dma_start3A_1347 = tpu.memref_squeeze %dma_start3A_1346 : memref<1x64x768xf32, #tpu.memory_space<vmem>> -> memref<64x768xf32, #tpu.memory_space<vmem>>
    %dma_start3A_1348 = arith.constant 0 : i32
    %dma_start3A_1349 = tpu.memref_slice %arg7[%dma_start3A_1342, %dma_start3A_1348] : memref<2x64xi32, #tpu.memory_space<vmem>> -> memref<1x64xi32, #tpu.memory_space<vmem>>
    %dma_start3A_1350 = tpu.memref_squeeze %dma_start3A_1349 : memref<1x64xi32, #tpu.memory_space<vmem>> -> memref<64xi32, #tpu.memory_space<vmem>>
    %dma_start3A_1351 = arith.constant 0 : i32
    %dma_start3A_1352 = arith.constant 0 : i32
    %dma_start3A_1353 = tpu.memref_slice %arg2[%dma_start3A_1351, %dma_start3A_1352] : memref<32768x768xf32, #tpu.memory_space<hbm>> -> memref<32768x768xf32, #tpu.memory_space<hbm>>
    tpu.enqueue_indirect_dma source(%dma_start3A_1353 : memref<32768x768xf32, #tpu.memory_space<hbm>>) target(%dma_start3A_1347 : memref<64x768xf32, #tpu.memory_space<vmem>>) offsets(%dma_start3A_1350 : memref<64xi32, #tpu.memory_space<vmem>>) semaphore(%arg11 : memref<!tpu.dma_semaphore, #tpu.memory_space<semaphore_mem>>)
    %dma_start3A_1354 = arith.constant 1 : i32
    %dma_start3A_1355 = arith.constant 1 : i32
    %dma_start3A_1356 = arith.constant 0 : i32
    %dma_start3A_1357 = arith.constant 0 : i32
    %dma_start3A_1358 = tpu.memref_slice %arg9[%dma_start3A_1355, %dma_start3A_1356, %dma_start3A_1357] : memref<2x64x128xf32, #tpu.memory_space<vmem>> -> memref<1x64x128xf32, #tpu.memory_space<vmem>>
    %dma_start3A_1359 = tpu.memref_squeeze %dma_start3A_1358 : memref<1x64x128xf32, #tpu.memory_space<vmem>> -> memref<64x128xf32, #tpu.memory_space<vmem>>
    %dma_start3A_1360 = arith.constant 0 : i32
    %dma_start3A_1361 = tpu.memref_slice %arg7[%dma_start3A_1354, %dma_start3A_1360] : memref<2x64xi32, #tpu.memory_space<vmem>> -> memref<1x64xi32, #tpu.memory_space<vmem>>
    %dma_start3A_1362 = tpu.memref_squeeze %dma_start3A_1361 : memref<1x64xi32, #tpu.memory_space<vmem>> -> memref<64xi32, #tpu.memory_space<vmem>>
    %dma_start3A_1363 = arith.constant 0 : i32
    %dma_start3A_1364 = arith.constant 0 : i32
    %dma_start3A_1365 = tpu.memref_slice %arg3[%dma_start3A_1363, %dma_start3A_1364] : memref<32768x128xf32, #tpu.memory_space<hbm>> -> memref<32768x128xf32, #tpu.memory_space<hbm>>
    tpu.enqueue_indirect_dma source(%dma_start3A_1365 : memref<32768x128xf32, #tpu.memory_space<hbm>>) target(%dma_start3A_1359 : memref<64x128xf32, #tpu.memory_space<vmem>>) offsets(%dma_start3A_1362 : memref<64xi32, #tpu.memory_space<vmem>>) semaphore(%arg13 : memref<!tpu.dma_semaphore, #tpu.memory_space<semaphore_mem>>)
    %dma_wait3A_1366 = arith.constant 1 : i32
    %dma_wait3A_1367 = arith.constant 1 : i32
    %dma_wait3A_1368 = arith.constant 0 : i32
    %dma_wait3A_1369 = arith.constant 0 : i32
    %dma_wait3A_1370 = tpu.memref_slice %arg8[%dma_wait3A_1367, %dma_wait3A_1368, %dma_wait3A_1369] : memref<2x64x768xf32, #tpu.memory_space<vmem>> -> memref<1x64x768xf32, #tpu.memory_space<vmem>>
    %dma_wait3A_1371 = tpu.memref_squeeze %dma_wait3A_1370 : memref<1x64x768xf32, #tpu.memory_space<vmem>> -> memref<64x768xf32, #tpu.memory_space<vmem>>
    %dma_wait3A_1372 = arith.constant 0 : i32
    %dma_wait3A_1373 = tpu.memref_slice %arg7[%dma_wait3A_1366, %dma_wait3A_1372] : memref<2x64xi32, #tpu.memory_space<vmem>> -> memref<1x64xi32, #tpu.memory_space<vmem>>
    %dma_wait3A_1374 = tpu.memref_squeeze %dma_wait3A_1373 : memref<1x64xi32, #tpu.memory_space<vmem>> -> memref<64xi32, #tpu.memory_space<vmem>>
    %dma_wait3A_1375 = arith.constant 0 : i32
    %dma_wait3A_1376 = arith.constant 0 : i32
    %dma_wait3A_1377 = tpu.memref_slice %arg2[%dma_wait3A_1375, %dma_wait3A_1376] : memref<32768x768xf32, #tpu.memory_space<hbm>> -> memref<32768x768xf32, #tpu.memory_space<hbm>>
    tpu.wait_indirect_dma semaphore(%arg11 : memref<!tpu.dma_semaphore, #tpu.memory_space<semaphore_mem>>) src(%dma_wait3A_1377 : memref<32768x768xf32, #tpu.memory_space<hbm>>) dst(%dma_wait3A_1371 : memref<64x768xf32, #tpu.memory_space<vmem>>)
    %dma_wait3A_1378 = arith.constant 1 : i32
    %dma_wait3A_1379 = arith.constant 1 : i32
    %dma_wait3A_1380 = arith.constant 0 : i32
    %dma_wait3A_1381 = arith.constant 0 : i32
    %dma_wait3A_1382 = tpu.memref_slice %arg9[%dma_wait3A_1379, %dma_wait3A_1380, %dma_wait3A_1381] : memref<2x64x128xf32, #tpu.memory_space<vmem>> -> memref<1x64x128xf32, #tpu.memory_space<vmem>>
    %dma_wait3A_1383 = tpu.memref_squeeze %dma_wait3A_1382 : memref<1x64x128xf32, #tpu.memory_space<vmem>> -> memref<64x128xf32, #tpu.memory_space<vmem>>
    %dma_wait3A_1384 = arith.constant 0 : i32
    %dma_wait3A_1385 = tpu.memref_slice %arg7[%dma_wait3A_1378, %dma_wait3A_1384] : memref<2x64xi32, #tpu.memory_space<vmem>> -> memref<1x64xi32, #tpu.memory_space<vmem>>
    %dma_wait3A_1386 = tpu.memref_squeeze %dma_wait3A_1385 : memref<1x64xi32, #tpu.memory_space<vmem>> -> memref<64xi32, #tpu.memory_space<vmem>>
    %dma_wait3A_1387 = arith.constant 0 : i32
    %dma_wait3A_1388 = arith.constant 0 : i32
    %dma_wait3A_1389 = tpu.memref_slice %arg3[%dma_wait3A_1387, %dma_wait3A_1388] : memref<32768x128xf32, #tpu.memory_space<hbm>> -> memref<32768x128xf32, #tpu.memory_space<hbm>>
    tpu.wait_indirect_dma semaphore(%arg13 : memref<!tpu.dma_semaphore, #tpu.memory_space<semaphore_mem>>) src(%dma_wait3A_1389 : memref<32768x128xf32, #tpu.memory_space<hbm>>) dst(%dma_wait3A_1383 : memref<64x128xf32, #tpu.memory_space<vmem>>)
    %add3A_1390 = arith.constant 832 : i32
    %add3A_1391 = arith.addi %mul3A_2, %add3A_1390 : i32
    %dma_start3A_1392 = arith.constant 1 : i32
    %dma_start3A_1393 = arith.constant 0 : i32
    %dma_start3A_1394 = arith.constant 0 : i32
    %dma_start3A_1395 = tpu.memref_slice %arg8[%dma_start3A_1392, %dma_start3A_1393, %dma_start3A_1394] : memref<2x64x768xf32, #tpu.memory_space<vmem>> -> memref<1x64x768xf32, #tpu.memory_space<vmem>>
    %dma_start3A_1396 = tpu.memref_squeeze %dma_start3A_1395 : memref<1x64x768xf32, #tpu.memory_space<vmem>> -> memref<64x768xf32, #tpu.memory_space<vmem>>
    %dma_start3A_1397 = arith.constant 0 : i32
    %dma_start3A_1398 = tpu.memref_slice %arg5[%add3A_1391, %dma_start3A_1397] : memref<32768x768xf32, #tpu.memory_space<hbm>> -> memref<64x768xf32, #tpu.memory_space<hbm>>
    %dma_start3A_1399 = arith.constant 0 : i32
    %dma_start3A_1400 = tpu.memref_slice %arg5[%add3A_1391, %dma_start3A_1399] : memref<32768x768xf32, #tpu.memory_space<hbm>> -> memref<64x768xf32, #tpu.memory_space<hbm>>
    %dma_start3A_1401 = arith.constant 0 : i32
    %dma_start3A_1402 = arith.constant 0 : i32
    %dma_start3A_1403 = tpu.memref_slice %arg8[%dma_start3A_1392, %dma_start3A_1401, %dma_start3A_1402] : memref<2x64x768xf32, #tpu.memory_space<vmem>> -> memref<1x64x768xf32, #tpu.memory_space<vmem>>
    %dma_start3A_1404 = tpu.memref_squeeze %dma_start3A_1403 : memref<1x64x768xf32, #tpu.memory_space<vmem>> -> memref<64x768xf32, #tpu.memory_space<vmem>>
    tpu.enqueue_dma source(%dma_start3A_1404 : memref<64x768xf32, #tpu.memory_space<vmem>>) target(%dma_start3A_1400 : memref<64x768xf32, #tpu.memory_space<hbm>>) target_semaphore(%arg15 : memref<!tpu.dma_semaphore, #tpu.memory_space<semaphore_mem>>)
    %dma_start3A_1405 = arith.constant 1 : i32
    %dma_start3A_1406 = arith.constant 0 : i32
    %dma_start3A_1407 = arith.constant 0 : i32
    %dma_start3A_1408 = tpu.memref_slice %arg9[%dma_start3A_1405, %dma_start3A_1406, %dma_start3A_1407] : memref<2x64x128xf32, #tpu.memory_space<vmem>> -> memref<1x64x128xf32, #tpu.memory_space<vmem>>
    %dma_start3A_1409 = tpu.memref_squeeze %dma_start3A_1408 : memref<1x64x128xf32, #tpu.memory_space<vmem>> -> memref<64x128xf32, #tpu.memory_space<vmem>>
    %dma_start3A_1410 = arith.constant 0 : i32
    %dma_start3A_1411 = tpu.memref_slice %arg6[%add3A_1391, %dma_start3A_1410] : memref<32768x128xf32, #tpu.memory_space<hbm>> -> memref<64x128xf32, #tpu.memory_space<hbm>>
    %dma_start3A_1412 = arith.constant 0 : i32
    %dma_start3A_1413 = tpu.memref_slice %arg6[%add3A_1391, %dma_start3A_1412] : memref<32768x128xf32, #tpu.memory_space<hbm>> -> memref<64x128xf32, #tpu.memory_space<hbm>>
    %dma_start3A_1414 = arith.constant 0 : i32
    %dma_start3A_1415 = arith.constant 0 : i32
    %dma_start3A_1416 = tpu.memref_slice %arg9[%dma_start3A_1405, %dma_start3A_1414, %dma_start3A_1415] : memref<2x64x128xf32, #tpu.memory_space<vmem>> -> memref<1x64x128xf32, #tpu.memory_space<vmem>>
    %dma_start3A_1417 = tpu.memref_squeeze %dma_start3A_1416 : memref<1x64x128xf32, #tpu.memory_space<vmem>> -> memref<64x128xf32, #tpu.memory_space<vmem>>
    tpu.enqueue_dma source(%dma_start3A_1417 : memref<64x128xf32, #tpu.memory_space<vmem>>) target(%dma_start3A_1413 : memref<64x128xf32, #tpu.memory_space<hbm>>) target_semaphore(%arg17 : memref<!tpu.dma_semaphore, #tpu.memory_space<semaphore_mem>>)
    %dma_wait3A_1418 = arith.constant 0 : i32
    %dma_wait3A_1419 = arith.constant 0 : i32
    %dma_wait3A_1420 = arith.constant 0 : i32
    %dma_wait3A_1421 = tpu.memref_slice %arg8[%dma_wait3A_1418, %dma_wait3A_1419, %dma_wait3A_1420] : memref<2x64x768xf32, #tpu.memory_space<vmem>> -> memref<1x64x768xf32, #tpu.memory_space<vmem>>
    %dma_wait3A_1422 = tpu.memref_squeeze %dma_wait3A_1421 : memref<1x64x768xf32, #tpu.memory_space<vmem>> -> memref<64x768xf32, #tpu.memory_space<vmem>>
    %dma_wait3A_1423 = arith.constant 0 : i32
    %dma_wait3A_1424 = tpu.memref_slice %arg5[%add3A_1286, %dma_wait3A_1423] : memref<32768x768xf32, #tpu.memory_space<hbm>> -> memref<64x768xf32, #tpu.memory_space<hbm>>
    %dma_wait3A_1425 = arith.constant 0 : i32
    %dma_wait3A_1426 = tpu.memref_slice %arg5[%add3A_1286, %dma_wait3A_1425] : memref<32768x768xf32, #tpu.memory_space<hbm>> -> memref<64x768xf32, #tpu.memory_space<hbm>>
    %dma_wait3A_1427 = arith.constant 0 : i32
    %dma_wait3A_1428 = arith.constant 0 : i32
    %dma_wait3A_1429 = tpu.memref_slice %arg8[%dma_wait3A_1418, %dma_wait3A_1427, %dma_wait3A_1428] : memref<2x64x768xf32, #tpu.memory_space<vmem>> -> memref<1x64x768xf32, #tpu.memory_space<vmem>>
    %dma_wait3A_1430 = tpu.memref_squeeze %dma_wait3A_1429 : memref<1x64x768xf32, #tpu.memory_space<vmem>> -> memref<64x768xf32, #tpu.memory_space<vmem>>
    tpu.wait_dma2 semaphore(%arg14 : memref<!tpu.dma_semaphore, #tpu.memory_space<semaphore_mem>>) src(%dma_wait3A_1430 : memref<64x768xf32, #tpu.memory_space<vmem>>) dst(%dma_wait3A_1426 : memref<64x768xf32, #tpu.memory_space<hbm>>)
    %dma_wait3A_1431 = arith.constant 0 : i32
    %dma_wait3A_1432 = arith.constant 0 : i32
    %dma_wait3A_1433 = arith.constant 0 : i32
    %dma_wait3A_1434 = tpu.memref_slice %arg9[%dma_wait3A_1431, %dma_wait3A_1432, %dma_wait3A_1433] : memref<2x64x128xf32, #tpu.memory_space<vmem>> -> memref<1x64x128xf32, #tpu.memory_space<vmem>>
    %dma_wait3A_1435 = tpu.memref_squeeze %dma_wait3A_1434 : memref<1x64x128xf32, #tpu.memory_space<vmem>> -> memref<64x128xf32, #tpu.memory_space<vmem>>
    %dma_wait3A_1436 = arith.constant 0 : i32
    %dma_wait3A_1437 = tpu.memref_slice %arg6[%add3A_1286, %dma_wait3A_1436] : memref<32768x128xf32, #tpu.memory_space<hbm>> -> memref<64x128xf32, #tpu.memory_space<hbm>>
    %dma_wait3A_1438 = arith.constant 0 : i32
    %dma_wait3A_1439 = tpu.memref_slice %arg6[%add3A_1286, %dma_wait3A_1438] : memref<32768x128xf32, #tpu.memory_space<hbm>> -> memref<64x128xf32, #tpu.memory_space<hbm>>
    %dma_wait3A_1440 = arith.constant 0 : i32
    %dma_wait3A_1441 = arith.constant 0 : i32
    %dma_wait3A_1442 = tpu.memref_slice %arg9[%dma_wait3A_1431, %dma_wait3A_1440, %dma_wait3A_1441] : memref<2x64x128xf32, #tpu.memory_space<vmem>> -> memref<1x64x128xf32, #tpu.memory_space<vmem>>
    %dma_wait3A_1443 = tpu.memref_squeeze %dma_wait3A_1442 : memref<1x64x128xf32, #tpu.memory_space<vmem>> -> memref<64x128xf32, #tpu.memory_space<vmem>>
    tpu.wait_dma2 semaphore(%arg16 : memref<!tpu.dma_semaphore, #tpu.memory_space<semaphore_mem>>) src(%dma_wait3A_1443 : memref<64x128xf32, #tpu.memory_space<vmem>>) dst(%dma_wait3A_1439 : memref<64x128xf32, #tpu.memory_space<hbm>>)
    %add3A_1444 = arith.constant 896 : i32
    %add3A_1445 = arith.addi %mul3A_2, %add3A_1444 : i32
    %run_scoped3A_1446 = arith.constant 0 : i32
    "tpu.region"() ({
      %run_scoped3A_1654 = tpu.sem_alloc : memref<!tpu.dma_semaphore, #tpu.memory_space<semaphore_mem>>
      %dma_start3A_1655 = arith.constant 0 : i32
      %dma_start3A_1656 = tpu.memref_slice %arg7[%run_scoped3A_1446, %dma_start3A_1655] : memref<2x64xi32, #tpu.memory_space<vmem>> -> memref<1x64xi32, #tpu.memory_space<vmem>>
      %dma_start3A_1657 = tpu.memref_squeeze %dma_start3A_1656 : memref<1x64xi32, #tpu.memory_space<vmem>> -> memref<64xi32, #tpu.memory_space<vmem>>
      %dma_start3A_1658 = tpu.memref_slice %arg4[%add3A_1445] : memref<32768xi32, #tpu.memory_space<hbm>> -> memref<64xi32, #tpu.memory_space<hbm>>
      %dma_start3A_1659 = arith.constant 0 : i32
      %dma_start3A_1660 = tpu.memref_slice %arg7[%run_scoped3A_1446, %dma_start3A_1659] : memref<2x64xi32, #tpu.memory_space<vmem>> -> memref<1x64xi32, #tpu.memory_space<vmem>>
      %dma_start3A_1661 = tpu.memref_squeeze %dma_start3A_1660 : memref<1x64xi32, #tpu.memory_space<vmem>> -> memref<64xi32, #tpu.memory_space<vmem>>
      %dma_start3A_1662 = tpu.memref_slice %arg4[%add3A_1445] : memref<32768xi32, #tpu.memory_space<hbm>> -> memref<64xi32, #tpu.memory_space<hbm>>
      tpu.enqueue_dma source(%dma_start3A_1662 : memref<64xi32, #tpu.memory_space<hbm>>) target(%dma_start3A_1661 : memref<64xi32, #tpu.memory_space<vmem>>) target_semaphore(%run_scoped3A_1654 : memref<!tpu.dma_semaphore, #tpu.memory_space<semaphore_mem>>)
      %dma_wait3A_1663 = arith.constant 0 : i32
      %dma_wait3A_1664 = tpu.memref_slice %arg7[%run_scoped3A_1446, %dma_wait3A_1663] : memref<2x64xi32, #tpu.memory_space<vmem>> -> memref<1x64xi32, #tpu.memory_space<vmem>>
      %dma_wait3A_1665 = tpu.memref_squeeze %dma_wait3A_1664 : memref<1x64xi32, #tpu.memory_space<vmem>> -> memref<64xi32, #tpu.memory_space<vmem>>
      %dma_wait3A_1666 = tpu.memref_slice %arg4[%add3A_1445] : memref<32768xi32, #tpu.memory_space<hbm>> -> memref<64xi32, #tpu.memory_space<hbm>>
      %dma_wait3A_1667 = arith.constant 0 : i32
      %dma_wait3A_1668 = tpu.memref_slice %arg7[%run_scoped3A_1446, %dma_wait3A_1667] : memref<2x64xi32, #tpu.memory_space<vmem>> -> memref<1x64xi32, #tpu.memory_space<vmem>>
      %dma_wait3A_1669 = tpu.memref_squeeze %dma_wait3A_1668 : memref<1x64xi32, #tpu.memory_space<vmem>> -> memref<64xi32, #tpu.memory_space<vmem>>
      %dma_wait3A_1670 = tpu.memref_slice %arg4[%add3A_1445] : memref<32768xi32, #tpu.memory_space<hbm>> -> memref<64xi32, #tpu.memory_space<hbm>>
      tpu.wait_dma2 semaphore(%run_scoped3A_1654 : memref<!tpu.dma_semaphore, #tpu.memory_space<semaphore_mem>>) src(%dma_wait3A_1670 : memref<64xi32, #tpu.memory_space<hbm>>) dst(%dma_wait3A_1669 : memref<64xi32, #tpu.memory_space<vmem>>)
      tpu.yield
    }) : () -> ()
    %dma_start3A_1447 = arith.constant 0 : i32
    %dma_start3A_1448 = arith.constant 0 : i32
    %dma_start3A_1449 = arith.constant 0 : i32
    %dma_start3A_1450 = arith.constant 0 : i32
    %dma_start3A_1451 = tpu.memref_slice %arg8[%dma_start3A_1448, %dma_start3A_1449, %dma_start3A_1450] : memref<2x64x768xf32, #tpu.memory_space<vmem>> -> memref<1x64x768xf32, #tpu.memory_space<vmem>>
    %dma_start3A_1452 = tpu.memref_squeeze %dma_start3A_1451 : memref<1x64x768xf32, #tpu.memory_space<vmem>> -> memref<64x768xf32, #tpu.memory_space<vmem>>
    %dma_start3A_1453 = arith.constant 0 : i32
    %dma_start3A_1454 = tpu.memref_slice %arg7[%dma_start3A_1447, %dma_start3A_1453] : memref<2x64xi32, #tpu.memory_space<vmem>> -> memref<1x64xi32, #tpu.memory_space<vmem>>
    %dma_start3A_1455 = tpu.memref_squeeze %dma_start3A_1454 : memref<1x64xi32, #tpu.memory_space<vmem>> -> memref<64xi32, #tpu.memory_space<vmem>>
    %dma_start3A_1456 = arith.constant 0 : i32
    %dma_start3A_1457 = arith.constant 0 : i32
    %dma_start3A_1458 = tpu.memref_slice %arg2[%dma_start3A_1456, %dma_start3A_1457] : memref<32768x768xf32, #tpu.memory_space<hbm>> -> memref<32768x768xf32, #tpu.memory_space<hbm>>
    tpu.enqueue_indirect_dma source(%dma_start3A_1458 : memref<32768x768xf32, #tpu.memory_space<hbm>>) target(%dma_start3A_1452 : memref<64x768xf32, #tpu.memory_space<vmem>>) offsets(%dma_start3A_1455 : memref<64xi32, #tpu.memory_space<vmem>>) semaphore(%arg10 : memref<!tpu.dma_semaphore, #tpu.memory_space<semaphore_mem>>)
    %dma_start3A_1459 = arith.constant 0 : i32
    %dma_start3A_1460 = arith.constant 0 : i32
    %dma_start3A_1461 = arith.constant 0 : i32
    %dma_start3A_1462 = arith.constant 0 : i32
    %dma_start3A_1463 = tpu.memref_slice %arg9[%dma_start3A_1460, %dma_start3A_1461, %dma_start3A_1462] : memref<2x64x128xf32, #tpu.memory_space<vmem>> -> memref<1x64x128xf32, #tpu.memory_space<vmem>>
    %dma_start3A_1464 = tpu.memref_squeeze %dma_start3A_1463 : memref<1x64x128xf32, #tpu.memory_space<vmem>> -> memref<64x128xf32, #tpu.memory_space<vmem>>
    %dma_start3A_1465 = arith.constant 0 : i32
    %dma_start3A_1466 = tpu.memref_slice %arg7[%dma_start3A_1459, %dma_start3A_1465] : memref<2x64xi32, #tpu.memory_space<vmem>> -> memref<1x64xi32, #tpu.memory_space<vmem>>
    %dma_start3A_1467 = tpu.memref_squeeze %dma_start3A_1466 : memref<1x64xi32, #tpu.memory_space<vmem>> -> memref<64xi32, #tpu.memory_space<vmem>>
    %dma_start3A_1468 = arith.constant 0 : i32
    %dma_start3A_1469 = arith.constant 0 : i32
    %dma_start3A_1470 = tpu.memref_slice %arg3[%dma_start3A_1468, %dma_start3A_1469] : memref<32768x128xf32, #tpu.memory_space<hbm>> -> memref<32768x128xf32, #tpu.memory_space<hbm>>
    tpu.enqueue_indirect_dma source(%dma_start3A_1470 : memref<32768x128xf32, #tpu.memory_space<hbm>>) target(%dma_start3A_1464 : memref<64x128xf32, #tpu.memory_space<vmem>>) offsets(%dma_start3A_1467 : memref<64xi32, #tpu.memory_space<vmem>>) semaphore(%arg12 : memref<!tpu.dma_semaphore, #tpu.memory_space<semaphore_mem>>)
    %dma_wait3A_1471 = arith.constant 0 : i32
    %dma_wait3A_1472 = arith.constant 0 : i32
    %dma_wait3A_1473 = arith.constant 0 : i32
    %dma_wait3A_1474 = arith.constant 0 : i32
    %dma_wait3A_1475 = tpu.memref_slice %arg8[%dma_wait3A_1472, %dma_wait3A_1473, %dma_wait3A_1474] : memref<2x64x768xf32, #tpu.memory_space<vmem>> -> memref<1x64x768xf32, #tpu.memory_space<vmem>>
    %dma_wait3A_1476 = tpu.memref_squeeze %dma_wait3A_1475 : memref<1x64x768xf32, #tpu.memory_space<vmem>> -> memref<64x768xf32, #tpu.memory_space<vmem>>
    %dma_wait3A_1477 = arith.constant 0 : i32
    %dma_wait3A_1478 = tpu.memref_slice %arg7[%dma_wait3A_1471, %dma_wait3A_1477] : memref<2x64xi32, #tpu.memory_space<vmem>> -> memref<1x64xi32, #tpu.memory_space<vmem>>
    %dma_wait3A_1479 = tpu.memref_squeeze %dma_wait3A_1478 : memref<1x64xi32, #tpu.memory_space<vmem>> -> memref<64xi32, #tpu.memory_space<vmem>>
    %dma_wait3A_1480 = arith.constant 0 : i32
    %dma_wait3A_1481 = arith.constant 0 : i32
    %dma_wait3A_1482 = tpu.memref_slice %arg2[%dma_wait3A_1480, %dma_wait3A_1481] : memref<32768x768xf32, #tpu.memory_space<hbm>> -> memref<32768x768xf32, #tpu.memory_space<hbm>>
    tpu.wait_indirect_dma semaphore(%arg10 : memref<!tpu.dma_semaphore, #tpu.memory_space<semaphore_mem>>) src(%dma_wait3A_1482 : memref<32768x768xf32, #tpu.memory_space<hbm>>) dst(%dma_wait3A_1476 : memref<64x768xf32, #tpu.memory_space<vmem>>)
    %dma_wait3A_1483 = arith.constant 0 : i32
    %dma_wait3A_1484 = arith.constant 0 : i32
    %dma_wait3A_1485 = arith.constant 0 : i32
    %dma_wait3A_1486 = arith.constant 0 : i32
    %dma_wait3A_1487 = tpu.memref_slice %arg9[%dma_wait3A_1484, %dma_wait3A_1485, %dma_wait3A_1486] : memref<2x64x128xf32, #tpu.memory_space<vmem>> -> memref<1x64x128xf32, #tpu.memory_space<vmem>>
    %dma_wait3A_1488 = tpu.memref_squeeze %dma_wait3A_1487 : memref<1x64x128xf32, #tpu.memory_space<vmem>> -> memref<64x128xf32, #tpu.memory_space<vmem>>
    %dma_wait3A_1489 = arith.constant 0 : i32
    %dma_wait3A_1490 = tpu.memref_slice %arg7[%dma_wait3A_1483, %dma_wait3A_1489] : memref<2x64xi32, #tpu.memory_space<vmem>> -> memref<1x64xi32, #tpu.memory_space<vmem>>
    %dma_wait3A_1491 = tpu.memref_squeeze %dma_wait3A_1490 : memref<1x64xi32, #tpu.memory_space<vmem>> -> memref<64xi32, #tpu.memory_space<vmem>>
    %dma_wait3A_1492 = arith.constant 0 : i32
    %dma_wait3A_1493 = arith.constant 0 : i32
    %dma_wait3A_1494 = tpu.memref_slice %arg3[%dma_wait3A_1492, %dma_wait3A_1493] : memref<32768x128xf32, #tpu.memory_space<hbm>> -> memref<32768x128xf32, #tpu.memory_space<hbm>>
    tpu.wait_indirect_dma semaphore(%arg12 : memref<!tpu.dma_semaphore, #tpu.memory_space<semaphore_mem>>) src(%dma_wait3A_1494 : memref<32768x128xf32, #tpu.memory_space<hbm>>) dst(%dma_wait3A_1488 : memref<64x128xf32, #tpu.memory_space<vmem>>)
    %add3A_1495 = arith.constant 896 : i32
    %add3A_1496 = arith.addi %mul3A_2, %add3A_1495 : i32
    %dma_start3A_1497 = arith.constant 0 : i32
    %dma_start3A_1498 = arith.constant 0 : i32
    %dma_start3A_1499 = arith.constant 0 : i32
    %dma_start3A_1500 = tpu.memref_slice %arg8[%dma_start3A_1497, %dma_start3A_1498, %dma_start3A_1499] : memref<2x64x768xf32, #tpu.memory_space<vmem>> -> memref<1x64x768xf32, #tpu.memory_space<vmem>>
    %dma_start3A_1501 = tpu.memref_squeeze %dma_start3A_1500 : memref<1x64x768xf32, #tpu.memory_space<vmem>> -> memref<64x768xf32, #tpu.memory_space<vmem>>
    %dma_start3A_1502 = arith.constant 0 : i32
    %dma_start3A_1503 = tpu.memref_slice %arg5[%add3A_1496, %dma_start3A_1502] : memref<32768x768xf32, #tpu.memory_space<hbm>> -> memref<64x768xf32, #tpu.memory_space<hbm>>
    %dma_start3A_1504 = arith.constant 0 : i32
    %dma_start3A_1505 = tpu.memref_slice %arg5[%add3A_1496, %dma_start3A_1504] : memref<32768x768xf32, #tpu.memory_space<hbm>> -> memref<64x768xf32, #tpu.memory_space<hbm>>
    %dma_start3A_1506 = arith.constant 0 : i32
    %dma_start3A_1507 = arith.constant 0 : i32
    %dma_start3A_1508 = tpu.memref_slice %arg8[%dma_start3A_1497, %dma_start3A_1506, %dma_start3A_1507] : memref<2x64x768xf32, #tpu.memory_space<vmem>> -> memref<1x64x768xf32, #tpu.memory_space<vmem>>
    %dma_start3A_1509 = tpu.memref_squeeze %dma_start3A_1508 : memref<1x64x768xf32, #tpu.memory_space<vmem>> -> memref<64x768xf32, #tpu.memory_space<vmem>>
    tpu.enqueue_dma source(%dma_start3A_1509 : memref<64x768xf32, #tpu.memory_space<vmem>>) target(%dma_start3A_1505 : memref<64x768xf32, #tpu.memory_space<hbm>>) target_semaphore(%arg14 : memref<!tpu.dma_semaphore, #tpu.memory_space<semaphore_mem>>)
    %dma_start3A_1510 = arith.constant 0 : i32
    %dma_start3A_1511 = arith.constant 0 : i32
    %dma_start3A_1512 = arith.constant 0 : i32
    %dma_start3A_1513 = tpu.memref_slice %arg9[%dma_start3A_1510, %dma_start3A_1511, %dma_start3A_1512] : memref<2x64x128xf32, #tpu.memory_space<vmem>> -> memref<1x64x128xf32, #tpu.memory_space<vmem>>
    %dma_start3A_1514 = tpu.memref_squeeze %dma_start3A_1513 : memref<1x64x128xf32, #tpu.memory_space<vmem>> -> memref<64x128xf32, #tpu.memory_space<vmem>>
    %dma_start3A_1515 = arith.constant 0 : i32
    %dma_start3A_1516 = tpu.memref_slice %arg6[%add3A_1496, %dma_start3A_1515] : memref<32768x128xf32, #tpu.memory_space<hbm>> -> memref<64x128xf32, #tpu.memory_space<hbm>>
    %dma_start3A_1517 = arith.constant 0 : i32
    %dma_start3A_1518 = tpu.memref_slice %arg6[%add3A_1496, %dma_start3A_1517] : memref<32768x128xf32, #tpu.memory_space<hbm>> -> memref<64x128xf32, #tpu.memory_space<hbm>>
    %dma_start3A_1519 = arith.constant 0 : i32
    %dma_start3A_1520 = arith.constant 0 : i32
    %dma_start3A_1521 = tpu.memref_slice %arg9[%dma_start3A_1510, %dma_start3A_1519, %dma_start3A_1520] : memref<2x64x128xf32, #tpu.memory_space<vmem>> -> memref<1x64x128xf32, #tpu.memory_space<vmem>>
    %dma_start3A_1522 = tpu.memref_squeeze %dma_start3A_1521 : memref<1x64x128xf32, #tpu.memory_space<vmem>> -> memref<64x128xf32, #tpu.memory_space<vmem>>
    tpu.enqueue_dma source(%dma_start3A_1522 : memref<64x128xf32, #tpu.memory_space<vmem>>) target(%dma_start3A_1518 : memref<64x128xf32, #tpu.memory_space<hbm>>) target_semaphore(%arg16 : memref<!tpu.dma_semaphore, #tpu.memory_space<semaphore_mem>>)
    %dma_wait3A_1523 = arith.constant 1 : i32
    %dma_wait3A_1524 = arith.constant 0 : i32
    %dma_wait3A_1525 = arith.constant 0 : i32
    %dma_wait3A_1526 = tpu.memref_slice %arg8[%dma_wait3A_1523, %dma_wait3A_1524, %dma_wait3A_1525] : memref<2x64x768xf32, #tpu.memory_space<vmem>> -> memref<1x64x768xf32, #tpu.memory_space<vmem>>
    %dma_wait3A_1527 = tpu.memref_squeeze %dma_wait3A_1526 : memref<1x64x768xf32, #tpu.memory_space<vmem>> -> memref<64x768xf32, #tpu.memory_space<vmem>>
    %dma_wait3A_1528 = arith.constant 0 : i32
    %dma_wait3A_1529 = tpu.memref_slice %arg5[%add3A_1391, %dma_wait3A_1528] : memref<32768x768xf32, #tpu.memory_space<hbm>> -> memref<64x768xf32, #tpu.memory_space<hbm>>
    %dma_wait3A_1530 = arith.constant 0 : i32
    %dma_wait3A_1531 = tpu.memref_slice %arg5[%add3A_1391, %dma_wait3A_1530] : memref<32768x768xf32, #tpu.memory_space<hbm>> -> memref<64x768xf32, #tpu.memory_space<hbm>>
    %dma_wait3A_1532 = arith.constant 0 : i32
    %dma_wait3A_1533 = arith.constant 0 : i32
    %dma_wait3A_1534 = tpu.memref_slice %arg8[%dma_wait3A_1523, %dma_wait3A_1532, %dma_wait3A_1533] : memref<2x64x768xf32, #tpu.memory_space<vmem>> -> memref<1x64x768xf32, #tpu.memory_space<vmem>>
    %dma_wait3A_1535 = tpu.memref_squeeze %dma_wait3A_1534 : memref<1x64x768xf32, #tpu.memory_space<vmem>> -> memref<64x768xf32, #tpu.memory_space<vmem>>
    tpu.wait_dma2 semaphore(%arg15 : memref<!tpu.dma_semaphore, #tpu.memory_space<semaphore_mem>>) src(%dma_wait3A_1535 : memref<64x768xf32, #tpu.memory_space<vmem>>) dst(%dma_wait3A_1531 : memref<64x768xf32, #tpu.memory_space<hbm>>)
    %dma_wait3A_1536 = arith.constant 1 : i32
    %dma_wait3A_1537 = arith.constant 0 : i32
    %dma_wait3A_1538 = arith.constant 0 : i32
    %dma_wait3A_1539 = tpu.memref_slice %arg9[%dma_wait3A_1536, %dma_wait3A_1537, %dma_wait3A_1538] : memref<2x64x128xf32, #tpu.memory_space<vmem>> -> memref<1x64x128xf32, #tpu.memory_space<vmem>>
    %dma_wait3A_1540 = tpu.memref_squeeze %dma_wait3A_1539 : memref<1x64x128xf32, #tpu.memory_space<vmem>> -> memref<64x128xf32, #tpu.memory_space<vmem>>
    %dma_wait3A_1541 = arith.constant 0 : i32
    %dma_wait3A_1542 = tpu.memref_slice %arg6[%add3A_1391, %dma_wait3A_1541] : memref<32768x128xf32, #tpu.memory_space<hbm>> -> memref<64x128xf32, #tpu.memory_space<hbm>>
    %dma_wait3A_1543 = arith.constant 0 : i32
    %dma_wait3A_1544 = tpu.memref_slice %arg6[%add3A_1391, %dma_wait3A_1543] : memref<32768x128xf32, #tpu.memory_space<hbm>> -> memref<64x128xf32, #tpu.memory_space<hbm>>
    %dma_wait3A_1545 = arith.constant 0 : i32
    %dma_wait3A_1546 = arith.constant 0 : i32
    %dma_wait3A_1547 = tpu.memref_slice %arg9[%dma_wait3A_1536, %dma_wait3A_1545, %dma_wait3A_1546] : memref<2x64x128xf32, #tpu.memory_space<vmem>> -> memref<1x64x128xf32, #tpu.memory_space<vmem>>
    %dma_wait3A_1548 = tpu.memref_squeeze %dma_wait3A_1547 : memref<1x64x128xf32, #tpu.memory_space<vmem>> -> memref<64x128xf32, #tpu.memory_space<vmem>>
    tpu.wait_dma2 semaphore(%arg17 : memref<!tpu.dma_semaphore, #tpu.memory_space<semaphore_mem>>) src(%dma_wait3A_1548 : memref<64x128xf32, #tpu.memory_space<vmem>>) dst(%dma_wait3A_1544 : memref<64x128xf32, #tpu.memory_space<hbm>>)
    %add3A_1549 = arith.constant 960 : i32
    %add3A_1550 = arith.addi %mul3A_2, %add3A_1549 : i32
    %run_scoped3A_1551 = arith.constant 1 : i32
    "tpu.region"() ({
      %run_scoped3A_1654 = tpu.sem_alloc : memref<!tpu.dma_semaphore, #tpu.memory_space<semaphore_mem>>
      %dma_start3A_1655 = arith.constant 0 : i32
      %dma_start3A_1656 = tpu.memref_slice %arg7[%run_scoped3A_1551, %dma_start3A_1655] : memref<2x64xi32, #tpu.memory_space<vmem>> -> memref<1x64xi32, #tpu.memory_space<vmem>>
      %dma_start3A_1657 = tpu.memref_squeeze %dma_start3A_1656 : memref<1x64xi32, #tpu.memory_space<vmem>> -> memref<64xi32, #tpu.memory_space<vmem>>
      %dma_start3A_1658 = tpu.memref_slice %arg4[%add3A_1550] : memref<32768xi32, #tpu.memory_space<hbm>> -> memref<64xi32, #tpu.memory_space<hbm>>
      %dma_start3A_1659 = arith.constant 0 : i32
      %dma_start3A_1660 = tpu.memref_slice %arg7[%run_scoped3A_1551, %dma_start3A_1659] : memref<2x64xi32, #tpu.memory_space<vmem>> -> memref<1x64xi32, #tpu.memory_space<vmem>>
      %dma_start3A_1661 = tpu.memref_squeeze %dma_start3A_1660 : memref<1x64xi32, #tpu.memory_space<vmem>> -> memref<64xi32, #tpu.memory_space<vmem>>
      %dma_start3A_1662 = tpu.memref_slice %arg4[%add3A_1550] : memref<32768xi32, #tpu.memory_space<hbm>> -> memref<64xi32, #tpu.memory_space<hbm>>
      tpu.enqueue_dma source(%dma_start3A_1662 : memref<64xi32, #tpu.memory_space<hbm>>) target(%dma_start3A_1661 : memref<64xi32, #tpu.memory_space<vmem>>) target_semaphore(%run_scoped3A_1654 : memref<!tpu.dma_semaphore, #tpu.memory_space<semaphore_mem>>)
      %dma_wait3A_1663 = arith.constant 0 : i32
      %dma_wait3A_1664 = tpu.memref_slice %arg7[%run_scoped3A_1551, %dma_wait3A_1663] : memref<2x64xi32, #tpu.memory_space<vmem>> -> memref<1x64xi32, #tpu.memory_space<vmem>>
      %dma_wait3A_1665 = tpu.memref_squeeze %dma_wait3A_1664 : memref<1x64xi32, #tpu.memory_space<vmem>> -> memref<64xi32, #tpu.memory_space<vmem>>
      %dma_wait3A_1666 = tpu.memref_slice %arg4[%add3A_1550] : memref<32768xi32, #tpu.memory_space<hbm>> -> memref<64xi32, #tpu.memory_space<hbm>>
      %dma_wait3A_1667 = arith.constant 0 : i32
      %dma_wait3A_1668 = tpu.memref_slice %arg7[%run_scoped3A_1551, %dma_wait3A_1667] : memref<2x64xi32, #tpu.memory_space<vmem>> -> memref<1x64xi32, #tpu.memory_space<vmem>>
      %dma_wait3A_1669 = tpu.memref_squeeze %dma_wait3A_1668 : memref<1x64xi32, #tpu.memory_space<vmem>> -> memref<64xi32, #tpu.memory_space<vmem>>
      %dma_wait3A_1670 = tpu.memref_slice %arg4[%add3A_1550] : memref<32768xi32, #tpu.memory_space<hbm>> -> memref<64xi32, #tpu.memory_space<hbm>>
      tpu.wait_dma2 semaphore(%run_scoped3A_1654 : memref<!tpu.dma_semaphore, #tpu.memory_space<semaphore_mem>>) src(%dma_wait3A_1670 : memref<64xi32, #tpu.memory_space<hbm>>) dst(%dma_wait3A_1669 : memref<64xi32, #tpu.memory_space<vmem>>)
      tpu.yield
    }) : () -> ()
    %dma_start3A_1552 = arith.constant 1 : i32
    %dma_start3A_1553 = arith.constant 1 : i32
    %dma_start3A_1554 = arith.constant 0 : i32
    %dma_start3A_1555 = arith.constant 0 : i32
    %dma_start3A_1556 = tpu.memref_slice %arg8[%dma_start3A_1553, %dma_start3A_1554, %dma_start3A_1555] : memref<2x64x768xf32, #tpu.memory_space<vmem>> -> memref<1x64x768xf32, #tpu.memory_space<vmem>>
    %dma_start3A_1557 = tpu.memref_squeeze %dma_start3A_1556 : memref<1x64x768xf32, #tpu.memory_space<vmem>> -> memref<64x768xf32, #tpu.memory_space<vmem>>
    %dma_start3A_1558 = arith.constant 0 : i32
    %dma_start3A_1559 = tpu.memref_slice %arg7[%dma_start3A_1552, %dma_start3A_1558] : memref<2x64xi32, #tpu.memory_space<vmem>> -> memref<1x64xi32, #tpu.memory_space<vmem>>
    %dma_start3A_1560 = tpu.memref_squeeze %dma_start3A_1559 : memref<1x64xi32, #tpu.memory_space<vmem>> -> memref<64xi32, #tpu.memory_space<vmem>>
    %dma_start3A_1561 = arith.constant 0 : i32
    %dma_start3A_1562 = arith.constant 0 : i32
    %dma_start3A_1563 = tpu.memref_slice %arg2[%dma_start3A_1561, %dma_start3A_1562] : memref<32768x768xf32, #tpu.memory_space<hbm>> -> memref<32768x768xf32, #tpu.memory_space<hbm>>
    tpu.enqueue_indirect_dma source(%dma_start3A_1563 : memref<32768x768xf32, #tpu.memory_space<hbm>>) target(%dma_start3A_1557 : memref<64x768xf32, #tpu.memory_space<vmem>>) offsets(%dma_start3A_1560 : memref<64xi32, #tpu.memory_space<vmem>>) semaphore(%arg11 : memref<!tpu.dma_semaphore, #tpu.memory_space<semaphore_mem>>)
    %dma_start3A_1564 = arith.constant 1 : i32
    %dma_start3A_1565 = arith.constant 1 : i32
    %dma_start3A_1566 = arith.constant 0 : i32
    %dma_start3A_1567 = arith.constant 0 : i32
    %dma_start3A_1568 = tpu.memref_slice %arg9[%dma_start3A_1565, %dma_start3A_1566, %dma_start3A_1567] : memref<2x64x128xf32, #tpu.memory_space<vmem>> -> memref<1x64x128xf32, #tpu.memory_space<vmem>>
    %dma_start3A_1569 = tpu.memref_squeeze %dma_start3A_1568 : memref<1x64x128xf32, #tpu.memory_space<vmem>> -> memref<64x128xf32, #tpu.memory_space<vmem>>
    %dma_start3A_1570 = arith.constant 0 : i32
    %dma_start3A_1571 = tpu.memref_slice %arg7[%dma_start3A_1564, %dma_start3A_1570] : memref<2x64xi32, #tpu.memory_space<vmem>> -> memref<1x64xi32, #tpu.memory_space<vmem>>
    %dma_start3A_1572 = tpu.memref_squeeze %dma_start3A_1571 : memref<1x64xi32, #tpu.memory_space<vmem>> -> memref<64xi32, #tpu.memory_space<vmem>>
    %dma_start3A_1573 = arith.constant 0 : i32
    %dma_start3A_1574 = arith.constant 0 : i32
    %dma_start3A_1575 = tpu.memref_slice %arg3[%dma_start3A_1573, %dma_start3A_1574] : memref<32768x128xf32, #tpu.memory_space<hbm>> -> memref<32768x128xf32, #tpu.memory_space<hbm>>
    tpu.enqueue_indirect_dma source(%dma_start3A_1575 : memref<32768x128xf32, #tpu.memory_space<hbm>>) target(%dma_start3A_1569 : memref<64x128xf32, #tpu.memory_space<vmem>>) offsets(%dma_start3A_1572 : memref<64xi32, #tpu.memory_space<vmem>>) semaphore(%arg13 : memref<!tpu.dma_semaphore, #tpu.memory_space<semaphore_mem>>)
    %dma_wait3A_1576 = arith.constant 1 : i32
    %dma_wait3A_1577 = arith.constant 1 : i32
    %dma_wait3A_1578 = arith.constant 0 : i32
    %dma_wait3A_1579 = arith.constant 0 : i32
    %dma_wait3A_1580 = tpu.memref_slice %arg8[%dma_wait3A_1577, %dma_wait3A_1578, %dma_wait3A_1579] : memref<2x64x768xf32, #tpu.memory_space<vmem>> -> memref<1x64x768xf32, #tpu.memory_space<vmem>>
    %dma_wait3A_1581 = tpu.memref_squeeze %dma_wait3A_1580 : memref<1x64x768xf32, #tpu.memory_space<vmem>> -> memref<64x768xf32, #tpu.memory_space<vmem>>
    %dma_wait3A_1582 = arith.constant 0 : i32
    %dma_wait3A_1583 = tpu.memref_slice %arg7[%dma_wait3A_1576, %dma_wait3A_1582] : memref<2x64xi32, #tpu.memory_space<vmem>> -> memref<1x64xi32, #tpu.memory_space<vmem>>
    %dma_wait3A_1584 = tpu.memref_squeeze %dma_wait3A_1583 : memref<1x64xi32, #tpu.memory_space<vmem>> -> memref<64xi32, #tpu.memory_space<vmem>>
    %dma_wait3A_1585 = arith.constant 0 : i32
    %dma_wait3A_1586 = arith.constant 0 : i32
    %dma_wait3A_1587 = tpu.memref_slice %arg2[%dma_wait3A_1585, %dma_wait3A_1586] : memref<32768x768xf32, #tpu.memory_space<hbm>> -> memref<32768x768xf32, #tpu.memory_space<hbm>>
    tpu.wait_indirect_dma semaphore(%arg11 : memref<!tpu.dma_semaphore, #tpu.memory_space<semaphore_mem>>) src(%dma_wait3A_1587 : memref<32768x768xf32, #tpu.memory_space<hbm>>) dst(%dma_wait3A_1581 : memref<64x768xf32, #tpu.memory_space<vmem>>)
    %dma_wait3A_1588 = arith.constant 1 : i32
    %dma_wait3A_1589 = arith.constant 1 : i32
    %dma_wait3A_1590 = arith.constant 0 : i32
    %dma_wait3A_1591 = arith.constant 0 : i32
    %dma_wait3A_1592 = tpu.memref_slice %arg9[%dma_wait3A_1589, %dma_wait3A_1590, %dma_wait3A_1591] : memref<2x64x128xf32, #tpu.memory_space<vmem>> -> memref<1x64x128xf32, #tpu.memory_space<vmem>>
    %dma_wait3A_1593 = tpu.memref_squeeze %dma_wait3A_1592 : memref<1x64x128xf32, #tpu.memory_space<vmem>> -> memref<64x128xf32, #tpu.memory_space<vmem>>
    %dma_wait3A_1594 = arith.constant 0 : i32
    %dma_wait3A_1595 = tpu.memref_slice %arg7[%dma_wait3A_1588, %dma_wait3A_1594] : memref<2x64xi32, #tpu.memory_space<vmem>> -> memref<1x64xi32, #tpu.memory_space<vmem>>
    %dma_wait3A_1596 = tpu.memref_squeeze %dma_wait3A_1595 : memref<1x64xi32, #tpu.memory_space<vmem>> -> memref<64xi32, #tpu.memory_space<vmem>>
    %dma_wait3A_1597 = arith.constant 0 : i32
    %dma_wait3A_1598 = arith.constant 0 : i32
    %dma_wait3A_1599 = tpu.memref_slice %arg3[%dma_wait3A_1597, %dma_wait3A_1598] : memref<32768x128xf32, #tpu.memory_space<hbm>> -> memref<32768x128xf32, #tpu.memory_space<hbm>>
    tpu.wait_indirect_dma semaphore(%arg13 : memref<!tpu.dma_semaphore, #tpu.memory_space<semaphore_mem>>) src(%dma_wait3A_1599 : memref<32768x128xf32, #tpu.memory_space<hbm>>) dst(%dma_wait3A_1593 : memref<64x128xf32, #tpu.memory_space<vmem>>)
    %add3A_1600 = arith.constant 960 : i32
    %add3A_1601 = arith.addi %mul3A_2, %add3A_1600 : i32
    %dma_start3A_1602 = arith.constant 1 : i32
    %dma_start3A_1603 = arith.constant 0 : i32
    %dma_start3A_1604 = arith.constant 0 : i32
    %dma_start3A_1605 = tpu.memref_slice %arg8[%dma_start3A_1602, %dma_start3A_1603, %dma_start3A_1604] : memref<2x64x768xf32, #tpu.memory_space<vmem>> -> memref<1x64x768xf32, #tpu.memory_space<vmem>>
    %dma_start3A_1606 = tpu.memref_squeeze %dma_start3A_1605 : memref<1x64x768xf32, #tpu.memory_space<vmem>> -> memref<64x768xf32, #tpu.memory_space<vmem>>
    %dma_start3A_1607 = arith.constant 0 : i32
    %dma_start3A_1608 = tpu.memref_slice %arg5[%add3A_1601, %dma_start3A_1607] : memref<32768x768xf32, #tpu.memory_space<hbm>> -> memref<64x768xf32, #tpu.memory_space<hbm>>
    %dma_start3A_1609 = arith.constant 0 : i32
    %dma_start3A_1610 = tpu.memref_slice %arg5[%add3A_1601, %dma_start3A_1609] : memref<32768x768xf32, #tpu.memory_space<hbm>> -> memref<64x768xf32, #tpu.memory_space<hbm>>
    %dma_start3A_1611 = arith.constant 0 : i32
    %dma_start3A_1612 = arith.constant 0 : i32
    %dma_start3A_1613 = tpu.memref_slice %arg8[%dma_start3A_1602, %dma_start3A_1611, %dma_start3A_1612] : memref<2x64x768xf32, #tpu.memory_space<vmem>> -> memref<1x64x768xf32, #tpu.memory_space<vmem>>
    %dma_start3A_1614 = tpu.memref_squeeze %dma_start3A_1613 : memref<1x64x768xf32, #tpu.memory_space<vmem>> -> memref<64x768xf32, #tpu.memory_space<vmem>>
    tpu.enqueue_dma source(%dma_start3A_1614 : memref<64x768xf32, #tpu.memory_space<vmem>>) target(%dma_start3A_1610 : memref<64x768xf32, #tpu.memory_space<hbm>>) target_semaphore(%arg15 : memref<!tpu.dma_semaphore, #tpu.memory_space<semaphore_mem>>)
    %dma_start3A_1615 = arith.constant 1 : i32
    %dma_start3A_1616 = arith.constant 0 : i32
    %dma_start3A_1617 = arith.constant 0 : i32
    %dma_start3A_1618 = tpu.memref_slice %arg9[%dma_start3A_1615, %dma_start3A_1616, %dma_start3A_1617] : memref<2x64x128xf32, #tpu.memory_space<vmem>> -> memref<1x64x128xf32, #tpu.memory_space<vmem>>
    %dma_start3A_1619 = tpu.memref_squeeze %dma_start3A_1618 : memref<1x64x128xf32, #tpu.memory_space<vmem>> -> memref<64x128xf32, #tpu.memory_space<vmem>>
    %dma_start3A_1620 = arith.constant 0 : i32
    %dma_start3A_1621 = tpu.memref_slice %arg6[%add3A_1601, %dma_start3A_1620] : memref<32768x128xf32, #tpu.memory_space<hbm>> -> memref<64x128xf32, #tpu.memory_space<hbm>>
    %dma_start3A_1622 = arith.constant 0 : i32
    %dma_start3A_1623 = tpu.memref_slice %arg6[%add3A_1601, %dma_start3A_1622] : memref<32768x128xf32, #tpu.memory_space<hbm>> -> memref<64x128xf32, #tpu.memory_space<hbm>>
    %dma_start3A_1624 = arith.constant 0 : i32
    %dma_start3A_1625 = arith.constant 0 : i32
    %dma_start3A_1626 = tpu.memref_slice %arg9[%dma_start3A_1615, %dma_start3A_1624, %dma_start3A_1625] : memref<2x64x128xf32, #tpu.memory_space<vmem>> -> memref<1x64x128xf32, #tpu.memory_space<vmem>>
    %dma_start3A_1627 = tpu.memref_squeeze %dma_start3A_1626 : memref<1x64x128xf32, #tpu.memory_space<vmem>> -> memref<64x128xf32, #tpu.memory_space<vmem>>
    tpu.enqueue_dma source(%dma_start3A_1627 : memref<64x128xf32, #tpu.memory_space<vmem>>) target(%dma_start3A_1623 : memref<64x128xf32, #tpu.memory_space<hbm>>) target_semaphore(%arg17 : memref<!tpu.dma_semaphore, #tpu.memory_space<semaphore_mem>>)
    %dma_wait3A_1628 = arith.constant 1 : i32
    %dma_wait3A_1629 = arith.constant 0 : i32
    %dma_wait3A_1630 = arith.constant 0 : i32
    %dma_wait3A_1631 = tpu.memref_slice %arg8[%dma_wait3A_1628, %dma_wait3A_1629, %dma_wait3A_1630] : memref<2x64x768xf32, #tpu.memory_space<vmem>> -> memref<1x64x768xf32, #tpu.memory_space<vmem>>
    %dma_wait3A_1632 = tpu.memref_squeeze %dma_wait3A_1631 : memref<1x64x768xf32, #tpu.memory_space<vmem>> -> memref<64x768xf32, #tpu.memory_space<vmem>>
    %dma_wait3A_1633 = arith.constant 0 : i32
    %dma_wait3A_1634 = tpu.memref_slice %arg5[%add3A_1601, %dma_wait3A_1633] : memref<32768x768xf32, #tpu.memory_space<hbm>> -> memref<64x768xf32, #tpu.memory_space<hbm>>
    %dma_wait3A_1635 = arith.constant 0 : i32
    %dma_wait3A_1636 = tpu.memref_slice %arg5[%add3A_1601, %dma_wait3A_1635] : memref<32768x768xf32, #tpu.memory_space<hbm>> -> memref<64x768xf32, #tpu.memory_space<hbm>>
    %dma_wait3A_1637 = arith.constant 0 : i32
    %dma_wait3A_1638 = arith.constant 0 : i32
    %dma_wait3A_1639 = tpu.memref_slice %arg8[%dma_wait3A_1628, %dma_wait3A_1637, %dma_wait3A_1638] : memref<2x64x768xf32, #tpu.memory_space<vmem>> -> memref<1x64x768xf32, #tpu.memory_space<vmem>>
    %dma_wait3A_1640 = tpu.memref_squeeze %dma_wait3A_1639 : memref<1x64x768xf32, #tpu.memory_space<vmem>> -> memref<64x768xf32, #tpu.memory_space<vmem>>
    tpu.wait_dma2 semaphore(%arg15 : memref<!tpu.dma_semaphore, #tpu.memory_space<semaphore_mem>>) src(%dma_wait3A_1640 : memref<64x768xf32, #tpu.memory_space<vmem>>) dst(%dma_wait3A_1636 : memref<64x768xf32, #tpu.memory_space<hbm>>)
    %dma_wait3A_1641 = arith.constant 1 : i32
    %dma_wait3A_1642 = arith.constant 0 : i32
    %dma_wait3A_1643 = arith.constant 0 : i32
    %dma_wait3A_1644 = tpu.memref_slice %arg9[%dma_wait3A_1641, %dma_wait3A_1642, %dma_wait3A_1643] : memref<2x64x128xf32, #tpu.memory_space<vmem>> -> memref<1x64x128xf32, #tpu.memory_space<vmem>>
    %dma_wait3A_1645 = tpu.memref_squeeze %dma_wait3A_1644 : memref<1x64x128xf32, #tpu.memory_space<vmem>> -> memref<64x128xf32, #tpu.memory_space<vmem>>
    %dma_wait3A_1646 = arith.constant 0 : i32
    %dma_wait3A_1647 = tpu.memref_slice %arg6[%add3A_1601, %dma_wait3A_1646] : memref<32768x128xf32, #tpu.memory_space<hbm>> -> memref<64x128xf32, #tpu.memory_space<hbm>>
    %dma_wait3A_1648 = arith.constant 0 : i32
    %dma_wait3A_1649 = tpu.memref_slice %arg6[%add3A_1601, %dma_wait3A_1648] : memref<32768x128xf32, #tpu.memory_space<hbm>> -> memref<64x128xf32, #tpu.memory_space<hbm>>
    %dma_wait3A_1650 = arith.constant 0 : i32
    %dma_wait3A_1651 = arith.constant 0 : i32
    %dma_wait3A_1652 = tpu.memref_slice %arg9[%dma_wait3A_1641, %dma_wait3A_1650, %dma_wait3A_1651] : memref<2x64x128xf32, #tpu.memory_space<vmem>> -> memref<1x64x128xf32, #tpu.memory_space<vmem>>
    %dma_wait3A_1653 = tpu.memref_squeeze %dma_wait3A_1652 : memref<1x64x128xf32, #tpu.memory_space<vmem>> -> memref<64x128xf32, #tpu.memory_space<vmem>>
    tpu.wait_dma2 semaphore(%arg17 : memref<!tpu.dma_semaphore, #tpu.memory_space<semaphore_mem>>) src(%dma_wait3A_1653 : memref<64x128xf32, #tpu.memory_space<vmem>>) dst(%dma_wait3A_1649 : memref<64x128xf32, #tpu.memory_space<hbm>>)
    return
  }
}

module attributes {stable_mosaic.version = 14 : i64} {
  func.func @_attn_body(%arg0: i32, %arg1: memref<128x768xf32, #tpu.memory_space<vmem>>, %arg2: memref<128x128xf32, #tpu.memory_space<vmem>>, %arg3: memref<768x2304xbf16, #tpu.memory_space<vmem>>, %arg4: memref<1x2304xf32, #tpu.memory_space<vmem>>, %arg5: memref<12x2xf32, #tpu.memory_space<vmem>>, %arg6: memref<768x768xbf16, #tpu.memory_space<vmem>>, %arg7: memref<1x768xf32, #tpu.memory_space<vmem>>, %arg8: memref<128x768xf32, #tpu.memory_space<vmem>>) attributes {dimension_semantics = [#tpu.dimension_semantics<parallel>], iteration_bounds = array<i64: 256>, scalar_prefetch = 0 : i64, scratch_operands = 0 : i64, tpu.core_type = #tpu.core_type<tc>, window_params = [{transform_indices = @transform_0, window_bounds = array<i64: 128, 768>}, {transform_indices = @transform_1, window_bounds = array<i64: 128, 128>}, {pipeline_mode = #tpu.pipeline_mode<synchronous>, transform_indices = @transform_2, window_bounds = array<i64: 768, 2304>}, {pipeline_mode = #tpu.pipeline_mode<synchronous>, transform_indices = @transform_3, window_bounds = array<i64: 1, 2304>}, {pipeline_mode = #tpu.pipeline_mode<synchronous>, transform_indices = @transform_4, window_bounds = array<i64: 12, 2>}, {pipeline_mode = #tpu.pipeline_mode<synchronous>, transform_indices = @transform_5, window_bounds = array<i64: 768, 768>}, {pipeline_mode = #tpu.pipeline_mode<synchronous>, transform_indices = @transform_6, window_bounds = array<i64: 1, 768>}, {transform_indices = @transform_7, window_bounds = array<i64: 128, 768>}]} {
    %get3A = arith.constant 0 : index
    %get3A_0 = arith.constant 0 : index
    %get3A_1 = vector.load %arg1[%get3A, %get3A_0] : memref<128x768xf32, #tpu.memory_space<vmem>>, vector<128x768xf32>
    %convert_element_type3A = arith.truncf %get3A_1 : vector<128x768xf32> to vector<128x768xbf16>
    %get3A_2 = arith.constant 0 : index
    %get3A_3 = arith.constant 0 : index
    %get3A_4 = vector.load %arg3[%get3A_2, %get3A_3] : memref<768x2304xbf16, #tpu.memory_space<vmem>>, vector<768x2304xbf16>
    %dot_general3A = arith.constant dense<0.000000e+00> : vector<128x2304xf32>
    %dot_general3A_5 = tpu.matmul %convert_element_type3A, %get3A_4, %dot_general3A {dimension_numbers = #tpu.dot_dimension_numbers<[1], [0], [0], [1], [0, 0, 1, 1], [], []>, transpose_lhs_hint = false} : vector<128x768xbf16>, vector<768x2304xbf16>, vector<128x2304xf32> -> vector<128x2304xf32>
    %get3A_6 = arith.constant 0 : index
    %get3A_7 = arith.constant 0 : index
    %get3A_8 = vector.load %arg4[%get3A_6, %get3A_7] : memref<1x2304xf32, #tpu.memory_space<vmem>>, vector<1x2304xf32>
    %add3A = vector.broadcast %get3A_8 : vector<1x2304xf32> to vector<128x2304xf32>
    %add3A_9 = arith.addf %dot_general3A_5, %add3A : vector<128x2304xf32>
    %get3A_10 = arith.constant 0 : index
    %get3A_11 = arith.constant 0 : index
    %get3A_12 = vector.load %arg2[%get3A_10, %get3A_11] : memref<128x128xf32, #tpu.memory_space<vmem>>, vector<128x128xf32>
    %transpose3A = tpu.transpose %get3A_12, [1, 0] : vector<128x128xf32> -> vector<128x128xf32>
    %get3A_13 = arith.constant 0 : index
    %get3A_14 = arith.constant 0 : index
    %get3A_15 = vector.load %arg2[%get3A_13, %get3A_14] : memref<128x128xf32, #tpu.memory_space<vmem>>, vector<128x128xf32>
    %slice3A = vector.extract_strided_slice %get3A_15 {offsets = [0, 0], sizes = [128, 64], strides = [1, 1]} : vector<128x128xf32> to vector<128x64xf32>
    %slice3A_16 = vector.extract_strided_slice %transpose3A {offsets = [0, 0], sizes = [64, 128], strides = [1, 1]} : vector<128x128xf32> to vector<64x128xf32>
    %slice3A_17 = vector.extract_strided_slice %transpose3A {offsets = [64, 0], sizes = [2, 128], strides = [1, 1]} : vector<128x128xf32> to vector<2x128xf32>
    %slice3A_18 = vector.extract_strided_slice %transpose3A {offsets = [66, 0], sizes = [1, 128], strides = [1, 1]} : vector<128x128xf32> to vector<1x128xf32>
    %mul3A = arith.mulf %slice3A_16, %slice3A_16 : vector<64x128xf32>
    %reduce_sum3A = arith.constant dense<0.000000e+00> : vector<128xf32>
    %reduce_sum3A_19 = vector.multi_reduction <add>, %mul3A, %reduce_sum3A [0] : vector<64x128xf32> to vector<128xf32>
    %broadcast_in_dim3A = vector.shape_cast %reduce_sum3A_19 : vector<128xf32> to vector<1x128xf32>
    %get3A_20 = arith.constant 0 : index
    %get3A_21 = arith.constant 0 : index
    %get3A_22 = vector.load %arg5[%get3A_20, %get3A_21] : memref<12x2xf32, #tpu.memory_space<vmem>>, vector<12x2xf32>
    %dot_general3A_23 = arith.constant dense<0.000000e+00> : vector<12x128xf32>
    %dot_general3A_24 = tpu.matmul %get3A_22, %slice3A_17, %dot_general3A_23 {dimension_numbers = #tpu.dot_dimension_numbers<[1], [0], [0], [1], [0, 0, 1, 1], [], []>, precision = #tpu.contract_precision<fp32>, transpose_lhs_hint = false} : vector<12x2xf32>, vector<2x128xf32>, vector<12x128xf32> -> vector<12x128xf32>
    %iota3A = tpu.iota {dimensions = array<i32: 0>} : vector<128x128xi32>
    %iota3A_25 = tpu.iota {dimensions = array<i32: 1>} : vector<128x128xi32>
    %jit3A = arith.constant 64 : i32
    %div3A = vector.broadcast %jit3A : i32 to vector<128x128xi32>
    %div3A_26 = arith.divsi %iota3A, %div3A : vector<128x128xi32>
    %sign3A = arith.constant 0 : i32
    %sign3A_27 = vector.broadcast %sign3A : i32 to vector<128x128xi32>
    %sign3A_28 = arith.cmpi sgt, %iota3A, %sign3A_27 : vector<128x128xi32>
    %sign3A_29 = arith.extui %sign3A_28 : vector<128x128xi1> to vector<128x128xi32>
    %sign3A_30 = arith.constant 0 : i32
    %sign3A_31 = vector.broadcast %sign3A_30 : i32 to vector<128x128xi32>
    %sign3A_32 = arith.cmpi slt, %iota3A, %sign3A_31 : vector<128x128xi32>
    %sign3A_33 = arith.extui %sign3A_32 : vector<128x128xi1> to vector<128x128xi32>
    %sign3A_34 = arith.subi %sign3A_29, %sign3A_33 : vector<128x128xi32>
    %sign3A_35 = arith.constant 0 : i32
    %sign3A_36 = arith.cmpi sgt, %jit3A, %sign3A_35 : i32
    %sign3A_37 = arith.extui %sign3A_36 : i1 to i32
    %sign3A_38 = arith.constant 0 : i32
    %sign3A_39 = arith.cmpi slt, %jit3A, %sign3A_38 : i32
    %sign3A_40 = arith.extui %sign3A_39 : i1 to i32
    %sign3A_41 = arith.subi %sign3A_37, %sign3A_40 : i32
    %ne3A = vector.broadcast %sign3A_41 : i32 to vector<128x128xi32>
    %ne3A_42 = arith.cmpi ne, %sign3A_34, %ne3A : vector<128x128xi32>
    %rem3A = vector.broadcast %jit3A : i32 to vector<128x128xi32>
    %rem3A_43 = arith.remsi %iota3A, %rem3A : vector<128x128xi32>
    %ne3A_44 = arith.constant 0 : i32
    %ne3A_45 = vector.broadcast %ne3A_44 : i32 to vector<128x128xi32>
    %ne3A_46 = arith.cmpi ne, %rem3A_43, %ne3A_45 : vector<128x128xi32>
    %and3A = arith.andi %ne3A_42, %ne3A_46 : vector<128x128xi1>
    %sub3A = arith.constant 1 : i32
    %sub3A_47 = vector.broadcast %sub3A : i32 to vector<128x128xi32>
    %sub3A_48 = arith.subi %div3A_26, %sub3A_47 : vector<128x128xi32>
    %select_n3A = arith.select %and3A, %sub3A_48, %div3A_26 : vector<128x128xi1>, vector<128x128xi32>
    %jit3A_49 = arith.constant 64 : i32
    %div3A_50 = vector.broadcast %jit3A_49 : i32 to vector<128x128xi32>
    %div3A_51 = arith.divsi %iota3A_25, %div3A_50 : vector<128x128xi32>
    %sign3A_52 = arith.constant 0 : i32
    %sign3A_53 = vector.broadcast %sign3A_52 : i32 to vector<128x128xi32>
    %sign3A_54 = arith.cmpi sgt, %iota3A_25, %sign3A_53 : vector<128x128xi32>
    %sign3A_55 = arith.extui %sign3A_54 : vector<128x128xi1> to vector<128x128xi32>
    %sign3A_56 = arith.constant 0 : i32
    %sign3A_57 = vector.broadcast %sign3A_56 : i32 to vector<128x128xi32>
    %sign3A_58 = arith.cmpi slt, %iota3A_25, %sign3A_57 : vector<128x128xi32>
    %sign3A_59 = arith.extui %sign3A_58 : vector<128x128xi1> to vector<128x128xi32>
    %sign3A_60 = arith.subi %sign3A_55, %sign3A_59 : vector<128x128xi32>
    %sign3A_61 = arith.constant 0 : i32
    %sign3A_62 = arith.cmpi sgt, %jit3A_49, %sign3A_61 : i32
    %sign3A_63 = arith.extui %sign3A_62 : i1 to i32
    %sign3A_64 = arith.constant 0 : i32
    %sign3A_65 = arith.cmpi slt, %jit3A_49, %sign3A_64 : i32
    %sign3A_66 = arith.extui %sign3A_65 : i1 to i32
    %sign3A_67 = arith.subi %sign3A_63, %sign3A_66 : i32
    %ne3A_68 = vector.broadcast %sign3A_67 : i32 to vector<128x128xi32>
    %ne3A_69 = arith.cmpi ne, %sign3A_60, %ne3A_68 : vector<128x128xi32>
    %rem3A_70 = vector.broadcast %jit3A_49 : i32 to vector<128x128xi32>
    %rem3A_71 = arith.remsi %iota3A_25, %rem3A_70 : vector<128x128xi32>
    %ne3A_72 = arith.constant 0 : i32
    %ne3A_73 = vector.broadcast %ne3A_72 : i32 to vector<128x128xi32>
    %ne3A_74 = arith.cmpi ne, %rem3A_71, %ne3A_73 : vector<128x128xi32>
    %and3A_75 = arith.andi %ne3A_69, %ne3A_74 : vector<128x128xi1>
    %sub3A_76 = arith.constant 1 : i32
    %sub3A_77 = vector.broadcast %sub3A_76 : i32 to vector<128x128xi32>
    %sub3A_78 = arith.subi %div3A_51, %sub3A_77 : vector<128x128xi32>
    %select_n3A_79 = arith.select %and3A_75, %sub3A_78, %div3A_51 : vector<128x128xi1>, vector<128x128xi32>
    %eq3A = arith.cmpi eq, %select_n3A, %select_n3A_79 : vector<128x128xi32>
    %jit3A_80 = arith.constant 0.000000e+00 : f32
    %jit3A_81 = arith.constant -1.000000e+30 : f32
    %broadcast_in_dim3A_82 = vector.broadcast %jit3A_80 : f32 to vector<128x128xf32>
    %broadcast_in_dim3A_83 = vector.broadcast %jit3A_81 : f32 to vector<128x128xf32>
    %select_n3A_84 = arith.select %eq3A, %broadcast_in_dim3A_82, %broadcast_in_dim3A_83 : vector<128x128xi1>, vector<128x128xf32>
    %dot_general3A_85 = arith.constant dense<0.000000e+00> : vector<128x128xf32>
    %dot_general3A_86 = tpu.matmul %slice3A, %slice3A, %dot_general3A_85 {dimension_numbers = #tpu.dot_dimension_numbers<[1], [1], [0], [0], [0, 0, 1, 0], [], []>, precision = #tpu.contract_precision<fp32>, transpose_lhs_hint = false} : vector<128x64xf32>, vector<128x64xf32>, vector<128x128xf32> -> vector<128x128xf32>
    %mul3A_87 = arith.constant 2.000000e+00 : f32
    %mul3A_88 = vector.broadcast %mul3A_87 : f32 to vector<128x128xf32>
    %mul3A_89 = arith.mulf %mul3A_88, %dot_general3A_86 : vector<128x128xf32>
    %add3A_90 = arith.addf %mul3A_89, %select_n3A_84 : vector<128x128xf32>
    %neg3A = arith.constant 0.000000e+00 : f32
    %neg3A_91 = vector.broadcast %neg3A : f32 to vector<1x128xf32>
    %neg3A_92 = arith.subf %neg3A_91, %broadcast_in_dim3A : vector<1x128xf32>
    %sub3A_93 = arith.constant 1.000000e+00 : f32
    %sub3A_94 = vector.broadcast %sub3A_93 : f32 to vector<1x128xf32>
    %sub3A_95 = arith.subf %sub3A_94, %slice3A_18 : vector<1x128xf32>
    %mul3A_96 = arith.constant 1.000000e+02 : f32
    %mul3A_97 = vector.broadcast %mul3A_96 : f32 to vector<1x128xf32>
    %mul3A_98 = arith.mulf %mul3A_97, %sub3A_95 : vector<1x128xf32>
    %sub3A_99 = arith.subf %neg3A_92, %mul3A_98 : vector<1x128xf32>
    %add3A_100 = vector.broadcast %sub3A_99 : vector<1x128xf32> to vector<128x128xf32>
    %add3A_101 = arith.addf %add3A_90, %add3A_100 : vector<128x128xf32>
    %slice3A_102 = vector.extract_strided_slice %add3A_9 {offsets = [0, 0], sizes = [128, 64], strides = [1, 1]} : vector<128x2304xf32> to vector<128x64xf32>
    %mul3A_103 = arith.constant 1.250000e-01 : f32
    %mul3A_104 = vector.broadcast %mul3A_103 : f32 to vector<128x64xf32>
    %mul3A_105 = arith.mulf %slice3A_102, %mul3A_104 : vector<128x64xf32>
    %slice3A_106 = vector.extract_strided_slice %add3A_9 {offsets = [0, 768], sizes = [128, 64], strides = [1, 1]} : vector<128x2304xf32> to vector<128x64xf32>
    %dot_general3A_107 = arith.constant dense<0.000000e+00> : vector<128x128xf32>
    %dot_general3A_108 = tpu.matmul %mul3A_105, %slice3A_106, %dot_general3A_107 {dimension_numbers = #tpu.dot_dimension_numbers<[1], [1], [0], [0], [0, 0, 1, 0], [], []>, transpose_lhs_hint = false} : vector<128x64xf32>, vector<128x64xf32>, vector<128x128xf32> -> vector<128x128xf32>
    %add3A_109 = arith.addf %dot_general3A_108, %add3A_101 : vector<128x128xf32>
    %slice3A_110 = vector.extract_strided_slice %dot_general3A_24 {offsets = [0, 0], sizes = [1, 128], strides = [1, 1]} : vector<12x128xf32> to vector<1x128xf32>
    %add3A_111 = vector.broadcast %slice3A_110 : vector<1x128xf32> to vector<128x128xf32>
    %add3A_112 = arith.addf %add3A_109, %add3A_111 : vector<128x128xf32>
    %slice3A_113 = vector.extract_strided_slice %add3A_9 {offsets = [0, 64], sizes = [128, 64], strides = [1, 1]} : vector<128x2304xf32> to vector<128x64xf32>
    %mul3A_114 = arith.constant 1.250000e-01 : f32
    %mul3A_115 = vector.broadcast %mul3A_114 : f32 to vector<128x64xf32>
    %mul3A_116 = arith.mulf %slice3A_113, %mul3A_115 : vector<128x64xf32>
    %slice3A_117 = vector.extract_strided_slice %add3A_9 {offsets = [0, 832], sizes = [128, 64], strides = [1, 1]} : vector<128x2304xf32> to vector<128x64xf32>
    %dot_general3A_118 = arith.constant dense<0.000000e+00> : vector<128x128xf32>
    %dot_general3A_119 = tpu.matmul %mul3A_116, %slice3A_117, %dot_general3A_118 {dimension_numbers = #tpu.dot_dimension_numbers<[1], [1], [0], [0], [0, 0, 1, 0], [], []>, transpose_lhs_hint = false} : vector<128x64xf32>, vector<128x64xf32>, vector<128x128xf32> -> vector<128x128xf32>
    %add3A_120 = arith.addf %dot_general3A_119, %add3A_101 : vector<128x128xf32>
    %slice3A_121 = vector.extract_strided_slice %dot_general3A_24 {offsets = [1, 0], sizes = [1, 128], strides = [1, 1]} : vector<12x128xf32> to vector<1x128xf32>
    %add3A_122 = vector.broadcast %slice3A_121 : vector<1x128xf32> to vector<128x128xf32>
    %add3A_123 = arith.addf %add3A_120, %add3A_122 : vector<128x128xf32>
    %slice3A_124 = vector.extract_strided_slice %add3A_9 {offsets = [0, 128], sizes = [128, 64], strides = [1, 1]} : vector<128x2304xf32> to vector<128x64xf32>
    %mul3A_125 = arith.constant 1.250000e-01 : f32
    %mul3A_126 = vector.broadcast %mul3A_125 : f32 to vector<128x64xf32>
    %mul3A_127 = arith.mulf %slice3A_124, %mul3A_126 : vector<128x64xf32>
    %slice3A_128 = vector.extract_strided_slice %add3A_9 {offsets = [0, 896], sizes = [128, 64], strides = [1, 1]} : vector<128x2304xf32> to vector<128x64xf32>
    %dot_general3A_129 = arith.constant dense<0.000000e+00> : vector<128x128xf32>
    %dot_general3A_130 = tpu.matmul %mul3A_127, %slice3A_128, %dot_general3A_129 {dimension_numbers = #tpu.dot_dimension_numbers<[1], [1], [0], [0], [0, 0, 1, 0], [], []>, transpose_lhs_hint = false} : vector<128x64xf32>, vector<128x64xf32>, vector<128x128xf32> -> vector<128x128xf32>
    %add3A_131 = arith.addf %dot_general3A_130, %add3A_101 : vector<128x128xf32>
    %slice3A_132 = vector.extract_strided_slice %dot_general3A_24 {offsets = [2, 0], sizes = [1, 128], strides = [1, 1]} : vector<12x128xf32> to vector<1x128xf32>
    %add3A_133 = vector.broadcast %slice3A_132 : vector<1x128xf32> to vector<128x128xf32>
    %add3A_134 = arith.addf %add3A_131, %add3A_133 : vector<128x128xf32>
    %slice3A_135 = vector.extract_strided_slice %add3A_9 {offsets = [0, 192], sizes = [128, 64], strides = [1, 1]} : vector<128x2304xf32> to vector<128x64xf32>
    %mul3A_136 = arith.constant 1.250000e-01 : f32
    %mul3A_137 = vector.broadcast %mul3A_136 : f32 to vector<128x64xf32>
    %mul3A_138 = arith.mulf %slice3A_135, %mul3A_137 : vector<128x64xf32>
    %slice3A_139 = vector.extract_strided_slice %add3A_9 {offsets = [0, 960], sizes = [128, 64], strides = [1, 1]} : vector<128x2304xf32> to vector<128x64xf32>
    %dot_general3A_140 = arith.constant dense<0.000000e+00> : vector<128x128xf32>
    %dot_general3A_141 = tpu.matmul %mul3A_138, %slice3A_139, %dot_general3A_140 {dimension_numbers = #tpu.dot_dimension_numbers<[1], [1], [0], [0], [0, 0, 1, 0], [], []>, transpose_lhs_hint = false} : vector<128x64xf32>, vector<128x64xf32>, vector<128x128xf32> -> vector<128x128xf32>
    %add3A_142 = arith.addf %dot_general3A_141, %add3A_101 : vector<128x128xf32>
    %slice3A_143 = vector.extract_strided_slice %dot_general3A_24 {offsets = [3, 0], sizes = [1, 128], strides = [1, 1]} : vector<12x128xf32> to vector<1x128xf32>
    %add3A_144 = vector.broadcast %slice3A_143 : vector<1x128xf32> to vector<128x128xf32>
    %add3A_145 = arith.addf %add3A_142, %add3A_144 : vector<128x128xf32>
    %slice3A_146 = vector.extract_strided_slice %add3A_9 {offsets = [0, 256], sizes = [128, 64], strides = [1, 1]} : vector<128x2304xf32> to vector<128x64xf32>
    %mul3A_147 = arith.constant 1.250000e-01 : f32
    %mul3A_148 = vector.broadcast %mul3A_147 : f32 to vector<128x64xf32>
    %mul3A_149 = arith.mulf %slice3A_146, %mul3A_148 : vector<128x64xf32>
    %slice3A_150 = vector.extract_strided_slice %add3A_9 {offsets = [0, 1024], sizes = [128, 64], strides = [1, 1]} : vector<128x2304xf32> to vector<128x64xf32>
    %dot_general3A_151 = arith.constant dense<0.000000e+00> : vector<128x128xf32>
    %dot_general3A_152 = tpu.matmul %mul3A_149, %slice3A_150, %dot_general3A_151 {dimension_numbers = #tpu.dot_dimension_numbers<[1], [1], [0], [0], [0, 0, 1, 0], [], []>, transpose_lhs_hint = false} : vector<128x64xf32>, vector<128x64xf32>, vector<128x128xf32> -> vector<128x128xf32>
    %add3A_153 = arith.addf %dot_general3A_152, %add3A_101 : vector<128x128xf32>
    %slice3A_154 = vector.extract_strided_slice %dot_general3A_24 {offsets = [4, 0], sizes = [1, 128], strides = [1, 1]} : vector<12x128xf32> to vector<1x128xf32>
    %add3A_155 = vector.broadcast %slice3A_154 : vector<1x128xf32> to vector<128x128xf32>
    %add3A_156 = arith.addf %add3A_153, %add3A_155 : vector<128x128xf32>
    %slice3A_157 = vector.extract_strided_slice %add3A_9 {offsets = [0, 320], sizes = [128, 64], strides = [1, 1]} : vector<128x2304xf32> to vector<128x64xf32>
    %mul3A_158 = arith.constant 1.250000e-01 : f32
    %mul3A_159 = vector.broadcast %mul3A_158 : f32 to vector<128x64xf32>
    %mul3A_160 = arith.mulf %slice3A_157, %mul3A_159 : vector<128x64xf32>
    %slice3A_161 = vector.extract_strided_slice %add3A_9 {offsets = [0, 1088], sizes = [128, 64], strides = [1, 1]} : vector<128x2304xf32> to vector<128x64xf32>
    %dot_general3A_162 = arith.constant dense<0.000000e+00> : vector<128x128xf32>
    %dot_general3A_163 = tpu.matmul %mul3A_160, %slice3A_161, %dot_general3A_162 {dimension_numbers = #tpu.dot_dimension_numbers<[1], [1], [0], [0], [0, 0, 1, 0], [], []>, transpose_lhs_hint = false} : vector<128x64xf32>, vector<128x64xf32>, vector<128x128xf32> -> vector<128x128xf32>
    %add3A_164 = arith.addf %dot_general3A_163, %add3A_101 : vector<128x128xf32>
    %slice3A_165 = vector.extract_strided_slice %dot_general3A_24 {offsets = [5, 0], sizes = [1, 128], strides = [1, 1]} : vector<12x128xf32> to vector<1x128xf32>
    %add3A_166 = vector.broadcast %slice3A_165 : vector<1x128xf32> to vector<128x128xf32>
    %add3A_167 = arith.addf %add3A_164, %add3A_166 : vector<128x128xf32>
    %slice3A_168 = vector.extract_strided_slice %add3A_9 {offsets = [0, 384], sizes = [128, 64], strides = [1, 1]} : vector<128x2304xf32> to vector<128x64xf32>
    %mul3A_169 = arith.constant 1.250000e-01 : f32
    %mul3A_170 = vector.broadcast %mul3A_169 : f32 to vector<128x64xf32>
    %mul3A_171 = arith.mulf %slice3A_168, %mul3A_170 : vector<128x64xf32>
    %slice3A_172 = vector.extract_strided_slice %add3A_9 {offsets = [0, 1152], sizes = [128, 64], strides = [1, 1]} : vector<128x2304xf32> to vector<128x64xf32>
    %dot_general3A_173 = arith.constant dense<0.000000e+00> : vector<128x128xf32>
    %dot_general3A_174 = tpu.matmul %mul3A_171, %slice3A_172, %dot_general3A_173 {dimension_numbers = #tpu.dot_dimension_numbers<[1], [1], [0], [0], [0, 0, 1, 0], [], []>, transpose_lhs_hint = false} : vector<128x64xf32>, vector<128x64xf32>, vector<128x128xf32> -> vector<128x128xf32>
    %add3A_175 = arith.addf %dot_general3A_174, %add3A_101 : vector<128x128xf32>
    %slice3A_176 = vector.extract_strided_slice %dot_general3A_24 {offsets = [6, 0], sizes = [1, 128], strides = [1, 1]} : vector<12x128xf32> to vector<1x128xf32>
    %add3A_177 = vector.broadcast %slice3A_176 : vector<1x128xf32> to vector<128x128xf32>
    %add3A_178 = arith.addf %add3A_175, %add3A_177 : vector<128x128xf32>
    %slice3A_179 = vector.extract_strided_slice %add3A_9 {offsets = [0, 448], sizes = [128, 64], strides = [1, 1]} : vector<128x2304xf32> to vector<128x64xf32>
    %mul3A_180 = arith.constant 1.250000e-01 : f32
    %mul3A_181 = vector.broadcast %mul3A_180 : f32 to vector<128x64xf32>
    %mul3A_182 = arith.mulf %slice3A_179, %mul3A_181 : vector<128x64xf32>
    %slice3A_183 = vector.extract_strided_slice %add3A_9 {offsets = [0, 1216], sizes = [128, 64], strides = [1, 1]} : vector<128x2304xf32> to vector<128x64xf32>
    %dot_general3A_184 = arith.constant dense<0.000000e+00> : vector<128x128xf32>
    %dot_general3A_185 = tpu.matmul %mul3A_182, %slice3A_183, %dot_general3A_184 {dimension_numbers = #tpu.dot_dimension_numbers<[1], [1], [0], [0], [0, 0, 1, 0], [], []>, transpose_lhs_hint = false} : vector<128x64xf32>, vector<128x64xf32>, vector<128x128xf32> -> vector<128x128xf32>
    %add3A_186 = arith.addf %dot_general3A_185, %add3A_101 : vector<128x128xf32>
    %slice3A_187 = vector.extract_strided_slice %dot_general3A_24 {offsets = [7, 0], sizes = [1, 128], strides = [1, 1]} : vector<12x128xf32> to vector<1x128xf32>
    %add3A_188 = vector.broadcast %slice3A_187 : vector<1x128xf32> to vector<128x128xf32>
    %add3A_189 = arith.addf %add3A_186, %add3A_188 : vector<128x128xf32>
    %slice3A_190 = vector.extract_strided_slice %add3A_9 {offsets = [0, 512], sizes = [128, 64], strides = [1, 1]} : vector<128x2304xf32> to vector<128x64xf32>
    %mul3A_191 = arith.constant 1.250000e-01 : f32
    %mul3A_192 = vector.broadcast %mul3A_191 : f32 to vector<128x64xf32>
    %mul3A_193 = arith.mulf %slice3A_190, %mul3A_192 : vector<128x64xf32>
    %slice3A_194 = vector.extract_strided_slice %add3A_9 {offsets = [0, 1280], sizes = [128, 64], strides = [1, 1]} : vector<128x2304xf32> to vector<128x64xf32>
    %dot_general3A_195 = arith.constant dense<0.000000e+00> : vector<128x128xf32>
    %dot_general3A_196 = tpu.matmul %mul3A_193, %slice3A_194, %dot_general3A_195 {dimension_numbers = #tpu.dot_dimension_numbers<[1], [1], [0], [0], [0, 0, 1, 0], [], []>, transpose_lhs_hint = false} : vector<128x64xf32>, vector<128x64xf32>, vector<128x128xf32> -> vector<128x128xf32>
    %add3A_197 = arith.addf %dot_general3A_196, %add3A_101 : vector<128x128xf32>
    %slice3A_198 = vector.extract_strided_slice %dot_general3A_24 {offsets = [8, 0], sizes = [1, 128], strides = [1, 1]} : vector<12x128xf32> to vector<1x128xf32>
    %add3A_199 = vector.broadcast %slice3A_198 : vector<1x128xf32> to vector<128x128xf32>
    %add3A_200 = arith.addf %add3A_197, %add3A_199 : vector<128x128xf32>
    %slice3A_201 = vector.extract_strided_slice %add3A_9 {offsets = [0, 576], sizes = [128, 64], strides = [1, 1]} : vector<128x2304xf32> to vector<128x64xf32>
    %mul3A_202 = arith.constant 1.250000e-01 : f32
    %mul3A_203 = vector.broadcast %mul3A_202 : f32 to vector<128x64xf32>
    %mul3A_204 = arith.mulf %slice3A_201, %mul3A_203 : vector<128x64xf32>
    %slice3A_205 = vector.extract_strided_slice %add3A_9 {offsets = [0, 1344], sizes = [128, 64], strides = [1, 1]} : vector<128x2304xf32> to vector<128x64xf32>
    %dot_general3A_206 = arith.constant dense<0.000000e+00> : vector<128x128xf32>
    %dot_general3A_207 = tpu.matmul %mul3A_204, %slice3A_205, %dot_general3A_206 {dimension_numbers = #tpu.dot_dimension_numbers<[1], [1], [0], [0], [0, 0, 1, 0], [], []>, transpose_lhs_hint = false} : vector<128x64xf32>, vector<128x64xf32>, vector<128x128xf32> -> vector<128x128xf32>
    %add3A_208 = arith.addf %dot_general3A_207, %add3A_101 : vector<128x128xf32>
    %slice3A_209 = vector.extract_strided_slice %dot_general3A_24 {offsets = [9, 0], sizes = [1, 128], strides = [1, 1]} : vector<12x128xf32> to vector<1x128xf32>
    %add3A_210 = vector.broadcast %slice3A_209 : vector<1x128xf32> to vector<128x128xf32>
    %add3A_211 = arith.addf %add3A_208, %add3A_210 : vector<128x128xf32>
    %slice3A_212 = vector.extract_strided_slice %add3A_9 {offsets = [0, 640], sizes = [128, 64], strides = [1, 1]} : vector<128x2304xf32> to vector<128x64xf32>
    %mul3A_213 = arith.constant 1.250000e-01 : f32
    %mul3A_214 = vector.broadcast %mul3A_213 : f32 to vector<128x64xf32>
    %mul3A_215 = arith.mulf %slice3A_212, %mul3A_214 : vector<128x64xf32>
    %slice3A_216 = vector.extract_strided_slice %add3A_9 {offsets = [0, 1408], sizes = [128, 64], strides = [1, 1]} : vector<128x2304xf32> to vector<128x64xf32>
    %dot_general3A_217 = arith.constant dense<0.000000e+00> : vector<128x128xf32>
    %dot_general3A_218 = tpu.matmul %mul3A_215, %slice3A_216, %dot_general3A_217 {dimension_numbers = #tpu.dot_dimension_numbers<[1], [1], [0], [0], [0, 0, 1, 0], [], []>, transpose_lhs_hint = false} : vector<128x64xf32>, vector<128x64xf32>, vector<128x128xf32> -> vector<128x128xf32>
    %add3A_219 = arith.addf %dot_general3A_218, %add3A_101 : vector<128x128xf32>
    %slice3A_220 = vector.extract_strided_slice %dot_general3A_24 {offsets = [10, 0], sizes = [1, 128], strides = [1, 1]} : vector<12x128xf32> to vector<1x128xf32>
    %add3A_221 = vector.broadcast %slice3A_220 : vector<1x128xf32> to vector<128x128xf32>
    %add3A_222 = arith.addf %add3A_219, %add3A_221 : vector<128x128xf32>
    %slice3A_223 = vector.extract_strided_slice %add3A_9 {offsets = [0, 704], sizes = [128, 64], strides = [1, 1]} : vector<128x2304xf32> to vector<128x64xf32>
    %mul3A_224 = arith.constant 1.250000e-01 : f32
    %mul3A_225 = vector.broadcast %mul3A_224 : f32 to vector<128x64xf32>
    %mul3A_226 = arith.mulf %slice3A_223, %mul3A_225 : vector<128x64xf32>
    %slice3A_227 = vector.extract_strided_slice %add3A_9 {offsets = [0, 1472], sizes = [128, 64], strides = [1, 1]} : vector<128x2304xf32> to vector<128x64xf32>
    %dot_general3A_228 = arith.constant dense<0.000000e+00> : vector<128x128xf32>
    %dot_general3A_229 = tpu.matmul %mul3A_226, %slice3A_227, %dot_general3A_228 {dimension_numbers = #tpu.dot_dimension_numbers<[1], [1], [0], [0], [0, 0, 1, 0], [], []>, transpose_lhs_hint = false} : vector<128x64xf32>, vector<128x64xf32>, vector<128x128xf32> -> vector<128x128xf32>
    %add3A_230 = arith.addf %dot_general3A_229, %add3A_101 : vector<128x128xf32>
    %slice3A_231 = vector.extract_strided_slice %dot_general3A_24 {offsets = [11, 0], sizes = [1, 128], strides = [1, 1]} : vector<12x128xf32> to vector<1x128xf32>
    %add3A_232 = vector.broadcast %slice3A_231 : vector<1x128xf32> to vector<128x128xf32>
    %add3A_233 = arith.addf %add3A_230, %add3A_232 : vector<128x128xf32>
    %reduce_max3A = arith.constant dense<0xFF800000> : vector<128xf32>
    %reduce_max3A_234 = vector.multi_reduction <maximumf>, %add3A_112, %reduce_max3A [1] : vector<128x128xf32> to vector<128xf32>
    %broadcast_in_dim3A_235 = vector.shape_cast %reduce_max3A_234 : vector<128xf32> to vector<128x1xf32>
    %sub3A_236 = vector.broadcast %broadcast_in_dim3A_235 : vector<128x1xf32> to vector<128x128xf32>
    %sub3A_237 = arith.subf %add3A_112, %sub3A_236 : vector<128x128xf32>
    %exp3A = math.exp %sub3A_237 : vector<128x128xf32>
    %reduce_max3A_238 = arith.constant dense<0xFF800000> : vector<128xf32>
    %reduce_max3A_239 = vector.multi_reduction <maximumf>, %add3A_123, %reduce_max3A_238 [1] : vector<128x128xf32> to vector<128xf32>
    %broadcast_in_dim3A_240 = vector.shape_cast %reduce_max3A_239 : vector<128xf32> to vector<128x1xf32>
    %sub3A_241 = vector.broadcast %broadcast_in_dim3A_240 : vector<128x1xf32> to vector<128x128xf32>
    %sub3A_242 = arith.subf %add3A_123, %sub3A_241 : vector<128x128xf32>
    %exp3A_243 = math.exp %sub3A_242 : vector<128x128xf32>
    %reduce_max3A_244 = arith.constant dense<0xFF800000> : vector<128xf32>
    %reduce_max3A_245 = vector.multi_reduction <maximumf>, %add3A_134, %reduce_max3A_244 [1] : vector<128x128xf32> to vector<128xf32>
    %broadcast_in_dim3A_246 = vector.shape_cast %reduce_max3A_245 : vector<128xf32> to vector<128x1xf32>
    %sub3A_247 = vector.broadcast %broadcast_in_dim3A_246 : vector<128x1xf32> to vector<128x128xf32>
    %sub3A_248 = arith.subf %add3A_134, %sub3A_247 : vector<128x128xf32>
    %exp3A_249 = math.exp %sub3A_248 : vector<128x128xf32>
    %reduce_max3A_250 = arith.constant dense<0xFF800000> : vector<128xf32>
    %reduce_max3A_251 = vector.multi_reduction <maximumf>, %add3A_145, %reduce_max3A_250 [1] : vector<128x128xf32> to vector<128xf32>
    %broadcast_in_dim3A_252 = vector.shape_cast %reduce_max3A_251 : vector<128xf32> to vector<128x1xf32>
    %sub3A_253 = vector.broadcast %broadcast_in_dim3A_252 : vector<128x1xf32> to vector<128x128xf32>
    %sub3A_254 = arith.subf %add3A_145, %sub3A_253 : vector<128x128xf32>
    %exp3A_255 = math.exp %sub3A_254 : vector<128x128xf32>
    %reduce_max3A_256 = arith.constant dense<0xFF800000> : vector<128xf32>
    %reduce_max3A_257 = vector.multi_reduction <maximumf>, %add3A_156, %reduce_max3A_256 [1] : vector<128x128xf32> to vector<128xf32>
    %broadcast_in_dim3A_258 = vector.shape_cast %reduce_max3A_257 : vector<128xf32> to vector<128x1xf32>
    %sub3A_259 = vector.broadcast %broadcast_in_dim3A_258 : vector<128x1xf32> to vector<128x128xf32>
    %sub3A_260 = arith.subf %add3A_156, %sub3A_259 : vector<128x128xf32>
    %exp3A_261 = math.exp %sub3A_260 : vector<128x128xf32>
    %reduce_max3A_262 = arith.constant dense<0xFF800000> : vector<128xf32>
    %reduce_max3A_263 = vector.multi_reduction <maximumf>, %add3A_167, %reduce_max3A_262 [1] : vector<128x128xf32> to vector<128xf32>
    %broadcast_in_dim3A_264 = vector.shape_cast %reduce_max3A_263 : vector<128xf32> to vector<128x1xf32>
    %sub3A_265 = vector.broadcast %broadcast_in_dim3A_264 : vector<128x1xf32> to vector<128x128xf32>
    %sub3A_266 = arith.subf %add3A_167, %sub3A_265 : vector<128x128xf32>
    %exp3A_267 = math.exp %sub3A_266 : vector<128x128xf32>
    %reduce_max3A_268 = arith.constant dense<0xFF800000> : vector<128xf32>
    %reduce_max3A_269 = vector.multi_reduction <maximumf>, %add3A_178, %reduce_max3A_268 [1] : vector<128x128xf32> to vector<128xf32>
    %broadcast_in_dim3A_270 = vector.shape_cast %reduce_max3A_269 : vector<128xf32> to vector<128x1xf32>
    %sub3A_271 = vector.broadcast %broadcast_in_dim3A_270 : vector<128x1xf32> to vector<128x128xf32>
    %sub3A_272 = arith.subf %add3A_178, %sub3A_271 : vector<128x128xf32>
    %exp3A_273 = math.exp %sub3A_272 : vector<128x128xf32>
    %reduce_max3A_274 = arith.constant dense<0xFF800000> : vector<128xf32>
    %reduce_max3A_275 = vector.multi_reduction <maximumf>, %add3A_189, %reduce_max3A_274 [1] : vector<128x128xf32> to vector<128xf32>
    %broadcast_in_dim3A_276 = vector.shape_cast %reduce_max3A_275 : vector<128xf32> to vector<128x1xf32>
    %sub3A_277 = vector.broadcast %broadcast_in_dim3A_276 : vector<128x1xf32> to vector<128x128xf32>
    %sub3A_278 = arith.subf %add3A_189, %sub3A_277 : vector<128x128xf32>
    %exp3A_279 = math.exp %sub3A_278 : vector<128x128xf32>
    %reduce_max3A_280 = arith.constant dense<0xFF800000> : vector<128xf32>
    %reduce_max3A_281 = vector.multi_reduction <maximumf>, %add3A_200, %reduce_max3A_280 [1] : vector<128x128xf32> to vector<128xf32>
    %broadcast_in_dim3A_282 = vector.shape_cast %reduce_max3A_281 : vector<128xf32> to vector<128x1xf32>
    %sub3A_283 = vector.broadcast %broadcast_in_dim3A_282 : vector<128x1xf32> to vector<128x128xf32>
    %sub3A_284 = arith.subf %add3A_200, %sub3A_283 : vector<128x128xf32>
    %exp3A_285 = math.exp %sub3A_284 : vector<128x128xf32>
    %reduce_max3A_286 = arith.constant dense<0xFF800000> : vector<128xf32>
    %reduce_max3A_287 = vector.multi_reduction <maximumf>, %add3A_211, %reduce_max3A_286 [1] : vector<128x128xf32> to vector<128xf32>
    %broadcast_in_dim3A_288 = vector.shape_cast %reduce_max3A_287 : vector<128xf32> to vector<128x1xf32>
    %sub3A_289 = vector.broadcast %broadcast_in_dim3A_288 : vector<128x1xf32> to vector<128x128xf32>
    %sub3A_290 = arith.subf %add3A_211, %sub3A_289 : vector<128x128xf32>
    %exp3A_291 = math.exp %sub3A_290 : vector<128x128xf32>
    %reduce_max3A_292 = arith.constant dense<0xFF800000> : vector<128xf32>
    %reduce_max3A_293 = vector.multi_reduction <maximumf>, %add3A_222, %reduce_max3A_292 [1] : vector<128x128xf32> to vector<128xf32>
    %broadcast_in_dim3A_294 = vector.shape_cast %reduce_max3A_293 : vector<128xf32> to vector<128x1xf32>
    %sub3A_295 = vector.broadcast %broadcast_in_dim3A_294 : vector<128x1xf32> to vector<128x128xf32>
    %sub3A_296 = arith.subf %add3A_222, %sub3A_295 : vector<128x128xf32>
    %exp3A_297 = math.exp %sub3A_296 : vector<128x128xf32>
    %reduce_max3A_298 = arith.constant dense<0xFF800000> : vector<128xf32>
    %reduce_max3A_299 = vector.multi_reduction <maximumf>, %add3A_233, %reduce_max3A_298 [1] : vector<128x128xf32> to vector<128xf32>
    %broadcast_in_dim3A_300 = vector.shape_cast %reduce_max3A_299 : vector<128xf32> to vector<128x1xf32>
    %sub3A_301 = vector.broadcast %broadcast_in_dim3A_300 : vector<128x1xf32> to vector<128x128xf32>
    %sub3A_302 = arith.subf %add3A_233, %sub3A_301 : vector<128x128xf32>
    %exp3A_303 = math.exp %sub3A_302 : vector<128x128xf32>
    %broadcast_in_dim3A_304 = arith.constant 1.000000e+00 : f32
    %broadcast_in_dim3A_305 = vector.broadcast %broadcast_in_dim3A_304 : f32 to vector<128x1xf32>
    %slice3A_306 = vector.extract_strided_slice %add3A_9 {offsets = [0, 1536], sizes = [128, 64], strides = [1, 1]} : vector<128x2304xf32> to vector<128x64xf32>
    %concatenate3A = tpu.concatenate %slice3A_306, %broadcast_in_dim3A_305 in 1 : vector<128x64xf32>, vector<128x1xf32> -> vector<128x65xf32>
    %dot_general3A_307 = arith.constant dense<0.000000e+00> : vector<128x65xf32>
    %dot_general3A_308 = tpu.matmul %exp3A, %concatenate3A, %dot_general3A_307 {dimension_numbers = #tpu.dot_dimension_numbers<[1], [0], [0], [1], [0, 0, 1, 1], [], []>, transpose_lhs_hint = false} : vector<128x128xf32>, vector<128x65xf32>, vector<128x65xf32> -> vector<128x65xf32>
    %slice3A_309 = vector.extract_strided_slice %dot_general3A_308 {offsets = [0, 0], sizes = [128, 64], strides = [1, 1]} : vector<128x65xf32> to vector<128x64xf32>
    %slice3A_310 = vector.extract_strided_slice %dot_general3A_308 {offsets = [0, 64], sizes = [128, 1], strides = [1, 1]} : vector<128x65xf32> to vector<128x1xf32>
    %div3A_311 = vector.broadcast %slice3A_310 : vector<128x1xf32> to vector<128x64xf32>
    %div3A_312 = arith.divf %slice3A_309, %div3A_311 : vector<128x64xf32>
    %slice3A_313 = vector.extract_strided_slice %add3A_9 {offsets = [0, 1600], sizes = [128, 64], strides = [1, 1]} : vector<128x2304xf32> to vector<128x64xf32>
    %concatenate3A_314 = tpu.concatenate %slice3A_313, %broadcast_in_dim3A_305 in 1 : vector<128x64xf32>, vector<128x1xf32> -> vector<128x65xf32>
    %dot_general3A_315 = arith.constant dense<0.000000e+00> : vector<128x65xf32>
    %dot_general3A_316 = tpu.matmul %exp3A_243, %concatenate3A_314, %dot_general3A_315 {dimension_numbers = #tpu.dot_dimension_numbers<[1], [0], [0], [1], [0, 0, 1, 1], [], []>, transpose_lhs_hint = false} : vector<128x128xf32>, vector<128x65xf32>, vector<128x65xf32> -> vector<128x65xf32>
    %slice3A_317 = vector.extract_strided_slice %dot_general3A_316 {offsets = [0, 0], sizes = [128, 64], strides = [1, 1]} : vector<128x65xf32> to vector<128x64xf32>
    %slice3A_318 = vector.extract_strided_slice %dot_general3A_316 {offsets = [0, 64], sizes = [128, 1], strides = [1, 1]} : vector<128x65xf32> to vector<128x1xf32>
    %div3A_319 = vector.broadcast %slice3A_318 : vector<128x1xf32> to vector<128x64xf32>
    %div3A_320 = arith.divf %slice3A_317, %div3A_319 : vector<128x64xf32>
    %slice3A_321 = vector.extract_strided_slice %add3A_9 {offsets = [0, 1664], sizes = [128, 64], strides = [1, 1]} : vector<128x2304xf32> to vector<128x64xf32>
    %concatenate3A_322 = tpu.concatenate %slice3A_321, %broadcast_in_dim3A_305 in 1 : vector<128x64xf32>, vector<128x1xf32> -> vector<128x65xf32>
    %dot_general3A_323 = arith.constant dense<0.000000e+00> : vector<128x65xf32>
    %dot_general3A_324 = tpu.matmul %exp3A_249, %concatenate3A_322, %dot_general3A_323 {dimension_numbers = #tpu.dot_dimension_numbers<[1], [0], [0], [1], [0, 0, 1, 1], [], []>, transpose_lhs_hint = false} : vector<128x128xf32>, vector<128x65xf32>, vector<128x65xf32> -> vector<128x65xf32>
    %slice3A_325 = vector.extract_strided_slice %dot_general3A_324 {offsets = [0, 0], sizes = [128, 64], strides = [1, 1]} : vector<128x65xf32> to vector<128x64xf32>
    %slice3A_326 = vector.extract_strided_slice %dot_general3A_324 {offsets = [0, 64], sizes = [128, 1], strides = [1, 1]} : vector<128x65xf32> to vector<128x1xf32>
    %div3A_327 = vector.broadcast %slice3A_326 : vector<128x1xf32> to vector<128x64xf32>
    %div3A_328 = arith.divf %slice3A_325, %div3A_327 : vector<128x64xf32>
    %slice3A_329 = vector.extract_strided_slice %add3A_9 {offsets = [0, 1728], sizes = [128, 64], strides = [1, 1]} : vector<128x2304xf32> to vector<128x64xf32>
    %concatenate3A_330 = tpu.concatenate %slice3A_329, %broadcast_in_dim3A_305 in 1 : vector<128x64xf32>, vector<128x1xf32> -> vector<128x65xf32>
    %dot_general3A_331 = arith.constant dense<0.000000e+00> : vector<128x65xf32>
    %dot_general3A_332 = tpu.matmul %exp3A_255, %concatenate3A_330, %dot_general3A_331 {dimension_numbers = #tpu.dot_dimension_numbers<[1], [0], [0], [1], [0, 0, 1, 1], [], []>, transpose_lhs_hint = false} : vector<128x128xf32>, vector<128x65xf32>, vector<128x65xf32> -> vector<128x65xf32>
    %slice3A_333 = vector.extract_strided_slice %dot_general3A_332 {offsets = [0, 0], sizes = [128, 64], strides = [1, 1]} : vector<128x65xf32> to vector<128x64xf32>
    %slice3A_334 = vector.extract_strided_slice %dot_general3A_332 {offsets = [0, 64], sizes = [128, 1], strides = [1, 1]} : vector<128x65xf32> to vector<128x1xf32>
    %div3A_335 = vector.broadcast %slice3A_334 : vector<128x1xf32> to vector<128x64xf32>
    %div3A_336 = arith.divf %slice3A_333, %div3A_335 : vector<128x64xf32>
    %slice3A_337 = vector.extract_strided_slice %add3A_9 {offsets = [0, 1792], sizes = [128, 64], strides = [1, 1]} : vector<128x2304xf32> to vector<128x64xf32>
    %concatenate3A_338 = tpu.concatenate %slice3A_337, %broadcast_in_dim3A_305 in 1 : vector<128x64xf32>, vector<128x1xf32> -> vector<128x65xf32>
    %dot_general3A_339 = arith.constant dense<0.000000e+00> : vector<128x65xf32>
    %dot_general3A_340 = tpu.matmul %exp3A_261, %concatenate3A_338, %dot_general3A_339 {dimension_numbers = #tpu.dot_dimension_numbers<[1], [0], [0], [1], [0, 0, 1, 1], [], []>, transpose_lhs_hint = false} : vector<128x128xf32>, vector<128x65xf32>, vector<128x65xf32> -> vector<128x65xf32>
    %slice3A_341 = vector.extract_strided_slice %dot_general3A_340 {offsets = [0, 0], sizes = [128, 64], strides = [1, 1]} : vector<128x65xf32> to vector<128x64xf32>
    %slice3A_342 = vector.extract_strided_slice %dot_general3A_340 {offsets = [0, 64], sizes = [128, 1], strides = [1, 1]} : vector<128x65xf32> to vector<128x1xf32>
    %div3A_343 = vector.broadcast %slice3A_342 : vector<128x1xf32> to vector<128x64xf32>
    %div3A_344 = arith.divf %slice3A_341, %div3A_343 : vector<128x64xf32>
    %slice3A_345 = vector.extract_strided_slice %add3A_9 {offsets = [0, 1856], sizes = [128, 64], strides = [1, 1]} : vector<128x2304xf32> to vector<128x64xf32>
    %concatenate3A_346 = tpu.concatenate %slice3A_345, %broadcast_in_dim3A_305 in 1 : vector<128x64xf32>, vector<128x1xf32> -> vector<128x65xf32>
    %dot_general3A_347 = arith.constant dense<0.000000e+00> : vector<128x65xf32>
    %dot_general3A_348 = tpu.matmul %exp3A_267, %concatenate3A_346, %dot_general3A_347 {dimension_numbers = #tpu.dot_dimension_numbers<[1], [0], [0], [1], [0, 0, 1, 1], [], []>, transpose_lhs_hint = false} : vector<128x128xf32>, vector<128x65xf32>, vector<128x65xf32> -> vector<128x65xf32>
    %slice3A_349 = vector.extract_strided_slice %dot_general3A_348 {offsets = [0, 0], sizes = [128, 64], strides = [1, 1]} : vector<128x65xf32> to vector<128x64xf32>
    %slice3A_350 = vector.extract_strided_slice %dot_general3A_348 {offsets = [0, 64], sizes = [128, 1], strides = [1, 1]} : vector<128x65xf32> to vector<128x1xf32>
    %div3A_351 = vector.broadcast %slice3A_350 : vector<128x1xf32> to vector<128x64xf32>
    %div3A_352 = arith.divf %slice3A_349, %div3A_351 : vector<128x64xf32>
    %slice3A_353 = vector.extract_strided_slice %add3A_9 {offsets = [0, 1920], sizes = [128, 64], strides = [1, 1]} : vector<128x2304xf32> to vector<128x64xf32>
    %concatenate3A_354 = tpu.concatenate %slice3A_353, %broadcast_in_dim3A_305 in 1 : vector<128x64xf32>, vector<128x1xf32> -> vector<128x65xf32>
    %dot_general3A_355 = arith.constant dense<0.000000e+00> : vector<128x65xf32>
    %dot_general3A_356 = tpu.matmul %exp3A_273, %concatenate3A_354, %dot_general3A_355 {dimension_numbers = #tpu.dot_dimension_numbers<[1], [0], [0], [1], [0, 0, 1, 1], [], []>, transpose_lhs_hint = false} : vector<128x128xf32>, vector<128x65xf32>, vector<128x65xf32> -> vector<128x65xf32>
    %slice3A_357 = vector.extract_strided_slice %dot_general3A_356 {offsets = [0, 0], sizes = [128, 64], strides = [1, 1]} : vector<128x65xf32> to vector<128x64xf32>
    %slice3A_358 = vector.extract_strided_slice %dot_general3A_356 {offsets = [0, 64], sizes = [128, 1], strides = [1, 1]} : vector<128x65xf32> to vector<128x1xf32>
    %div3A_359 = vector.broadcast %slice3A_358 : vector<128x1xf32> to vector<128x64xf32>
    %div3A_360 = arith.divf %slice3A_357, %div3A_359 : vector<128x64xf32>
    %slice3A_361 = vector.extract_strided_slice %add3A_9 {offsets = [0, 1984], sizes = [128, 64], strides = [1, 1]} : vector<128x2304xf32> to vector<128x64xf32>
    %concatenate3A_362 = tpu.concatenate %slice3A_361, %broadcast_in_dim3A_305 in 1 : vector<128x64xf32>, vector<128x1xf32> -> vector<128x65xf32>
    %dot_general3A_363 = arith.constant dense<0.000000e+00> : vector<128x65xf32>
    %dot_general3A_364 = tpu.matmul %exp3A_279, %concatenate3A_362, %dot_general3A_363 {dimension_numbers = #tpu.dot_dimension_numbers<[1], [0], [0], [1], [0, 0, 1, 1], [], []>, transpose_lhs_hint = false} : vector<128x128xf32>, vector<128x65xf32>, vector<128x65xf32> -> vector<128x65xf32>
    %slice3A_365 = vector.extract_strided_slice %dot_general3A_364 {offsets = [0, 0], sizes = [128, 64], strides = [1, 1]} : vector<128x65xf32> to vector<128x64xf32>
    %slice3A_366 = vector.extract_strided_slice %dot_general3A_364 {offsets = [0, 64], sizes = [128, 1], strides = [1, 1]} : vector<128x65xf32> to vector<128x1xf32>
    %div3A_367 = vector.broadcast %slice3A_366 : vector<128x1xf32> to vector<128x64xf32>
    %div3A_368 = arith.divf %slice3A_365, %div3A_367 : vector<128x64xf32>
    %slice3A_369 = vector.extract_strided_slice %add3A_9 {offsets = [0, 2048], sizes = [128, 64], strides = [1, 1]} : vector<128x2304xf32> to vector<128x64xf32>
    %concatenate3A_370 = tpu.concatenate %slice3A_369, %broadcast_in_dim3A_305 in 1 : vector<128x64xf32>, vector<128x1xf32> -> vector<128x65xf32>
    %dot_general3A_371 = arith.constant dense<0.000000e+00> : vector<128x65xf32>
    %dot_general3A_372 = tpu.matmul %exp3A_285, %concatenate3A_370, %dot_general3A_371 {dimension_numbers = #tpu.dot_dimension_numbers<[1], [0], [0], [1], [0, 0, 1, 1], [], []>, transpose_lhs_hint = false} : vector<128x128xf32>, vector<128x65xf32>, vector<128x65xf32> -> vector<128x65xf32>
    %slice3A_373 = vector.extract_strided_slice %dot_general3A_372 {offsets = [0, 0], sizes = [128, 64], strides = [1, 1]} : vector<128x65xf32> to vector<128x64xf32>
    %slice3A_374 = vector.extract_strided_slice %dot_general3A_372 {offsets = [0, 64], sizes = [128, 1], strides = [1, 1]} : vector<128x65xf32> to vector<128x1xf32>
    %div3A_375 = vector.broadcast %slice3A_374 : vector<128x1xf32> to vector<128x64xf32>
    %div3A_376 = arith.divf %slice3A_373, %div3A_375 : vector<128x64xf32>
    %slice3A_377 = vector.extract_strided_slice %add3A_9 {offsets = [0, 2112], sizes = [128, 64], strides = [1, 1]} : vector<128x2304xf32> to vector<128x64xf32>
    %concatenate3A_378 = tpu.concatenate %slice3A_377, %broadcast_in_dim3A_305 in 1 : vector<128x64xf32>, vector<128x1xf32> -> vector<128x65xf32>
    %dot_general3A_379 = arith.constant dense<0.000000e+00> : vector<128x65xf32>
    %dot_general3A_380 = tpu.matmul %exp3A_291, %concatenate3A_378, %dot_general3A_379 {dimension_numbers = #tpu.dot_dimension_numbers<[1], [0], [0], [1], [0, 0, 1, 1], [], []>, transpose_lhs_hint = false} : vector<128x128xf32>, vector<128x65xf32>, vector<128x65xf32> -> vector<128x65xf32>
    %slice3A_381 = vector.extract_strided_slice %dot_general3A_380 {offsets = [0, 0], sizes = [128, 64], strides = [1, 1]} : vector<128x65xf32> to vector<128x64xf32>
    %slice3A_382 = vector.extract_strided_slice %dot_general3A_380 {offsets = [0, 64], sizes = [128, 1], strides = [1, 1]} : vector<128x65xf32> to vector<128x1xf32>
    %div3A_383 = vector.broadcast %slice3A_382 : vector<128x1xf32> to vector<128x64xf32>
    %div3A_384 = arith.divf %slice3A_381, %div3A_383 : vector<128x64xf32>
    %slice3A_385 = vector.extract_strided_slice %add3A_9 {offsets = [0, 2176], sizes = [128, 64], strides = [1, 1]} : vector<128x2304xf32> to vector<128x64xf32>
    %concatenate3A_386 = tpu.concatenate %slice3A_385, %broadcast_in_dim3A_305 in 1 : vector<128x64xf32>, vector<128x1xf32> -> vector<128x65xf32>
    %dot_general3A_387 = arith.constant dense<0.000000e+00> : vector<128x65xf32>
    %dot_general3A_388 = tpu.matmul %exp3A_297, %concatenate3A_386, %dot_general3A_387 {dimension_numbers = #tpu.dot_dimension_numbers<[1], [0], [0], [1], [0, 0, 1, 1], [], []>, transpose_lhs_hint = false} : vector<128x128xf32>, vector<128x65xf32>, vector<128x65xf32> -> vector<128x65xf32>
    %slice3A_389 = vector.extract_strided_slice %dot_general3A_388 {offsets = [0, 0], sizes = [128, 64], strides = [1, 1]} : vector<128x65xf32> to vector<128x64xf32>
    %slice3A_390 = vector.extract_strided_slice %dot_general3A_388 {offsets = [0, 64], sizes = [128, 1], strides = [1, 1]} : vector<128x65xf32> to vector<128x1xf32>
    %div3A_391 = vector.broadcast %slice3A_390 : vector<128x1xf32> to vector<128x64xf32>
    %div3A_392 = arith.divf %slice3A_389, %div3A_391 : vector<128x64xf32>
    %slice3A_393 = vector.extract_strided_slice %add3A_9 {offsets = [0, 2240], sizes = [128, 64], strides = [1, 1]} : vector<128x2304xf32> to vector<128x64xf32>
    %concatenate3A_394 = tpu.concatenate %slice3A_393, %broadcast_in_dim3A_305 in 1 : vector<128x64xf32>, vector<128x1xf32> -> vector<128x65xf32>
    %dot_general3A_395 = arith.constant dense<0.000000e+00> : vector<128x65xf32>
    %dot_general3A_396 = tpu.matmul %exp3A_303, %concatenate3A_394, %dot_general3A_395 {dimension_numbers = #tpu.dot_dimension_numbers<[1], [0], [0], [1], [0, 0, 1, 1], [], []>, transpose_lhs_hint = false} : vector<128x128xf32>, vector<128x65xf32>, vector<128x65xf32> -> vector<128x65xf32>
    %slice3A_397 = vector.extract_strided_slice %dot_general3A_396 {offsets = [0, 0], sizes = [128, 64], strides = [1, 1]} : vector<128x65xf32> to vector<128x64xf32>
    %slice3A_398 = vector.extract_strided_slice %dot_general3A_396 {offsets = [0, 64], sizes = [128, 1], strides = [1, 1]} : vector<128x65xf32> to vector<128x1xf32>
    %div3A_399 = vector.broadcast %slice3A_398 : vector<128x1xf32> to vector<128x64xf32>
    %div3A_400 = arith.divf %slice3A_397, %div3A_399 : vector<128x64xf32>
    %concatenate3A_401 = tpu.concatenate %div3A_312, %div3A_320, %div3A_328, %div3A_336, %div3A_344, %div3A_352, %div3A_360, %div3A_368, %div3A_376, %div3A_384, %div3A_392, %div3A_400 in 1 : vector<128x64xf32>, vector<128x64xf32>, vector<128x64xf32>, vector<128x64xf32>, vector<128x64xf32>, vector<128x64xf32>, vector<128x64xf32>, vector<128x64xf32>, vector<128x64xf32>, vector<128x64xf32>, vector<128x64xf32>, vector<128x64xf32> -> vector<128x768xf32>
    %convert_element_type3A_402 = arith.truncf %concatenate3A_401 : vector<128x768xf32> to vector<128x768xbf16>
    %get3A_403 = arith.constant 0 : index
    %get3A_404 = arith.constant 0 : index
    %get3A_405 = vector.load %arg6[%get3A_403, %get3A_404] : memref<768x768xbf16, #tpu.memory_space<vmem>>, vector<768x768xbf16>
    %dot_general3A_406 = arith.constant dense<0.000000e+00> : vector<128x768xf32>
    %dot_general3A_407 = tpu.matmul %convert_element_type3A_402, %get3A_405, %dot_general3A_406 {dimension_numbers = #tpu.dot_dimension_numbers<[1], [0], [0], [1], [0, 0, 1, 1], [], []>, transpose_lhs_hint = false} : vector<128x768xbf16>, vector<768x768xbf16>, vector<128x768xf32> -> vector<128x768xf32>
    %get3A_408 = arith.constant 0 : index
    %get3A_409 = arith.constant 0 : index
    %get3A_410 = vector.load %arg7[%get3A_408, %get3A_409] : memref<1x768xf32, #tpu.memory_space<vmem>>, vector<1x768xf32>
    %add3A_411 = vector.broadcast %get3A_410 : vector<1x768xf32> to vector<128x768xf32>
    %add3A_412 = arith.addf %dot_general3A_407, %add3A_411 : vector<128x768xf32>
    %swap3A = arith.constant 0 : index
    %swap3A_413 = arith.constant 0 : index
    %swap3A_414 = vector.load %arg8[%swap3A, %swap3A_413] : memref<128x768xf32, #tpu.memory_space<vmem>>, vector<128x768xf32>
    tpu.vector_store %arg8[%swap3A, %swap3A_413], %add3A_412 {strides = array<i32>} : memref<128x768xf32, #tpu.memory_space<vmem>>, vector<128x768xf32>,
    return
  }
  func.func @transform_0(%arg0: i32) -> (i32, i32) {
    %c0_i32 = arith.constant 0 : i32
    %c0_i32_0 = arith.constant 0 : i32
    return %arg0, %c0_i32 : i32, i32
  }
  func.func @transform_1(%arg0: i32) -> (i32, i32) {
    %c0_i32 = arith.constant 0 : i32
    %c0_i32_0 = arith.constant 0 : i32
    return %arg0, %c0_i32 : i32, i32
  }
  func.func @transform_2(%arg0: i32) -> (i32, i32) {
    %c0_i32 = arith.constant 0 : i32
    %c0_i32_0 = arith.constant 0 : i32
    %c0_i32_1 = arith.constant 0 : i32
    return %c0_i32, %c0_i32_0 : i32, i32
  }
  func.func @transform_3(%arg0: i32) -> (i32, i32) {
    %c0_i32 = arith.constant 0 : i32
    %c0_i32_0 = arith.constant 0 : i32
    %c0_i32_1 = arith.constant 0 : i32
    return %c0_i32, %c0_i32_0 : i32, i32
  }
  func.func @transform_4(%arg0: i32) -> (i32, i32) {
    %c0_i32 = arith.constant 0 : i32
    %c0_i32_0 = arith.constant 0 : i32
    %c0_i32_1 = arith.constant 0 : i32
    return %c0_i32, %c0_i32_0 : i32, i32
  }
  func.func @transform_5(%arg0: i32) -> (i32, i32) {
    %c0_i32 = arith.constant 0 : i32
    %c0_i32_0 = arith.constant 0 : i32
    %c0_i32_1 = arith.constant 0 : i32
    return %c0_i32, %c0_i32_0 : i32, i32
  }
  func.func @transform_6(%arg0: i32) -> (i32, i32) {
    %c0_i32 = arith.constant 0 : i32
    %c0_i32_0 = arith.constant 0 : i32
    %c0_i32_1 = arith.constant 0 : i32
    return %c0_i32, %c0_i32_0 : i32, i32
  }
  func.func @transform_7(%arg0: i32) -> (i32, i32) {
    %c0_i32 = arith.constant 0 : i32
    %c0_i32_0 = arith.constant 0 : i32
    return %arg0, %c0_i32 : i32, i32
  }
}

</mosaic_0001>

<sc_bundles>
// kernel: kernel.4.cloned.1.call-start
scs
__scs_entry_jumppad:
0x0: {  	(pc) =	sbr.rel $0x88, $3  }
0x1: {  	(tag) =	ssettag $0x0;
	lr =	simm.s32 $0x1  }
0x2: {  	[smem:$0x3F96] =	sst lr;
	_ =	strace $0xD0000000  }
0x3: {  	_ = 	snop  }
0x4: {  	_ = 	snop  }
0x5: {  	_ = 	snop  }
0x6: {  	_ = 	snop  }
0x7: {  	_ = 	snop  }
__scs_overlays_trampoline_lowered:
0x8: {  	[smem:$0x3FA5] =	sst s0  }
0x9: {  	[smem:$0x3FA6] =	sst s1  }
0xa: {  	[smem:$0x3FA7] =	sst s2  }
0xb: {  	[smem:$0x3FA8] =	sst s3  }
0xc: {  	[smem:$0x3FA9] =	sst s4  }
0xd: {  	[smem:$0x3FAA] =	sst s5  }
0xe: {  	[smem:$0x3FAB] =	sst s6  }
0xf: {  	[smem:$0x3FAC] =	sst s7  }
0x10: {  	[smem:$0x3FAD] =	sst s8  }
0x11: {  	[smem:$0x3FAE] =	sst s9;
	s0 =	simm.s32 @!p0 $0x0  }
0x12: {  	s1 =	sld [smem:$0x3F94];
	s0 =	simm.s32 @p0 $0x1  }
0x13: {  	[smem:$0x3FAF] =	sst s0;
	s0 =	simm.s32 @!p1 $0x0  }
0x14: {  	s2 =	sld [smem:$0x3F93];
	s0 =	simm.s32 @p1 $0x1  }
0x15: {  	[smem:$0x3FB0] =	sst s0;
	s0 =	simm.s32 @!p2 $0x0  }
0x16: {  	s3 =	sld [smem:$0x3FDB];
	s0 =	simm.s32 @p2 $0x1  }
0x17: {  	s4 =	simm.s32 $0x1BF5;
	[smem:$0x3FB2] =	sst s0  }
0x18: {  	s0 =	sld [smem:$0x3F95];
	_ =	swait.ge [sflag:s4], $0x0  }
0x19: {  	s7 =	sld [smem:$0x3F96]  }
0x1a: {  	s8 =	sadd.s32 $0xFFFFE003, lr  }
0x1b: {  	s9 =	sadd.s32 $0xFFFFFEF7, lr;
	s5 =	simm.s32 $0xFFFFFFFF;
	p2 =	slt.u32 s8, $0xFFFFF086  }
0x1c: {  	p1 =	slt.u32 s9, $0xF7A;
	s5 =	simm.s32 @!p2 $0x0  }
0x1d: {  	s5 =	simm.s32 @p1 $0x1;
	p0 =	seq.s32 s7, s2  }
0x1e: {  	s7 =	smul.u32 @!p0 $0xF7A, s2;
	p2 =	seq.s32 @!p0 s5, $0x0  }
0x1f: {  	s9 =	smul.u32 $0xF7A, s1;
	s8 =	simm.s32 @!p0 $0x1BF5;
	p2 =	por !p2, p0  }
0x20: {  	[sflag:s8] =	ssyncset.s32 @!p0 $0xFFFFF086;
	s6 =	sadd.s32 @!p0 s3, s7;
	s7 =	simm.s32 @!p0 $0x108  }
0x21: {  	s3 =	sadd.s32 s3, s9;
	s6 =	sadd.s32 @!p0 $0x88, s6;
	s7 =	simm.s32 @p2 $0x1082  }
0x22: {  	[simem:s7], [sflag:s8] =	dma.local @!p0 [hbm:s6], $0xF7A  }
0x23: {  	s9 =	sor.u32 $0xD0000000, s2;
	s6 =	simm.s32 $0x108;
	_ =	swait.ge @!p0 [sflag:s8], $0x0  }
0x24: {  	s3 =	sadd.s32 $0x88, s3;
	s6 =	simm.s32 @!p1 $0x1082;
	[sflag:s4] =	ssyncset.s32 $0xFFFFF086  }
0x25: {  	[simem:s6], [sflag:s4] =	dma.local [hbm:s3], $0xF7A  }
0x26: {  	[smem:$0x3F96] =	sst s1;
	(tag) =	ssettag s2;
	_ =	strace s9  }
0x27: {  	s1 =	sld [smem:$0x3FA6]  }
0x28: {  	s2 =	sld [smem:$0x3FA7]  }
0x29: {  	s4 =	sld [smem:$0x3FA9]  }
0x2a: {  	p0 =	seq.s32 s5, $0x0;
	s5 =	sld [smem:$0x3FAA]  }
0x2b: {  	s6 =	sld [smem:$0x3FAB]  }
0x2c: {  	s7 =	sld [smem:$0x3FAC]  }
0x2d: {  	s3 =	simm.s32 $0x108;
	s8 =	sld [smem:$0x3FAD]  }
0x2e: {  	s3 =	simm.s32 @!p0 $0x1082;
	s9 =	sld [smem:$0x3FAE]  }
0x2f: {  	lr =	sadd.s32 s0, s3;
	s0 =	sld [smem:$0x3FA5]  }
0x30: {  	s3 =	sld [smem:$0x3FA8]  }
0x31: {  	[smem:$0x3FB1] =	sst s10  }
0x32: {  	s10 =	sld [smem:$0x3FAF];
	_ =	sdelay $0x3  }
0x33: {  	p0 =	seq.s32 s10, $0x1;
	s10 =	sld [smem:$0x3FB1];
	_ =	sdelay $0x3  }
0x34: {  	[smem:$0x3FB1] =	sst s10  }
0x35: {  	s10 =	sld [smem:$0x3FB0];
	_ =	sdelay $0x3  }
0x36: {  	p1 =	seq.s32 s10, $0x1;
	s10 =	sld [smem:$0x3FB1];
	_ =	sdelay $0x3  }
0x37: {  	[smem:$0x3FB1] =	sst s10  }
0x38: {  	s10 =	sld [smem:$0x3FB2]  }
0x39: {  	_ = 	snop;
	(pc) =	sbr.ind lr, $3  }
0x3a: {  	_ = 	snop  }
0x3b: {  	_ = 	snop  }
0x3c: {  	p2 =	seq.s32 s10, $0x1;
	s10 =	sld [smem:$0x3FB1]  }
0x3d: {  	_ =	shalt  }
0x3e: {  	_ =	shalt  }
0x3f: {  	_ =	shalt  }
0x40: {  	_ =	shalt  }
0x41: {  	_ =	shalt  }
0x42: {  	_ =	shalt  }
0x43: {  	_ =	shalt  }
0x44: {  	_ =	shalt  }
0x45: {  	_ =	shalt  }
0x46: {  	_ =	shalt  }
0x47: {  	_ =	shalt  }
0x48: {  	_ =	shalt  }
0x49: {  	_ =	shalt  }
0x4a: {  	_ =	shalt  }
0x4b: {  	_ =	shalt  }
0x4c: {  	_ =	shalt  }
0x4d: {  	_ =	shalt  }
0x4e: {  	_ =	shalt  }
0x4f: {  	_ =	shalt  }
0x50: {  	_ =	shalt  }
0x51: {  	_ =	shalt  }
0x52: {  	_ =	shalt  }
0x53: {  	_ =	shalt  }
0x54: {  	_ =	shalt  }
0x55: {  	_ =	shalt  }
0x56: {  	_ =	shalt  }
0x57: {  	_ =	shalt  }
0x58: {  	_ =	shalt  }
0x59: {  	_ =	shalt  }
0x5a: {  	_ =	shalt  }
0x5b: {  	_ =	shalt  }
0x5c: {  	_ =	shalt  }
0x5d: {  	_ =	shalt  }
0x5e: {  	_ =	shalt  }
0x5f: {  	_ =	shalt  }
0x60: {  	_ =	shalt  }
0x61: {  	_ =	shalt  }
0x62: {  	_ =	shalt  }
0x63: {  	_ =	shalt  }
0x64: {  	_ =	shalt  }
0x65: {  	_ =	shalt  }
0x66: {  	_ =	shalt  }
0x67: {  	_ =	shalt  }
0x68: {  	_ =	shalt  }
0x69: {  	_ =	shalt  }
0x6a: {  	_ =	shalt  }
0x6b: {  	_ =	shalt  }
0x6c: {  	_ =	shalt  }
0x6d: {  	_ =	shalt  }
0x6e: {  	_ =	shalt  }
0x6f: {  	_ =	shalt  }
0x70: {  	_ =	shalt  }
0x71: {  	_ =	shalt  }
0x72: {  	_ =	shalt  }
0x73: {  	_ =	shalt  }
0x74: {  	_ =	shalt  }
0x75: {  	_ =	shalt  }
0x76: {  	_ =	shalt  }
0x77: {  	_ =	shalt  }
0x78: {  	_ =	shalt  }
0x79: {  	_ =	shalt  }
0x7a: {  	_ =	shalt  }
0x7b: {  	_ =	shalt  }
0x7c: {  	_ =	shalt  }
0x7d: {  	_ =	shalt  }
0x7e: {  	_ =	shalt  }
0x7f: {  	_ =	shalt  }
0x80: {  	_ =	shalt  }
0x81: {  	_ =	shalt  }
0x82: {  	_ =	shalt  }
0x83: {  	_ =	shalt  }
0x84: {  	_ =	shalt  }
0x85: {  	_ =	shalt  }
0x86: {  	_ =	shalt  }
0x87: {  	_ =	shalt  }
.Lfunc_end0:
.L_simem_size_0:
called_computation_lowered:
.L_overlay_start_0:
0x88: {  	s2 =	sld [smem:$0x3FD9]  }
0x89: {  	s3 =	sld [smem:$0x3FFE];
	_ =	sdelay $0x1  }
0x8a: {  	s1 =	srdreg.scid  }
0x8b: {  	s0 =	sand.u32 $0x1, s1  }
0x8c: {  	s17 =	sshll.u32 s0, $0xA;
	s2 =	sadd.s32 s3, s2  }
0x8d: {  	s2 =	sadd.s32 s2, s17  }
0x8e: {  	[smem:$0x3FBD] =	sst s2  }
0x8f: {  	_ = 	snop  }
0x90: {  	s2 =	sld [smem:$0x3FC8]  }
0x91: {  	s18 =	sld [smem:$0x3FD0];
	(tm) =	ssettm $0x1  }
0x92: {  	s4 =	sld [smem:$0x3FFB];
	_ =	sdelay $0x3  }
0x93: {  	_ =	strace s4  }
0x94: {  	s4 =	sld [smem:$0x3FFC];
	_ =	sdelay $0x3  }
0x95: {  	_ =	strace s4  }
0x96: {  	s4 =	sld [smem:$0x3FFD];
	_ =	sdelay $0x3  }
0x97: {  	_ =	strace s4  }
0x98: {  	_ =	strace $0x8FFFFFFF  }
0x99: {  	s19 =	sld [smem:$0x3FDB];
	_ =	sdelay $0x1  }
0x9a: {  	s5 =	simm.s32 $_scs_section_size  }
0x9b: {  	s6 =	simm.s32 $_size__tile_overlayer_lowered;
	s7 =	simm.s32 $_tile_overlayer_lowered  }
0x9c: {  	s22 =	simm.s32 $0x1BFF;
	s21 =	sshll.u32 s7, $0x1;
	s4 =	sadd.s32 s5, s19  }
0x9d: {  	s8 =	simm.s32 $0x0;
	s20 =	sshll.u32 s6, $0x1;
	s6 =	sadd.s32 s21, s4  }
0x9e: {  	[timem:s8], [sflag:s22] =	dma.local [hbm:s6], s20  }
0x9f: {  	_ =	swait.ge [sflag:s22], s20  }
0xa0: {  	s5 =	ssub.s32 $0x0, s20;
	[sflag:s22] =	ssyncset.done $0x0  }
0xa1: {  	[sflag:s22] =	ssyncadd.s32 s5;
	_ =	sdelay $0x1  }
0xa2: {  	s23 =	simm.s32 $0x1B8B  }
0xa3: {  	_ =	swait.ge [sflag:s23], $0x1  }
0xa4: {  	[sflag:s23] =	ssyncset.done $0x0  }
0xa5: {  	s25 =	simm.s32 $0x1B8E;
	s24 =	sld [smem:$0x3FFE];
	[sflag:s23] =	ssyncadd.s32 $0xFFFFFFFF  }
0xa6: {  	s26 =	simm.s32 $execute0_lowered;
	[smem:$0x3FD2] =	sst s25  }
0xa7: {  	s6 =	sshll.u32 s26, $0x1;
	_ =	strace $0x80000046;
	[dreg:$0x1] =	wrdreg $0xFFFFFFFF  }
0xa8: {  	s28 =	simm.s32 $_size_execute0_lowered;
	s4 =	sadd.s32 s4, s6;
	[dreg:$0x0] =	wrdreg $0x0  }
0xa9: {  	s6 =	sshll.u32 s28, $0x1;
	[dreg:$0x2] =	wrdreg s4  }
0xaa: {  	[dreg:$0x3] =	wrdreg s6  }
0xab: {  	[dreg:$0x4] =	wrdreg $0xC0  }
0xac: {  	_ =	task [dreg:s8], $0x5FFFF  }
0xad: {  	[dreg:$0x1] =	wrdreg $0xFFFFFFFF  }
0xae: {  	[dreg:$0x0] =	wrdreg $0x60  }
0xaf: {  	[dreg:$0x2] =	wrdreg s2  }
0xb0: {  	[dreg:$0x3] =	wrdreg s18  }
0xb1: {  	[dreg:$0x4] =	wrdreg s24  }
0xb2: {  	[dreg:$0x5] =	wrdreg $0x9  }
0xb3: {  	_ =	task.clear_ibuf [dreg:s8], $0x6FFFF;
	_ =	strace $0x90000046  }
0xb4: {  	s29 =	simm.s32 $0x9;
	_ =	strace $0x80000048  }
0xb5: {  	_ =	swait.ge [sflag:s29], $0x1  }
0xb6: {  	[sflag:s29] =	ssyncadd.s32 $0xFFFFFFFF  }
0xb7: {  	_ =	strace $0x90000048  }
0xb8: {  	_ =	sfence  }
0xb9: {  	s30 =	sld [smem:$0x0];
	_ =	sdelay $0x2  }
0xba: {  	s31 =	sshll.u32 s1, $0xD;
	s1 =	sshrl.u32 s1, $0x2  }
0xbb: {  	s3 =	sand.u32 $0x4000, s31;
	s1 =	sadd.s32 s1, s30  }
0xbc: {  	s0 =	sor.u32 s3, s0;
	s1 =	sshll.u32 s1, $0x11  }
0xbd: {  	s0 =	sor.u32 s1, s0  }
0xbe: {  	s0 =	sadd.s32 $0x8F2B, s0  }
0xbf: {  	[sflag:s0] =	ssyncadd.remote.s32 $0x1  }
0xc0: {  	_ =	sfence.sel $0xFFFF  }
0xc1: {  	[dreg:$0x0] =	wrdreg $0xFFFFFFFF;
	(pc) =	sbr.abs _section_cstart, $3  }
0xc2: {  	[dreg:$0x1] =	wrdreg $0xFFFFFFFF  }
0xc3: {  	_ =	task.clear_ibuf [dreg:s8], $0x2FFFF;
	_ =	strace $0x9FFFFFFF  }
0xc4: {  	(tm) =	ssettm $0x7FFFFFFF  }
0xc5: {  	_ =	shalt  }
tec
execute0_lowered:
.L_overlay_start_1:
0x0: {  	(tag) =	ssettag $0x1  }
0x1: {  	s1 =	rddreg [dreg:$0x0]  }
0x2: {  	s0 =	srdreg.scid;
	s4 =	stileid.u32  }
0x3: {  	s2 =	rddreg [dreg:$0x2];
	s7 =	sand.u32 $0x1, s0;
	s26 =	sshll.u32 s4, $0xB  }
0x4: {  	s4 =	simm.s32 $0x0;
	s0 =	sadd.s32 $0x1A00, s2;
	s5 =	sshll.u32 s7, $0xA  }
0x5: {  	[smem:$0x7FF] =	sst s4;
	s7 =	ssub.s32 $0x2, s7;
	s5 =	sor.u32 s5, s26  }
0x6: {  	_ =	strace $0x80000047;
	s6 =	sshrl.u32 s5, $0x3;
	s29 =	sshll.u32 s5, $0x4  }
0x7: {  	s10 =	sor.u32 $0x40, s5;
	s13 =	sor.u32 $0x80, s5;
	s19 =	sor.u32 $0xC0, s5  }
0x8: {  	s25 =	sor.u32 $0x100, s5;
	s8 =	sadd.s32 s0, s6;
	s9 =	smul.u32 $0x300, s6  }
0x9: {  	s6 =	sadd.s32 $0x82A00, s2;
	s2 =	sadd.s32 $0x2A00, s2;
	s31 =	sshrl.u32 s10, $0x3  }
0xa: {  	s12 =	sshll.u32 s10, $0x4;
	[dreg:$0x4] =	wrdreg s8;
	s30 =	sadd.s32 s2, s29  }
0xb: {  	s15 =	sshrl.u32 s13, $0x3;
	s3 =	sadd.s32 s0, s31;
	[dreg:$0x6] =	wrdreg s30  }
0xc: {  	s18 =	sshll.u32 s13, $0x4;
	s14 =	sadd.s32 s2, s12;
	[dreg:$0x7] =	wrdreg s3  }
0xd: {  	s21 =	sshrl.u32 s19, $0x3;
	s16 =	sadd.s32 s0, s15;
	[dreg:$0x9] =	wrdreg s14  }
0xe: {  	s24 =	sshll.u32 s19, $0x4;
	s20 =	sadd.s32 s2, s18;
	[dreg:$0xa] =	wrdreg s16  }
0xf: {  	s22 =	sadd.s32 s0, s21;
	s26 =	sadd.s32 s2, s24;
	[dreg:$0xc] =	wrdreg s20  }
0x10: {  	s28 =	sadd.s32 s6, s9;
	s9 =	smul.u32 $0x300, s31;
	[dreg:$0xd] =	wrdreg s22  }
0x11: {  	[dreg:$0xf] =	wrdreg s26;
	s31 =	sshll.u32 s25, $0x4;
	s3 =	sor.u32 $0x140, s5  }
0x12: {  	s16 =	sor.u32 $0x180, s5;
	s22 =	sor.u32 $0x1C0, s5;
	[dreg:$0x5] =	wrdreg s28  }
0x13: {  	s28 =	sshrl.u32 s25, $0x3;
	s12 =	sshrl.u32 s3, $0x3;
	s11 =	sadd.s32 s6, s9  }
0x14: {  	s18 =	sshrl.u32 s16, $0x3;
	s29 =	sadd.s32 s0, s28;
	[dreg:$0x8] =	wrdreg s11  }
0x15: {  	s24 =	sshrl.u32 s22, $0x3;
	s13 =	sadd.s32 s0, s12;
	[dreg:$0x10] =	wrdreg s29  }
0x16: {  	s9 =	smul.u32 $0x300, s15;
	s19 =	sadd.s32 s0, s18;
	[dreg:$0x13] =	wrdreg s13  }
0x17: {  	s15 =	sshll.u32 s3, $0x4;
	s25 =	sadd.s32 s0, s24;
	[dreg:$0x16] =	wrdreg s19  }
0x18: {  	s11 =	sadd.s32 s2, s31;
	[dreg:$0x19] =	wrdreg s25;
	s29 =	sor.u32 $0x200, s5  }
0x19: {  	s17 =	sadd.s32 s6, s9;
	s9 =	smul.u32 $0x300, s21;
	[dreg:$0x12] =	wrdreg s11  }
0x1a: {  	s21 =	sshll.u32 s16, $0x4;
	s31 =	sshrl.u32 s29, $0x3;
	s10 =	sshll.u32 s29, $0x4  }
0x1b: {  	s11 =	sor.u32 $0x240, s5;
	[dreg:$0xb] =	wrdreg s17;
	s17 =	sadd.s32 s2, s15  }
0x1c: {  	s3 =	sadd.s32 s0, s31;
	s13 =	sshrl.u32 s11, $0x3;
	s16 =	sshll.u32 s11, $0x4  }
0x1d: {  	s23 =	sadd.s32 s6, s9;
	s9 =	smul.u32 $0x300, s28;
	[dreg:$0x15] =	wrdreg s17  }
0x1e: {  	s28 =	sshll.u32 s22, $0x4;
	[dreg:$0x1c] =	wrdreg s3;
	s17 =	sor.u32 $0x280, s5  }
0x1f: {  	[dreg:$0xe] =	wrdreg s23;
	s23 =	sadd.s32 s2, s21;
	s19 =	sshrl.u32 s17, $0x3  }
0x20: {  	s22 =	sshll.u32 s17, $0x4;
	s30 =	sadd.s32 s6, s9;
	[dreg:$0x18] =	wrdreg s23  }
0x21: {  	s9 =	smul.u32 $0x300, s12;
	s12 =	sadd.s32 s2, s10;
	[dreg:$0x11] =	wrdreg s30  }
0x22: {  	s23 =	sor.u32 $0x2C0, s5;
	s30 =	sadd.s32 s2, s28;
	[dreg:$0x1e] =	wrdreg s12  }
0x23: {  	s25 =	sshrl.u32 s23, $0x3;
	s14 =	sadd.s32 s6, s9;
	[dreg:$0x1b] =	wrdreg s30  }
0x24: {  	s9 =	smul.u32 $0x300, s18;
	s18 =	sadd.s32 s2, s16;
	[dreg:$0x14] =	wrdreg s14  }
0x25: {  	s30 =	sor.u32 $0x300, s5;
	s14 =	sadd.s32 s0, s13;
	[smem:$0x7EB] =	sst s18  }
0x26: {  	s3 =	sshrl.u32 s30, $0x3;
	s20 =	sadd.s32 s6, s9;
	[dreg:$0x1f] =	wrdreg s14  }
0x27: {  	s9 =	smul.u32 $0x300, s24;
	s24 =	sadd.s32 s2, s22;
	[dreg:$0x17] =	wrdreg s20  }
0x28: {  	s29 =	sshll.u32 s23, $0x4;
	s11 =	sadd.s32 s0, s3;
	[smem:$0x7EE] =	sst s24  }
0x29: {  	s14 =	sor.u32 $0x340, s5;
	s20 =	sadd.s32 s0, s19;
	[smem:$0x7F2] =	sst s11  }
0x2a: {  	s16 =	sshrl.u32 s14, $0x3;
	s11 =	sshrl.u32 s7, $0x1;
	s24 =	sor.u32 $0x3C0, s5  }
0x2b: {  	s26 =	sadd.s32 s6, s9;
	s9 =	smul.u32 $0x300, s31;
	[smem:$0x7EC] =	sst s20  }
0x2c: {  	s31 =	sadd.s32 s2, s29;
	s17 =	sadd.s32 s0, s16;
	[dreg:$0x1a] =	wrdreg s26  }
0x2d: {  	s20 =	sor.u32 $0x380, s5;
	s7 =	ssub.s32 s7, s11;
	[smem:$0x7F1] =	sst s31  }
0x2e: {  	s8 =	sshll.u32 s24, $0x4;
	s26 =	sadd.s32 s0, s25;
	[smem:$0x7F5] =	sst s17  }
0x2f: {  	s22 =	sshrl.u32 s20, $0x3;
	s9 =	sadd.s32 s6, s9;
	[smem:$0x7EF] =	sst s26  }
0x30: {  	s31 =	sadd.s32 s2, s8;
	[dreg:$0x1d] =	wrdreg s9;
	s9 =	smul.u32 $0x300, s13  }
0x31: {  	s23 =	sadd.s32 s0, s22;
	[smem:$0x7FD] =	sst s31;
	s13 =	sshll.u32 s30, $0x4  }
0x32: {  	[smem:$0x7F8] =	sst s23;
	s15 =	sadd.s32 s6, s9;
	s9 =	smul.u32 $0x300, s19  }
0x33: {  	s19 =	sshll.u32 s14, $0x4;
	[smem:$0x7EA] =	sst s15;
	s15 =	sadd.s32 s2, s13  }
0x34: {  	s21 =	sadd.s32 s6, s9;
	s9 =	smul.u32 $0x300, s25;
	[smem:$0x7F4] =	sst s15  }
0x35: {  	s5 =	sadd.s32 $0x100, s1;
	[smem:$0x7ED] =	sst s21;
	s21 =	sadd.s32 s2, s19  }
0x36: {  	s28 =	sadd.s32 s6, s9;
	s9 =	smul.u32 $0x300, s3;
	[smem:$0x7F7] =	sst s21  }
0x37: {  	s8 =	simm.s32 $0x9;
	s26 =	sshll.u32 s20, $0x4;
	[smem:$0x7F0] =	sst s28  }
0x38: {  	s28 =	sshrl.u32 s24, $0x3;
	s12 =	sadd.s32 s6, s9;
	s9 =	smul.u32 $0x300, s16  }
0x39: {  	s29 =	smul.u32 $0x300, s28;
	s0 =	sadd.s32 s0, s28;
	[smem:$0x7F3] =	sst s12  }
0x3a: {  	[smem:$0x7FB] =	sst s0;
	s18 =	sadd.s32 s6, s9;
	s9 =	smul.u32 $0x300, s22  }
0x3b: {  	s23 =	simm.s32 $0x3;
	s30 =	sadd.s32 s6, s29;
	[smem:$0x7F6] =	sst s18  }
0x3c: {  	v2 =	vlaneseq.u32;
	s13 =	simm.s32 $0x1;
	[smem:$0x7FC] =	sst s30;
	s25 =	sadd.s32 s6, s9  }
0x3d: {  	vm0 =	vmmov $0xffff;
	v1 =	vshrl.u32 v2, $0x3;
	s0 =	smax.u32 s7, $0x1;
	s9 =	sadd.s32 s2, s26;
	[smem:$0x7F9] =	sst s25  }
0x3e: {  	v0 =	vand.u32 $0x7, v2;
	v2 =	vor.u32 $0x8, v2;
	v1 =	vmul.u32 $0x8, v1;
	s6 =	sadd.s32 $0x200, s1;
	s26 =	simm.s32 $0x5;
	[smem:$0x7FA] =	sst s9  }
.LBB2_1:
0x3f: {  	[smem:$0x7E9] =	sst s0  }
0x40: {  	s30 =	rddreg [dreg:$0x4]  }
0x41: {  	[tilespmem:s4], [sflag:$0x9] =	stream.linear.gather [hbm4b:s30+s4], $0x40, $0x38;
	[tilespmem:$0x1C100] =	vst v63  }
0x42: {  	_ =	swait.ge [sflag:s8], $0x40  }
0x43: {  	[sflag:s8] =	ssyncset.done $0x0  }
0x44: {  	[sflag:s8] =	ssyncadd.s32 $0xFFFFFFC0  }
0x45: {  	v3 =	vld [tilespmem:$0x0];
	_ =	sdelay $0x4  }
0x46: {  	v4 =	vshrl.u32 v3, $0x3  }
0x47: {  	v4 =	vmul.u32 $0x30, v4  }
0x48: {  	v3 =	vand.u32 $0x7, v3  }
0x49: {  	v3 =	vor.u32 v3, v4  }
0x4a: {  	v4 =	vperm.xlane v3, v0;
	_ =	sdelay $0x1  }
0x4b: {  	v4 =	vadd.s32 v1, v4;
	_ =	sdelay $0x3  }
0x4c: {  	s21 =	simm.s32 $0x100;
	v3 =	vperm.xlane v3, v2  }
0x4d: {  	[tilespmem:s21], [sflag:$0x1] =	stream.indirect_vreg.gather [hbm4b:s1+s4], $0x80, v4, vm0, $0xb8;
	[tilespmem:$0x1C100] =	vst v63  }
0x4e: {  	s22 =	simm.s32 $0x900;
	v3 =	vadd.s32 v1, v3  }
0x4f: {  	[tilespmem:s22], [sflag:$0x1] =	stream.indirect_vreg.gather [hbm4b:s5+s4], $0x80, v4, vm0, $0xb8;
	[tilespmem:$0x1C100] =	vst v63  }
0x50: {  	s24 =	simm.s32 $0x1100  }
0x51: {  	[tilespmem:s24], [sflag:$0x1] =	stream.indirect_vreg.gather [hbm4b:s6+s4], $0x80, v4, vm0, $0xb8;
	[tilespmem:$0x1C100] =	vst v63  }
0x52: {  	s25 =	simm.s32 $0x1900  }
0x53: {  	[tilespmem:s25], [sflag:$0x1] =	stream.indirect_vreg.gather [hbm4b:s1+s4], $0x80, v3, vm0, $0xb8;
	[tilespmem:$0x1C100] =	vst v63  }
0x54: {  	s28 =	simm.s32 $0x2100  }
0x55: {  	[tilespmem:s28], [sflag:$0x1] =	stream.indirect_vreg.gather [hbm4b:s5+s4], $0x80, v3, vm0, $0xb8;
	[tilespmem:$0x1C100] =	vst v63  }
0x56: {  	s29 =	simm.s32 $0x2900  }
0x57: {  	[tilespmem:s29], [sflag:$0x1] =	stream.indirect_vreg.gather [hbm4b:s6+s4], $0x80, v3, vm0, $0xb8;
	[tilespmem:$0x1C100] =	vst v63  }
0x58: {  	v3 =	vld [tilespmem:$0x10];
	_ =	sdelay $0x4  }
0x59: {  	v57 =	vshrl.u32 v3, $0x3  }
0x5a: {  	v4 =	vmul.u32 $0x30, v57  }
0x5b: {  	v3 =	vand.u32 $0x7, v3  }
0x5c: {  	v3 =	vor.u32 v3, v4  }
0x5d: {  	v4 =	vperm.xlane v3, v0;
	_ =	sdelay $0x1  }
0x5e: {  	v4 =	vadd.s32 v1, v4;
	_ =	sdelay $0x3  }
0x5f: {  	s30 =	simm.s32 $0x3100;
	v3 =	vperm.xlane v3, v2  }
0x60: {  	[tilespmem:s30], [sflag:$0x1] =	stream.indirect_vreg.gather [hbm4b:s1+s4], $0x80, v4, vm0, $0xb8;
	[tilespmem:$0x1C100] =	vst v63  }
0x61: {  	s31 =	simm.s32 $0x3900;
	v3 =	vadd.s32 v1, v3  }
0x62: {  	[tilespmem:s31], [sflag:$0x1] =	stream.indirect_vreg.gather [hbm4b:s5+s4], $0x80, v4, vm0, $0xb8;
	[tilespmem:$0x1C100] =	vst v63  }
0x63: {  	s2 =	simm.s32 $0x4100  }
0x64: {  	[tilespmem:s2], [sflag:$0x1] =	stream.indirect_vreg.gather [hbm4b:s6+s4], $0x80, v4, vm0, $0xb8;
	[tilespmem:$0x1C100] =	vst v63  }
0x65: {  	s3 =	simm.s32 $0x4900  }
0x66: {  	[tilespmem:s3], [sflag:$0x1] =	stream.indirect_vreg.gather [hbm4b:s1+s4], $0x80, v3, vm0, $0xb8;
	[tilespmem:$0x1C100] =	vst v63  }
0x67: {  	s9 =	simm.s32 $0x5100  }
0x68: {  	[tilespmem:s9], [sflag:$0x1] =	stream.indirect_vreg.gather [hbm4b:s5+s4], $0x80, v3, vm0, $0xb8;
	[tilespmem:$0x1C100] =	vst v63  }
0x69: {  	s12 =	simm.s32 $0x5900  }
0x6a: {  	[tilespmem:s12], [sflag:$0x1] =	stream.indirect_vreg.gather [hbm4b:s6+s4], $0x80, v3, vm0, $0xb8;
	[tilespmem:$0x1C100] =	vst v63  }
0x6b: {  	v3 =	vld [tilespmem:$0x20];
	_ =	sdelay $0x4  }
0x6c: {  	v58 =	vshrl.u32 v3, $0x3  }
0x6d: {  	v4 =	vmul.u32 $0x30, v58  }
0x6e: {  	v3 =	vand.u32 $0x7, v3  }
0x6f: {  	v3 =	vor.u32 v3, v4  }
0x70: {  	v4 =	vperm.xlane v3, v0;
	_ =	sdelay $0x1  }
0x71: {  	v4 =	vadd.s32 v1, v4;
	_ =	sdelay $0x3  }
0x72: {  	s14 =	simm.s32 $0x6100;
	v3 =	vperm.xlane v3, v2  }
0x73: {  	[tilespmem:s14], [sflag:$0x1] =	stream.indirect_vreg.gather [hbm4b:s1+s4], $0x80, v4, vm0, $0xb8;
	[tilespmem:$0x1C100] =	vst v63  }
0x74: {  	s15 =	simm.s32 $0x6900;
	v3 =	vadd.s32 v1, v3  }
0x75: {  	[tilespmem:s15], [sflag:$0x1] =	stream.indirect_vreg.gather [hbm4b:s5+s4], $0x80, v4, vm0, $0xb8;
	[tilespmem:$0x1C100] =	vst v63  }
0x76: {  	s16 =	simm.s32 $0x7100  }
0x77: {  	[tilespmem:s16], [sflag:$0x1] =	stream.indirect_vreg.gather [hbm4b:s6+s4], $0x80, v4, vm0, $0xb8;
	[tilespmem:$0x1C100] =	vst v63  }
0x78: {  	s17 =	simm.s32 $0x7900  }
0x79: {  	[tilespmem:s17], [sflag:$0x1] =	stream.indirect_vreg.gather [hbm4b:s1+s4], $0x80, v3, vm0, $0xb8;
	[tilespmem:$0x1C100] =	vst v63  }
0x7a: {  	s19 =	simm.s32 $0x8100  }
0x7b: {  	[tilespmem:s19], [sflag:$0x1] =	stream.indirect_vreg.gather [hbm4b:s5+s4], $0x80, v3, vm0, $0xb8;
	[tilespmem:$0x1C100] =	vst v63  }
0x7c: {  	s20 =	simm.s32 $0x8900  }
0x7d: {  	[tilespmem:s20], [sflag:$0x1] =	stream.indirect_vreg.gather [hbm4b:s6+s4], $0x80, v3, vm0, $0xb8;
	[tilespmem:$0x1C100] =	vst v63  }
0x7e: {  	v3 =	vld [tilespmem:$0x30];
	_ =	sdelay $0x4  }
0x7f: {  	v59 =	vshrl.u32 v3, $0x3  }
0x80: {  	v4 =	vmul.u32 $0x30, v59  }
0x81: {  	v3 =	vand.u32 $0x7, v3  }
0x82: {  	v3 =	vor.u32 v3, v4  }
0x83: {  	v4 =	vperm.xlane v3, v0;
	_ =	sdelay $0x1  }
0x84: {  	v4 =	vadd.s32 v1, v4;
	_ =	sdelay $0x3  }
0x85: {  	s21 =	simm.s32 $0x9100;
	v3 =	vperm.xlane v3, v2  }
0x86: {  	[tilespmem:s21], [sflag:$0x1] =	stream.indirect_vreg.gather [hbm4b:s1+s4], $0x80, v4, vm0, $0xb8;
	[tilespmem:$0x1C100] =	vst v63  }
0x87: {  	s22 =	simm.s32 $0x9900;
	v3 =	vadd.s32 v1, v3  }
0x88: {  	[tilespmem:s22], [sflag:$0x1] =	stream.indirect_vreg.gather [hbm4b:s5+s4], $0x80, v4, vm0, $0xb8;
	[tilespmem:$0x1C100] =	vst v63  }
0x89: {  	s24 =	simm.s32 $0xA100  }
0x8a: {  	[tilespmem:s24], [sflag:$0x1] =	stream.indirect_vreg.gather [hbm4b:s6+s4], $0x80, v4, vm0, $0xb8;
	[tilespmem:$0x1C100] =	vst v63  }
0x8b: {  	s25 =	simm.s32 $0xA900  }
0x8c: {  	[tilespmem:s25], [sflag:$0x1] =	stream.indirect_vreg.gather [hbm4b:s1+s4], $0x80, v3, vm0, $0xb8;
	[tilespmem:$0x1C100] =	vst v63  }
0x8d: {  	s28 =	simm.s32 $0xB100  }
0x8e: {  	[tilespmem:s28], [sflag:$0x1] =	stream.indirect_vreg.gather [hbm4b:s5+s4], $0x80, v3, vm0, $0xb8;
	[tilespmem:$0x1C100] =	vst v63  }
0x8f: {  	s30 =	simm.s32 $0xB900  }
0x90: {  	[tilespmem:s30], [sflag:$0x1] =	stream.indirect_vreg.gather [hbm4b:s6+s4], $0x80, v3, vm0, $0xb8;
	[tilespmem:$0x1C100] =	vst v63  }
0x91: {  	s31 =	simm.s32 $0x40;
	s2 =	rddreg [dreg:$0x1];
	s3 =	simm.s32 $0x18100  }
0x92: {  	[tilespmem:s3], [sflag:$0x3] =	stream.indirect.gather [hbm4b:s2+s31], $0x80, s4, s31, $0xb8;
	[tilespmem:$0x1C100] =	vst v63  }
0x93: {  	_ =	swait.ge [sflag:s13], $0xC000  }
0x94: {  	[sflag:s13] =	ssyncset.done $0x0  }
0x95: {  	[sflag:s13] =	ssyncadd.s32 $0xFFFF4000  }
0x96: {  	_ =	swait.ge [sflag:s23], $0x2000  }
0x97: {  	s7 =	simm.s32 $0x100;
	[sflag:s23] =	ssyncset.done $0x0  }
0x98: {  	s3 =	smov.u32 s2;
	s2 =	rddreg [dreg:$0x5];
	[sflag:s23] =	ssyncadd.s32 $0xFFFFE000  }
0x99: {  	[hbm4b:s2+s4] =	stream.linear.scatter [tilespmem:s7], [sflag:$0x5], $0xC000, $0x38;
	[tilespmem:$0x1C100] =	vst v63  }
0x9a: {  	s9 =	simm.s32 $0x18100;
	s31 =	rddreg [dreg:$0x6]  }
0x9b: {  	[hbm4b:s31+s4] =	stream.linear.scatter [tilespmem:s9], [sflag:$0x7], $0x2000, $0x38;
	[tilespmem:$0x1C100] =	vst v63  }
0x9c: {  	s7 =	rddreg [dreg:$0x7];
	s9 =	simm.s32 $0x80  }
0x9d: {  	[tilespmem:s9], [sflag:$0x9] =	stream.linear.gather [hbm4b:s7+s4], $0x40, $0x38;
	[tilespmem:$0x1C100] =	vst v63  }
0x9e: {  	_ =	swait.ge [sflag:s8], $0x40  }
0x9f: {  	[sflag:s8] =	ssyncset.done $0x0  }
0xa0: {  	[sflag:s8] =	ssyncadd.s32 $0xFFFFFFC0  }
0xa1: {  	v3 =	vld [tilespmem:$0x80];
	_ =	sdelay $0x4  }
0xa2: {  	v60 =	vshrl.u32 v3, $0x3  }
0xa3: {  	v4 =	vmul.u32 $0x30, v60  }
0xa4: {  	v3 =	vand.u32 $0x7, v3  }
0xa5: {  	v3 =	vor.u32 v3, v4  }
0xa6: {  	v4 =	vperm.xlane v3, v0;
	_ =	sdelay $0x1  }
0xa7: {  	v4 =	vadd.s32 v1, v4;
	_ =	sdelay $0x3  }
0xa8: {  	s15 =	simm.s32 $0xC100;
	v3 =	vperm.xlane v3, v2  }
0xa9: {  	[tilespmem:s15], [sflag:$0x2] =	stream.indirect_vreg.gather [hbm4b:s1+s4], $0x80, v4, vm0, $0xb8;
	[tilespmem:$0x1C100] =	vst v63  }
0xaa: {  	s16 =	simm.s32 $0xC900;
	v3 =	vadd.s32 v1, v3  }
0xab: {  	[tilespmem:s16], [sflag:$0x2] =	stream.indirect_vreg.gather [hbm4b:s5+s4], $0x80, v4, vm0, $0xb8;
	[tilespmem:$0x1C100] =	vst v63  }
0xac: {  	s17 =	simm.s32 $0xD100  }
0xad: {  	[tilespmem:s17], [sflag:$0x2] =	stream.indirect_vreg.gather [hbm4b:s6+s4], $0x80, v4, vm0, $0xb8;
	[tilespmem:$0x1C100] =	vst v63  }
0xae: {  	s19 =	simm.s32 $0xD900  }
0xaf: {  	[tilespmem:s19], [sflag:$0x2] =	stream.indirect_vreg.gather [hbm4b:s1+s4], $0x80, v3, vm0, $0xb8;
	[tilespmem:$0x1C100] =	vst v63  }
0xb0: {  	s20 =	simm.s32 $0xE100  }
0xb1: {  	[tilespmem:s20], [sflag:$0x2] =	stream.indirect_vreg.gather [hbm4b:s5+s4], $0x80, v3, vm0, $0xb8;
	[tilespmem:$0x1C100] =	vst v63  }
0xb2: {  	s21 =	simm.s32 $0xE900  }
0xb3: {  	[tilespmem:s21], [sflag:$0x2] =	stream.indirect_vreg.gather [hbm4b:s6+s4], $0x80, v3, vm0, $0xb8;
	[tilespmem:$0x1C100] =	vst v63  }
0xb4: {  	v3 =	vld [tilespmem:$0x90];
	_ =	sdelay $0x4  }
0xb5: {  	v61 =	vshrl.u32 v3, $0x3  }
0xb6: {  	v4 =	vmul.u32 $0x30, v61  }
0xb7: {  	v3 =	vand.u32 $0x7, v3  }
0xb8: {  	v3 =	vor.u32 v3, v4  }
0xb9: {  	v4 =	vperm.xlane v3, v0;
	_ =	sdelay $0x1  }
0xba: {  	v4 =	vadd.s32 v1, v4;
	_ =	sdelay $0x3  }
0xbb: {  	s24 =	simm.s32 $0xF100;
	v3 =	vperm.xlane v3, v2  }
0xbc: {  	[tilespmem:s24], [sflag:$0x2] =	stream.indirect_vreg.gather [hbm4b:s1+s4], $0x80, v4, vm0, $0xb8;
	[tilespmem:$0x1C100] =	vst v63  }
0xbd: {  	s25 =	simm.s32 $0xF900;
	v3 =	vadd.s32 v1, v3  }
0xbe: {  	[tilespmem:s25], [sflag:$0x2] =	stream.indirect_vreg.gather [hbm4b:s5+s4], $0x80, v4, vm0, $0xb8;
	[tilespmem:$0x1C100] =	vst v63  }
0xbf: {  	s28 =	simm.s32 $0x10100  }
0xc0: {  	[tilespmem:s28], [sflag:$0x2] =	stream.indirect_vreg.gather [hbm4b:s6+s4], $0x80, v4, vm0, $0xb8;
	[tilespmem:$0x1C100] =	vst v63  }
0xc1: {  	s31 =	simm.s32 $0x10900  }
0xc2: {  	[tilespmem:s31], [sflag:$0x2] =	stream.indirect_vreg.gather [hbm4b:s1+s4], $0x80, v3, vm0, $0xb8;
	[tilespmem:$0x1C100] =	vst v63  }
0xc3: {  	s7 =	simm.s32 $0x11100  }
0xc4: {  	[tilespmem:s7], [sflag:$0x2] =	stream.indirect_vreg.gather [hbm4b:s5+s4], $0x80, v3, vm0, $0xb8;
	[tilespmem:$0x1C100] =	vst v63  }
0xc5: {  	s15 =	simm.s32 $0x11900  }
0xc6: {  	[tilespmem:s15], [sflag:$0x2] =	stream.indirect_vreg.gather [hbm4b:s6+s4], $0x80, v3, vm0, $0xb8;
	[tilespmem:$0x1C100] =	vst v63  }
0xc7: {  	v3 =	vld [tilespmem:$0xA0];
	_ =	sdelay $0x4  }
0xc8: {  	v62 =	vshrl.u32 v3, $0x3  }
0xc9: {  	v4 =	vmul.u32 $0x30, v62  }
0xca: {  	v3 =	vand.u32 $0x7, v3  }
0xcb: {  	v3 =	vor.u32 v3, v4  }
0xcc: {  	v4 =	vperm.xlane v3, v0;
	_ =	sdelay $0x1  }
0xcd: {  	v4 =	vadd.s32 v1, v4;
	_ =	sdelay $0x3  }
0xce: {  	s16 =	simm.s32 $0x12100;
	v3 =	vperm.xlane v3, v2  }
0xcf: {  	[tilespmem:s16], [sflag:$0x2] =	stream.indirect_vreg.gather [hbm4b:s1+s4], $0x80, v4, vm0, $0xb8;
	[tilespmem:$0x1C100] =	vst v63  }
0xd0: {  	s17 =	simm.s32 $0x12900;
	v3 =	vadd.s32 v1, v3  }
0xd1: {  	[tilespmem:s17], [sflag:$0x2] =	stream.indirect_vreg.gather [hbm4b:s5+s4], $0x80, v4, vm0, $0xb8;
	[tilespmem:$0x1C100] =	vst v63  }
0xd2: {  	s19 =	simm.s32 $0x13100  }
0xd3: {  	[tilespmem:s19], [sflag:$0x2] =	stream.indirect_vreg.gather [hbm4b:s6+s4], $0x80, v4, vm0, $0xb8;
	[tilespmem:$0x1C100] =	vst v63  }
0xd4: {  	s20 =	simm.s32 $0x13900  }
0xd5: {  	[tilespmem:s20], [sflag:$0x2] =	stream.indirect_vreg.gather [hbm4b:s1+s4], $0x80, v3, vm0, $0xb8;
	[tilespmem:$0x1C100] =	vst v63  }
0xd6: {  	s21 =	simm.s32 $0x14100  }
0xd7: {  	[tilespmem:s21], [sflag:$0x2] =	stream.indirect_vreg.gather [hbm4b:s5+s4], $0x80, v3, vm0, $0xb8;
	[tilespmem:$0x1C100] =	vst v63  }
0xd8: {  	s24 =	simm.s32 $0x14900  }
0xd9: {  	[tilespmem:s24], [sflag:$0x2] =	stream.indirect_vreg.gather [hbm4b:s6+s4], $0x80, v3, vm0, $0xb8;
	[tilespmem:$0x1C100] =	vst v63  }
0xda: {  	v3 =	vld [tilespmem:$0xB0];
	_ =	sdelay $0x4  }
0xdb: {  	v63 =	vshrl.u32 v3, $0x3  }
0xdc: {  	v4 =	vmul.u32 $0x30, v63  }
0xdd: {  	v3 =	vand.u32 $0x7, v3  }
0xde: {  	v3 =	vor.u32 v3, v4  }
0xdf: {  	v4 =	vperm.xlane v3, v0;
	_ =	sdelay $0x1  }
0xe0: {  	v4 =	vadd.s32 v1, v4;
	_ =	sdelay $0x3  }
0xe1: {  	s25 =	simm.s32 $0x15100;
	v3 =	vperm.xlane v3, v2  }
0xe2: {  	[tilespmem:s25], [sflag:$0x2] =	stream.indirect_vreg.gather [hbm4b:s1+s4], $0x80, v4, vm0, $0xb8;
	[tilespmem:$0x1C100] =	vst v63  }
0xe3: {  	s28 =	simm.s32 $0x15900;
	v3 =	vadd.s32 v1, v3  }
0xe4: {  	[tilespmem:s28], [sflag:$0x2] =	stream.indirect_vreg.gather [hbm4b:s5+s4], $0x80, v4, vm0, $0xb8;
	[tilespmem:$0x1C100] =	vst v63  }
0xe5: {  	s31 =	simm.s32 $0x16100  }
0xe6: {  	[tilespmem:s31], [sflag:$0x2] =	stream.indirect_vreg.gather [hbm4b:s6+s4], $0x80, v4, vm0, $0xb8;
	[tilespmem:$0x1C100] =	vst v63  }
0xe7: {  	s7 =	simm.s32 $0x16900  }
0xe8: {  	[tilespmem:s7], [sflag:$0x2] =	stream.indirect_vreg.gather [hbm4b:s1+s4], $0x80, v3, vm0, $0xb8;
	[tilespmem:$0x1C100] =	vst v63  }
0xe9: {  	s15 =	simm.s32 $0x17100  }
0xea: {  	[tilespmem:s15], [sflag:$0x2] =	stream.indirect_vreg.gather [hbm4b:s5+s4], $0x80, v3, vm0, $0xb8;
	[tilespmem:$0x1C100] =	vst v63  }
0xeb: {  	s16 =	simm.s32 $0x17900  }
0xec: {  	[tilespmem:s16], [sflag:$0x2] =	stream.indirect_vreg.gather [hbm4b:s6+s4], $0x80, v3, vm0, $0xb8;
	[tilespmem:$0x1C100] =	vst v63  }
0xed: {  	s0 =	simm.s32 $0x40;
	s9 =	simm.s32 $0x80;
	s17 =	simm.s32 $0x1A100  }
0xee: {  	[tilespmem:s17], [sflag:$0x4] =	stream.indirect.gather [hbm4b:s3+s0], $0x80, s9, s0, $0xb8;
	[tilespmem:$0x1C100] =	vst v63  }
0xef: {  	s9 =	simm.s32 $0x2  }
0xf0: {  	_ =	swait.ge [sflag:s9], $0xC000  }
0xf1: {  	[sflag:s9] =	ssyncset.done $0x0  }
0xf2: {  	s28 =	simm.s32 $0x4;
	[sflag:s9] =	ssyncadd.s32 $0xFFFF4000  }
0xf3: {  	_ =	swait.ge [sflag:s28], $0x2000  }
0xf4: {  	[sflag:s28] =	ssyncset.done $0x0  }
0xf5: {  	s2 =	simm.s32 $0xC100;
	s20 =	rddreg [dreg:$0x8];
	[sflag:s28] =	ssyncadd.s32 $0xFFFFE000  }
0xf6: {  	[hbm4b:s20+s4] =	stream.linear.scatter [tilespmem:s2], [sflag:$0x6], $0xC000, $0x38;
	[tilespmem:$0x1C100] =	vst v63  }
0xf7: {  	s19 =	simm.s32 $0x1A100;
	s21 =	rddreg [dreg:$0x9]  }
0xf8: {  	[hbm4b:s21+s4] =	stream.linear.scatter [tilespmem:s19], [sflag:$0x8], $0x2000, $0x38;
	[tilespmem:$0x1C100] =	vst v63  }
0xf9: {  	_ =	swait.ge [sflag:s26], $0xC000  }
0xfa: {  	[sflag:s26] =	ssyncset.done $0x0  }
0xfb: {  	s0 =	simm.s32 $0x7;
	[sflag:s26] =	ssyncadd.s32 $0xFFFF4000  }
0xfc: {  	_ =	swait.ge [sflag:s0], $0x2000  }
0xfd: {  	[sflag:s0] =	ssyncset.done $0x0  }
0xfe: {  	s24 =	rddreg [dreg:$0xa];
	[sflag:s0] =	ssyncadd.s32 $0xFFFFE000  }
0xff: {  	[tilespmem:s4], [sflag:$0x9] =	stream.linear.gather [hbm4b:s24+s4], $0x40, $0x38;
	[tilespmem:$0x1C100] =	vst v63  }
0x100: {  	_ =	swait.ge [sflag:s8], $0x40  }
0x101: {  	[sflag:s8] =	ssyncset.done $0x0  }
0x102: {  	[sflag:s8] =	ssyncadd.s32 $0xFFFFFFC0  }
0x103: {  	v3 =	vld [tilespmem:$0x0];
	_ =	sdelay $0x4  }
0x104: {  	v8 =	vshrl.u32 v3, $0x3  }
0x105: {  	v4 =	vmul.u32 $0x30, v8  }
0x106: {  	v3 =	vand.u32 $0x7, v3  }
0x107: {  	v3 =	vor.u32 v3, v4  }
0x108: {  	v4 =	vperm.xlane v3, v0;
	_ =	sdelay $0x1  }
0x109: {  	v4 =	vadd.s32 v1, v4;
	_ =	sdelay $0x3  }
0x10a: {  	s15 =	simm.s32 $0x100;
	v3 =	vperm.xlane v3, v2  }
0x10b: {  	[tilespmem:s15], [sflag:$0x1] =	stream.indirect_vreg.gather [hbm4b:s1+s4], $0x80, v4, vm0, $0xb8;
	[tilespmem:$0x1C100] =	vst v63  }
0x10c: {  	s31 =	simm.s32 $0x900;
	v3 =	vadd.s32 v1, v3  }
0x10d: {  	[tilespmem:s31], [sflag:$0x1] =	stream.indirect_vreg.gather [hbm4b:s5+s4], $0x80, v4, vm0, $0xb8;
	[tilespmem:$0x1C100] =	vst v63  }
0x10e: {  	s24 =	simm.s32 $0x1100  }
0x10f: {  	[tilespmem:s24], [sflag:$0x1] =	stream.indirect_vreg.gather [hbm4b:s6+s4], $0x80, v4, vm0, $0xb8;
	[tilespmem:$0x1C100] =	vst v63  }
0x110: {  	s20 =	simm.s32 $0x1900  }
0x111: {  	[tilespmem:s20], [sflag:$0x1] =	stream.indirect_vreg.gather [hbm4b:s1+s4], $0x80, v3, vm0, $0xb8;
	[tilespmem:$0x1C100] =	vst v63  }
0x112: {  	s21 =	simm.s32 $0x2100  }
0x113: {  	[tilespmem:s21], [sflag:$0x1] =	stream.indirect_vreg.gather [hbm4b:s5+s4], $0x80, v3, vm0, $0xb8;
	[tilespmem:$0x1C100] =	vst v63  }
0x114: {  	s11 =	simm.s32 $0x2900  }
0x115: {  	[tilespmem:s11], [sflag:$0x1] =	stream.indirect_vreg.gather [hbm4b:s6+s4], $0x80, v3, vm0, $0xb8;
	[tilespmem:$0x1C100] =	vst v63  }
0x116: {  	v3 =	vld [tilespmem:$0x10];
	_ =	sdelay $0x4  }
0x117: {  	v9 =	vshrl.u32 v3, $0x3  }
0x118: {  	v4 =	vmul.u32 $0x30, v9  }
0x119: {  	v3 =	vand.u32 $0x7, v3  }
0x11a: {  	v3 =	vor.u32 v3, v4  }
0x11b: {  	v4 =	vperm.xlane v3, v0;
	_ =	sdelay $0x1  }
0x11c: {  	v4 =	vadd.s32 v1, v4;
	_ =	sdelay $0x3  }
0x11d: {  	s10 =	simm.s32 $0x3100;
	v3 =	vperm.xlane v3, v2  }
0x11e: {  	[tilespmem:s10], [sflag:$0x1] =	stream.indirect_vreg.gather [hbm4b:s1+s4], $0x80, v4, vm0, $0xb8;
	[tilespmem:$0x1C100] =	vst v63  }
0x11f: {  	v3 =	vadd.s32 v1, v3;
	s10 =	simm.s32 $0x3900  }
0x120: {  	[tilespmem:s10], [sflag:$0x1] =	stream.indirect_vreg.gather [hbm4b:s5+s4], $0x80, v4, vm0, $0xb8;
	[tilespmem:$0x1C100] =	vst v63  }
0x121: {  	s16 =	simm.s32 $0x4100  }
0x122: {  	[tilespmem:s16], [sflag:$0x1] =	stream.indirect_vreg.gather [hbm4b:s6+s4], $0x80, v4, vm0, $0xb8;
	[tilespmem:$0x1C100] =	vst v63  }
0x123: {  	s17 =	simm.s32 $0x4900  }
0x124: {  	[tilespmem:s17], [sflag:$0x1] =	stream.indirect_vreg.gather [hbm4b:s1+s4], $0x80, v3, vm0, $0xb8;
	[tilespmem:$0x1C100] =	vst v63  }
0x125: {  	s19 =	simm.s32 $0x5100  }
0x126: {  	[tilespmem:s19], [sflag:$0x1] =	stream.indirect_vreg.gather [hbm4b:s5+s4], $0x80, v3, vm0, $0xb8;
	[tilespmem:$0x1C100] =	vst v63  }
0x127: {  	s12 =	simm.s32 $0x5900  }
0x128: {  	[tilespmem:s12], [sflag:$0x1] =	stream.indirect_vreg.gather [hbm4b:s6+s4], $0x80, v3, vm0, $0xb8;
	[tilespmem:$0x1C100] =	vst v63  }
0x129: {  	v3 =	vld [tilespmem:$0x20];
	_ =	sdelay $0x4  }
0x12a: {  	v10 =	vshrl.u32 v3, $0x3  }
0x12b: {  	v4 =	vmul.u32 $0x30, v10  }
0x12c: {  	v3 =	vand.u32 $0x7, v3  }
0x12d: {  	v3 =	vor.u32 v3, v4  }
0x12e: {  	v4 =	vperm.xlane v3, v0;
	_ =	sdelay $0x1  }
0x12f: {  	v4 =	vadd.s32 v1, v4;
	_ =	sdelay $0x3  }
0x130: {  	s18 =	simm.s32 $0x6100;
	v3 =	vperm.xlane v3, v2  }
0x131: {  	[tilespmem:s18], [sflag:$0x1] =	stream.indirect_vreg.gather [hbm4b:s1+s4], $0x80, v4, vm0, $0xb8;
	[tilespmem:$0x1C100] =	vst v63  }
0x132: {  	v3 =	vadd.s32 v1, v3;
	s18 =	simm.s32 $0x6900  }
0x133: {  	[tilespmem:s18], [sflag:$0x1] =	stream.indirect_vreg.gather [hbm4b:s5+s4], $0x80, v4, vm0, $0xb8;
	[tilespmem:$0x1C100] =	vst v63  }
0x134: {  	s12 =	simm.s32 $0x7100  }
0x135: {  	[tilespmem:s12], [sflag:$0x1] =	stream.indirect_vreg.gather [hbm4b:s6+s4], $0x80, v4, vm0, $0xb8;
	[tilespmem:$0x1C100] =	vst v63  }
0x136: {  	s7 =	simm.s32 $0x7900  }
0x137: {  	[tilespmem:s7], [sflag:$0x1] =	stream.indirect_vreg.gather [hbm4b:s1+s4], $0x80, v3, vm0, $0xb8;
	[tilespmem:$0x1C100] =	vst v63  }
0x138: {  	s14 =	simm.s32 $0x8100  }
0x139: {  	[tilespmem:s14], [sflag:$0x1] =	stream.indirect_vreg.gather [hbm4b:s5+s4], $0x80, v3, vm0, $0xb8;
	[tilespmem:$0x1C100] =	vst v63  }
0x13a: {  	s11 =	simm.s32 $0x8900  }
0x13b: {  	[tilespmem:s11], [sflag:$0x1] =	stream.indirect_vreg.gather [hbm4b:s6+s4], $0x80, v3, vm0, $0xb8;
	[tilespmem:$0x1C100] =	vst v63  }
0x13c: {  	v3 =	vld [tilespmem:$0x30];
	_ =	sdelay $0x4  }
0x13d: {  	v11 =	vshrl.u32 v3, $0x3  }
0x13e: {  	v4 =	vmul.u32 $0x30, v11  }
0x13f: {  	v3 =	vand.u32 $0x7, v3  }
0x140: {  	v3 =	vor.u32 v3, v4  }
0x141: {  	v4 =	vperm.xlane v3, v0;
	_ =	sdelay $0x1  }
0x142: {  	v4 =	vadd.s32 v1, v4;
	_ =	sdelay $0x3  }
0x143: {  	s14 =	simm.s32 $0x9100;
	v3 =	vperm.xlane v3, v2  }
0x144: {  	[tilespmem:s14], [sflag:$0x1] =	stream.indirect_vreg.gather [hbm4b:s1+s4], $0x80, v4, vm0, $0xb8;
	[tilespmem:$0x1C100] =	vst v63  }
0x145: {  	s22 =	simm.s32 $0x9900;
	v3 =	vadd.s32 v1, v3  }
0x146: {  	[tilespmem:s22], [sflag:$0x1] =	stream.indirect_vreg.gather [hbm4b:s5+s4], $0x80, v4, vm0, $0xb8;
	[tilespmem:$0x1C100] =	vst v63  }
0x147: {  	s29 =	simm.s32 $0xA100  }
0x148: {  	[tilespmem:s29], [sflag:$0x1] =	stream.indirect_vreg.gather [hbm4b:s6+s4], $0x80, v4, vm0, $0xb8;
	[tilespmem:$0x1C100] =	vst v63  }
0x149: {  	s29 =	simm.s32 $0xA900  }
0x14a: {  	[tilespmem:s29], [sflag:$0x1] =	stream.indirect_vreg.gather [hbm4b:s1+s4], $0x80, v3, vm0, $0xb8;
	[tilespmem:$0x1C100] =	vst v63  }
0x14b: {  	s30 =	simm.s32 $0xB100  }
0x14c: {  	[tilespmem:s30], [sflag:$0x1] =	stream.indirect_vreg.gather [hbm4b:s5+s4], $0x80, v3, vm0, $0xb8;
	[tilespmem:$0x1C100] =	vst v63  }
0x14d: {  	s31 =	simm.s32 $0xB900  }
0x14e: {  	[tilespmem:s31], [sflag:$0x1] =	stream.indirect_vreg.gather [hbm4b:s6+s4], $0x80, v3, vm0, $0xb8;
	[tilespmem:$0x1C100] =	vst v63  }
0x14f: {  	s25 =	simm.s32 $0x40;
	s2 =	simm.s32 $0x18100  }
0x150: {  	[tilespmem:s2], [sflag:$0x3] =	stream.indirect.gather [hbm4b:s3+s25], $0x80, s4, s25, $0xb8;
	[tilespmem:$0x1C100] =	vst v63  }
0x151: {  	_ =	swait.ge [sflag:s13], $0xC000  }
0x152: {  	[sflag:s13] =	ssyncset.done $0x0  }
0x153: {  	[sflag:s13] =	ssyncadd.s32 $0xFFFF4000  }
0x154: {  	_ =	swait.ge [sflag:s23], $0x2000  }
0x155: {  	[sflag:s23] =	ssyncset.done $0x0  }
0x156: {  	s7 =	rddreg [dreg:$0xb];
	[sflag:s23] =	ssyncadd.s32 $0xFFFFE000  }
0x157: {  	[hbm4b:s7+s4] =	stream.linear.scatter [tilespmem:s15], [sflag:$0x5], $0xC000, $0x38;
	[tilespmem:$0x1C100] =	vst v63  }
0x158: {  	s29 =	simm.s32 $0x6;
	s11 =	rddreg [dreg:$0xc]  }
0x159: {  	[hbm4b:s11+s4] =	stream.linear.scatter [tilespmem:s2], [sflag:$0x7], $0x2000, $0x38;
	[tilespmem:$0x1C100] =	vst v63  }
0x15a: {  	_ =	swait.ge [sflag:s29], $0xC000  }
0x15b: {  	[sflag:s29] =	ssyncset.done $0x0  }
0x15c: {  	s7 =	simm.s32 $0x8;
	[sflag:s29] =	ssyncadd.s32 $0xFFFF4000  }
0x15d: {  	_ =	swait.ge [sflag:s7], $0x2000  }
0x15e: {  	[sflag:s7] =	ssyncset.done $0x0  }
0x15f: {  	s25 =	simm.s32 $0x80;
	s14 =	rddreg [dreg:$0xd];
	[sflag:s7] =	ssyncadd.s32 $0xFFFFE000  }
0x160: {  	[tilespmem:s25], [sflag:$0x9] =	stream.linear.gather [hbm4b:s14+s4], $0x40, $0x38;
	[tilespmem:$0x1C100] =	vst v63  }
0x161: {  	_ =	swait.ge [sflag:s8], $0x40  }
0x162: {  	[sflag:s8] =	ssyncset.done $0x0  }
0x163: {  	[sflag:s8] =	ssyncadd.s32 $0xFFFFFFC0  }
0x164: {  	v3 =	vld [tilespmem:$0x80];
	_ =	sdelay $0x4  }
0x165: {  	v12 =	vshrl.u32 v3, $0x3  }
0x166: {  	v4 =	vmul.u32 $0x30, v12  }
0x167: {  	v3 =	vand.u32 $0x7, v3  }
0x168: {  	v3 =	vor.u32 v3, v4  }
0x169: {  	v4 =	vperm.xlane v3, v0;
	_ =	sdelay $0x1  }
0x16a: {  	v4 =	vadd.s32 v1, v4;
	_ =	sdelay $0x3  }
0x16b: {  	s15 =	simm.s32 $0xC100;
	v3 =	vperm.xlane v3, v2  }
0x16c: {  	[tilespmem:s15], [sflag:$0x2] =	stream.indirect_vreg.gather [hbm4b:s1+s4], $0x80, v4, vm0, $0xb8;
	[tilespmem:$0x1C100] =	vst v63  }
0x16d: {  	s30 =	simm.s32 $0xC900;
	v3 =	vadd.s32 v1, v3  }
0x16e: {  	[tilespmem:s30], [sflag:$0x2] =	stream.indirect_vreg.gather [hbm4b:s5+s4], $0x80, v4, vm0, $0xb8;
	[tilespmem:$0x1C100] =	vst v63  }
0x16f: {  	s31 =	simm.s32 $0xD100  }
0x170: {  	[tilespmem:s31], [sflag:$0x2] =	stream.indirect_vreg.gather [hbm4b:s6+s4], $0x80, v4, vm0, $0xb8;
	[tilespmem:$0x1C100] =	vst v63  }
0x171: {  	s11 =	simm.s32 $0xD900  }
0x172: {  	[tilespmem:s11], [sflag:$0x2] =	stream.indirect_vreg.gather [hbm4b:s1+s4], $0x80, v3, vm0, $0xb8;
	[tilespmem:$0x1C100] =	vst v63  }
0x173: {  	s14 =	simm.s32 $0xE100  }
0x174: {  	[tilespmem:s14], [sflag:$0x2] =	stream.indirect_vreg.gather [hbm4b:s5+s4], $0x80, v3, vm0, $0xb8;
	[tilespmem:$0x1C100] =	vst v63  }
0x175: {  	s30 =	simm.s32 $0xE900  }
0x176: {  	[tilespmem:s30], [sflag:$0x2] =	stream.indirect_vreg.gather [hbm4b:s6+s4], $0x80, v3, vm0, $0xb8;
	[tilespmem:$0x1C100] =	vst v63  }
0x177: {  	v3 =	vld [tilespmem:$0x90];
	_ =	sdelay $0x4  }
0x178: {  	v13 =	vshrl.u32 v3, $0x3  }
0x179: {  	v4 =	vmul.u32 $0x30, v13  }
0x17a: {  	v3 =	vand.u32 $0x7, v3  }
0x17b: {  	v3 =	vor.u32 v3, v4  }
0x17c: {  	v4 =	vperm.xlane v3, v0;
	_ =	sdelay $0x1  }
0x17d: {  	v4 =	vadd.s32 v1, v4;
	_ =	sdelay $0x3  }
0x17e: {  	s31 =	simm.s32 $0xF100;
	v3 =	vperm.xlane v3, v2  }
0x17f: {  	[tilespmem:s31], [sflag:$0x2] =	stream.indirect_vreg.gather [hbm4b:s1+s4], $0x80, v4, vm0, $0xb8;
	[tilespmem:$0x1C100] =	vst v63  }
0x180: {  	s11 =	simm.s32 $0xF900;
	v3 =	vadd.s32 v1, v3  }
0x181: {  	[tilespmem:s11], [sflag:$0x2] =	stream.indirect_vreg.gather [hbm4b:s5+s4], $0x80, v4, vm0, $0xb8;
	[tilespmem:$0x1C100] =	vst v63  }
0x182: {  	s14 =	simm.s32 $0x10100  }
0x183: {  	[tilespmem:s14], [sflag:$0x2] =	stream.indirect_vreg.gather [hbm4b:s6+s4], $0x80, v4, vm0, $0xb8;
	[tilespmem:$0x1C100] =	vst v63  }
0x184: {  	s30 =	simm.s32 $0x10900  }
0x185: {  	[tilespmem:s30], [sflag:$0x2] =	stream.indirect_vreg.gather [hbm4b:s1+s4], $0x80, v3, vm0, $0xb8;
	[tilespmem:$0x1C100] =	vst v63  }
0x186: {  	s31 =	simm.s32 $0x11100  }
0x187: {  	[tilespmem:s31], [sflag:$0x2] =	stream.indirect_vreg.gather [hbm4b:s5+s4], $0x80, v3, vm0, $0xb8;
	[tilespmem:$0x1C100] =	vst v63  }
0x188: {  	s11 =	simm.s32 $0x11900  }
0x189: {  	[tilespmem:s11], [sflag:$0x2] =	stream.indirect_vreg.gather [hbm4b:s6+s4], $0x80, v3, vm0, $0xb8;
	[tilespmem:$0x1C100] =	vst v63  }
0x18a: {  	v3 =	vld [tilespmem:$0xA0];
	_ =	sdelay $0x4  }
0x18b: {  	v14 =	vshrl.u32 v3, $0x3  }
0x18c: {  	v4 =	vmul.u32 $0x30, v14  }
0x18d: {  	v3 =	vand.u32 $0x7, v3  }
0x18e: {  	v3 =	vor.u32 v3, v4  }
0x18f: {  	v4 =	vperm.xlane v3, v0;
	_ =	sdelay $0x1  }
0x190: {  	v4 =	vadd.s32 v1, v4;
	_ =	sdelay $0x3  }
0x191: {  	s14 =	simm.s32 $0x12100;
	v3 =	vperm.xlane v3, v2  }
0x192: {  	[tilespmem:s14], [sflag:$0x2] =	stream.indirect_vreg.gather [hbm4b:s1+s4], $0x80, v4, vm0, $0xb8;
	[tilespmem:$0x1C100] =	vst v63  }
0x193: {  	s30 =	simm.s32 $0x12900;
	v3 =	vadd.s32 v1, v3  }
0x194: {  	[tilespmem:s30], [sflag:$0x2] =	stream.indirect_vreg.gather [hbm4b:s5+s4], $0x80, v4, vm0, $0xb8;
	[tilespmem:$0x1C100] =	vst v63  }
0x195: {  	s31 =	simm.s32 $0x13100  }
0x196: {  	[tilespmem:s31], [sflag:$0x2] =	stream.indirect_vreg.gather [hbm4b:s6+s4], $0x80, v4, vm0, $0xb8;
	[tilespmem:$0x1C100] =	vst v63  }
0x197: {  	s11 =	simm.s32 $0x13900  }
0x198: {  	[tilespmem:s11], [sflag:$0x2] =	stream.indirect_vreg.gather [hbm4b:s1+s4], $0x80, v3, vm0, $0xb8;
	[tilespmem:$0x1C100] =	vst v63  }
0x199: {  	s14 =	simm.s32 $0x14100  }
0x19a: {  	[tilespmem:s14], [sflag:$0x2] =	stream.indirect_vreg.gather [hbm4b:s5+s4], $0x80, v3, vm0, $0xb8;
	[tilespmem:$0x1C100] =	vst v63  }
0x19b: {  	s30 =	simm.s32 $0x14900  }
0x19c: {  	[tilespmem:s30], [sflag:$0x2] =	stream.indirect_vreg.gather [hbm4b:s6+s4], $0x80, v3, vm0, $0xb8;
	[tilespmem:$0x1C100] =	vst v63  }
0x19d: {  	v3 =	vld [tilespmem:$0xB0];
	_ =	sdelay $0x4  }
0x19e: {  	v15 =	vshrl.u32 v3, $0x3  }
0x19f: {  	v4 =	vmul.u32 $0x30, v15  }
0x1a0: {  	v3 =	vand.u32 $0x7, v3  }
0x1a1: {  	v3 =	vor.u32 v3, v4  }
0x1a2: {  	v4 =	vperm.xlane v3, v0;
	_ =	sdelay $0x1  }
0x1a3: {  	v4 =	vadd.s32 v1, v4;
	_ =	sdelay $0x3  }
0x1a4: {  	s31 =	simm.s32 $0x15100;
	v3 =	vperm.xlane v3, v2  }
0x1a5: {  	[tilespmem:s31], [sflag:$0x2] =	stream.indirect_vreg.gather [hbm4b:s1+s4], $0x80, v4, vm0, $0xb8;
	[tilespmem:$0x1C100] =	vst v63  }
0x1a6: {  	s11 =	simm.s32 $0x15900;
	v3 =	vadd.s32 v1, v3  }
0x1a7: {  	[tilespmem:s11], [sflag:$0x2] =	stream.indirect_vreg.gather [hbm4b:s5+s4], $0x80, v4, vm0, $0xb8;
	[tilespmem:$0x1C100] =	vst v63  }
0x1a8: {  	s14 =	simm.s32 $0x16100  }
0x1a9: {  	[tilespmem:s14], [sflag:$0x2] =	stream.indirect_vreg.gather [hbm4b:s6+s4], $0x80, v4, vm0, $0xb8;
	[tilespmem:$0x1C100] =	vst v63  }
0x1aa: {  	s30 =	simm.s32 $0x16900  }
0x1ab: {  	[tilespmem:s30], [sflag:$0x2] =	stream.indirect_vreg.gather [hbm4b:s1+s4], $0x80, v3, vm0, $0xb8;
	[tilespmem:$0x1C100] =	vst v63  }
0x1ac: {  	s31 =	simm.s32 $0x17100  }
0x1ad: {  	[tilespmem:s31], [sflag:$0x2] =	stream.indirect_vreg.gather [hbm4b:s5+s4], $0x80, v3, vm0, $0xb8;
	[tilespmem:$0x1C100] =	vst v63  }
0x1ae: {  	s11 =	simm.s32 $0x17900  }
0x1af: {  	[tilespmem:s11], [sflag:$0x2] =	stream.indirect_vreg.gather [hbm4b:s6+s4], $0x80, v3, vm0, $0xb8;
	[tilespmem:$0x1C100] =	vst v63  }
0x1b0: {  	s22 =	smov.u32 s3;
	s3 =	simm.s32 $0x1A100;
	s11 =	simm.s32 $0x40  }
0x1b1: {  	[tilespmem:s3], [sflag:$0x4] =	stream.indirect.gather [hbm4b:s22+s11], $0x80, s25, s11, $0xb8;
	[tilespmem:$0x1C100] =	vst v63  }
0x1b2: {  	_ =	swait.ge [sflag:s9], $0xC000  }
0x1b3: {  	[sflag:s9] =	ssyncset.done $0x0  }
0x1b4: {  	[sflag:s9] =	ssyncadd.s32 $0xFFFF4000  }
0x1b5: {  	_ =	swait.ge [sflag:s28], $0x2000  }
0x1b6: {  	[sflag:s28] =	ssyncset.done $0x0  }
0x1b7: {  	s15 =	simm.s32 $0xC100;
	s30 =	rddreg [dreg:$0xe];
	[sflag:s28] =	ssyncadd.s32 $0xFFFFE000  }
0x1b8: {  	[hbm4b:s30+s4] =	stream.linear.scatter [tilespmem:s15], [sflag:$0x6], $0xC000, $0x38;
	[tilespmem:$0x1C100] =	vst v63  }
0x1b9: {  	s25 =	rddreg [dreg:$0xf]  }
0x1ba: {  	[hbm4b:s25+s4] =	stream.linear.scatter [tilespmem:s3], [sflag:$0x8], $0x2000, $0x38;
	[tilespmem:$0x1C100] =	vst v63  }
0x1bb: {  	_ =	swait.ge [sflag:s26], $0xC000  }
0x1bc: {  	[sflag:s26] =	ssyncset.done $0x0  }
0x1bd: {  	[sflag:s26] =	ssyncadd.s32 $0xFFFF4000  }
0x1be: {  	_ =	swait.ge [sflag:s0], $0x2000  }
0x1bf: {  	[sflag:s0] =	ssyncset.done $0x0  }
0x1c0: {  	s15 =	rddreg [dreg:$0x10];
	[sflag:s0] =	ssyncadd.s32 $0xFFFFE000  }
0x1c1: {  	[tilespmem:s4], [sflag:$0x9] =	stream.linear.gather [hbm4b:s15+s4], $0x40, $0x38;
	[tilespmem:$0x1C100] =	vst v63  }
0x1c2: {  	_ =	swait.ge [sflag:s8], $0x40  }
0x1c3: {  	[sflag:s8] =	ssyncset.done $0x0  }
0x1c4: {  	[sflag:s8] =	ssyncadd.s32 $0xFFFFFFC0  }
0x1c5: {  	v3 =	vld [tilespmem:$0x0];
	_ =	sdelay $0x4  }
0x1c6: {  	v16 =	vshrl.u32 v3, $0x3  }
0x1c7: {  	v4 =	vmul.u32 $0x30, v16  }
0x1c8: {  	v3 =	vand.u32 $0x7, v3  }
0x1c9: {  	v3 =	vor.u32 v3, v4  }
0x1ca: {  	v4 =	vperm.xlane v3, v0;
	_ =	sdelay $0x1  }
0x1cb: {  	v4 =	vadd.s32 v1, v4;
	_ =	sdelay $0x3  }
0x1cc: {  	s15 =	simm.s32 $0x100;
	v3 =	vperm.xlane v3, v2  }
0x1cd: {  	[tilespmem:s15], [sflag:$0x1] =	stream.indirect_vreg.gather [hbm4b:s1+s4], $0x80, v4, vm0, $0xb8;
	[tilespmem:$0x1C100] =	vst v63  }
0x1ce: {  	s25 =	simm.s32 $0x900;
	v3 =	vadd.s32 v1, v3  }
0x1cf: {  	[tilespmem:s25], [sflag:$0x1] =	stream.indirect_vreg.gather [hbm4b:s5+s4], $0x80, v4, vm0, $0xb8;
	[tilespmem:$0x1C100] =	vst v63  }
0x1d0: {  	_ = 	snop  }
0x1d1: {  	[tilespmem:s24], [sflag:$0x1] =	stream.indirect_vreg.gather [hbm4b:s6+s4], $0x80, v4, vm0, $0xb8;
	[tilespmem:$0x1C100] =	vst v63  }
0x1d2: {  	_ = 	snop  }
0x1d3: {  	[tilespmem:s20], [sflag:$0x1] =	stream.indirect_vreg.gather [hbm4b:s1+s4], $0x80, v3, vm0, $0xb8;
	[tilespmem:$0x1C100] =	vst v63  }
0x1d4: {  	_ = 	snop  }
0x1d5: {  	[tilespmem:s21], [sflag:$0x1] =	stream.indirect_vreg.gather [hbm4b:s5+s4], $0x80, v3, vm0, $0xb8;
	[tilespmem:$0x1C100] =	vst v63  }
0x1d6: {  	s30 =	simm.s32 $0x2900  }
0x1d7: {  	[tilespmem:s30], [sflag:$0x1] =	stream.indirect_vreg.gather [hbm4b:s6+s4], $0x80, v3, vm0, $0xb8;
	[tilespmem:$0x1C100] =	vst v63  }
0x1d8: {  	v3 =	vld [tilespmem:$0x10];
	_ =	sdelay $0x4  }
0x1d9: {  	v17 =	vshrl.u32 v3, $0x3  }
0x1da: {  	v4 =	vmul.u32 $0x30, v17  }
0x1db: {  	v3 =	vand.u32 $0x7, v3  }
0x1dc: {  	v3 =	vor.u32 v3, v4  }
0x1dd: {  	v4 =	vperm.xlane v3, v0;
	_ =	sdelay $0x1  }
0x1de: {  	v4 =	vadd.s32 v1, v4;
	_ =	sdelay $0x3  }
0x1df: {  	s31 =	simm.s32 $0x3100;
	v3 =	vperm.xlane v3, v2  }
0x1e0: {  	[tilespmem:s31], [sflag:$0x1] =	stream.indirect_vreg.gather [hbm4b:s1+s4], $0x80, v4, vm0, $0xb8;
	[tilespmem:$0x1C100] =	vst v63  }
0x1e1: {  	v3 =	vadd.s32 v1, v3  }
0x1e2: {  	[tilespmem:s10], [sflag:$0x1] =	stream.indirect_vreg.gather [hbm4b:s5+s4], $0x80, v4, vm0, $0xb8;
	[tilespmem:$0x1C100] =	vst v63  }
0x1e3: {  	_ = 	snop  }
0x1e4: {  	[tilespmem:s16], [sflag:$0x1] =	stream.indirect_vreg.gather [hbm4b:s6+s4], $0x80, v4, vm0, $0xb8;
	[tilespmem:$0x1C100] =	vst v63  }
0x1e5: {  	_ = 	snop  }
0x1e6: {  	[tilespmem:s17], [sflag:$0x1] =	stream.indirect_vreg.gather [hbm4b:s1+s4], $0x80, v3, vm0, $0xb8;
	[tilespmem:$0x1C100] =	vst v63  }
0x1e7: {  	_ = 	snop  }
0x1e8: {  	[tilespmem:s19], [sflag:$0x1] =	stream.indirect_vreg.gather [hbm4b:s5+s4], $0x80, v3, vm0, $0xb8;
	[tilespmem:$0x1C100] =	vst v63  }
0x1e9: {  	s17 =	simm.s32 $0x5900  }
0x1ea: {  	[tilespmem:s17], [sflag:$0x1] =	stream.indirect_vreg.gather [hbm4b:s6+s4], $0x80, v3, vm0, $0xb8;
	[tilespmem:$0x1C100] =	vst v63  }
0x1eb: {  	v3 =	vld [tilespmem:$0x20];
	_ =	sdelay $0x4  }
0x1ec: {  	v18 =	vshrl.u32 v3, $0x3  }
0x1ed: {  	v4 =	vmul.u32 $0x30, v18  }
0x1ee: {  	v3 =	vand.u32 $0x7, v3  }
0x1ef: {  	v3 =	vor.u32 v3, v4  }
0x1f0: {  	v4 =	vperm.xlane v3, v0;
	_ =	sdelay $0x1  }
0x1f1: {  	v4 =	vadd.s32 v1, v4;
	_ =	sdelay $0x3  }
0x1f2: {  	s24 =	simm.s32 $0x6100;
	v3 =	vperm.xlane v3, v2  }
0x1f3: {  	[tilespmem:s24], [sflag:$0x1] =	stream.indirect_vreg.gather [hbm4b:s1+s4], $0x80, v4, vm0, $0xb8;
	[tilespmem:$0x1C100] =	vst v63  }
0x1f4: {  	v3 =	vadd.s32 v1, v3  }
0x1f5: {  	[tilespmem:s18], [sflag:$0x1] =	stream.indirect_vreg.gather [hbm4b:s5+s4], $0x80, v4, vm0, $0xb8;
	[tilespmem:$0x1C100] =	vst v63  }
0x1f6: {  	_ = 	snop  }
0x1f7: {  	[tilespmem:s12], [sflag:$0x1] =	stream.indirect_vreg.gather [hbm4b:s6+s4], $0x80, v4, vm0, $0xb8;
	[tilespmem:$0x1C100] =	vst v63  }
0x1f8: {  	s18 =	simm.s32 $0x7900  }
0x1f9: {  	[tilespmem:s18], [sflag:$0x1] =	stream.indirect_vreg.gather [hbm4b:s1+s4], $0x80, v3, vm0, $0xb8;
	[tilespmem:$0x1C100] =	vst v63  }
0x1fa: {  	s21 =	simm.s32 $0x8100  }
0x1fb: {  	[tilespmem:s21], [sflag:$0x1] =	stream.indirect_vreg.gather [hbm4b:s5+s4], $0x80, v3, vm0, $0xb8;
	[tilespmem:$0x1C100] =	vst v63  }
0x1fc: {  	s10 =	simm.s32 $0x8900  }
0x1fd: {  	[tilespmem:s10], [sflag:$0x1] =	stream.indirect_vreg.gather [hbm4b:s6+s4], $0x80, v3, vm0, $0xb8;
	[tilespmem:$0x1C100] =	vst v63  }
0x1fe: {  	v3 =	vld [tilespmem:$0x30];
	_ =	sdelay $0x4  }
0x1ff: {  	v19 =	vshrl.u32 v3, $0x3  }
0x200: {  	v4 =	vmul.u32 $0x30, v19  }
0x201: {  	v3 =	vand.u32 $0x7, v3  }
0x202: {  	v3 =	vor.u32 v3, v4  }
0x203: {  	v4 =	vperm.xlane v3, v0;
	_ =	sdelay $0x1  }
0x204: {  	v4 =	vadd.s32 v1, v4;
	_ =	sdelay $0x3  }
0x205: {  	s16 =	simm.s32 $0x9100;
	v3 =	vperm.xlane v3, v2  }
0x206: {  	[tilespmem:s16], [sflag:$0x1] =	stream.indirect_vreg.gather [hbm4b:s1+s4], $0x80, v4, vm0, $0xb8;
	[tilespmem:$0x1C100] =	vst v63  }
0x207: {  	s18 =	simm.s32 $0x9900;
	v3 =	vadd.s32 v1, v3  }
0x208: {  	[tilespmem:s18], [sflag:$0x1] =	stream.indirect_vreg.gather [hbm4b:s5+s4], $0x80, v4, vm0, $0xb8;
	[tilespmem:$0x1C100] =	vst v63  }
0x209: {  	s12 =	simm.s32 $0xA100  }
0x20a: {  	[tilespmem:s12], [sflag:$0x1] =	stream.indirect_vreg.gather [hbm4b:s6+s4], $0x80, v4, vm0, $0xb8;
	[tilespmem:$0x1C100] =	vst v63  }
0x20b: {  	s20 =	simm.s32 $0xA900  }
0x20c: {  	[tilespmem:s20], [sflag:$0x1] =	stream.indirect_vreg.gather [hbm4b:s1+s4], $0x80, v3, vm0, $0xb8;
	[tilespmem:$0x1C100] =	vst v63  }
0x20d: {  	s25 =	simm.s32 $0xB100  }
0x20e: {  	[tilespmem:s25], [sflag:$0x1] =	stream.indirect_vreg.gather [hbm4b:s5+s4], $0x80, v3, vm0, $0xb8;
	[tilespmem:$0x1C100] =	vst v63  }
0x20f: {  	s17 =	simm.s32 $0xB900  }
0x210: {  	[tilespmem:s17], [sflag:$0x1] =	stream.indirect_vreg.gather [hbm4b:s6+s4], $0x80, v3, vm0, $0xb8;
	[tilespmem:$0x1C100] =	vst v63  }
0x211: {  	s2 =	simm.s32 $0x18100  }
0x212: {  	[tilespmem:s2], [sflag:$0x3] =	stream.indirect.gather [hbm4b:s22+s11], $0x80, s4, s11, $0xb8;
	[tilespmem:$0x1C100] =	vst v63  }
0x213: {  	_ =	swait.ge [sflag:s13], $0xC000  }
0x214: {  	[sflag:s13] =	ssyncset.done $0x0  }
0x215: {  	[sflag:s13] =	ssyncadd.s32 $0xFFFF4000  }
0x216: {  	_ =	swait.ge [sflag:s23], $0x2000  }
0x217: {  	[sflag:s23] =	ssyncset.done $0x0  }
0x218: {  	s19 =	rddreg [dreg:$0x11];
	[sflag:s23] =	ssyncadd.s32 $0xFFFFE000  }
0x219: {  	[hbm4b:s19+s4] =	stream.linear.scatter [tilespmem:s15], [sflag:$0x5], $0xC000, $0x38;
	[tilespmem:$0x1C100] =	vst v63  }
0x21a: {  	s3 =	rddreg [dreg:$0x12]  }
0x21b: {  	[hbm4b:s3+s4] =	stream.linear.scatter [tilespmem:s2], [sflag:$0x7], $0x2000, $0x38;
	[tilespmem:$0x1C100] =	vst v63  }
0x21c: {  	_ =	swait.ge [sflag:s29], $0xC000  }
0x21d: {  	[sflag:s29] =	ssyncset.done $0x0  }
0x21e: {  	[sflag:s29] =	ssyncadd.s32 $0xFFFF4000  }
0x21f: {  	_ =	swait.ge [sflag:s7], $0x2000  }
0x220: {  	[sflag:s7] =	ssyncset.done $0x0  }
0x221: {  	s2 =	simm.s32 $0x80;
	s19 =	rddreg [dreg:$0x13];
	[sflag:s7] =	ssyncadd.s32 $0xFFFFE000  }
0x222: {  	[tilespmem:s2], [sflag:$0x9] =	stream.linear.gather [hbm4b:s19+s4], $0x40, $0x38;
	[tilespmem:$0x1C100] =	vst v63  }
0x223: {  	_ =	swait.ge [sflag:s8], $0x40  }
0x224: {  	[sflag:s8] =	ssyncset.done $0x0  }
0x225: {  	[sflag:s8] =	ssyncadd.s32 $0xFFFFFFC0  }
0x226: {  	v3 =	vld [tilespmem:$0x80];
	_ =	sdelay $0x4  }
0x227: {  	v20 =	vshrl.u32 v3, $0x3  }
0x228: {  	v4 =	vmul.u32 $0x30, v20  }
0x229: {  	v3 =	vand.u32 $0x7, v3  }
0x22a: {  	v3 =	vor.u32 v3, v4  }
0x22b: {  	v4 =	vperm.xlane v3, v0;
	_ =	sdelay $0x1  }
0x22c: {  	v4 =	vadd.s32 v1, v4;
	_ =	sdelay $0x3  }
0x22d: {  	s19 =	simm.s32 $0xC100;
	v3 =	vperm.xlane v3, v2  }
0x22e: {  	[tilespmem:s19], [sflag:$0x2] =	stream.indirect_vreg.gather [hbm4b:s1+s4], $0x80, v4, vm0, $0xb8;
	[tilespmem:$0x1C100] =	vst v63  }
0x22f: {  	s15 =	simm.s32 $0xC900;
	v3 =	vadd.s32 v1, v3  }
0x230: {  	[tilespmem:s15], [sflag:$0x2] =	stream.indirect_vreg.gather [hbm4b:s5+s4], $0x80, v4, vm0, $0xb8;
	[tilespmem:$0x1C100] =	vst v63  }
0x231: {  	s31 =	simm.s32 $0xD100  }
0x232: {  	[tilespmem:s31], [sflag:$0x2] =	stream.indirect_vreg.gather [hbm4b:s6+s4], $0x80, v4, vm0, $0xb8;
	[tilespmem:$0x1C100] =	vst v63  }
0x233: {  	s30 =	simm.s32 $0xD900  }
0x234: {  	[tilespmem:s30], [sflag:$0x2] =	stream.indirect_vreg.gather [hbm4b:s1+s4], $0x80, v3, vm0, $0xb8;
	[tilespmem:$0x1C100] =	vst v63  }
0x235: {  	s31 =	simm.s32 $0xE100  }
0x236: {  	[tilespmem:s31], [sflag:$0x2] =	stream.indirect_vreg.gather [hbm4b:s5+s4], $0x80, v3, vm0, $0xb8;
	[tilespmem:$0x1C100] =	vst v63  }
0x237: {  	s30 =	simm.s32 $0xE900  }
0x238: {  	[tilespmem:s30], [sflag:$0x2] =	stream.indirect_vreg.gather [hbm4b:s6+s4], $0x80, v3, vm0, $0xb8;
	[tilespmem:$0x1C100] =	vst v63  }
0x239: {  	v3 =	vld [tilespmem:$0x90];
	_ =	sdelay $0x4  }
0x23a: {  	v21 =	vshrl.u32 v3, $0x3  }
0x23b: {  	v4 =	vmul.u32 $0x30, v21  }
0x23c: {  	v3 =	vand.u32 $0x7, v3  }
0x23d: {  	v3 =	vor.u32 v3, v4  }
0x23e: {  	v4 =	vperm.xlane v3, v0;
	_ =	sdelay $0x1  }
0x23f: {  	v4 =	vadd.s32 v1, v4;
	_ =	sdelay $0x3  }
0x240: {  	s31 =	simm.s32 $0xF100;
	v3 =	vperm.xlane v3, v2  }
0x241: {  	[tilespmem:s31], [sflag:$0x2] =	stream.indirect_vreg.gather [hbm4b:s1+s4], $0x80, v4, vm0, $0xb8;
	[tilespmem:$0x1C100] =	vst v63  }
0x242: {  	s30 =	simm.s32 $0xF900;
	v3 =	vadd.s32 v1, v3  }
0x243: {  	[tilespmem:s30], [sflag:$0x2] =	stream.indirect_vreg.gather [hbm4b:s5+s4], $0x80, v4, vm0, $0xb8;
	[tilespmem:$0x1C100] =	vst v63  }
0x244: {  	s31 =	simm.s32 $0x10100  }
0x245: {  	[tilespmem:s31], [sflag:$0x2] =	stream.indirect_vreg.gather [hbm4b:s6+s4], $0x80, v4, vm0, $0xb8;
	[tilespmem:$0x1C100] =	vst v63  }
0x246: {  	s30 =	simm.s32 $0x10900  }
0x247: {  	[tilespmem:s30], [sflag:$0x2] =	stream.indirect_vreg.gather [hbm4b:s1+s4], $0x80, v3, vm0, $0xb8;
	[tilespmem:$0x1C100] =	vst v63  }
0x248: {  	s31 =	simm.s32 $0x11100  }
0x249: {  	[tilespmem:s31], [sflag:$0x2] =	stream.indirect_vreg.gather [hbm4b:s5+s4], $0x80, v3, vm0, $0xb8;
	[tilespmem:$0x1C100] =	vst v63  }
0x24a: {  	s30 =	simm.s32 $0x11900  }
0x24b: {  	[tilespmem:s30], [sflag:$0x2] =	stream.indirect_vreg.gather [hbm4b:s6+s4], $0x80, v3, vm0, $0xb8;
	[tilespmem:$0x1C100] =	vst v63  }
0x24c: {  	v3 =	vld [tilespmem:$0xA0];
	_ =	sdelay $0x4  }
0x24d: {  	v22 =	vshrl.u32 v3, $0x3  }
0x24e: {  	v4 =	vmul.u32 $0x30, v22  }
0x24f: {  	v3 =	vand.u32 $0x7, v3  }
0x250: {  	v3 =	vor.u32 v3, v4  }
0x251: {  	v4 =	vperm.xlane v3, v0;
	_ =	sdelay $0x1  }
0x252: {  	v4 =	vadd.s32 v1, v4;
	_ =	sdelay $0x3  }
0x253: {  	s31 =	simm.s32 $0x12100;
	v3 =	vperm.xlane v3, v2  }
0x254: {  	[tilespmem:s31], [sflag:$0x2] =	stream.indirect_vreg.gather [hbm4b:s1+s4], $0x80, v4, vm0, $0xb8;
	[tilespmem:$0x1C100] =	vst v63  }
0x255: {  	s30 =	simm.s32 $0x12900;
	v3 =	vadd.s32 v1, v3  }
0x256: {  	[tilespmem:s30], [sflag:$0x2] =	stream.indirect_vreg.gather [hbm4b:s5+s4], $0x80, v4, vm0, $0xb8;
	[tilespmem:$0x1C100] =	vst v63  }
0x257: {  	s31 =	simm.s32 $0x13100  }
0x258: {  	[tilespmem:s31], [sflag:$0x2] =	stream.indirect_vreg.gather [hbm4b:s6+s4], $0x80, v4, vm0, $0xb8;
	[tilespmem:$0x1C100] =	vst v63  }
0x259: {  	s30 =	simm.s32 $0x13900  }
0x25a: {  	[tilespmem:s30], [sflag:$0x2] =	stream.indirect_vreg.gather [hbm4b:s1+s4], $0x80, v3, vm0, $0xb8;
	[tilespmem:$0x1C100] =	vst v63  }
0x25b: {  	s31 =	simm.s32 $0x14100  }
0x25c: {  	[tilespmem:s31], [sflag:$0x2] =	stream.indirect_vreg.gather [hbm4b:s5+s4], $0x80, v3, vm0, $0xb8;
	[tilespmem:$0x1C100] =	vst v63  }
0x25d: {  	s30 =	simm.s32 $0x14900  }
0x25e: {  	[tilespmem:s30], [sflag:$0x2] =	stream.indirect_vreg.gather [hbm4b:s6+s4], $0x80, v3, vm0, $0xb8;
	[tilespmem:$0x1C100] =	vst v63  }
0x25f: {  	v3 =	vld [tilespmem:$0xB0];
	_ =	sdelay $0x4  }
0x260: {  	v23 =	vshrl.u32 v3, $0x3  }
0x261: {  	v4 =	vmul.u32 $0x30, v23  }
0x262: {  	v3 =	vand.u32 $0x7, v3  }
0x263: {  	v3 =	vor.u32 v3, v4  }
0x264: {  	v4 =	vperm.xlane v3, v0;
	_ =	sdelay $0x1  }
0x265: {  	v4 =	vadd.s32 v1, v4;
	_ =	sdelay $0x3  }
0x266: {  	s31 =	simm.s32 $0x15100;
	v3 =	vperm.xlane v3, v2  }
0x267: {  	[tilespmem:s31], [sflag:$0x2] =	stream.indirect_vreg.gather [hbm4b:s1+s4], $0x80, v4, vm0, $0xb8;
	[tilespmem:$0x1C100] =	vst v63  }
0x268: {  	s30 =	simm.s32 $0x15900;
	v3 =	vadd.s32 v1, v3  }
0x269: {  	[tilespmem:s30], [sflag:$0x2] =	stream.indirect_vreg.gather [hbm4b:s5+s4], $0x80, v4, vm0, $0xb8;
	[tilespmem:$0x1C100] =	vst v63  }
0x26a: {  	s31 =	simm.s32 $0x16100  }
0x26b: {  	[tilespmem:s31], [sflag:$0x2] =	stream.indirect_vreg.gather [hbm4b:s6+s4], $0x80, v4, vm0, $0xb8;
	[tilespmem:$0x1C100] =	vst v63  }
0x26c: {  	s14 =	simm.s32 $0x16900  }
0x26d: {  	[tilespmem:s14], [sflag:$0x2] =	stream.indirect_vreg.gather [hbm4b:s1+s4], $0x80, v3, vm0, $0xb8;
	[tilespmem:$0x1C100] =	vst v63  }
0x26e: {  	s30 =	simm.s32 $0x17100  }
0x26f: {  	[tilespmem:s30], [sflag:$0x2] =	stream.indirect_vreg.gather [hbm4b:s5+s4], $0x80, v3, vm0, $0xb8;
	[tilespmem:$0x1C100] =	vst v63  }
0x270: {  	s31 =	simm.s32 $0x17900  }
0x271: {  	[tilespmem:s31], [sflag:$0x2] =	stream.indirect_vreg.gather [hbm4b:s6+s4], $0x80, v3, vm0, $0xb8;
	[tilespmem:$0x1C100] =	vst v63  }
0x272: {  	s11 =	simm.s32 $0x40;
	s14 =	simm.s32 $0x1A100  }
0x273: {  	[tilespmem:s14], [sflag:$0x4] =	stream.indirect.gather [hbm4b:s22+s11], $0x80, s2, s11, $0xb8;
	[tilespmem:$0x1C100] =	vst v63  }
0x274: {  	_ =	swait.ge [sflag:s9], $0xC000  }
0x275: {  	[sflag:s9] =	ssyncset.done $0x0  }
0x276: {  	[sflag:s9] =	ssyncadd.s32 $0xFFFF4000  }
0x277: {  	_ =	swait.ge [sflag:s28], $0x2000  }
0x278: {  	[sflag:s28] =	ssyncset.done $0x0  }
0x279: {  	s11 =	rddreg [dreg:$0x14];
	[sflag:s28] =	ssyncadd.s32 $0xFFFFE000  }
0x27a: {  	[hbm4b:s11+s4] =	stream.linear.scatter [tilespmem:s19], [sflag:$0x6], $0xC000, $0x38;
	[tilespmem:$0x1C100] =	vst v63  }
0x27b: {  	s2 =	rddreg [dreg:$0x15]  }
0x27c: {  	[hbm4b:s2+s4] =	stream.linear.scatter [tilespmem:s14], [sflag:$0x8], $0x2000, $0x38;
	[tilespmem:$0x1C100] =	vst v63  }
0x27d: {  	_ =	swait.ge [sflag:s26], $0xC000  }
0x27e: {  	[sflag:s26] =	ssyncset.done $0x0  }
0x27f: {  	[sflag:s26] =	ssyncadd.s32 $0xFFFF4000  }
0x280: {  	_ =	swait.ge [sflag:s0], $0x2000  }
0x281: {  	[sflag:s0] =	ssyncset.done $0x0  }
0x282: {  	s11 =	rddreg [dreg:$0x16];
	[sflag:s0] =	ssyncadd.s32 $0xFFFFE000  }
0x283: {  	[tilespmem:s4], [sflag:$0x9] =	stream.linear.gather [hbm4b:s11+s4], $0x40, $0x38;
	[tilespmem:$0x1C100] =	vst v63  }
0x284: {  	_ =	swait.ge [sflag:s8], $0x40  }
0x285: {  	[sflag:s8] =	ssyncset.done $0x0  }
0x286: {  	[sflag:s8] =	ssyncadd.s32 $0xFFFFFFC0  }
0x287: {  	v3 =	vld [tilespmem:$0x0];
	_ =	sdelay $0x4  }
0x288: {  	v24 =	vshrl.u32 v3, $0x3  }
0x289: {  	v4 =	vmul.u32 $0x30, v24  }
0x28a: {  	v3 =	vand.u32 $0x7, v3  }
0x28b: {  	v3 =	vor.u32 v3, v4  }
0x28c: {  	v4 =	vperm.xlane v3, v0;
	_ =	sdelay $0x1  }
0x28d: {  	v4 =	vadd.s32 v1, v4;
	_ =	sdelay $0x3  }
0x28e: {  	s11 =	simm.s32 $0x100;
	v3 =	vperm.xlane v3, v2  }
0x28f: {  	[tilespmem:s11], [sflag:$0x1] =	stream.indirect_vreg.gather [hbm4b:s1+s4], $0x80, v4, vm0, $0xb8;
	[tilespmem:$0x1C100] =	vst v63  }
0x290: {  	s14 =	simm.s32 $0x900;
	v3 =	vadd.s32 v1, v3  }
0x291: {  	[tilespmem:s14], [sflag:$0x1] =	stream.indirect_vreg.gather [hbm4b:s5+s4], $0x80, v4, vm0, $0xb8;
	[tilespmem:$0x1C100] =	vst v63  }
0x292: {  	s19 =	simm.s32 $0x1100  }
0x293: {  	[tilespmem:s19], [sflag:$0x1] =	stream.indirect_vreg.gather [hbm4b:s6+s4], $0x80, v4, vm0, $0xb8;
	[tilespmem:$0x1C100] =	vst v63  }
0x294: {  	s30 =	simm.s32 $0x1900  }
0x295: {  	[tilespmem:s30], [sflag:$0x1] =	stream.indirect_vreg.gather [hbm4b:s1+s4], $0x80, v3, vm0, $0xb8;
	[tilespmem:$0x1C100] =	vst v63  }
0x296: {  	s31 =	simm.s32 $0x2100  }
0x297: {  	[tilespmem:s31], [sflag:$0x1] =	stream.indirect_vreg.gather [hbm4b:s5+s4], $0x80, v3, vm0, $0xb8;
	[tilespmem:$0x1C100] =	vst v63  }
0x298: {  	s14 =	simm.s32 $0x2900  }
0x299: {  	[tilespmem:s14], [sflag:$0x1] =	stream.indirect_vreg.gather [hbm4b:s6+s4], $0x80, v3, vm0, $0xb8;
	[tilespmem:$0x1C100] =	vst v63  }
0x29a: {  	v3 =	vld [tilespmem:$0x10];
	_ =	sdelay $0x4  }
0x29b: {  	v25 =	vshrl.u32 v3, $0x3  }
0x29c: {  	v4 =	vmul.u32 $0x30, v25  }
0x29d: {  	v3 =	vand.u32 $0x7, v3  }
0x29e: {  	v3 =	vor.u32 v3, v4  }
0x29f: {  	v4 =	vperm.xlane v3, v0;
	_ =	sdelay $0x1  }
0x2a0: {  	v4 =	vadd.s32 v1, v4;
	_ =	sdelay $0x3  }
0x2a1: {  	s19 =	simm.s32 $0x3100;
	v3 =	vperm.xlane v3, v2  }
0x2a2: {  	[tilespmem:s19], [sflag:$0x1] =	stream.indirect_vreg.gather [hbm4b:s1+s4], $0x80, v4, vm0, $0xb8;
	[tilespmem:$0x1C100] =	vst v63  }
0x2a3: {  	s30 =	simm.s32 $0x3900;
	v3 =	vadd.s32 v1, v3  }
0x2a4: {  	[tilespmem:s30], [sflag:$0x1] =	stream.indirect_vreg.gather [hbm4b:s5+s4], $0x80, v4, vm0, $0xb8;
	[tilespmem:$0x1C100] =	vst v63  }
0x2a5: {  	s31 =	simm.s32 $0x4100  }
0x2a6: {  	[tilespmem:s31], [sflag:$0x1] =	stream.indirect_vreg.gather [hbm4b:s6+s4], $0x80, v4, vm0, $0xb8;
	[tilespmem:$0x1C100] =	vst v63  }
0x2a7: {  	s14 =	simm.s32 $0x4900  }
0x2a8: {  	[tilespmem:s14], [sflag:$0x1] =	stream.indirect_vreg.gather [hbm4b:s1+s4], $0x80, v3, vm0, $0xb8;
	[tilespmem:$0x1C100] =	vst v63  }
0x2a9: {  	s19 =	simm.s32 $0x5100  }
0x2aa: {  	[tilespmem:s19], [sflag:$0x1] =	stream.indirect_vreg.gather [hbm4b:s5+s4], $0x80, v3, vm0, $0xb8;
	[tilespmem:$0x1C100] =	vst v63  }
0x2ab: {  	s30 =	simm.s32 $0x5900  }
0x2ac: {  	[tilespmem:s30], [sflag:$0x1] =	stream.indirect_vreg.gather [hbm4b:s6+s4], $0x80, v3, vm0, $0xb8;
	[tilespmem:$0x1C100] =	vst v63  }
0x2ad: {  	v3 =	vld [tilespmem:$0x20];
	_ =	sdelay $0x4  }
0x2ae: {  	v26 =	vshrl.u32 v3, $0x3  }
0x2af: {  	v4 =	vmul.u32 $0x30, v26  }
0x2b0: {  	v3 =	vand.u32 $0x7, v3  }
0x2b1: {  	v3 =	vor.u32 v3, v4  }
0x2b2: {  	v4 =	vperm.xlane v3, v0;
	_ =	sdelay $0x1  }
0x2b3: {  	v4 =	vadd.s32 v1, v4;
	_ =	sdelay $0x3  }
0x2b4: {  	v3 =	vperm.xlane v3, v2  }
0x2b5: {  	[tilespmem:s24], [sflag:$0x1] =	stream.indirect_vreg.gather [hbm4b:s1+s4], $0x80, v4, vm0, $0xb8;
	[tilespmem:$0x1C100] =	vst v63  }
0x2b6: {  	s31 =	simm.s32 $0x6900;
	v3 =	vadd.s32 v1, v3  }
0x2b7: {  	[tilespmem:s31], [sflag:$0x1] =	stream.indirect_vreg.gather [hbm4b:s5+s4], $0x80, v4, vm0, $0xb8;
	[tilespmem:$0x1C100] =	vst v63  }
0x2b8: {  	s14 =	simm.s32 $0x7100  }
0x2b9: {  	[tilespmem:s14], [sflag:$0x1] =	stream.indirect_vreg.gather [hbm4b:s6+s4], $0x80, v4, vm0, $0xb8;
	[tilespmem:$0x1C100] =	vst v63  }
0x2ba: {  	s19 =	simm.s32 $0x7900  }
0x2bb: {  	[tilespmem:s19], [sflag:$0x1] =	stream.indirect_vreg.gather [hbm4b:s1+s4], $0x80, v3, vm0, $0xb8;
	[tilespmem:$0x1C100] =	vst v63  }
0x2bc: {  	_ = 	snop  }
0x2bd: {  	[tilespmem:s21], [sflag:$0x1] =	stream.indirect_vreg.gather [hbm4b:s5+s4], $0x80, v3, vm0, $0xb8;
	[tilespmem:$0x1C100] =	vst v63  }
0x2be: {  	_ = 	snop  }
0x2bf: {  	[tilespmem:s10], [sflag:$0x1] =	stream.indirect_vreg.gather [hbm4b:s6+s4], $0x80, v3, vm0, $0xb8;
	[tilespmem:$0x1C100] =	vst v63  }
0x2c0: {  	v3 =	vld [tilespmem:$0x30];
	_ =	sdelay $0x4  }
0x2c1: {  	v27 =	vshrl.u32 v3, $0x3  }
0x2c2: {  	v4 =	vmul.u32 $0x30, v27  }
0x2c3: {  	v3 =	vand.u32 $0x7, v3  }
0x2c4: {  	v3 =	vor.u32 v3, v4  }
0x2c5: {  	v4 =	vperm.xlane v3, v0;
	_ =	sdelay $0x1  }
0x2c6: {  	v4 =	vadd.s32 v1, v4;
	_ =	sdelay $0x3  }
0x2c7: {  	v3 =	vperm.xlane v3, v2  }
0x2c8: {  	[tilespmem:s16], [sflag:$0x1] =	stream.indirect_vreg.gather [hbm4b:s1+s4], $0x80, v4, vm0, $0xb8;
	[tilespmem:$0x1C100] =	vst v63  }
0x2c9: {  	v3 =	vadd.s32 v1, v3  }
0x2ca: {  	[tilespmem:s18], [sflag:$0x1] =	stream.indirect_vreg.gather [hbm4b:s5+s4], $0x80, v4, vm0, $0xb8;
	[tilespmem:$0x1C100] =	vst v63  }
0x2cb: {  	_ = 	snop  }
0x2cc: {  	[tilespmem:s12], [sflag:$0x1] =	stream.indirect_vreg.gather [hbm4b:s6+s4], $0x80, v4, vm0, $0xb8;
	[tilespmem:$0x1C100] =	vst v63  }
0x2cd: {  	_ = 	snop  }
0x2ce: {  	[tilespmem:s20], [sflag:$0x1] =	stream.indirect_vreg.gather [hbm4b:s1+s4], $0x80, v3, vm0, $0xb8;
	[tilespmem:$0x1C100] =	vst v63  }
0x2cf: {  	_ = 	snop  }
0x2d0: {  	[tilespmem:s25], [sflag:$0x1] =	stream.indirect_vreg.gather [hbm4b:s5+s4], $0x80, v3, vm0, $0xb8;
	[tilespmem:$0x1C100] =	vst v63  }
0x2d1: {  	_ = 	snop  }
0x2d2: {  	[tilespmem:s17], [sflag:$0x1] =	stream.indirect_vreg.gather [hbm4b:s6+s4], $0x80, v3, vm0, $0xb8;
	[tilespmem:$0x1C100] =	vst v63  }
0x2d3: {  	s24 =	simm.s32 $0x18100;
	s12 =	simm.s32 $0x40  }
0x2d4: {  	[tilespmem:s24], [sflag:$0x3] =	stream.indirect.gather [hbm4b:s22+s12], $0x80, s4, s12, $0xb8;
	[tilespmem:$0x1C100] =	vst v63  }
0x2d5: {  	_ =	swait.ge [sflag:s13], $0xC000  }
0x2d6: {  	[sflag:s13] =	ssyncset.done $0x0  }
0x2d7: {  	[sflag:s13] =	ssyncadd.s32 $0xFFFF4000  }
0x2d8: {  	_ =	swait.ge [sflag:s23], $0x2000  }
0x2d9: {  	[sflag:s23] =	ssyncset.done $0x0  }
0x2da: {  	s25 =	rddreg [dreg:$0x17];
	[sflag:s23] =	ssyncadd.s32 $0xFFFFE000  }
0x2db: {  	[hbm4b:s25+s4] =	stream.linear.scatter [tilespmem:s11], [sflag:$0x5], $0xC000, $0x38;
	[tilespmem:$0x1C100] =	vst v63  }
0x2dc: {  	s10 =	rddreg [dreg:$0x18]  }
0x2dd: {  	[hbm4b:s10+s4] =	stream.linear.scatter [tilespmem:s24], [sflag:$0x7], $0x2000, $0x38;
	[tilespmem:$0x1C100] =	vst v63  }
0x2de: {  	_ =	swait.ge [sflag:s29], $0xC000  }
0x2df: {  	[sflag:s29] =	ssyncset.done $0x0  }
0x2e0: {  	[sflag:s29] =	ssyncadd.s32 $0xFFFF4000  }
0x2e1: {  	_ =	swait.ge [sflag:s7], $0x2000  }
0x2e2: {  	[sflag:s7] =	ssyncset.done $0x0  }
0x2e3: {  	s3 =	simm.s32 $0x80;
	s14 =	rddreg [dreg:$0x19];
	[sflag:s7] =	ssyncadd.s32 $0xFFFFE000  }
0x2e4: {  	[tilespmem:s3], [sflag:$0x9] =	stream.linear.gather [hbm4b:s14+s4], $0x40, $0x38;
	[tilespmem:$0x1C100] =	vst v63  }
0x2e5: {  	_ =	swait.ge [sflag:s8], $0x40  }
0x2e6: {  	[sflag:s8] =	ssyncset.done $0x0  }
0x2e7: {  	[sflag:s8] =	ssyncadd.s32 $0xFFFFFFC0  }
0x2e8: {  	v3 =	vld [tilespmem:$0x80];
	_ =	sdelay $0x4  }
0x2e9: {  	v28 =	vshrl.u32 v3, $0x3  }
0x2ea: {  	v4 =	vmul.u32 $0x30, v28  }
0x2eb: {  	v3 =	vand.u32 $0x7, v3  }
0x2ec: {  	v3 =	vor.u32 v3, v4  }
0x2ed: {  	v4 =	vperm.xlane v3, v0;
	_ =	sdelay $0x1  }
0x2ee: {  	v4 =	vadd.s32 v1, v4;
	_ =	sdelay $0x3  }
0x2ef: {  	s10 =	simm.s32 $0xC100;
	v3 =	vperm.xlane v3, v2  }
0x2f0: {  	[tilespmem:s10], [sflag:$0x2] =	stream.indirect_vreg.gather [hbm4b:s1+s4], $0x80, v4, vm0, $0xb8;
	[tilespmem:$0x1C100] =	vst v63  }
0x2f1: {  	v3 =	vadd.s32 v1, v3  }
0x2f2: {  	[tilespmem:s15], [sflag:$0x2] =	stream.indirect_vreg.gather [hbm4b:s5+s4], $0x80, v4, vm0, $0xb8;
	[tilespmem:$0x1C100] =	vst v63  }
0x2f3: {  	s2 =	simm.s32 $0xD100  }
0x2f4: {  	[tilespmem:s2], [sflag:$0x2] =	stream.indirect_vreg.gather [hbm4b:s6+s4], $0x80, v4, vm0, $0xb8;
	[tilespmem:$0x1C100] =	vst v63  }
0x2f5: {  	s15 =	simm.s32 $0xD900  }
0x2f6: {  	[tilespmem:s15], [sflag:$0x2] =	stream.indirect_vreg.gather [hbm4b:s1+s4], $0x80, v3, vm0, $0xb8;
	[tilespmem:$0x1C100] =	vst v63  }
0x2f7: {  	s21 =	simm.s32 $0xE100  }
0x2f8: {  	[tilespmem:s21], [sflag:$0x2] =	stream.indirect_vreg.gather [hbm4b:s5+s4], $0x80, v3, vm0, $0xb8;
	[tilespmem:$0x1C100] =	vst v63  }
0x2f9: {  	s25 =	simm.s32 $0xE900  }
0x2fa: {  	[tilespmem:s25], [sflag:$0x2] =	stream.indirect_vreg.gather [hbm4b:s6+s4], $0x80, v3, vm0, $0xb8;
	[tilespmem:$0x1C100] =	vst v63  }
0x2fb: {  	v3 =	vld [tilespmem:$0x90];
	_ =	sdelay $0x4  }
0x2fc: {  	v29 =	vshrl.u32 v3, $0x3  }
0x2fd: {  	v4 =	vmul.u32 $0x30, v29  }
0x2fe: {  	v3 =	vand.u32 $0x7, v3  }
0x2ff: {  	v3 =	vor.u32 v3, v4  }
0x300: {  	v4 =	vperm.xlane v3, v0;
	_ =	sdelay $0x1  }
0x301: {  	v4 =	vadd.s32 v1, v4;
	_ =	sdelay $0x3  }
0x302: {  	s16 =	simm.s32 $0xF100;
	v3 =	vperm.xlane v3, v2  }
0x303: {  	[tilespmem:s16], [sflag:$0x2] =	stream.indirect_vreg.gather [hbm4b:s1+s4], $0x80, v4, vm0, $0xb8;
	[tilespmem:$0x1C100] =	vst v63  }
0x304: {  	s24 =	simm.s32 $0xF900;
	v3 =	vadd.s32 v1, v3  }
0x305: {  	[tilespmem:s24], [sflag:$0x2] =	stream.indirect_vreg.gather [hbm4b:s5+s4], $0x80, v4, vm0, $0xb8;
	[tilespmem:$0x1C100] =	vst v63  }
0x306: {  	s19 =	simm.s32 $0x10100  }
0x307: {  	[tilespmem:s19], [sflag:$0x2] =	stream.indirect_vreg.gather [hbm4b:s6+s4], $0x80, v4, vm0, $0xb8;
	[tilespmem:$0x1C100] =	vst v63  }
0x308: {  	s15 =	simm.s32 $0x10900  }
0x309: {  	[tilespmem:s15], [sflag:$0x2] =	stream.indirect_vreg.gather [hbm4b:s1+s4], $0x80, v3, vm0, $0xb8;
	[tilespmem:$0x1C100] =	vst v63  }
0x30a: {  	s30 =	simm.s32 $0x11100  }
0x30b: {  	[tilespmem:s30], [sflag:$0x2] =	stream.indirect_vreg.gather [hbm4b:s5+s4], $0x80, v3, vm0, $0xb8;
	[tilespmem:$0x1C100] =	vst v63  }
0x30c: {  	s31 =	simm.s32 $0x11900  }
0x30d: {  	[tilespmem:s31], [sflag:$0x2] =	stream.indirect_vreg.gather [hbm4b:s6+s4], $0x80, v3, vm0, $0xb8;
	[tilespmem:$0x1C100] =	vst v63  }
0x30e: {  	v3 =	vld [tilespmem:$0xA0];
	_ =	sdelay $0x4  }
0x30f: {  	v30 =	vshrl.u32 v3, $0x3  }
0x310: {  	v4 =	vmul.u32 $0x30, v30  }
0x311: {  	v3 =	vand.u32 $0x7, v3  }
0x312: {  	v3 =	vor.u32 v3, v4  }
0x313: {  	v4 =	vperm.xlane v3, v0;
	_ =	sdelay $0x1  }
0x314: {  	v4 =	vadd.s32 v1, v4;
	_ =	sdelay $0x3  }
0x315: {  	s14 =	simm.s32 $0x12100;
	v3 =	vperm.xlane v3, v2  }
0x316: {  	[tilespmem:s14], [sflag:$0x2] =	stream.indirect_vreg.gather [hbm4b:s1+s4], $0x80, v4, vm0, $0xb8;
	[tilespmem:$0x1C100] =	vst v63  }
0x317: {  	s16 =	simm.s32 $0x12900;
	v3 =	vadd.s32 v1, v3  }
0x318: {  	[tilespmem:s16], [sflag:$0x2] =	stream.indirect_vreg.gather [hbm4b:s5+s4], $0x80, v4, vm0, $0xb8;
	[tilespmem:$0x1C100] =	vst v63  }
0x319: {  	s19 =	simm.s32 $0x13100  }
0x31a: {  	[tilespmem:s19], [sflag:$0x2] =	stream.indirect_vreg.gather [hbm4b:s6+s4], $0x80, v4, vm0, $0xb8;
	[tilespmem:$0x1C100] =	vst v63  }
0x31b: {  	s19 =	simm.s32 $0x13900  }
0x31c: {  	[tilespmem:s19], [sflag:$0x2] =	stream.indirect_vreg.gather [hbm4b:s1+s4], $0x80, v3, vm0, $0xb8;
	[tilespmem:$0x1C100] =	vst v63  }
0x31d: {  	s30 =	simm.s32 $0x14100  }
0x31e: {  	[tilespmem:s30], [sflag:$0x2] =	stream.indirect_vreg.gather [hbm4b:s5+s4], $0x80, v3, vm0, $0xb8;
	[tilespmem:$0x1C100] =	vst v63  }
0x31f: {  	s31 =	simm.s32 $0x14900  }
0x320: {  	[tilespmem:s31], [sflag:$0x2] =	stream.indirect_vreg.gather [hbm4b:s6+s4], $0x80, v3, vm0, $0xb8;
	[tilespmem:$0x1C100] =	vst v63  }
0x321: {  	v3 =	vld [tilespmem:$0xB0];
	_ =	sdelay $0x4  }
0x322: {  	v31 =	vshrl.u32 v3, $0x3  }
0x323: {  	v4 =	vmul.u32 $0x30, v31  }
0x324: {  	v3 =	vand.u32 $0x7, v3  }
0x325: {  	v3 =	vor.u32 v3, v4  }
0x326: {  	v4 =	vperm.xlane v3, v0;
	_ =	sdelay $0x1  }
0x327: {  	v4 =	vadd.s32 v1, v4;
	_ =	sdelay $0x3  }
0x328: {  	s14 =	simm.s32 $0x15100;
	v3 =	vperm.xlane v3, v2  }
0x329: {  	[tilespmem:s14], [sflag:$0x2] =	stream.indirect_vreg.gather [hbm4b:s1+s4], $0x80, v4, vm0, $0xb8;
	[tilespmem:$0x1C100] =	vst v63  }
0x32a: {  	s16 =	simm.s32 $0x15900;
	v3 =	vadd.s32 v1, v3  }
0x32b: {  	[tilespmem:s16], [sflag:$0x2] =	stream.indirect_vreg.gather [hbm4b:s5+s4], $0x80, v4, vm0, $0xb8;
	[tilespmem:$0x1C100] =	vst v63  }
0x32c: {  	s11 =	simm.s32 $0x16100  }
0x32d: {  	[tilespmem:s11], [sflag:$0x2] =	stream.indirect_vreg.gather [hbm4b:s6+s4], $0x80, v4, vm0, $0xb8;
	[tilespmem:$0x1C100] =	vst v63  }
0x32e: {  	s14 =	simm.s32 $0x16900  }
0x32f: {  	[tilespmem:s14], [sflag:$0x2] =	stream.indirect_vreg.gather [hbm4b:s1+s4], $0x80, v3, vm0, $0xb8;
	[tilespmem:$0x1C100] =	vst v63  }
0x330: {  	s30 =	simm.s32 $0x17100  }
0x331: {  	[tilespmem:s30], [sflag:$0x2] =	stream.indirect_vreg.gather [hbm4b:s5+s4], $0x80, v3, vm0, $0xb8;
	[tilespmem:$0x1C100] =	vst v63  }
0x332: {  	s31 =	simm.s32 $0x17900  }
0x333: {  	[tilespmem:s31], [sflag:$0x2] =	stream.indirect_vreg.gather [hbm4b:s6+s4], $0x80, v3, vm0, $0xb8;
	[tilespmem:$0x1C100] =	vst v63  }
0x334: {  	s16 =	simm.s32 $0x1A100  }
0x335: {  	[tilespmem:s16], [sflag:$0x4] =	stream.indirect.gather [hbm4b:s22+s12], $0x80, s3, s12, $0xb8;
	[tilespmem:$0x1C100] =	vst v63  }
0x336: {  	_ =	swait.ge [sflag:s9], $0xC000  }
0x337: {  	[sflag:s9] =	ssyncset.done $0x0  }
0x338: {  	[sflag:s9] =	ssyncadd.s32 $0xFFFF4000  }
0x339: {  	_ =	swait.ge [sflag:s28], $0x2000  }
0x33a: {  	[sflag:s28] =	ssyncset.done $0x0  }
0x33b: {  	s3 =	rddreg [dreg:$0x1a];
	[sflag:s28] =	ssyncadd.s32 $0xFFFFE000  }
0x33c: {  	[hbm4b:s3+s4] =	stream.linear.scatter [tilespmem:s10], [sflag:$0x6], $0xC000, $0x38;
	[tilespmem:$0x1C100] =	vst v63  }
0x33d: {  	s12 =	rddreg [dreg:$0x1b]  }
0x33e: {  	[hbm4b:s12+s4] =	stream.linear.scatter [tilespmem:s16], [sflag:$0x8], $0x2000, $0x38;
	[tilespmem:$0x1C100] =	vst v63  }
0x33f: {  	_ =	swait.ge [sflag:s26], $0xC000  }
0x340: {  	[sflag:s26] =	ssyncset.done $0x0  }
0x341: {  	[sflag:s26] =	ssyncadd.s32 $0xFFFF4000  }
0x342: {  	_ =	swait.ge [sflag:s0], $0x2000  }
0x343: {  	[sflag:s0] =	ssyncset.done $0x0  }
0x344: {  	s16 =	rddreg [dreg:$0x1c];
	[sflag:s0] =	ssyncadd.s32 $0xFFFFE000  }
0x345: {  	[tilespmem:s4], [sflag:$0x9] =	stream.linear.gather [hbm4b:s16+s4], $0x40, $0x38;
	[tilespmem:$0x1C100] =	vst v63  }
0x346: {  	_ =	swait.ge [sflag:s8], $0x40  }
0x347: {  	[sflag:s8] =	ssyncset.done $0x0  }
0x348: {  	[sflag:s8] =	ssyncadd.s32 $0xFFFFFFC0  }
0x349: {  	v3 =	vld [tilespmem:$0x0];
	_ =	sdelay $0x4  }
0x34a: {  	v32 =	vshrl.u32 v3, $0x3  }
0x34b: {  	v4 =	vmul.u32 $0x30, v32  }
0x34c: {  	v3 =	vand.u32 $0x7, v3  }
0x34d: {  	v3 =	vor.u32 v3, v4  }
0x34e: {  	v4 =	vperm.xlane v3, v0;
	_ =	sdelay $0x1  }
0x34f: {  	v4 =	vadd.s32 v1, v4;
	_ =	sdelay $0x3  }
0x350: {  	s20 =	simm.s32 $0x100;
	v3 =	vperm.xlane v3, v2  }
0x351: {  	[tilespmem:s20], [sflag:$0x1] =	stream.indirect_vreg.gather [hbm4b:s1+s4], $0x80, v4, vm0, $0xb8;
	[tilespmem:$0x1C100] =	vst v63  }
0x352: {  	s12 =	simm.s32 $0x900;
	v3 =	vadd.s32 v1, v3  }
0x353: {  	[tilespmem:s12], [sflag:$0x1] =	stream.indirect_vreg.gather [hbm4b:s5+s4], $0x80, v4, vm0, $0xb8;
	[tilespmem:$0x1C100] =	vst v63  }
0x354: {  	s16 =	simm.s32 $0x1100  }
0x355: {  	[tilespmem:s16], [sflag:$0x1] =	stream.indirect_vreg.gather [hbm4b:s6+s4], $0x80, v4, vm0, $0xb8;
	[tilespmem:$0x1C100] =	vst v63  }
0x356: {  	s10 =	simm.s32 $0x1900  }
0x357: {  	[tilespmem:s10], [sflag:$0x1] =	stream.indirect_vreg.gather [hbm4b:s1+s4], $0x80, v3, vm0, $0xb8;
	[tilespmem:$0x1C100] =	vst v63  }
0x358: {  	s31 =	simm.s32 $0x2100  }
0x359: {  	[tilespmem:s31], [sflag:$0x1] =	stream.indirect_vreg.gather [hbm4b:s5+s4], $0x80, v3, vm0, $0xb8;
	[tilespmem:$0x1C100] =	vst v63  }
0x35a: {  	s30 =	simm.s32 $0x2900  }
0x35b: {  	[tilespmem:s30], [sflag:$0x1] =	stream.indirect_vreg.gather [hbm4b:s6+s4], $0x80, v3, vm0, $0xb8;
	[tilespmem:$0x1C100] =	vst v63  }
0x35c: {  	v3 =	vld [tilespmem:$0x10];
	_ =	sdelay $0x4  }
0x35d: {  	v33 =	vshrl.u32 v3, $0x3  }
0x35e: {  	v4 =	vmul.u32 $0x30, v33  }
0x35f: {  	v3 =	vand.u32 $0x7, v3  }
0x360: {  	v3 =	vor.u32 v3, v4  }
0x361: {  	v4 =	vperm.xlane v3, v0;
	_ =	sdelay $0x1  }
0x362: {  	v4 =	vadd.s32 v1, v4;
	_ =	sdelay $0x3  }
0x363: {  	s31 =	simm.s32 $0x3100;
	v3 =	vperm.xlane v3, v2  }
0x364: {  	[tilespmem:s31], [sflag:$0x1] =	stream.indirect_vreg.gather [hbm4b:s1+s4], $0x80, v4, vm0, $0xb8;
	[tilespmem:$0x1C100] =	vst v63  }
0x365: {  	s30 =	simm.s32 $0x3900;
	v3 =	vadd.s32 v1, v3  }
0x366: {  	[tilespmem:s30], [sflag:$0x1] =	stream.indirect_vreg.gather [hbm4b:s5+s4], $0x80, v4, vm0, $0xb8;
	[tilespmem:$0x1C100] =	vst v63  }
0x367: {  	s31 =	simm.s32 $0x4100  }
0x368: {  	[tilespmem:s31], [sflag:$0x1] =	stream.indirect_vreg.gather [hbm4b:s6+s4], $0x80, v4, vm0, $0xb8;
	[tilespmem:$0x1C100] =	vst v63  }
0x369: {  	s30 =	simm.s32 $0x4900  }
0x36a: {  	[tilespmem:s30], [sflag:$0x1] =	stream.indirect_vreg.gather [hbm4b:s1+s4], $0x80, v3, vm0, $0xb8;
	[tilespmem:$0x1C100] =	vst v63  }
0x36b: {  	s31 =	simm.s32 $0x5100  }
0x36c: {  	[tilespmem:s31], [sflag:$0x1] =	stream.indirect_vreg.gather [hbm4b:s5+s4], $0x80, v3, vm0, $0xb8;
	[tilespmem:$0x1C100] =	vst v63  }
0x36d: {  	s30 =	simm.s32 $0x5900  }
0x36e: {  	[tilespmem:s30], [sflag:$0x1] =	stream.indirect_vreg.gather [hbm4b:s6+s4], $0x80, v3, vm0, $0xb8;
	[tilespmem:$0x1C100] =	vst v63  }
0x36f: {  	v3 =	vld [tilespmem:$0x20];
	_ =	sdelay $0x4  }
0x370: {  	v34 =	vshrl.u32 v3, $0x3  }
0x371: {  	v4 =	vmul.u32 $0x30, v34  }
0x372: {  	v3 =	vand.u32 $0x7, v3  }
0x373: {  	v3 =	vor.u32 v3, v4  }
0x374: {  	v4 =	vperm.xlane v3, v0;
	_ =	sdelay $0x1  }
0x375: {  	v4 =	vadd.s32 v1, v4;
	_ =	sdelay $0x3  }
0x376: {  	s31 =	simm.s32 $0x6100;
	v3 =	vperm.xlane v3, v2  }
0x377: {  	[tilespmem:s31], [sflag:$0x1] =	stream.indirect_vreg.gather [hbm4b:s1+s4], $0x80, v4, vm0, $0xb8;
	[tilespmem:$0x1C100] =	vst v63  }
0x378: {  	s30 =	simm.s32 $0x6900;
	v3 =	vadd.s32 v1, v3  }
0x379: {  	[tilespmem:s30], [sflag:$0x1] =	stream.indirect_vreg.gather [hbm4b:s5+s4], $0x80, v4, vm0, $0xb8;
	[tilespmem:$0x1C100] =	vst v63  }
0x37a: {  	s31 =	simm.s32 $0x7100  }
0x37b: {  	[tilespmem:s31], [sflag:$0x1] =	stream.indirect_vreg.gather [hbm4b:s6+s4], $0x80, v4, vm0, $0xb8;
	[tilespmem:$0x1C100] =	vst v63  }
0x37c: {  	s30 =	simm.s32 $0x7900  }
0x37d: {  	[tilespmem:s30], [sflag:$0x1] =	stream.indirect_vreg.gather [hbm4b:s1+s4], $0x80, v3, vm0, $0xb8;
	[tilespmem:$0x1C100] =	vst v63  }
0x37e: {  	s31 =	simm.s32 $0x8100  }
0x37f: {  	[tilespmem:s31], [sflag:$0x1] =	stream.indirect_vreg.gather [hbm4b:s5+s4], $0x80, v3, vm0, $0xb8;
	[tilespmem:$0x1C100] =	vst v63  }
0x380: {  	s30 =	simm.s32 $0x8900  }
0x381: {  	[tilespmem:s30], [sflag:$0x1] =	stream.indirect_vreg.gather [hbm4b:s6+s4], $0x80, v3, vm0, $0xb8;
	[tilespmem:$0x1C100] =	vst v63  }
0x382: {  	v3 =	vld [tilespmem:$0x30];
	_ =	sdelay $0x4  }
0x383: {  	v35 =	vshrl.u32 v3, $0x3  }
0x384: {  	v4 =	vmul.u32 $0x30, v35  }
0x385: {  	v3 =	vand.u32 $0x7, v3  }
0x386: {  	v3 =	vor.u32 v3, v4  }
0x387: {  	v4 =	vperm.xlane v3, v0;
	_ =	sdelay $0x1  }
0x388: {  	v4 =	vadd.s32 v1, v4;
	_ =	sdelay $0x3  }
0x389: {  	s31 =	simm.s32 $0x9100;
	v3 =	vperm.xlane v3, v2  }
0x38a: {  	[tilespmem:s31], [sflag:$0x1] =	stream.indirect_vreg.gather [hbm4b:s1+s4], $0x80, v4, vm0, $0xb8;
	[tilespmem:$0x1C100] =	vst v63  }
0x38b: {  	s18 =	simm.s32 $0x9900;
	v3 =	vadd.s32 v1, v3  }
0x38c: {  	[tilespmem:s18], [sflag:$0x1] =	stream.indirect_vreg.gather [hbm4b:s5+s4], $0x80, v4, vm0, $0xb8;
	[tilespmem:$0x1C100] =	vst v63  }
0x38d: {  	s18 =	simm.s32 $0xA100  }
0x38e: {  	[tilespmem:s18], [sflag:$0x1] =	stream.indirect_vreg.gather [hbm4b:s6+s4], $0x80, v4, vm0, $0xb8;
	[tilespmem:$0x1C100] =	vst v63  }
0x38f: {  	s30 =	simm.s32 $0xA900  }
0x390: {  	[tilespmem:s30], [sflag:$0x1] =	stream.indirect_vreg.gather [hbm4b:s1+s4], $0x80, v3, vm0, $0xb8;
	[tilespmem:$0x1C100] =	vst v63  }
0x391: {  	s31 =	simm.s32 $0xB100  }
0x392: {  	[tilespmem:s31], [sflag:$0x1] =	stream.indirect_vreg.gather [hbm4b:s5+s4], $0x80, v3, vm0, $0xb8;
	[tilespmem:$0x1C100] =	vst v63  }
0x393: {  	s17 =	simm.s32 $0xB900  }
0x394: {  	[tilespmem:s17], [sflag:$0x1] =	stream.indirect_vreg.gather [hbm4b:s6+s4], $0x80, v3, vm0, $0xb8;
	[tilespmem:$0x1C100] =	vst v63  }
0x395: {  	s18 =	simm.s32 $0x18100;
	s17 =	simm.s32 $0x40  }
0x396: {  	[tilespmem:s18], [sflag:$0x3] =	stream.indirect.gather [hbm4b:s22+s17], $0x80, s4, s17, $0xb8;
	[tilespmem:$0x1C100] =	vst v63  }
0x397: {  	_ =	swait.ge [sflag:s13], $0xC000  }
0x398: {  	[sflag:s13] =	ssyncset.done $0x0  }
0x399: {  	[sflag:s13] =	ssyncadd.s32 $0xFFFF4000  }
0x39a: {  	_ =	swait.ge [sflag:s23], $0x2000  }
0x39b: {  	[sflag:s23] =	ssyncset.done $0x0  }
0x39c: {  	s30 =	rddreg [dreg:$0x1d];
	[sflag:s23] =	ssyncadd.s32 $0xFFFFE000  }
0x39d: {  	[hbm4b:s30+s4] =	stream.linear.scatter [tilespmem:s20], [sflag:$0x5], $0xC000, $0x38;
	[tilespmem:$0x1C100] =	vst v63  }
0x39e: {  	s3 =	rddreg [dreg:$0x1e]  }
0x39f: {  	[hbm4b:s3+s4] =	stream.linear.scatter [tilespmem:s18], [sflag:$0x7], $0x2000, $0x38;
	[tilespmem:$0x1C100] =	vst v63  }
0x3a0: {  	_ =	swait.ge [sflag:s29], $0xC000  }
0x3a1: {  	[sflag:s29] =	ssyncset.done $0x0  }
0x3a2: {  	[sflag:s29] =	ssyncadd.s32 $0xFFFF4000  }
0x3a3: {  	_ =	swait.ge [sflag:s7], $0x2000  }
0x3a4: {  	[sflag:s7] =	ssyncset.done $0x0  }
0x3a5: {  	s31 =	simm.s32 $0x80;
	s20 =	rddreg [dreg:$0x1f];
	[sflag:s7] =	ssyncadd.s32 $0xFFFFE000  }
0x3a6: {  	[tilespmem:s31], [sflag:$0x9] =	stream.linear.gather [hbm4b:s20+s4], $0x40, $0x38;
	[tilespmem:$0x1C100] =	vst v63  }
0x3a7: {  	_ =	swait.ge [sflag:s8], $0x40  }
0x3a8: {  	[sflag:s8] =	ssyncset.done $0x0  }
0x3a9: {  	[sflag:s8] =	ssyncadd.s32 $0xFFFFFFC0  }
0x3aa: {  	v3 =	vld [tilespmem:$0x80];
	_ =	sdelay $0x4  }
0x3ab: {  	v36 =	vshrl.u32 v3, $0x3  }
0x3ac: {  	v4 =	vmul.u32 $0x30, v36  }
0x3ad: {  	v3 =	vand.u32 $0x7, v3  }
0x3ae: {  	v3 =	vor.u32 v3, v4  }
0x3af: {  	v4 =	vperm.xlane v3, v0;
	_ =	sdelay $0x1  }
0x3b0: {  	v4 =	vadd.s32 v1, v4;
	_ =	sdelay $0x3  }
0x3b1: {  	s20 =	simm.s32 $0xC100;
	v3 =	vperm.xlane v3, v2  }
0x3b2: {  	[tilespmem:s20], [sflag:$0x2] =	stream.indirect_vreg.gather [hbm4b:s1+s4], $0x80, v4, vm0, $0xb8;
	[tilespmem:$0x1C100] =	vst v63  }
0x3b3: {  	s30 =	simm.s32 $0xC900;
	v3 =	vadd.s32 v1, v3  }
0x3b4: {  	[tilespmem:s30], [sflag:$0x2] =	stream.indirect_vreg.gather [hbm4b:s5+s4], $0x80, v4, vm0, $0xb8;
	[tilespmem:$0x1C100] =	vst v63  }
0x3b5: {  	_ = 	snop  }
0x3b6: {  	[tilespmem:s2], [sflag:$0x2] =	stream.indirect_vreg.gather [hbm4b:s6+s4], $0x80, v4, vm0, $0xb8;
	[tilespmem:$0x1C100] =	vst v63  }
0x3b7: {  	s3 =	simm.s32 $0xD900  }
0x3b8: {  	[tilespmem:s3], [sflag:$0x2] =	stream.indirect_vreg.gather [hbm4b:s1+s4], $0x80, v3, vm0, $0xb8;
	[tilespmem:$0x1C100] =	vst v63  }
0x3b9: {  	_ = 	snop  }
0x3ba: {  	[tilespmem:s21], [sflag:$0x2] =	stream.indirect_vreg.gather [hbm4b:s5+s4], $0x80, v3, vm0, $0xb8;
	[tilespmem:$0x1C100] =	vst v63  }
0x3bb: {  	_ = 	snop  }
0x3bc: {  	[tilespmem:s25], [sflag:$0x2] =	stream.indirect_vreg.gather [hbm4b:s6+s4], $0x80, v3, vm0, $0xb8;
	[tilespmem:$0x1C100] =	vst v63  }
0x3bd: {  	v3 =	vld [tilespmem:$0x90];
	_ =	sdelay $0x4  }
0x3be: {  	v37 =	vshrl.u32 v3, $0x3  }
0x3bf: {  	v4 =	vmul.u32 $0x30, v37  }
0x3c0: {  	v3 =	vand.u32 $0x7, v3  }
0x3c1: {  	v3 =	vor.u32 v3, v4  }
0x3c2: {  	v4 =	vperm.xlane v3, v0;
	_ =	sdelay $0x1  }
0x3c3: {  	v4 =	vadd.s32 v1, v4;
	_ =	sdelay $0x3  }
0x3c4: {  	s30 =	simm.s32 $0xF100;
	v3 =	vperm.xlane v3, v2  }
0x3c5: {  	[tilespmem:s30], [sflag:$0x2] =	stream.indirect_vreg.gather [hbm4b:s1+s4], $0x80, v4, vm0, $0xb8;
	[tilespmem:$0x1C100] =	vst v63  }
0x3c6: {  	v3 =	vadd.s32 v1, v3  }
0x3c7: {  	[tilespmem:s24], [sflag:$0x2] =	stream.indirect_vreg.gather [hbm4b:s5+s4], $0x80, v4, vm0, $0xb8;
	[tilespmem:$0x1C100] =	vst v63  }
0x3c8: {  	s3 =	simm.s32 $0x10100  }
0x3c9: {  	[tilespmem:s3], [sflag:$0x2] =	stream.indirect_vreg.gather [hbm4b:s6+s4], $0x80, v4, vm0, $0xb8;
	[tilespmem:$0x1C100] =	vst v63  }
0x3ca: {  	_ = 	snop  }
0x3cb: {  	[tilespmem:s15], [sflag:$0x2] =	stream.indirect_vreg.gather [hbm4b:s1+s4], $0x80, v3, vm0, $0xb8;
	[tilespmem:$0x1C100] =	vst v63  }
0x3cc: {  	s15 =	simm.s32 $0x11100  }
0x3cd: {  	[tilespmem:s15], [sflag:$0x2] =	stream.indirect_vreg.gather [hbm4b:s5+s4], $0x80, v3, vm0, $0xb8;
	[tilespmem:$0x1C100] =	vst v63  }
0x3ce: {  	s21 =	simm.s32 $0x11900  }
0x3cf: {  	[tilespmem:s21], [sflag:$0x2] =	stream.indirect_vreg.gather [hbm4b:s6+s4], $0x80, v3, vm0, $0xb8;
	[tilespmem:$0x1C100] =	vst v63  }
0x3d0: {  	v3 =	vld [tilespmem:$0xA0];
	_ =	sdelay $0x4  }
0x3d1: {  	v38 =	vshrl.u32 v3, $0x3  }
0x3d2: {  	v4 =	vmul.u32 $0x30, v38  }
0x3d3: {  	v3 =	vand.u32 $0x7, v3  }
0x3d4: {  	v3 =	vor.u32 v3, v4  }
0x3d5: {  	v4 =	vperm.xlane v3, v0;
	_ =	sdelay $0x1  }
0x3d6: {  	v4 =	vadd.s32 v1, v4;
	_ =	sdelay $0x3  }
0x3d7: {  	s24 =	simm.s32 $0x12100;
	v3 =	vperm.xlane v3, v2  }
0x3d8: {  	[tilespmem:s24], [sflag:$0x2] =	stream.indirect_vreg.gather [hbm4b:s1+s4], $0x80, v4, vm0, $0xb8;
	[tilespmem:$0x1C100] =	vst v63  }
0x3d9: {  	s30 =	simm.s32 $0x12900;
	v3 =	vadd.s32 v1, v3  }
0x3da: {  	[tilespmem:s30], [sflag:$0x2] =	stream.indirect_vreg.gather [hbm4b:s5+s4], $0x80, v4, vm0, $0xb8;
	[tilespmem:$0x1C100] =	vst v63  }
0x3db: {  	s3 =	simm.s32 $0x13100  }
0x3dc: {  	[tilespmem:s3], [sflag:$0x2] =	stream.indirect_vreg.gather [hbm4b:s6+s4], $0x80, v4, vm0, $0xb8;
	[tilespmem:$0x1C100] =	vst v63  }
0x3dd: {  	_ = 	snop  }
0x3de: {  	[tilespmem:s19], [sflag:$0x2] =	stream.indirect_vreg.gather [hbm4b:s1+s4], $0x80, v3, vm0, $0xb8;
	[tilespmem:$0x1C100] =	vst v63  }
0x3df: {  	s15 =	simm.s32 $0x14100  }
0x3e0: {  	[tilespmem:s15], [sflag:$0x2] =	stream.indirect_vreg.gather [hbm4b:s5+s4], $0x80, v3, vm0, $0xb8;
	[tilespmem:$0x1C100] =	vst v63  }
0x3e1: {  	s19 =	simm.s32 $0x14900  }
0x3e2: {  	[tilespmem:s19], [sflag:$0x2] =	stream.indirect_vreg.gather [hbm4b:s6+s4], $0x80, v3, vm0, $0xb8;
	[tilespmem:$0x1C100] =	vst v63  }
0x3e3: {  	v3 =	vld [tilespmem:$0xB0];
	_ =	sdelay $0x4  }
0x3e4: {  	v39 =	vshrl.u32 v3, $0x3  }
0x3e5: {  	v4 =	vmul.u32 $0x30, v39  }
0x3e6: {  	v3 =	vand.u32 $0x7, v3  }
0x3e7: {  	v3 =	vor.u32 v3, v4  }
0x3e8: {  	v4 =	vperm.xlane v3, v0;
	_ =	sdelay $0x1  }
0x3e9: {  	v4 =	vadd.s32 v1, v4;
	_ =	sdelay $0x3  }
0x3ea: {  	s21 =	simm.s32 $0x15100;
	v3 =	vperm.xlane v3, v2  }
0x3eb: {  	[tilespmem:s21], [sflag:$0x2] =	stream.indirect_vreg.gather [hbm4b:s1+s4], $0x80, v4, vm0, $0xb8;
	[tilespmem:$0x1C100] =	vst v63  }
0x3ec: {  	s24 =	simm.s32 $0x15900;
	v3 =	vadd.s32 v1, v3  }
0x3ed: {  	[tilespmem:s24], [sflag:$0x2] =	stream.indirect_vreg.gather [hbm4b:s5+s4], $0x80, v4, vm0, $0xb8;
	[tilespmem:$0x1C100] =	vst v63  }
0x3ee: {  	_ = 	snop  }
0x3ef: {  	[tilespmem:s11], [sflag:$0x2] =	stream.indirect_vreg.gather [hbm4b:s6+s4], $0x80, v4, vm0, $0xb8;
	[tilespmem:$0x1C100] =	vst v63  }
0x3f0: {  	_ = 	snop  }
0x3f1: {  	[tilespmem:s14], [sflag:$0x2] =	stream.indirect_vreg.gather [hbm4b:s1+s4], $0x80, v3, vm0, $0xb8;
	[tilespmem:$0x1C100] =	vst v63  }
0x3f2: {  	s30 =	simm.s32 $0x17100  }
0x3f3: {  	[tilespmem:s30], [sflag:$0x2] =	stream.indirect_vreg.gather [hbm4b:s5+s4], $0x80, v3, vm0, $0xb8;
	[tilespmem:$0x1C100] =	vst v63  }
0x3f4: {  	s3 =	simm.s32 $0x17900  }
0x3f5: {  	[tilespmem:s3], [sflag:$0x2] =	stream.indirect_vreg.gather [hbm4b:s6+s4], $0x80, v3, vm0, $0xb8;
	[tilespmem:$0x1C100] =	vst v63  }
0x3f6: {  	s11 =	simm.s32 $0x1A100  }
0x3f7: {  	[tilespmem:s11], [sflag:$0x4] =	stream.indirect.gather [hbm4b:s22+s17], $0x80, s31, s17, $0xb8;
	[tilespmem:$0x1C100] =	vst v63  }
0x3f8: {  	_ =	swait.ge [sflag:s9], $0xC000  }
0x3f9: {  	[sflag:s9] =	ssyncset.done $0x0  }
0x3fa: {  	[sflag:s9] =	ssyncadd.s32 $0xFFFF4000  }
0x3fb: {  	_ =	swait.ge [sflag:s28], $0x2000  }
0x3fc: {  	s14 =	sld [smem:$0x7EA]  }
0x3fd: {  	[sflag:s28] =	ssyncset.done $0x0  }
0x3fe: {  	s15 =	sld [smem:$0x7EB];
	[sflag:s28] =	ssyncadd.s32 $0xFFFFE000  }
0x3ff: {  	[hbm4b:s14+s4] =	stream.linear.scatter [tilespmem:s20], [sflag:$0x6], $0xC000, $0x38;
	[tilespmem:$0x1C100] =	vst v63  }
0x400: {  	_ = 	snop  }
0x401: {  	[hbm4b:s15+s4] =	stream.linear.scatter [tilespmem:s11], [sflag:$0x8], $0x2000, $0x38;
	[tilespmem:$0x1C100] =	vst v63  }
0x402: {  	_ =	swait.ge [sflag:s26], $0xC000  }
0x403: {  	[sflag:s26] =	ssyncset.done $0x0  }
0x404: {  	[sflag:s26] =	ssyncadd.s32 $0xFFFF4000  }
0x405: {  	_ =	swait.ge [sflag:s0], $0x2000  }
0x406: {  	s17 =	sld [smem:$0x7EC]  }
0x407: {  	[sflag:s0] =	ssyncset.done $0x0  }
0x408: {  	[sflag:s0] =	ssyncadd.s32 $0xFFFFE000  }
0x409: {  	[tilespmem:s4], [sflag:$0x9] =	stream.linear.gather [hbm4b:s17+s4], $0x40, $0x38;
	[tilespmem:$0x1C100] =	vst v63  }
0x40a: {  	_ =	swait.ge [sflag:s8], $0x40  }
0x40b: {  	[sflag:s8] =	ssyncset.done $0x0  }
0x40c: {  	[sflag:s8] =	ssyncadd.s32 $0xFFFFFFC0  }
0x40d: {  	v3 =	vld [tilespmem:$0x0];
	_ =	sdelay $0x4  }
0x40e: {  	v40 =	vshrl.u32 v3, $0x3  }
0x40f: {  	v4 =	vmul.u32 $0x30, v40  }
0x410: {  	v3 =	vand.u32 $0x7, v3  }
0x411: {  	v3 =	vor.u32 v3, v4  }
0x412: {  	v4 =	vperm.xlane v3, v0;
	_ =	sdelay $0x1  }
0x413: {  	v4 =	vadd.s32 v1, v4;
	_ =	sdelay $0x3  }
0x414: {  	s17 =	simm.s32 $0x100;
	v3 =	vperm.xlane v3, v2  }
0x415: {  	[tilespmem:s17], [sflag:$0x1] =	stream.indirect_vreg.gather [hbm4b:s1+s4], $0x80, v4, vm0, $0xb8;
	[tilespmem:$0x1C100] =	vst v63  }
0x416: {  	v3 =	vadd.s32 v1, v3  }
0x417: {  	[tilespmem:s12], [sflag:$0x1] =	stream.indirect_vreg.gather [hbm4b:s5+s4], $0x80, v4, vm0, $0xb8;
	[tilespmem:$0x1C100] =	vst v63  }
0x418: {  	_ = 	snop  }
0x419: {  	[tilespmem:s16], [sflag:$0x1] =	stream.indirect_vreg.gather [hbm4b:s6+s4], $0x80, v4, vm0, $0xb8;
	[tilespmem:$0x1C100] =	vst v63  }
0x41a: {  	_ = 	snop  }
0x41b: {  	[tilespmem:s10], [sflag:$0x1] =	stream.indirect_vreg.gather [hbm4b:s1+s4], $0x80, v3, vm0, $0xb8;
	[tilespmem:$0x1C100] =	vst v63  }
0x41c: {  	s19 =	simm.s32 $0x2100  }
0x41d: {  	[tilespmem:s19], [sflag:$0x1] =	stream.indirect_vreg.gather [hbm4b:s5+s4], $0x80, v3, vm0, $0xb8;
	[tilespmem:$0x1C100] =	vst v63  }
0x41e: {  	s10 =	simm.s32 $0x2900  }
0x41f: {  	[tilespmem:s10], [sflag:$0x1] =	stream.indirect_vreg.gather [hbm4b:s6+s4], $0x80, v3, vm0, $0xb8;
	[tilespmem:$0x1C100] =	vst v63  }
0x420: {  	v3 =	vld [tilespmem:$0x10];
	_ =	sdelay $0x4  }
0x421: {  	v41 =	vshrl.u32 v3, $0x3  }
0x422: {  	v4 =	vmul.u32 $0x30, v41  }
0x423: {  	v3 =	vand.u32 $0x7, v3  }
0x424: {  	v3 =	vor.u32 v3, v4  }
0x425: {  	v4 =	vperm.xlane v3, v0;
	_ =	sdelay $0x1  }
0x426: {  	v4 =	vadd.s32 v1, v4;
	_ =	sdelay $0x3  }
0x427: {  	s20 =	simm.s32 $0x3100;
	v3 =	vperm.xlane v3, v2  }
0x428: {  	[tilespmem:s20], [sflag:$0x1] =	stream.indirect_vreg.gather [hbm4b:s1+s4], $0x80, v4, vm0, $0xb8;
	[tilespmem:$0x1C100] =	vst v63  }
0x429: {  	s30 =	simm.s32 $0x3900;
	v3 =	vadd.s32 v1, v3  }
0x42a: {  	[tilespmem:s30], [sflag:$0x1] =	stream.indirect_vreg.gather [hbm4b:s5+s4], $0x80, v4, vm0, $0xb8;
	[tilespmem:$0x1C100] =	vst v63  }
0x42b: {  	s31 =	simm.s32 $0x4100  }
0x42c: {  	[tilespmem:s31], [sflag:$0x1] =	stream.indirect_vreg.gather [hbm4b:s6+s4], $0x80, v4, vm0, $0xb8;
	[tilespmem:$0x1C100] =	vst v63  }
0x42d: {  	s11 =	simm.s32 $0x4900  }
0x42e: {  	[tilespmem:s11], [sflag:$0x1] =	stream.indirect_vreg.gather [hbm4b:s1+s4], $0x80, v3, vm0, $0xb8;
	[tilespmem:$0x1C100] =	vst v63  }
0x42f: {  	s12 =	simm.s32 $0x5100  }
0x430: {  	[tilespmem:s12], [sflag:$0x1] =	stream.indirect_vreg.gather [hbm4b:s5+s4], $0x80, v3, vm0, $0xb8;
	[tilespmem:$0x1C100] =	vst v63  }
0x431: {  	s11 =	simm.s32 $0x5900  }
0x432: {  	[tilespmem:s11], [sflag:$0x1] =	stream.indirect_vreg.gather [hbm4b:s6+s4], $0x80, v3, vm0, $0xb8;
	[tilespmem:$0x1C100] =	vst v63  }
0x433: {  	v3 =	vld [tilespmem:$0x20];
	_ =	sdelay $0x4  }
0x434: {  	v42 =	vshrl.u32 v3, $0x3  }
0x435: {  	v4 =	vmul.u32 $0x30, v42  }
0x436: {  	v3 =	vand.u32 $0x7, v3  }
0x437: {  	v3 =	vor.u32 v3, v4  }
0x438: {  	v4 =	vperm.xlane v3, v0;
	_ =	sdelay $0x1  }
0x439: {  	v4 =	vadd.s32 v1, v4;
	_ =	sdelay $0x3  }
0x43a: {  	s14 =	simm.s32 $0x6100;
	v3 =	vperm.xlane v3, v2  }
0x43b: {  	[tilespmem:s14], [sflag:$0x1] =	stream.indirect_vreg.gather [hbm4b:s1+s4], $0x80, v4, vm0, $0xb8;
	[tilespmem:$0x1C100] =	vst v63  }
0x43c: {  	s15 =	simm.s32 $0x6900;
	v3 =	vadd.s32 v1, v3  }
0x43d: {  	[tilespmem:s15], [sflag:$0x1] =	stream.indirect_vreg.gather [hbm4b:s5+s4], $0x80, v4, vm0, $0xb8;
	[tilespmem:$0x1C100] =	vst v63  }
0x43e: {  	s16 =	simm.s32 $0x7100  }
0x43f: {  	[tilespmem:s16], [sflag:$0x1] =	stream.indirect_vreg.gather [hbm4b:s6+s4], $0x80, v4, vm0, $0xb8;
	[tilespmem:$0x1C100] =	vst v63  }
0x440: {  	s19 =	simm.s32 $0x7900  }
0x441: {  	[tilespmem:s19], [sflag:$0x1] =	stream.indirect_vreg.gather [hbm4b:s1+s4], $0x80, v3, vm0, $0xb8;
	[tilespmem:$0x1C100] =	vst v63  }
0x442: {  	s2 =	simm.s32 $0x8100  }
0x443: {  	[tilespmem:s2], [sflag:$0x1] =	stream.indirect_vreg.gather [hbm4b:s5+s4], $0x80, v3, vm0, $0xb8;
	[tilespmem:$0x1C100] =	vst v63  }
0x444: {  	s12 =	simm.s32 $0x8900  }
0x445: {  	[tilespmem:s12], [sflag:$0x1] =	stream.indirect_vreg.gather [hbm4b:s6+s4], $0x80, v3, vm0, $0xb8;
	[tilespmem:$0x1C100] =	vst v63  }
0x446: {  	v3 =	vld [tilespmem:$0x30];
	_ =	sdelay $0x4  }
0x447: {  	v43 =	vshrl.u32 v3, $0x3  }
0x448: {  	v4 =	vmul.u32 $0x30, v43  }
0x449: {  	v3 =	vand.u32 $0x7, v3  }
0x44a: {  	v3 =	vor.u32 v3, v4  }
0x44b: {  	v4 =	vperm.xlane v3, v0;
	_ =	sdelay $0x1  }
0x44c: {  	v4 =	vadd.s32 v1, v4;
	_ =	sdelay $0x3  }
0x44d: {  	s14 =	simm.s32 $0x9100;
	v3 =	vperm.xlane v3, v2  }
0x44e: {  	[tilespmem:s14], [sflag:$0x1] =	stream.indirect_vreg.gather [hbm4b:s1+s4], $0x80, v4, vm0, $0xb8;
	[tilespmem:$0x1C100] =	vst v63  }
0x44f: {  	s20 =	simm.s32 $0x9900;
	v3 =	vadd.s32 v1, v3  }
0x450: {  	[tilespmem:s20], [sflag:$0x1] =	stream.indirect_vreg.gather [hbm4b:s5+s4], $0x80, v4, vm0, $0xb8;
	[tilespmem:$0x1C100] =	vst v63  }
0x451: {  	s30 =	simm.s32 $0xA100  }
0x452: {  	[tilespmem:s30], [sflag:$0x1] =	stream.indirect_vreg.gather [hbm4b:s6+s4], $0x80, v4, vm0, $0xb8;
	[tilespmem:$0x1C100] =	vst v63  }
0x453: {  	s31 =	simm.s32 $0xA900  }
0x454: {  	[tilespmem:s31], [sflag:$0x1] =	stream.indirect_vreg.gather [hbm4b:s1+s4], $0x80, v3, vm0, $0xb8;
	[tilespmem:$0x1C100] =	vst v63  }
0x455: {  	s16 =	simm.s32 $0xB100  }
0x456: {  	[tilespmem:s16], [sflag:$0x1] =	stream.indirect_vreg.gather [hbm4b:s5+s4], $0x80, v3, vm0, $0xb8;
	[tilespmem:$0x1C100] =	vst v63  }
0x457: {  	s15 =	simm.s32 $0xB900  }
0x458: {  	[tilespmem:s15], [sflag:$0x1] =	stream.indirect_vreg.gather [hbm4b:s6+s4], $0x80, v3, vm0, $0xb8;
	[tilespmem:$0x1C100] =	vst v63  }
0x459: {  	s18 =	simm.s32 $0x18100;
	s20 =	simm.s32 $0x40  }
0x45a: {  	[tilespmem:s18], [sflag:$0x3] =	stream.indirect.gather [hbm4b:s22+s20], $0x80, s4, s20, $0xb8;
	[tilespmem:$0x1C100] =	vst v63  }
0x45b: {  	_ =	swait.ge [sflag:s13], $0xC000  }
0x45c: {  	[sflag:s13] =	ssyncset.done $0x0  }
0x45d: {  	[sflag:s13] =	ssyncadd.s32 $0xFFFF4000  }
0x45e: {  	_ =	swait.ge [sflag:s23], $0x2000  }
0x45f: {  	s19 =	sld [smem:$0x7ED]  }
0x460: {  	[sflag:s23] =	ssyncset.done $0x0  }
0x461: {  	s16 =	sld [smem:$0x7EE];
	[sflag:s23] =	ssyncadd.s32 $0xFFFFE000  }
0x462: {  	[hbm4b:s19+s4] =	stream.linear.scatter [tilespmem:s17], [sflag:$0x5], $0xC000, $0x38;
	[tilespmem:$0x1C100] =	vst v63  }
0x463: {  	_ = 	snop  }
0x464: {  	[hbm4b:s16+s4] =	stream.linear.scatter [tilespmem:s18], [sflag:$0x7], $0x2000, $0x38;
	[tilespmem:$0x1C100] =	vst v63  }
0x465: {  	_ =	swait.ge [sflag:s29], $0xC000  }
0x466: {  	[sflag:s29] =	ssyncset.done $0x0  }
0x467: {  	[sflag:s29] =	ssyncadd.s32 $0xFFFF4000  }
0x468: {  	_ =	swait.ge [sflag:s7], $0x2000  }
0x469: {  	s19 =	sld [smem:$0x7EF]  }
0x46a: {  	[sflag:s7] =	ssyncset.done $0x0  }
0x46b: {  	s3 =	simm.s32 $0x80;
	[sflag:s7] =	ssyncadd.s32 $0xFFFFE000  }
0x46c: {  	[tilespmem:s3], [sflag:$0x9] =	stream.linear.gather [hbm4b:s19+s4], $0x40, $0x38;
	[tilespmem:$0x1C100] =	vst v63  }
0x46d: {  	_ =	swait.ge [sflag:s8], $0x40  }
0x46e: {  	[sflag:s8] =	ssyncset.done $0x0  }
0x46f: {  	[sflag:s8] =	ssyncadd.s32 $0xFFFFFFC0  }
0x470: {  	v3 =	vld [tilespmem:$0x80];
	_ =	sdelay $0x4  }
0x471: {  	v44 =	vshrl.u32 v3, $0x3  }
0x472: {  	v4 =	vmul.u32 $0x30, v44  }
0x473: {  	v3 =	vand.u32 $0x7, v3  }
0x474: {  	v3 =	vor.u32 v3, v4  }
0x475: {  	v4 =	vperm.xlane v3, v0;
	_ =	sdelay $0x1  }
0x476: {  	v4 =	vadd.s32 v1, v4;
	_ =	sdelay $0x3  }
0x477: {  	s21 =	simm.s32 $0xC100;
	v3 =	vperm.xlane v3, v2  }
0x478: {  	[tilespmem:s21], [sflag:$0x2] =	stream.indirect_vreg.gather [hbm4b:s1+s4], $0x80, v4, vm0, $0xb8;
	[tilespmem:$0x1C100] =	vst v63  }
0x479: {  	s16 =	simm.s32 $0xC900;
	v3 =	vadd.s32 v1, v3  }
0x47a: {  	[tilespmem:s16], [sflag:$0x2] =	stream.indirect_vreg.gather [hbm4b:s5+s4], $0x80, v4, vm0, $0xb8;
	[tilespmem:$0x1C100] =	vst v63  }
0x47b: {  	s17 =	simm.s32 $0xD100  }
0x47c: {  	[tilespmem:s17], [sflag:$0x2] =	stream.indirect_vreg.gather [hbm4b:s6+s4], $0x80, v4, vm0, $0xb8;
	[tilespmem:$0x1C100] =	vst v63  }
0x47d: {  	s18 =	simm.s32 $0xD900  }
0x47e: {  	[tilespmem:s18], [sflag:$0x2] =	stream.indirect_vreg.gather [hbm4b:s1+s4], $0x80, v3, vm0, $0xb8;
	[tilespmem:$0x1C100] =	vst v63  }
0x47f: {  	s19 =	simm.s32 $0xE100  }
0x480: {  	[tilespmem:s19], [sflag:$0x2] =	stream.indirect_vreg.gather [hbm4b:s5+s4], $0x80, v3, vm0, $0xb8;
	[tilespmem:$0x1C100] =	vst v63  }
0x481: {  	s25 =	simm.s32 $0xE900  }
0x482: {  	[tilespmem:s25], [sflag:$0x2] =	stream.indirect_vreg.gather [hbm4b:s6+s4], $0x80, v3, vm0, $0xb8;
	[tilespmem:$0x1C100] =	vst v63  }
0x483: {  	v3 =	vld [tilespmem:$0x90];
	_ =	sdelay $0x4  }
0x484: {  	v45 =	vshrl.u32 v3, $0x3  }
0x485: {  	v4 =	vmul.u32 $0x30, v45  }
0x486: {  	v3 =	vand.u32 $0x7, v3  }
0x487: {  	v3 =	vor.u32 v3, v4  }
0x488: {  	v4 =	vperm.xlane v3, v0;
	_ =	sdelay $0x1  }
0x489: {  	v4 =	vadd.s32 v1, v4;
	_ =	sdelay $0x3  }
0x48a: {  	s30 =	simm.s32 $0xF100;
	v3 =	vperm.xlane v3, v2  }
0x48b: {  	[tilespmem:s30], [sflag:$0x2] =	stream.indirect_vreg.gather [hbm4b:s1+s4], $0x80, v4, vm0, $0xb8;
	[tilespmem:$0x1C100] =	vst v63  }
0x48c: {  	s25 =	simm.s32 $0xF900;
	v3 =	vadd.s32 v1, v3  }
0x48d: {  	[tilespmem:s25], [sflag:$0x2] =	stream.indirect_vreg.gather [hbm4b:s5+s4], $0x80, v4, vm0, $0xb8;
	[tilespmem:$0x1C100] =	vst v63  }
0x48e: {  	s31 =	simm.s32 $0x10100  }
0x48f: {  	[tilespmem:s31], [sflag:$0x2] =	stream.indirect_vreg.gather [hbm4b:s6+s4], $0x80, v4, vm0, $0xb8;
	[tilespmem:$0x1C100] =	vst v63  }
0x490: {  	s31 =	simm.s32 $0x10900  }
0x491: {  	[tilespmem:s31], [sflag:$0x2] =	stream.indirect_vreg.gather [hbm4b:s1+s4], $0x80, v3, vm0, $0xb8;
	[tilespmem:$0x1C100] =	vst v63  }
0x492: {  	s31 =	simm.s32 $0x11100  }
0x493: {  	[tilespmem:s31], [sflag:$0x2] =	stream.indirect_vreg.gather [hbm4b:s5+s4], $0x80, v3, vm0, $0xb8;
	[tilespmem:$0x1C100] =	vst v63  }
0x494: {  	s31 =	simm.s32 $0x11900  }
0x495: {  	[tilespmem:s31], [sflag:$0x2] =	stream.indirect_vreg.gather [hbm4b:s6+s4], $0x80, v3, vm0, $0xb8;
	[tilespmem:$0x1C100] =	vst v63  }
0x496: {  	v3 =	vld [tilespmem:$0xA0];
	_ =	sdelay $0x4  }
0x497: {  	v46 =	vshrl.u32 v3, $0x3  }
0x498: {  	v4 =	vmul.u32 $0x30, v46  }
0x499: {  	v3 =	vand.u32 $0x7, v3  }
0x49a: {  	v3 =	vor.u32 v3, v4  }
0x49b: {  	v4 =	vperm.xlane v3, v0;
	_ =	sdelay $0x1  }
0x49c: {  	v4 =	vadd.s32 v1, v4;
	_ =	sdelay $0x3  }
0x49d: {  	s31 =	simm.s32 $0x12100;
	v3 =	vperm.xlane v3, v2  }
0x49e: {  	[tilespmem:s31], [sflag:$0x2] =	stream.indirect_vreg.gather [hbm4b:s1+s4], $0x80, v4, vm0, $0xb8;
	[tilespmem:$0x1C100] =	vst v63  }
0x49f: {  	v3 =	vadd.s32 v1, v3;
	s31 =	simm.s32 $0x12900  }
0x4a0: {  	[tilespmem:s31], [sflag:$0x2] =	stream.indirect_vreg.gather [hbm4b:s5+s4], $0x80, v4, vm0, $0xb8;
	[tilespmem:$0x1C100] =	vst v63  }
0x4a1: {  	s31 =	simm.s32 $0x13100  }
0x4a2: {  	[tilespmem:s31], [sflag:$0x2] =	stream.indirect_vreg.gather [hbm4b:s6+s4], $0x80, v4, vm0, $0xb8;
	[tilespmem:$0x1C100] =	vst v63  }
0x4a3: {  	s31 =	simm.s32 $0x13900  }
0x4a4: {  	[tilespmem:s31], [sflag:$0x2] =	stream.indirect_vreg.gather [hbm4b:s1+s4], $0x80, v3, vm0, $0xb8;
	[tilespmem:$0x1C100] =	vst v63  }
0x4a5: {  	s31 =	simm.s32 $0x14100  }
0x4a6: {  	[tilespmem:s31], [sflag:$0x2] =	stream.indirect_vreg.gather [hbm4b:s5+s4], $0x80, v3, vm0, $0xb8;
	[tilespmem:$0x1C100] =	vst v63  }
0x4a7: {  	s31 =	simm.s32 $0x14900  }
0x4a8: {  	[tilespmem:s31], [sflag:$0x2] =	stream.indirect_vreg.gather [hbm4b:s6+s4], $0x80, v3, vm0, $0xb8;
	[tilespmem:$0x1C100] =	vst v63  }
0x4a9: {  	v3 =	vld [tilespmem:$0xB0];
	_ =	sdelay $0x4  }
0x4aa: {  	v47 =	vshrl.u32 v3, $0x3  }
0x4ab: {  	v4 =	vmul.u32 $0x30, v47  }
0x4ac: {  	v3 =	vand.u32 $0x7, v3  }
0x4ad: {  	v3 =	vor.u32 v3, v4  }
0x4ae: {  	v4 =	vperm.xlane v3, v0;
	_ =	sdelay $0x1  }
0x4af: {  	v4 =	vadd.s32 v1, v4;
	_ =	sdelay $0x3  }
0x4b0: {  	s31 =	simm.s32 $0x15100;
	v3 =	vperm.xlane v3, v2  }
0x4b1: {  	[tilespmem:s31], [sflag:$0x2] =	stream.indirect_vreg.gather [hbm4b:s1+s4], $0x80, v4, vm0, $0xb8;
	[tilespmem:$0x1C100] =	vst v63  }
0x4b2: {  	v3 =	vadd.s32 v1, v3;
	s31 =	simm.s32 $0x15900  }
0x4b3: {  	[tilespmem:s31], [sflag:$0x2] =	stream.indirect_vreg.gather [hbm4b:s5+s4], $0x80, v4, vm0, $0xb8;
	[tilespmem:$0x1C100] =	vst v63  }
0x4b4: {  	s31 =	simm.s32 $0x16100  }
0x4b5: {  	[tilespmem:s31], [sflag:$0x2] =	stream.indirect_vreg.gather [hbm4b:s6+s4], $0x80, v4, vm0, $0xb8;
	[tilespmem:$0x1C100] =	vst v63  }
0x4b6: {  	s31 =	simm.s32 $0x16900  }
0x4b7: {  	[tilespmem:s31], [sflag:$0x2] =	stream.indirect_vreg.gather [hbm4b:s1+s4], $0x80, v3, vm0, $0xb8;
	[tilespmem:$0x1C100] =	vst v63  }
0x4b8: {  	s31 =	simm.s32 $0x17100  }
0x4b9: {  	[tilespmem:s31], [sflag:$0x2] =	stream.indirect_vreg.gather [hbm4b:s5+s4], $0x80, v3, vm0, $0xb8;
	[tilespmem:$0x1C100] =	vst v63  }
0x4ba: {  	s31 =	simm.s32 $0x17900  }
0x4bb: {  	[tilespmem:s31], [sflag:$0x2] =	stream.indirect_vreg.gather [hbm4b:s6+s4], $0x80, v3, vm0, $0xb8;
	[tilespmem:$0x1C100] =	vst v63  }
0x4bc: {  	s24 =	simm.s32 $0x1A100  }
0x4bd: {  	[tilespmem:s24], [sflag:$0x4] =	stream.indirect.gather [hbm4b:s22+s20], $0x80, s3, s20, $0xb8;
	[tilespmem:$0x1C100] =	vst v63  }
0x4be: {  	_ =	swait.ge [sflag:s9], $0xC000  }
0x4bf: {  	[sflag:s9] =	ssyncset.done $0x0  }
0x4c0: {  	[sflag:s9] =	ssyncadd.s32 $0xFFFF4000  }
0x4c1: {  	_ =	swait.ge [sflag:s28], $0x2000  }
0x4c2: {  	s30 =	sld [smem:$0x7F0]  }
0x4c3: {  	[sflag:s28] =	ssyncset.done $0x0  }
0x4c4: {  	s3 =	sld [smem:$0x7F1];
	[sflag:s28] =	ssyncadd.s32 $0xFFFFE000  }
0x4c5: {  	[hbm4b:s30+s4] =	stream.linear.scatter [tilespmem:s21], [sflag:$0x6], $0xC000, $0x38;
	[tilespmem:$0x1C100] =	vst v63  }
0x4c6: {  	_ = 	snop  }
0x4c7: {  	[hbm4b:s3+s4] =	stream.linear.scatter [tilespmem:s24], [sflag:$0x8], $0x2000, $0x38;
	[tilespmem:$0x1C100] =	vst v63  }
0x4c8: {  	_ =	swait.ge [sflag:s26], $0xC000  }
0x4c9: {  	[sflag:s26] =	ssyncset.done $0x0  }
0x4ca: {  	[sflag:s26] =	ssyncadd.s32 $0xFFFF4000  }
0x4cb: {  	_ =	swait.ge [sflag:s0], $0x2000  }
0x4cc: {  	s28 =	sld [smem:$0x7F2]  }
0x4cd: {  	[sflag:s0] =	ssyncset.done $0x0  }
0x4ce: {  	[sflag:s0] =	ssyncadd.s32 $0xFFFFE000  }
0x4cf: {  	[tilespmem:s4], [sflag:$0x9] =	stream.linear.gather [hbm4b:s28+s4], $0x40, $0x38;
	[tilespmem:$0x1C100] =	vst v63  }
0x4d0: {  	_ =	swait.ge [sflag:s8], $0x40  }
0x4d1: {  	[sflag:s8] =	ssyncset.done $0x0  }
0x4d2: {  	[sflag:s8] =	ssyncadd.s32 $0xFFFFFFC0  }
0x4d3: {  	v3 =	vld [tilespmem:$0x0];
	_ =	sdelay $0x4  }
0x4d4: {  	v48 =	vshrl.u32 v3, $0x3  }
0x4d5: {  	v4 =	vmul.u32 $0x30, v48  }
0x4d6: {  	v3 =	vand.u32 $0x7, v3  }
0x4d7: {  	v3 =	vor.u32 v3, v4  }
0x4d8: {  	v4 =	vperm.xlane v3, v0;
	_ =	sdelay $0x1  }
0x4d9: {  	v4 =	vadd.s32 v1, v4;
	_ =	sdelay $0x3  }
0x4da: {  	s21 =	simm.s32 $0x100;
	v3 =	vperm.xlane v3, v2  }
0x4db: {  	[tilespmem:s21], [sflag:$0x1] =	stream.indirect_vreg.gather [hbm4b:s1+s4], $0x80, v4, vm0, $0xb8;
	[tilespmem:$0x1C100] =	vst v63  }
0x4dc: {  	s31 =	simm.s32 $0x900;
	v3 =	vadd.s32 v1, v3  }
0x4dd: {  	[tilespmem:s31], [sflag:$0x1] =	stream.indirect_vreg.gather [hbm4b:s5+s4], $0x80, v4, vm0, $0xb8;
	[tilespmem:$0x1C100] =	vst v63  }
0x4de: {  	s24 =	simm.s32 $0x1100  }
0x4df: {  	[tilespmem:s24], [sflag:$0x1] =	stream.indirect_vreg.gather [hbm4b:s6+s4], $0x80, v4, vm0, $0xb8;
	[tilespmem:$0x1C100] =	vst v63  }
0x4e0: {  	s28 =	simm.s32 $0x1900  }
0x4e1: {  	[tilespmem:s28], [sflag:$0x1] =	stream.indirect_vreg.gather [hbm4b:s1+s4], $0x80, v3, vm0, $0xb8;
	[tilespmem:$0x1C100] =	vst v63  }
0x4e2: {  	s30 =	simm.s32 $0x2100  }
0x4e3: {  	[tilespmem:s30], [sflag:$0x1] =	stream.indirect_vreg.gather [hbm4b:s5+s4], $0x80, v3, vm0, $0xb8;
	[tilespmem:$0x1C100] =	vst v63  }
0x4e4: {  	_ = 	snop  }
0x4e5: {  	[tilespmem:s10], [sflag:$0x1] =	stream.indirect_vreg.gather [hbm4b:s6+s4], $0x80, v3, vm0, $0xb8;
	[tilespmem:$0x1C100] =	vst v63  }
0x4e6: {  	v3 =	vld [tilespmem:$0x10];
	_ =	sdelay $0x4  }
0x4e7: {  	v49 =	vshrl.u32 v3, $0x3  }
0x4e8: {  	v4 =	vmul.u32 $0x30, v49  }
0x4e9: {  	v3 =	vand.u32 $0x7, v3  }
0x4ea: {  	v3 =	vor.u32 v3, v4  }
0x4eb: {  	v4 =	vperm.xlane v3, v0;
	_ =	sdelay $0x1  }
0x4ec: {  	v4 =	vadd.s32 v1, v4;
	_ =	sdelay $0x3  }
0x4ed: {  	s31 =	simm.s32 $0x3100;
	v3 =	vperm.xlane v3, v2  }
0x4ee: {  	[tilespmem:s31], [sflag:$0x1] =	stream.indirect_vreg.gather [hbm4b:s1+s4], $0x80, v4, vm0, $0xb8;
	[tilespmem:$0x1C100] =	vst v63  }
0x4ef: {  	s10 =	simm.s32 $0x3900;
	v3 =	vadd.s32 v1, v3  }
0x4f0: {  	[tilespmem:s10], [sflag:$0x1] =	stream.indirect_vreg.gather [hbm4b:s5+s4], $0x80, v4, vm0, $0xb8;
	[tilespmem:$0x1C100] =	vst v63  }
0x4f1: {  	s24 =	simm.s32 $0x4100  }
0x4f2: {  	[tilespmem:s24], [sflag:$0x1] =	stream.indirect_vreg.gather [hbm4b:s6+s4], $0x80, v4, vm0, $0xb8;
	[tilespmem:$0x1C100] =	vst v63  }
0x4f3: {  	s28 =	simm.s32 $0x4900  }
0x4f4: {  	[tilespmem:s28], [sflag:$0x1] =	stream.indirect_vreg.gather [hbm4b:s1+s4], $0x80, v3, vm0, $0xb8;
	[tilespmem:$0x1C100] =	vst v63  }
0x4f5: {  	s30 =	simm.s32 $0x5100  }
0x4f6: {  	[tilespmem:s30], [sflag:$0x1] =	stream.indirect_vreg.gather [hbm4b:s5+s4], $0x80, v3, vm0, $0xb8;
	[tilespmem:$0x1C100] =	vst v63  }
0x4f7: {  	_ = 	snop  }
0x4f8: {  	[tilespmem:s11], [sflag:$0x1] =	stream.indirect_vreg.gather [hbm4b:s6+s4], $0x80, v3, vm0, $0xb8;
	[tilespmem:$0x1C100] =	vst v63  }
0x4f9: {  	v3 =	vld [tilespmem:$0x20];
	_ =	sdelay $0x4  }
0x4fa: {  	v50 =	vshrl.u32 v3, $0x3  }
0x4fb: {  	v4 =	vmul.u32 $0x30, v50  }
0x4fc: {  	v3 =	vand.u32 $0x7, v3  }
0x4fd: {  	v3 =	vor.u32 v3, v4  }
0x4fe: {  	v4 =	vperm.xlane v3, v0;
	_ =	sdelay $0x1  }
0x4ff: {  	v4 =	vadd.s32 v1, v4;
	_ =	sdelay $0x3  }
0x500: {  	s31 =	simm.s32 $0x6100;
	v3 =	vperm.xlane v3, v2  }
0x501: {  	[tilespmem:s31], [sflag:$0x1] =	stream.indirect_vreg.gather [hbm4b:s1+s4], $0x80, v4, vm0, $0xb8;
	[tilespmem:$0x1C100] =	vst v63  }
0x502: {  	s10 =	simm.s32 $0x6900;
	v3 =	vadd.s32 v1, v3  }
0x503: {  	[tilespmem:s10], [sflag:$0x1] =	stream.indirect_vreg.gather [hbm4b:s5+s4], $0x80, v4, vm0, $0xb8;
	[tilespmem:$0x1C100] =	vst v63  }
0x504: {  	s11 =	simm.s32 $0x7100  }
0x505: {  	[tilespmem:s11], [sflag:$0x1] =	stream.indirect_vreg.gather [hbm4b:s6+s4], $0x80, v4, vm0, $0xb8;
	[tilespmem:$0x1C100] =	vst v63  }
0x506: {  	s24 =	simm.s32 $0x7900  }
0x507: {  	[tilespmem:s24], [sflag:$0x1] =	stream.indirect_vreg.gather [hbm4b:s1+s4], $0x80, v3, vm0, $0xb8;
	[tilespmem:$0x1C100] =	vst v63  }
0x508: {  	_ = 	snop  }
0x509: {  	[tilespmem:s2], [sflag:$0x1] =	stream.indirect_vreg.gather [hbm4b:s5+s4], $0x80, v3, vm0, $0xb8;
	[tilespmem:$0x1C100] =	vst v63  }
0x50a: {  	_ = 	snop  }
0x50b: {  	[tilespmem:s12], [sflag:$0x1] =	stream.indirect_vreg.gather [hbm4b:s6+s4], $0x80, v3, vm0, $0xb8;
	[tilespmem:$0x1C100] =	vst v63  }
0x50c: {  	v3 =	vld [tilespmem:$0x30];
	_ =	sdelay $0x4  }
0x50d: {  	v51 =	vshrl.u32 v3, $0x3  }
0x50e: {  	v4 =	vmul.u32 $0x30, v51  }
0x50f: {  	v3 =	vand.u32 $0x7, v3  }
0x510: {  	v3 =	vor.u32 v3, v4  }
0x511: {  	v4 =	vperm.xlane v3, v0;
	_ =	sdelay $0x1  }
0x512: {  	v4 =	vadd.s32 v1, v4;
	_ =	sdelay $0x3  }
0x513: {  	v3 =	vperm.xlane v3, v2  }
0x514: {  	[tilespmem:s14], [sflag:$0x1] =	stream.indirect_vreg.gather [hbm4b:s1+s4], $0x80, v4, vm0, $0xb8;
	[tilespmem:$0x1C100] =	vst v63  }
0x515: {  	s28 =	simm.s32 $0x9900;
	v3 =	vadd.s32 v1, v3  }
0x516: {  	[tilespmem:s28], [sflag:$0x1] =	stream.indirect_vreg.gather [hbm4b:s5+s4], $0x80, v4, vm0, $0xb8;
	[tilespmem:$0x1C100] =	vst v63  }
0x517: {  	s30 =	simm.s32 $0xA100  }
0x518: {  	[tilespmem:s30], [sflag:$0x1] =	stream.indirect_vreg.gather [hbm4b:s6+s4], $0x80, v4, vm0, $0xb8;
	[tilespmem:$0x1C100] =	vst v63  }
0x519: {  	s31 =	simm.s32 $0xA900  }
0x51a: {  	[tilespmem:s31], [sflag:$0x1] =	stream.indirect_vreg.gather [hbm4b:s1+s4], $0x80, v3, vm0, $0xb8;
	[tilespmem:$0x1C100] =	vst v63  }
0x51b: {  	s3 =	simm.s32 $0xB100  }
0x51c: {  	[tilespmem:s3], [sflag:$0x1] =	stream.indirect_vreg.gather [hbm4b:s5+s4], $0x80, v3, vm0, $0xb8;
	[tilespmem:$0x1C100] =	vst v63  }
0x51d: {  	_ = 	snop  }
0x51e: {  	[tilespmem:s15], [sflag:$0x1] =	stream.indirect_vreg.gather [hbm4b:s6+s4], $0x80, v3, vm0, $0xb8;
	[tilespmem:$0x1C100] =	vst v63  }
0x51f: {  	s20 =	smov.u32 s22;
	s22 =	simm.s32 $0x40;
	s10 =	simm.s32 $0x18100  }
0x520: {  	[tilespmem:s10], [sflag:$0x3] =	stream.indirect.gather [hbm4b:s20+s22], $0x80, s4, s22, $0xb8;
	[tilespmem:$0x1C100] =	vst v63  }
0x521: {  	_ =	swait.ge [sflag:s13], $0xC000  }
0x522: {  	[sflag:s13] =	ssyncset.done $0x0  }
0x523: {  	[sflag:s13] =	ssyncadd.s32 $0xFFFF4000  }
0x524: {  	_ =	swait.ge [sflag:s23], $0x2000  }
0x525: {  	s12 =	sld [smem:$0x7F3]  }
0x526: {  	[sflag:s23] =	ssyncset.done $0x0  }
0x527: {  	s14 =	sld [smem:$0x7F4];
	[sflag:s23] =	ssyncadd.s32 $0xFFFFE000  }
0x528: {  	[hbm4b:s12+s4] =	stream.linear.scatter [tilespmem:s21], [sflag:$0x5], $0xC000, $0x38;
	[tilespmem:$0x1C100] =	vst v63  }
0x529: {  	_ = 	snop  }
0x52a: {  	[hbm4b:s14+s4] =	stream.linear.scatter [tilespmem:s10], [sflag:$0x7], $0x2000, $0x38;
	[tilespmem:$0x1C100] =	vst v63  }
0x52b: {  	_ =	swait.ge [sflag:s29], $0xC000  }
0x52c: {  	[sflag:s29] =	ssyncset.done $0x0  }
0x52d: {  	[sflag:s29] =	ssyncadd.s32 $0xFFFF4000  }
0x52e: {  	_ =	swait.ge [sflag:s7], $0x2000  }
0x52f: {  	s22 =	sld [smem:$0x7F5]  }
0x530: {  	[sflag:s7] =	ssyncset.done $0x0  }
0x531: {  	s3 =	simm.s32 $0x80;
	[sflag:s7] =	ssyncadd.s32 $0xFFFFE000  }
0x532: {  	[tilespmem:s3], [sflag:$0x9] =	stream.linear.gather [hbm4b:s22+s4], $0x40, $0x38;
	[tilespmem:$0x1C100] =	vst v63  }
0x533: {  	_ =	swait.ge [sflag:s8], $0x40  }
0x534: {  	[sflag:s8] =	ssyncset.done $0x0  }
0x535: {  	[sflag:s8] =	ssyncadd.s32 $0xFFFFFFC0  }
0x536: {  	v3 =	vld [tilespmem:$0x80];
	_ =	sdelay $0x4  }
0x537: {  	v52 =	vshrl.u32 v3, $0x3  }
0x538: {  	v4 =	vmul.u32 $0x30, v52  }
0x539: {  	v3 =	vand.u32 $0x7, v3  }
0x53a: {  	v3 =	vor.u32 v3, v4  }
0x53b: {  	v4 =	vperm.xlane v3, v0;
	_ =	sdelay $0x1  }
0x53c: {  	v4 =	vadd.s32 v1, v4;
	_ =	sdelay $0x3  }
0x53d: {  	s21 =	simm.s32 $0xC100;
	v3 =	vperm.xlane v3, v2  }
0x53e: {  	[tilespmem:s21], [sflag:$0x2] =	stream.indirect_vreg.gather [hbm4b:s1+s4], $0x80, v4, vm0, $0xb8;
	[tilespmem:$0x1C100] =	vst v63  }
0x53f: {  	v3 =	vadd.s32 v1, v3  }
0x540: {  	[tilespmem:s16], [sflag:$0x2] =	stream.indirect_vreg.gather [hbm4b:s5+s4], $0x80, v4, vm0, $0xb8;
	[tilespmem:$0x1C100] =	vst v63  }
0x541: {  	_ = 	snop  }
0x542: {  	[tilespmem:s17], [sflag:$0x2] =	stream.indirect_vreg.gather [hbm4b:s6+s4], $0x80, v4, vm0, $0xb8;
	[tilespmem:$0x1C100] =	vst v63  }
0x543: {  	_ = 	snop  }
0x544: {  	[tilespmem:s18], [sflag:$0x2] =	stream.indirect_vreg.gather [hbm4b:s1+s4], $0x80, v3, vm0, $0xb8;
	[tilespmem:$0x1C100] =	vst v63  }
0x545: {  	_ = 	snop  }
0x546: {  	[tilespmem:s19], [sflag:$0x2] =	stream.indirect_vreg.gather [hbm4b:s5+s4], $0x80, v3, vm0, $0xb8;
	[tilespmem:$0x1C100] =	vst v63  }
0x547: {  	s24 =	simm.s32 $0xE900  }
0x548: {  	[tilespmem:s24], [sflag:$0x2] =	stream.indirect_vreg.gather [hbm4b:s6+s4], $0x80, v3, vm0, $0xb8;
	[tilespmem:$0x1C100] =	vst v63  }
0x549: {  	v3 =	vld [tilespmem:$0x90];
	_ =	sdelay $0x4  }
0x54a: {  	v53 =	vshrl.u32 v3, $0x3  }
0x54b: {  	v4 =	vmul.u32 $0x30, v53  }
0x54c: {  	v3 =	vand.u32 $0x7, v3  }
0x54d: {  	v3 =	vor.u32 v3, v4  }
0x54e: {  	v4 =	vperm.xlane v3, v0;
	_ =	sdelay $0x1  }
0x54f: {  	v4 =	vadd.s32 v1, v4;
	_ =	sdelay $0x3  }
0x550: {  	s28 =	simm.s32 $0xF100;
	v3 =	vperm.xlane v3, v2  }
0x551: {  	[tilespmem:s28], [sflag:$0x2] =	stream.indirect_vreg.gather [hbm4b:s1+s4], $0x80, v4, vm0, $0xb8;
	[tilespmem:$0x1C100] =	vst v63  }
0x552: {  	v3 =	vadd.s32 v1, v3  }
0x553: {  	[tilespmem:s25], [sflag:$0x2] =	stream.indirect_vreg.gather [hbm4b:s5+s4], $0x80, v4, vm0, $0xb8;
	[tilespmem:$0x1C100] =	vst v63  }
0x554: {  	s30 =	simm.s32 $0x10100  }
0x555: {  	[tilespmem:s30], [sflag:$0x2] =	stream.indirect_vreg.gather [hbm4b:s6+s4], $0x80, v4, vm0, $0xb8;
	[tilespmem:$0x1C100] =	vst v63  }
0x556: {  	s31 =	simm.s32 $0x10900  }
0x557: {  	[tilespmem:s31], [sflag:$0x2] =	stream.indirect_vreg.gather [hbm4b:s1+s4], $0x80, v3, vm0, $0xb8;
	[tilespmem:$0x1C100] =	vst v63  }
0x558: {  	s2 =	simm.s32 $0x11100  }
0x559: {  	[tilespmem:s2], [sflag:$0x2] =	stream.indirect_vreg.gather [hbm4b:s5+s4], $0x80, v3, vm0, $0xb8;
	[tilespmem:$0x1C100] =	vst v63  }
0x55a: {  	s14 =	simm.s32 $0x11900  }
0x55b: {  	[tilespmem:s14], [sflag:$0x2] =	stream.indirect_vreg.gather [hbm4b:s6+s4], $0x80, v3, vm0, $0xb8;
	[tilespmem:$0x1C100] =	vst v63  }
0x55c: {  	v3 =	vld [tilespmem:$0xA0];
	_ =	sdelay $0x4  }
0x55d: {  	v54 =	vshrl.u32 v3, $0x3  }
0x55e: {  	v4 =	vmul.u32 $0x30, v54  }
0x55f: {  	v3 =	vand.u32 $0x7, v3  }
0x560: {  	v3 =	vor.u32 v3, v4  }
0x561: {  	v4 =	vperm.xlane v3, v0;
	_ =	sdelay $0x1  }
0x562: {  	v4 =	vadd.s32 v1, v4;
	_ =	sdelay $0x3  }
0x563: {  	s24 =	simm.s32 $0x12100;
	v3 =	vperm.xlane v3, v2  }
0x564: {  	[tilespmem:s24], [sflag:$0x2] =	stream.indirect_vreg.gather [hbm4b:s1+s4], $0x80, v4, vm0, $0xb8;
	[tilespmem:$0x1C100] =	vst v63  }
0x565: {  	s28 =	simm.s32 $0x12900;
	v3 =	vadd.s32 v1, v3  }
0x566: {  	[tilespmem:s28], [sflag:$0x2] =	stream.indirect_vreg.gather [hbm4b:s5+s4], $0x80, v4, vm0, $0xb8;
	[tilespmem:$0x1C100] =	vst v63  }
0x567: {  	s31 =	simm.s32 $0x13100  }
0x568: {  	[tilespmem:s31], [sflag:$0x2] =	stream.indirect_vreg.gather [hbm4b:s6+s4], $0x80, v4, vm0, $0xb8;
	[tilespmem:$0x1C100] =	vst v63  }
0x569: {  	s2 =	simm.s32 $0x13900  }
0x56a: {  	[tilespmem:s2], [sflag:$0x2] =	stream.indirect_vreg.gather [hbm4b:s1+s4], $0x80, v3, vm0, $0xb8;
	[tilespmem:$0x1C100] =	vst v63  }
0x56b: {  	s14 =	simm.s32 $0x14100  }
0x56c: {  	[tilespmem:s14], [sflag:$0x2] =	stream.indirect_vreg.gather [hbm4b:s5+s4], $0x80, v3, vm0, $0xb8;
	[tilespmem:$0x1C100] =	vst v63  }
0x56d: {  	s24 =	simm.s32 $0x14900  }
0x56e: {  	[tilespmem:s24], [sflag:$0x2] =	stream.indirect_vreg.gather [hbm4b:s6+s4], $0x80, v3, vm0, $0xb8;
	[tilespmem:$0x1C100] =	vst v63  }
0x56f: {  	v3 =	vld [tilespmem:$0xB0];
	_ =	sdelay $0x4  }
0x570: {  	v55 =	vshrl.u32 v3, $0x3  }
0x571: {  	v4 =	vmul.u32 $0x30, v55  }
0x572: {  	v3 =	vand.u32 $0x7, v3  }
0x573: {  	v3 =	vor.u32 v3, v4  }
0x574: {  	v4 =	vperm.xlane v3, v0;
	_ =	sdelay $0x1  }
0x575: {  	v4 =	vadd.s32 v1, v4;
	_ =	sdelay $0x3  }
0x576: {  	s28 =	simm.s32 $0x15100;
	v3 =	vperm.xlane v3, v2  }
0x577: {  	[tilespmem:s28], [sflag:$0x2] =	stream.indirect_vreg.gather [hbm4b:s1+s4], $0x80, v4, vm0, $0xb8;
	[tilespmem:$0x1C100] =	vst v63  }
0x578: {  	s31 =	simm.s32 $0x15900;
	v3 =	vadd.s32 v1, v3  }
0x579: {  	[tilespmem:s31], [sflag:$0x2] =	stream.indirect_vreg.gather [hbm4b:s5+s4], $0x80, v4, vm0, $0xb8;
	[tilespmem:$0x1C100] =	vst v63  }
0x57a: {  	s2 =	simm.s32 $0x16100  }
0x57b: {  	[tilespmem:s2], [sflag:$0x2] =	stream.indirect_vreg.gather [hbm4b:s6+s4], $0x80, v4, vm0, $0xb8;
	[tilespmem:$0x1C100] =	vst v63  }
0x57c: {  	s14 =	simm.s32 $0x16900  }
0x57d: {  	[tilespmem:s14], [sflag:$0x2] =	stream.indirect_vreg.gather [hbm4b:s1+s4], $0x80, v3, vm0, $0xb8;
	[tilespmem:$0x1C100] =	vst v63  }
0x57e: {  	s24 =	simm.s32 $0x17100  }
0x57f: {  	[tilespmem:s24], [sflag:$0x2] =	stream.indirect_vreg.gather [hbm4b:s5+s4], $0x80, v3, vm0, $0xb8;
	[tilespmem:$0x1C100] =	vst v63  }
0x580: {  	s28 =	simm.s32 $0x17900  }
0x581: {  	[tilespmem:s28], [sflag:$0x2] =	stream.indirect_vreg.gather [hbm4b:s6+s4], $0x80, v3, vm0, $0xb8;
	[tilespmem:$0x1C100] =	vst v63  }
0x582: {  	s24 =	simm.s32 $0x1A100;
	s28 =	simm.s32 $0x40  }
0x583: {  	[tilespmem:s24], [sflag:$0x4] =	stream.indirect.gather [hbm4b:s20+s28], $0x80, s3, s28, $0xb8;
	[tilespmem:$0x1C100] =	vst v63  }
0x584: {  	_ =	swait.ge [sflag:s9], $0xC000  }
0x585: {  	[sflag:s9] =	ssyncset.done $0x0  }
0x586: {  	s31 =	simm.s32 $0x4;
	[sflag:s9] =	ssyncadd.s32 $0xFFFF4000  }
0x587: {  	_ =	swait.ge [sflag:s31], $0x2000  }
0x588: {  	s3 =	sld [smem:$0x7F6]  }
0x589: {  	[sflag:s31] =	ssyncset.done $0x0  }
0x58a: {  	[sflag:s31] =	ssyncadd.s32 $0xFFFFE000;
	s31 =	sld [smem:$0x7F7]  }
0x58b: {  	[hbm4b:s3+s4] =	stream.linear.scatter [tilespmem:s21], [sflag:$0x6], $0xC000, $0x38;
	[tilespmem:$0x1C100] =	vst v63  }
0x58c: {  	_ = 	snop  }
0x58d: {  	[hbm4b:s31+s4] =	stream.linear.scatter [tilespmem:s24], [sflag:$0x8], $0x2000, $0x38;
	[tilespmem:$0x1C100] =	vst v63  }
0x58e: {  	_ =	swait.ge [sflag:s26], $0xC000  }
0x58f: {  	[sflag:s26] =	ssyncset.done $0x0  }
0x590: {  	[sflag:s26] =	ssyncadd.s32 $0xFFFF4000  }
0x591: {  	_ =	swait.ge [sflag:s0], $0x2000  }
0x592: {  	s24 =	sld [smem:$0x7F8]  }
0x593: {  	[sflag:s0] =	ssyncset.done $0x0  }
0x594: {  	[sflag:s0] =	ssyncadd.s32 $0xFFFFE000  }
0x595: {  	[tilespmem:s4], [sflag:$0x9] =	stream.linear.gather [hbm4b:s24+s4], $0x40, $0x38;
	[tilespmem:$0x1C100] =	vst v63  }
0x596: {  	_ =	swait.ge [sflag:s8], $0x40  }
0x597: {  	[sflag:s8] =	ssyncset.done $0x0  }
0x598: {  	[sflag:s8] =	ssyncadd.s32 $0xFFFFFFC0  }
0x599: {  	v3 =	vld [tilespmem:$0x0];
	_ =	sdelay $0x4  }
0x59a: {  	v56 =	vshrl.u32 v3, $0x3  }
0x59b: {  	v4 =	vmul.u32 $0x30, v56  }
0x59c: {  	v3 =	vand.u32 $0x7, v3  }
0x59d: {  	v3 =	vor.u32 v3, v4  }
0x59e: {  	v4 =	vperm.xlane v3, v0;
	_ =	sdelay $0x1  }
0x59f: {  	v4 =	vadd.s32 v1, v4;
	_ =	sdelay $0x3  }
0x5a0: {  	s12 =	simm.s32 $0x100;
	v3 =	vperm.xlane v3, v2  }
0x5a1: {  	[tilespmem:s12], [sflag:$0x1] =	stream.indirect_vreg.gather [hbm4b:s1+s4], $0x80, v4, vm0, $0xb8;
	[tilespmem:$0x1C100] =	vst v63  }
0x5a2: {  	s30 =	simm.s32 $0x900;
	v3 =	vadd.s32 v1, v3  }
0x5a3: {  	[tilespmem:s30], [sflag:$0x1] =	stream.indirect_vreg.gather [hbm4b:s5+s4], $0x80, v4, vm0, $0xb8;
	[tilespmem:$0x1C100] =	vst v63  }
0x5a4: {  	s31 =	simm.s32 $0x1100  }
0x5a5: {  	[tilespmem:s31], [sflag:$0x1] =	stream.indirect_vreg.gather [hbm4b:s6+s4], $0x80, v4, vm0, $0xb8;
	[tilespmem:$0x1C100] =	vst v63  }
0x5a6: {  	s24 =	simm.s32 $0x1900  }
0x5a7: {  	[tilespmem:s24], [sflag:$0x1] =	stream.indirect_vreg.gather [hbm4b:s1+s4], $0x80, v3, vm0, $0xb8;
	[tilespmem:$0x1C100] =	vst v63  }
0x5a8: {  	s30 =	simm.s32 $0x2100  }
0x5a9: {  	[tilespmem:s30], [sflag:$0x1] =	stream.indirect_vreg.gather [hbm4b:s5+s4], $0x80, v3, vm0, $0xb8;
	[tilespmem:$0x1C100] =	vst v63  }
0x5aa: {  	s31 =	simm.s32 $0x2900  }
0x5ab: {  	[tilespmem:s31], [sflag:$0x1] =	stream.indirect_vreg.gather [hbm4b:s6+s4], $0x80, v3, vm0, $0xb8;
	[tilespmem:$0x1C100] =	vst v63  }
0x5ac: {  	v3 =	vld [tilespmem:$0x10];
	_ =	sdelay $0x4  }
0x5ad: {  	v57 =	vshrl.u32 v3, $0x3  }
0x5ae: {  	v4 =	vmul.u32 $0x30, v57  }
0x5af: {  	v3 =	vand.u32 $0x7, v3  }
0x5b0: {  	v3 =	vor.u32 v3, v4  }
0x5b1: {  	v4 =	vperm.xlane v3, v0;
	_ =	sdelay $0x1  }
0x5b2: {  	v4 =	vadd.s32 v1, v4;
	_ =	sdelay $0x3  }
0x5b3: {  	s24 =	simm.s32 $0x3100;
	v3 =	vperm.xlane v3, v2  }
0x5b4: {  	[tilespmem:s24], [sflag:$0x1] =	stream.indirect_vreg.gather [hbm4b:s1+s4], $0x80, v4, vm0, $0xb8;
	[tilespmem:$0x1C100] =	vst v63  }
0x5b5: {  	s30 =	simm.s32 $0x3900;
	v3 =	vadd.s32 v1, v3  }
0x5b6: {  	[tilespmem:s30], [sflag:$0x1] =	stream.indirect_vreg.gather [hbm4b:s5+s4], $0x80, v4, vm0, $0xb8;
	[tilespmem:$0x1C100] =	vst v63  }
0x5b7: {  	s31 =	simm.s32 $0x4100  }
0x5b8: {  	[tilespmem:s31], [sflag:$0x1] =	stream.indirect_vreg.gather [hbm4b:s6+s4], $0x80, v4, vm0, $0xb8;
	[tilespmem:$0x1C100] =	vst v63  }
0x5b9: {  	s24 =	simm.s32 $0x4900  }
0x5ba: {  	[tilespmem:s24], [sflag:$0x1] =	stream.indirect_vreg.gather [hbm4b:s1+s4], $0x80, v3, vm0, $0xb8;
	[tilespmem:$0x1C100] =	vst v63  }
0x5bb: {  	s30 =	simm.s32 $0x5100  }
0x5bc: {  	[tilespmem:s30], [sflag:$0x1] =	stream.indirect_vreg.gather [hbm4b:s5+s4], $0x80, v3, vm0, $0xb8;
	[tilespmem:$0x1C100] =	vst v63  }
0x5bd: {  	s31 =	simm.s32 $0x5900  }
0x5be: {  	[tilespmem:s31], [sflag:$0x1] =	stream.indirect_vreg.gather [hbm4b:s6+s4], $0x80, v3, vm0, $0xb8;
	[tilespmem:$0x1C100] =	vst v63  }
0x5bf: {  	v3 =	vld [tilespmem:$0x20];
	_ =	sdelay $0x4  }
0x5c0: {  	v58 =	vshrl.u32 v3, $0x3  }
0x5c1: {  	v4 =	vmul.u32 $0x30, v58  }
0x5c2: {  	v3 =	vand.u32 $0x7, v3  }
0x5c3: {  	v3 =	vor.u32 v3, v4  }
0x5c4: {  	v4 =	vperm.xlane v3, v0;
	_ =	sdelay $0x1  }
0x5c5: {  	v4 =	vadd.s32 v1, v4;
	_ =	sdelay $0x3  }
0x5c6: {  	s24 =	simm.s32 $0x6100;
	v3 =	vperm.xlane v3, v2  }
0x5c7: {  	[tilespmem:s24], [sflag:$0x1] =	stream.indirect_vreg.gather [hbm4b:s1+s4], $0x80, v4, vm0, $0xb8;
	[tilespmem:$0x1C100] =	vst v63  }
0x5c8: {  	s30 =	simm.s32 $0x6900;
	v3 =	vadd.s32 v1, v3  }
0x5c9: {  	[tilespmem:s30], [sflag:$0x1] =	stream.indirect_vreg.gather [hbm4b:s5+s4], $0x80, v4, vm0, $0xb8;
	[tilespmem:$0x1C100] =	vst v63  }
0x5ca: {  	s31 =	simm.s32 $0x7100  }
0x5cb: {  	[tilespmem:s31], [sflag:$0x1] =	stream.indirect_vreg.gather [hbm4b:s6+s4], $0x80, v4, vm0, $0xb8;
	[tilespmem:$0x1C100] =	vst v63  }
0x5cc: {  	s24 =	simm.s32 $0x7900  }
0x5cd: {  	[tilespmem:s24], [sflag:$0x1] =	stream.indirect_vreg.gather [hbm4b:s1+s4], $0x80, v3, vm0, $0xb8;
	[tilespmem:$0x1C100] =	vst v63  }
0x5ce: {  	s30 =	simm.s32 $0x8100  }
0x5cf: {  	[tilespmem:s30], [sflag:$0x1] =	stream.indirect_vreg.gather [hbm4b:s5+s4], $0x80, v3, vm0, $0xb8;
	[tilespmem:$0x1C100] =	vst v63  }
0x5d0: {  	s31 =	simm.s32 $0x8900  }
0x5d1: {  	[tilespmem:s31], [sflag:$0x1] =	stream.indirect_vreg.gather [hbm4b:s6+s4], $0x80, v3, vm0, $0xb8;
	[tilespmem:$0x1C100] =	vst v63  }
0x5d2: {  	v3 =	vld [tilespmem:$0x30];
	_ =	sdelay $0x4  }
0x5d3: {  	v59 =	vshrl.u32 v3, $0x3  }
0x5d4: {  	v4 =	vmul.u32 $0x30, v59  }
0x5d5: {  	v3 =	vand.u32 $0x7, v3  }
0x5d6: {  	v3 =	vor.u32 v3, v4  }
0x5d7: {  	v4 =	vperm.xlane v3, v0;
	_ =	sdelay $0x1  }
0x5d8: {  	v4 =	vadd.s32 v1, v4;
	_ =	sdelay $0x3  }
0x5d9: {  	s24 =	simm.s32 $0x9100;
	v3 =	vperm.xlane v3, v2  }
0x5da: {  	[tilespmem:s24], [sflag:$0x1] =	stream.indirect_vreg.gather [hbm4b:s1+s4], $0x80, v4, vm0, $0xb8;
	[tilespmem:$0x1C100] =	vst v63  }
0x5db: {  	s30 =	simm.s32 $0x9900;
	v3 =	vadd.s32 v1, v3  }
0x5dc: {  	[tilespmem:s30], [sflag:$0x1] =	stream.indirect_vreg.gather [hbm4b:s5+s4], $0x80, v4, vm0, $0xb8;
	[tilespmem:$0x1C100] =	vst v63  }
0x5dd: {  	s31 =	simm.s32 $0xA100  }
0x5de: {  	[tilespmem:s31], [sflag:$0x1] =	stream.indirect_vreg.gather [hbm4b:s6+s4], $0x80, v4, vm0, $0xb8;
	[tilespmem:$0x1C100] =	vst v63  }
0x5df: {  	s24 =	simm.s32 $0xA900  }
0x5e0: {  	[tilespmem:s24], [sflag:$0x1] =	stream.indirect_vreg.gather [hbm4b:s1+s4], $0x80, v3, vm0, $0xb8;
	[tilespmem:$0x1C100] =	vst v63  }
0x5e1: {  	s11 =	simm.s32 $0xB100  }
0x5e2: {  	[tilespmem:s11], [sflag:$0x1] =	stream.indirect_vreg.gather [hbm4b:s5+s4], $0x80, v3, vm0, $0xb8;
	[tilespmem:$0x1C100] =	vst v63  }
0x5e3: {  	s15 =	simm.s32 $0xB900  }
0x5e4: {  	[tilespmem:s15], [sflag:$0x1] =	stream.indirect_vreg.gather [hbm4b:s6+s4], $0x80, v3, vm0, $0xb8;
	[tilespmem:$0x1C100] =	vst v63  }
0x5e5: {  	s10 =	simm.s32 $0x18100  }
0x5e6: {  	[tilespmem:s10], [sflag:$0x3] =	stream.indirect.gather [hbm4b:s20+s28], $0x80, s4, s28, $0xb8;
	[tilespmem:$0x1C100] =	vst v63  }
0x5e7: {  	_ =	swait.ge [sflag:s13], $0xC000  }
0x5e8: {  	[sflag:s13] =	ssyncset.done $0x0  }
0x5e9: {  	[sflag:s13] =	ssyncadd.s32 $0xFFFF4000  }
0x5ea: {  	_ =	swait.ge [sflag:s23], $0x2000  }
0x5eb: {  	s28 =	sld [smem:$0x7F9]  }
0x5ec: {  	[sflag:s23] =	ssyncset.done $0x0  }
0x5ed: {  	s0 =	sld [smem:$0x7FA];
	[sflag:s23] =	ssyncadd.s32 $0xFFFFE000  }
0x5ee: {  	[hbm4b:s28+s4] =	stream.linear.scatter [tilespmem:s12], [sflag:$0x5], $0xC000, $0x38;
	[tilespmem:$0x1C100] =	vst v63  }
0x5ef: {  	_ = 	snop  }
0x5f0: {  	[hbm4b:s0+s4] =	stream.linear.scatter [tilespmem:s10], [sflag:$0x7], $0x2000, $0x38;
	[tilespmem:$0x1C100] =	vst v63  }
0x5f1: {  	_ =	swait.ge [sflag:s29], $0xC000  }
0x5f2: {  	[sflag:s29] =	ssyncset.done $0x0  }
0x5f3: {  	[sflag:s29] =	ssyncadd.s32 $0xFFFF4000  }
0x5f4: {  	_ =	swait.ge [sflag:s7], $0x2000  }
0x5f5: {  	s15 =	sld [smem:$0x7FB]  }
0x5f6: {  	[sflag:s7] =	ssyncset.done $0x0  }
0x5f7: {  	s14 =	simm.s32 $0x80;
	[sflag:s7] =	ssyncadd.s32 $0xFFFFE000  }
0x5f8: {  	[tilespmem:s14], [sflag:$0x9] =	stream.linear.gather [hbm4b:s15+s4], $0x40, $0x38;
	[tilespmem:$0x1C100] =	vst v63  }
0x5f9: {  	_ =	swait.ge [sflag:s8], $0x40  }
0x5fa: {  	[sflag:s8] =	ssyncset.done $0x0  }
0x5fb: {  	[sflag:s8] =	ssyncadd.s32 $0xFFFFFFC0  }
0x5fc: {  	v3 =	vld [tilespmem:$0x80];
	_ =	sdelay $0x4  }
0x5fd: {  	v60 =	vshrl.u32 v3, $0x3  }
0x5fe: {  	v4 =	vmul.u32 $0x30, v60  }
0x5ff: {  	v3 =	vand.u32 $0x7, v3  }
0x600: {  	v3 =	vor.u32 v3, v4  }
0x601: {  	v4 =	vperm.xlane v3, v0;
	_ =	sdelay $0x1  }
0x602: {  	v4 =	vadd.s32 v1, v4;
	_ =	sdelay $0x3  }
0x603: {  	s3 =	simm.s32 $0xC100;
	v3 =	vperm.xlane v3, v2  }
0x604: {  	[tilespmem:s3], [sflag:$0x2] =	stream.indirect_vreg.gather [hbm4b:s1+s4], $0x80, v4, vm0, $0xb8;
	[tilespmem:$0x1C100] =	vst v63  }
0x605: {  	s16 =	simm.s32 $0xC900;
	v3 =	vadd.s32 v1, v3  }
0x606: {  	[tilespmem:s16], [sflag:$0x2] =	stream.indirect_vreg.gather [hbm4b:s5+s4], $0x80, v4, vm0, $0xb8;
	[tilespmem:$0x1C100] =	vst v63  }
0x607: {  	s17 =	simm.s32 $0xD100  }
0x608: {  	[tilespmem:s17], [sflag:$0x2] =	stream.indirect_vreg.gather [hbm4b:s6+s4], $0x80, v4, vm0, $0xb8;
	[tilespmem:$0x1C100] =	vst v63  }
0x609: {  	s18 =	simm.s32 $0xD900  }
0x60a: {  	[tilespmem:s18], [sflag:$0x2] =	stream.indirect_vreg.gather [hbm4b:s1+s4], $0x80, v3, vm0, $0xb8;
	[tilespmem:$0x1C100] =	vst v63  }
0x60b: {  	s19 =	simm.s32 $0xE100  }
0x60c: {  	[tilespmem:s19], [sflag:$0x2] =	stream.indirect_vreg.gather [hbm4b:s5+s4], $0x80, v3, vm0, $0xb8;
	[tilespmem:$0x1C100] =	vst v63  }
0x60d: {  	s17 =	simm.s32 $0xE900  }
0x60e: {  	[tilespmem:s17], [sflag:$0x2] =	stream.indirect_vreg.gather [hbm4b:s6+s4], $0x80, v3, vm0, $0xb8;
	[tilespmem:$0x1C100] =	vst v63  }
0x60f: {  	v3 =	vld [tilespmem:$0x90];
	_ =	sdelay $0x4  }
0x610: {  	v61 =	vshrl.u32 v3, $0x3  }
0x611: {  	v4 =	vmul.u32 $0x30, v61  }
0x612: {  	v3 =	vand.u32 $0x7, v3  }
0x613: {  	v3 =	vor.u32 v3, v4  }
0x614: {  	v4 =	vperm.xlane v3, v0;
	_ =	sdelay $0x1  }
0x615: {  	v4 =	vadd.s32 v1, v4;
	_ =	sdelay $0x3  }
0x616: {  	s18 =	simm.s32 $0xF100;
	v3 =	vperm.xlane v3, v2  }
0x617: {  	[tilespmem:s18], [sflag:$0x2] =	stream.indirect_vreg.gather [hbm4b:s1+s4], $0x80, v4, vm0, $0xb8;
	[tilespmem:$0x1C100] =	vst v63  }
0x618: {  	s22 =	simm.s32 $0xF900;
	v3 =	vadd.s32 v1, v3  }
0x619: {  	[tilespmem:s22], [sflag:$0x2] =	stream.indirect_vreg.gather [hbm4b:s5+s4], $0x80, v4, vm0, $0xb8;
	[tilespmem:$0x1C100] =	vst v63  }
0x61a: {  	s25 =	simm.s32 $0x10100  }
0x61b: {  	[tilespmem:s25], [sflag:$0x2] =	stream.indirect_vreg.gather [hbm4b:s6+s4], $0x80, v4, vm0, $0xb8;
	[tilespmem:$0x1C100] =	vst v63  }
0x61c: {  	s19 =	simm.s32 $0x10900  }
0x61d: {  	[tilespmem:s19], [sflag:$0x2] =	stream.indirect_vreg.gather [hbm4b:s1+s4], $0x80, v3, vm0, $0xb8;
	[tilespmem:$0x1C100] =	vst v63  }
0x61e: {  	s22 =	simm.s32 $0x11100  }
0x61f: {  	[tilespmem:s22], [sflag:$0x2] =	stream.indirect_vreg.gather [hbm4b:s5+s4], $0x80, v3, vm0, $0xb8;
	[tilespmem:$0x1C100] =	vst v63  }
0x620: {  	s24 =	simm.s32 $0x11900  }
0x621: {  	[tilespmem:s24], [sflag:$0x2] =	stream.indirect_vreg.gather [hbm4b:s6+s4], $0x80, v3, vm0, $0xb8;
	[tilespmem:$0x1C100] =	vst v63  }
0x622: {  	v3 =	vld [tilespmem:$0xA0];
	_ =	sdelay $0x4  }
0x623: {  	v62 =	vshrl.u32 v3, $0x3  }
0x624: {  	v4 =	vmul.u32 $0x30, v62  }
0x625: {  	v3 =	vand.u32 $0x7, v3  }
0x626: {  	v3 =	vor.u32 v3, v4  }
0x627: {  	v4 =	vperm.xlane v3, v0;
	_ =	sdelay $0x1  }
0x628: {  	v4 =	vadd.s32 v1, v4;
	_ =	sdelay $0x3  }
0x629: {  	s25 =	simm.s32 $0x12100;
	v3 =	vperm.xlane v3, v2  }
0x62a: {  	[tilespmem:s25], [sflag:$0x2] =	stream.indirect_vreg.gather [hbm4b:s1+s4], $0x80, v4, vm0, $0xb8;
	[tilespmem:$0x1C100] =	vst v63  }
0x62b: {  	s28 =	simm.s32 $0x12900;
	v3 =	vadd.s32 v1, v3  }
0x62c: {  	[tilespmem:s28], [sflag:$0x2] =	stream.indirect_vreg.gather [hbm4b:s5+s4], $0x80, v4, vm0, $0xb8;
	[tilespmem:$0x1C100] =	vst v63  }
0x62d: {  	s30 =	simm.s32 $0x13100  }
0x62e: {  	[tilespmem:s30], [sflag:$0x2] =	stream.indirect_vreg.gather [hbm4b:s6+s4], $0x80, v4, vm0, $0xb8;
	[tilespmem:$0x1C100] =	vst v63  }
0x62f: {  	s31 =	simm.s32 $0x13900  }
0x630: {  	[tilespmem:s31], [sflag:$0x2] =	stream.indirect_vreg.gather [hbm4b:s1+s4], $0x80, v3, vm0, $0xb8;
	[tilespmem:$0x1C100] =	vst v63  }
0x631: {  	s12 =	simm.s32 $0x14100  }
0x632: {  	[tilespmem:s12], [sflag:$0x2] =	stream.indirect_vreg.gather [hbm4b:s5+s4], $0x80, v3, vm0, $0xb8;
	[tilespmem:$0x1C100] =	vst v63  }
0x633: {  	s15 =	simm.s32 $0x14900  }
0x634: {  	[tilespmem:s15], [sflag:$0x2] =	stream.indirect_vreg.gather [hbm4b:s6+s4], $0x80, v3, vm0, $0xb8;
	[tilespmem:$0x1C100] =	vst v63  }
0x635: {  	v3 =	vld [tilespmem:$0xB0];
	_ =	sdelay $0x4  }
0x636: {  	v63 =	vshrl.u32 v3, $0x3  }
0x637: {  	v4 =	vmul.u32 $0x30, v63  }
0x638: {  	v3 =	vand.u32 $0x7, v3  }
0x639: {  	v3 =	vor.u32 v3, v4  }
0x63a: {  	v4 =	vperm.xlane v3, v0;
	_ =	sdelay $0x1  }
0x63b: {  	v4 =	vadd.s32 v1, v4;
	_ =	sdelay $0x3  }
0x63c: {  	s16 =	simm.s32 $0x15100;
	v3 =	vperm.xlane v3, v2  }
0x63d: {  	[tilespmem:s16], [sflag:$0x2] =	stream.indirect_vreg.gather [hbm4b:s1+s4], $0x80, v4, vm0, $0xb8;
	[tilespmem:$0x1C100] =	vst v63  }
0x63e: {  	s17 =	simm.s32 $0x15900;
	v3 =	vadd.s32 v1, v3  }
0x63f: {  	[tilespmem:s17], [sflag:$0x2] =	stream.indirect_vreg.gather [hbm4b:s5+s4], $0x80, v4, vm0, $0xb8;
	[tilespmem:$0x1C100] =	vst v63  }
0x640: {  	s18 =	simm.s32 $0x16100  }
0x641: {  	[tilespmem:s18], [sflag:$0x2] =	stream.indirect_vreg.gather [hbm4b:s6+s4], $0x80, v4, vm0, $0xb8;
	[tilespmem:$0x1C100] =	vst v63  }
0x642: {  	s19 =	simm.s32 $0x16900  }
0x643: {  	[tilespmem:s19], [sflag:$0x2] =	stream.indirect_vreg.gather [hbm4b:s1+s4], $0x80, v3, vm0, $0xb8;
	[tilespmem:$0x1C100] =	vst v63  }
0x644: {  	s22 =	simm.s32 $0x17100  }
0x645: {  	[tilespmem:s22], [sflag:$0x2] =	stream.indirect_vreg.gather [hbm4b:s5+s4], $0x80, v3, vm0, $0xb8;
	[tilespmem:$0x1C100] =	vst v63  }
0x646: {  	s24 =	simm.s32 $0x17900  }
0x647: {  	[tilespmem:s24], [sflag:$0x2] =	stream.indirect_vreg.gather [hbm4b:s6+s4], $0x80, v3, vm0, $0xb8;
	[tilespmem:$0x1C100] =	vst v63  }
0x648: {  	s21 =	simm.s32 $0x1A100;
	s11 =	simm.s32 $0x40  }
0x649: {  	[tilespmem:s21], [sflag:$0x4] =	stream.indirect.gather [hbm4b:s20+s11], $0x80, s14, s11, $0xb8;
	[tilespmem:$0x1C100] =	vst v63  }
0x64a: {  	s0 =	sld [smem:$0x7E9];
	_ =	swait.ge [sflag:s9], $0xC000  }
0x64b: {  	[sflag:s9] =	ssyncset.done $0x0  }
0x64c: {  	s2 =	simm.s32 $0x4;
	[sflag:s9] =	ssyncadd.s32 $0xFFFF4000  }
0x64d: {  	_ =	swait.ge [sflag:s2], $0x2000  }
0x64e: {  	s25 =	sld [smem:$0x7FC]  }
0x64f: {  	[sflag:s2] =	ssyncset.done $0x0  }
0x650: {  	s28 =	sld [smem:$0x7FD];
	[sflag:s2] =	ssyncadd.s32 $0xFFFFE000  }
0x651: {  	[hbm4b:s25+s4] =	stream.linear.scatter [tilespmem:s3], [sflag:$0x6], $0xC000, $0x38;
	[tilespmem:$0x1C100] =	vst v63  }
0x652: {  	_ = 	snop  }
0x653: {  	[hbm4b:s28+s4] =	stream.linear.scatter [tilespmem:s21], [sflag:$0x8], $0x2000, $0x38;
	[tilespmem:$0x1C100] =	vst v63  }
0x654: {  	p0 =	sne.s32 s0, $0x1;
	_ =	swait.ge [sflag:s29], $0xC000  }
.Ltmp0:
0x655: {  	[sflag:s29] =	ssyncset.done $0x0;
	(pc) =	sbr.rel @p0 .LBB2_1-.Ltmp0, $4  }
0x656: {  	[sflag:s29] =	ssyncadd.s32 $0xFFFF4000  }
0x657: {  	_ =	swait.ge [sflag:s7], $0x2000  }
0x658: {  	[sflag:s7] =	ssyncset.done $0x0  }
0x659: {  	s0 =	sadd.s32 $0xFFFFFFFF, s0;
	[sflag:s7] =	ssyncadd.s32 $0xFFFFE000  }
0x65a: {  	_ =	sfence.sel $0x180000  }
0x65b: {  	[bflag:$0x0] =	sbarrier.arrive $0xFFFF  }
0x65c: {  	_ =	strace $0x90000047  }
0x65d: {  	s0 =	stileid.u32;
	[bflag:$0x2] =	sbarrier.arrive $0xFFFF  }
0x65e: {  	p0 =	sne.s32 s0, $0x0;
	s0 =	rddreg [dreg:$0x3]  }
0x65f: {  	s0 =	sadd.s32 @!p0 $0x100000, s0  }
0x660: {  	[sflag:s0] =	ssyncadd.tile.s32 @!p0 $0x1;
	_ =	shalt  }
.Lfunc_end2:
_tile_overlayer_lowered:
.L_overlay_start_2:
0x661: {  	(tag) =	ssettag $0x2  }
0x662: {  	s0 =	rddreg [dreg:$0x0];
	s2 =	stileid.u32  }
0x663: {  	s1 =	rddreg [dreg:$0x1];
	p0 =	sne.s32 s2, $0x0  }
0x664: {  	s3 =	rddreg [dreg:$0x2];
	[bflag:$0x3] =	sbarrier.arrive $0xFFFF;
	s2 =	simm.s32 @!p0 $0x1C09  }
0x665: {  	[timem:s3], [sflag:s2] =	dma.local @!p0 [hbm:s0], s1  }
0x666: {  	s0 =	simm.s32 @!p0 $0x9  }
0x667: {  	_ =	swait.ge @!p0 [sflag:s0], s1  }
0x668: {  	s1 =	ssub.s32 @!p0 $0x0, s1;
	[sflag:s0] =	ssyncset.done @!p0 $0x0  }
0x669: {  	[sflag:s0] =	ssyncadd.s32 @!p0 s1  }
0x66a: {  	[bflag:$0x3] =	sbarrier.arrive $0xFFFF  }
0x66b: {  	_ =	shalt  }

</sc_bundles>
